<compile_context>
chip_gen: v7x
topology: tpu7x:2x2x1
jax: 0.10.2.dev20260603
libtpu: 0.0.44.dev20260713+nightly
codegen_flags: <defaults>
</compile_context>

<pallas_src>
import jax
import jax.numpy as jnp
from jax import lax
from jax.experimental import pallas as pl
from jax.experimental.pallas import tpu as pltpu
from jax.experimental.pallas import tpu_sc as plsc

B, N, E, C, R = 2, 10000, 160000, 128, 8
BN = B * N
BE = B * E
HALF = C // 2
NTEC = 16
CHUNK = 128
EPT = 20480
NCH = EPT // CHUNK
EP = EPT * NTEC
NQ = 5000
ACC2 = 6144
HIST = 163840
RSTRIPE = ACC2 // NTEC
HSTRIPE = HIST // NTEC
HSUB = 2048


def _proj_body(x_ref, w_ref, y_ref):
    y_ref[...] = jnp.dot(x_ref[...], w_ref[0], preferred_element_type=jnp.float32)


def _project(x, W_rel):
    return pl.pallas_call(
        _proj_body,
        grid=(BN // 160, R),
        in_specs=[
            pl.BlockSpec((160, C), lambda i, r: (i, 0)),
            pl.BlockSpec((1, C, C), lambda i, r: (r, 0, 0)),
        ],
        out_specs=pl.BlockSpec((160, C), lambda i, r: (r * (BN // 160) + i, 0)),
        out_shape=jax.ShapeDtypeStruct((R * BN, C), jnp.float32),
    )(x, W_rel)


def _zero_acc(acc, rows, tid):
    def _z2(i, c):
        for k in range(C // 16):
            rows[i, pl.ds(k * 16, 16)] = jnp.zeros((16,), jnp.float32)
        return c
    lax.fori_loop(0, CHUNK, _z2, 0)

    def _za(q, c):
        pltpu.sync_copy(rows, acc.at[pl.ds(tid * RSTRIPE + q * CHUNK, CHUNK)])
        return c
    lax.fori_loop(0, RSTRIPE // CHUNK, _za, 0)


def _edge_loop(yflat, comb5, scale_ref, acc, comb, scalev, rows, sem,
               cid, wbase):
    def _chunk(g, c):
        pltpu.sync_copy(comb5.at[wbase + g], comb)
        pltpu.sync_copy(scale_ref.at[comb.at[3]], scalev)
        pltpu.async_copy(yflat.at[comb.at[0]], rows, sem).wait()

        def _scale(i, cc):
            sv = scalev[pl.ds(i * 16, 16)]
            for l in range(16):
                s = sv[l]
                j = i * 16 + l
                for k in range(C // 16):
                    rows[j, pl.ds(k * 16, 16)] = rows[j, pl.ds(k * 16, 16)] * s
            return cc
        lax.fori_loop(0, CHUNK // 16, _scale, 0)
        pltpu.sync_copy(rows, acc.at[comb.at[2]], add=True)
        return c
    lax.fori_loop(0, NCH, _chunk, 0)


def _writeout(acc, rows, msg_out, cid, tid):
    def _wo(q, c):
        pltpu.sync_copy(acc.at[pl.ds(tid * RSTRIPE + q * CHUNK, CHUNK)], rows)
        pltpu.sync_copy(
            rows,
            msg_out.at[pl.ds(cid * ACC2 + tid * RSTRIPE + q * CHUNK, CHUNK)])
        return c
    lax.fori_loop(0, RSTRIPE // CHUNK, _wo, 0)


def _edge_body0(yflat, comb5, msg_out, scale_out,
                acc, hist, comb, scalev, onesv, rows, histv, sem):
    cid = lax.axis_index("c")
    tid = lax.axis_index("s")
    wbase = (cid * NTEC + tid) * NCH

    _zero_acc(acc, rows, tid)

    def _z1(i, c):
        histv[pl.ds(i * 16, 16)] = jnp.zeros((16,), jnp.float32)
        return c
    lax.fori_loop(0, HSUB // 16, _z1, 0)

    def _zh(q, c):
        pltpu.sync_copy(histv, hist.at[pl.ds(tid * HSTRIPE + q * HSUB, HSUB)])
        return c
    lax.fori_loop(0, HSTRIPE // HSUB, _zh, 0)

    def _ones(k, c):
        onesv[pl.ds(k * 16, 16)] = jnp.full((16,), 1.0, jnp.float32)
        return c
    lax.fori_loop(0, CHUNK // 16, _ones, 0)
    plsc.subcore_barrier()

    def _hist(g, c):
        pltpu.sync_copy(comb5.at[wbase + g], comb)
        pltpu.sync_copy(onesv, hist.at[comb.at[1]], add=True)
        return c
    lax.fori_loop(0, NCH, _hist, 0)
    plsc.subcore_barrier()

    def _sc(t, c):
        base = tid * HSTRIPE + t * HSUB
        pltpu.sync_copy(hist.at[pl.ds(base, HSUB)], histv)

        def _rcp(i, cc):
            v = histv[pl.ds(i * 16, 16)]
            histv[pl.ds(i * 16, 16)] = 1.0 / jnp.maximum(v, 1.0)
            return cc
        lax.fori_loop(0, HSUB // 16, _rcp, 0)
        pltpu.sync_copy(histv, scale_out.at[pl.ds(cid * HIST + base, HSUB)])
        return c
    lax.fori_loop(0, HSTRIPE // HSUB, _sc, 0)
    plsc.subcore_barrier()

    _edge_loop(yflat, comb5, scale_out, acc, comb, scalev, rows, sem,
               cid, wbase)
    plsc.subcore_barrier()
    _writeout(acc, rows, msg_out, cid, tid)


def _edge_body1(yflat, comb5, scale_in, msg_out,
                acc, comb, scalev, rows, sem):
    cid = lax.axis_index("c")
    tid = lax.axis_index("s")
    wbase = (cid * NTEC + tid) * NCH
    _zero_acc(acc, rows, tid)
    plsc.subcore_barrier()
    _edge_loop(yflat, comb5, scale_in, acc, comb, scalev, rows, sem,
               cid, wbase)
    plsc.subcore_barrier()
    _writeout(acc, rows, msg_out, cid, tid)


def _edge_aggregate(yflat, comb5_0, comb5_1):
    mesh = plsc.VectorSubcoreMesh(core_axis_name="c", subcore_axis_name="s")
    f0 = pl.kernel(
        _edge_body0,
        out_type=(jax.ShapeDtypeStruct((2 * ACC2, C), jnp.float32),
                  jax.ShapeDtypeStruct((2 * HIST,), jnp.float32)),
        mesh=mesh,
        scratch_types=[
            pltpu.VMEM_SHARED((ACC2, C), jnp.float32),
            pltpu.VMEM_SHARED((HIST,), jnp.float32),
            pltpu.VMEM((4, CHUNK), jnp.int32),
            pltpu.VMEM((CHUNK,), jnp.float32),
            pltpu.VMEM((CHUNK,), jnp.float32),
            pltpu.VMEM((CHUNK, C), jnp.float32),
            pltpu.VMEM((HSUB,), jnp.float32),
            pltpu.SemaphoreType.DMA,
        ],
    )
    msg0, scale = f0(yflat, comb5_0)
    f1 = pl.kernel(
        _edge_body1,
        out_type=jax.ShapeDtypeStruct((2 * ACC2, C), jnp.float32),
        mesh=mesh,
        scratch_types=[
            pltpu.VMEM_SHARED((ACC2, C), jnp.float32),
            pltpu.VMEM((4, CHUNK), jnp.int32),
            pltpu.VMEM((CHUNK,), jnp.float32),
            pltpu.VMEM((CHUNK, C), jnp.float32),
            pltpu.SemaphoreType.DMA,
        ],
    )
    msg1 = f1(yflat, comb5_1, scale)
    m0 = msg0.reshape(2, ACC2, C)[:, :NQ]
    m1 = msg1.reshape(2, ACC2, C)[:, :NQ]
    return jnp.concatenate([m0[0], m0[1], m1[0], m1[1]], axis=0)


def _score_body(x_ref, msg_ref, wroot_ref, b_ref, wlin_ref, blin_ref, s_ref):
    m = msg_ref[...]
    o = jnp.dot(x_ref[...], wroot_ref[...], preferred_element_type=jnp.float32)
    o = jnp.maximum(o + m + b_ref[...], 0.0)
    s_ref[0, 0, :] = jnp.sum(o * wlin_ref[...], axis=1) + blin_ref[0, 0]


def _score(x, msg, W_root, b_rgcn, W_lin, b_lin):
    nb = BN // 160
    out = pl.pallas_call(
        _score_body,
        grid=(nb,),
        in_specs=[
            pl.BlockSpec((160, C), lambda i: (i, 0)),
            pl.BlockSpec((160, C), lambda i: (i, 0)),
            pl.BlockSpec((C, C), lambda i: (0, 0)),
            pl.BlockSpec((1, C), lambda i: (0, 0)),
            pl.BlockSpec((1, C), lambda i: (0, 0)),
            pl.BlockSpec((1, 1), lambda i: (0, 0)),
        ],
        out_specs=pl.BlockSpec((1, 1, 160), lambda i: (i, 0, 0)),
        out_shape=jax.ShapeDtypeStruct((nb, 1, 160), jnp.float32),
    )(x, msg, W_root, b_rgcn.reshape(1, C), W_lin.reshape(1, C),
      b_lin.reshape(1, 1))
    return out.reshape(B, N)


def kernel(node_features, edge_index, edge_type, W_rel, W_root, b_rgcn, W_lin, b_lin):
    x = node_features.reshape(BN, C)
    offsets = (jnp.arange(B, dtype=jnp.int32) * N)[:, None, None]
    ei = jnp.transpose(edge_index.astype(jnp.int32) + offsets, (1, 0, 2)).reshape(2, BE)
    et = edge_type.astype(jnp.int32).reshape(BE)
    src, dst = ei[0], ei[1]

    idx_y = et * BN + src
    lkey = dst * R + et

    npad = EP - BE
    par = jnp.arange(npad, dtype=jnp.int32)
    idx_y = jnp.concatenate([idx_y, par % 16384]).reshape(NTEC, NCH, CHUNK)
    lkey = jnp.concatenate([lkey, BN * R + (par % (HIST - BN * R))])
    lkey = lkey.reshape(NTEC, NCH, CHUNK)

    combs = []
    dump = NQ + (jnp.arange(EP, dtype=jnp.int32) % (ACC2 - NQ))
    for q in range(2):
        halves = []
        for c in range(2):
            ld = dst - (2 * q + c) * NQ
            ld = jnp.where((ld >= 0) & (ld < NQ), ld, -1)
            ld = jnp.concatenate([ld, -jnp.ones((npad,), jnp.int32)])
            ld = jnp.where(ld >= 0, ld, dump).reshape(NTEC, NCH, CHUNK)
            halves.append(jnp.stack([idx_y, lkey, ld, lkey + c * HIST], axis=2))
        combs.append(jnp.concatenate(halves).reshape(2 * NTEC * NCH, 4, CHUNK))

    yflat = _project(x, W_rel)
    msg = _edge_aggregate(yflat, combs[0], combs[1])
    return _score(x, msg, W_root, b_rgcn, W_lin, b_lin)

# --- scband reference (transcript-rebuilt; emitter-appended) ---
"""Pipeline reference for scband-graph-scoring-layer-31310311588447 (READ-ONLY COPY).

The authoritative reference and input builder live on the scoring server;
editing this copy changes nothing except your own understanding.
"""

import jax, jax.numpy as jnp
import numpy as np

B, N, E, C, R = 2, 10000, 160000, 128, 8


def setup_inputs(seed: int = 0) -> dict:
    key = jax.random.key(seed)
    ks = jax.random.split(key, 8)
    node_features = jax.random.normal(ks[0], (B, N, C), dtype=jnp.float32)
    edge_index = jax.random.randint(ks[1], (B, 2, E), 0, N)
    edge_type = jax.random.randint(ks[2], (B, E), 0, R)
    s = 1.0 / np.sqrt(C)
    W_rel = jax.random.uniform(ks[3], (R, C, C), dtype=jnp.float32, minval=-s, maxval=s)
    W_root = jax.random.uniform(ks[4], (C, C), dtype=jnp.float32, minval=-s, maxval=s)
    b_rgcn = jnp.zeros((C,), dtype=jnp.float32)
    W_lin = jax.random.uniform(ks[5], (C, 1), dtype=jnp.float32, minval=-s, maxval=s)
    b_lin = jnp.zeros((1,), dtype=jnp.float32)
    return {"node_features": node_features, "edge_index": edge_index, "edge_type": edge_type,
            "W_rel": W_rel, "W_root": W_root, "b_rgcn": b_rgcn, "W_lin": W_lin, "b_lin": b_lin}


def reference(node_features, edge_index, edge_type, W_rel, W_root, b_rgcn, W_lin, b_lin):
    # batch_rgcn: flatten batched graphs into one disjoint graph
    x = node_features.reshape(B * N, C)
    offsets = (jnp.arange(B) * N)[:, None, None]
    ei = jnp.transpose(edge_index + offsets, (1, 0, 2)).reshape(2, B * E)
    et = edge_type.reshape(B * E)
    src, dst = ei[0], ei[1]
    # RGCNConv (PyG semantics): out_i = x_i @ W_root + b + sum_r mean_{j in N_r(i)} x_j @ W_r
    msg = x[src]  # gather source node features per edge
    out = x @ W_root + b_rgcn
    for r in range(R):
        mask = (et == r)
        masked = jnp.where(mask[:, None], msg, 0.0)
        sums = jax.ops.segment_sum(masked, dst, num_segments=B * N)
        counts = jax.ops.segment_sum(mask.astype(jnp.float32), dst, num_segments=B * N)
        mean_r = sums / jnp.maximum(counts, 1.0)[:, None]
        out = out + mean_r @ W_rel[r]
    # GraphConvolutionalLayer: relu + dropout (eval mode -> identity)
    out = jax.nn.relu(out)
    updated = out.reshape(B, N, C)
    # scoring head
    scores = (updated @ W_lin + b_lin).squeeze(-1)
    return scores

if __name__ == "__main__":
    import jax
    _d = setup_inputs()
    print(jax.jit(kernel)(*tuple(_d.values())))

</pallas_src>

<mosaic_0001>
#map = affine_map<(d0, d1) -> (0, 0)>
#map1 = affine_map<(d0, d1) -> (0, 0, 0)>
#map2 = affine_map<(d0, d1) -> (0)>
module attributes {stable_mosaic.version = 14 : i64} {
  func.func @_edge_body0(%arg0: i32, %arg1: i32, %arg2: memref<160000x128xf32, #tpu.memory_space<hbm>>, %arg3: memref<5120x4x128xi32, #tpu.memory_space<hbm>>, %arg4: memref<12288x128xf32, #tpu.memory_space<hbm>>, %arg5: memref<327680xf32, #tpu.memory_space<hbm>>, %arg6: memref<6144x128xf32, #tpu.memory_space<vmem_shared>>, %arg7: memref<163840xf32, #tpu.memory_space<vmem_shared>>, %arg8: memref<4x128xi32, #tpu.memory_space<vmem>>, %arg9: memref<128xf32, #tpu.memory_space<vmem>>, %arg10: memref<128xf32, #tpu.memory_space<vmem>>, %arg11: memref<128x128xf32, #tpu.memory_space<vmem>>, %arg12: memref<2048xf32, #tpu.memory_space<vmem>>, %arg13: memref<!tpu.dma_semaphore, #tpu.memory_space<semaphore_mem>>) attributes {dimension_semantics = [#tpu.dimension_semantics<core_parallel>, #tpu.dimension_semantics<subcore_parallel>], iteration_bounds = array<i64: 2, 16>, scalar_prefetch = 0 : i64, scratch_operands = 8 : i64, tpu.core_type = #tpu.core_type<sc_vector_subcore>, window_params = [{transform_indices = #map}, {transform_indices = #map1}, {transform_indices = #map}, {transform_indices = #map2}]} {
    %mul3A = arith.constant 16 : i32
    %mul3A_0 = arith.muli %arg0, %mul3A : i32
    %add3A = arith.addi %mul3A_0, %arg1 : i32
    %mul3A_1 = arith.constant 160 : i32
    %mul3A_2 = arith.muli %add3A, %mul3A_1 : i32
    %scan3A = arith.constant 0 : i32
    %scan3A_3 = arith.constant 0 : i32
    %scan3A_4 = arith.constant 128 : i32
    %scan3A_5 = arith.addi %scan3A_3, %scan3A_4 : i32
    %scan3A_6 = arith.constant 1 : i32
    scf.for %scan3A_59 = %scan3A_3 to %scan3A_5 step %scan3A_6  : i32 {
      %broadcast_in_dim3A = arith.constant 0.000000e+00 : f32
      %broadcast_in_dim3A_60 = vector.broadcast %broadcast_in_dim3A : f32 to vector<16xf32>
      %swap3A = arith.index_cast %scan3A_59 : i32 to index
      %swap3A_61 = arith.constant 0 : index
      %swap3A_62 = tpu.vector_load %arg11[%swap3A, %swap3A_61] {strides = array<i32>} : memref<128x128xf32, #tpu.memory_space<vmem>>, vector<1x16xf32>,
      %swap3A_63 = vector.shape_cast %swap3A_62 : vector<1x16xf32> to vector<16xf32>
      %swap3A_64 = vector.shape_cast %broadcast_in_dim3A_60 : vector<16xf32> to vector<1x16xf32>
      tpu.vector_store %arg11[%swap3A, %swap3A_61], %swap3A_64 {strides = array<i32>} : memref<128x128xf32, #tpu.memory_space<vmem>>, vector<1x16xf32>,
      %broadcast_in_dim3A_65 = arith.constant 0.000000e+00 : f32
      %broadcast_in_dim3A_66 = vector.broadcast %broadcast_in_dim3A_65 : f32 to vector<16xf32>
      %swap3A_67 = arith.index_cast %scan3A_59 : i32 to index
      %swap3A_68 = arith.constant 16 : index
      %swap3A_69 = tpu.vector_load %arg11[%swap3A_67, %swap3A_68] {strides = array<i32>} : memref<128x128xf32, #tpu.memory_space<vmem>>, vector<1x16xf32>,
      %swap3A_70 = vector.shape_cast %swap3A_69 : vector<1x16xf32> to vector<16xf32>
      %swap3A_71 = vector.shape_cast %broadcast_in_dim3A_66 : vector<16xf32> to vector<1x16xf32>
      tpu.vector_store %arg11[%swap3A_67, %swap3A_68], %swap3A_71 {strides = array<i32>} : memref<128x128xf32, #tpu.memory_space<vmem>>, vector<1x16xf32>,
      %broadcast_in_dim3A_72 = arith.constant 0.000000e+00 : f32
      %broadcast_in_dim3A_73 = vector.broadcast %broadcast_in_dim3A_72 : f32 to vector<16xf32>
      %swap3A_74 = arith.index_cast %scan3A_59 : i32 to index
      %swap3A_75 = arith.constant 32 : index
      %swap3A_76 = tpu.vector_load %arg11[%swap3A_74, %swap3A_75] {strides = array<i32>} : memref<128x128xf32, #tpu.memory_space<vmem>>, vector<1x16xf32>,
      %swap3A_77 = vector.shape_cast %swap3A_76 : vector<1x16xf32> to vector<16xf32>
      %swap3A_78 = vector.shape_cast %broadcast_in_dim3A_73 : vector<16xf32> to vector<1x16xf32>
      tpu.vector_store %arg11[%swap3A_74, %swap3A_75], %swap3A_78 {strides = array<i32>} : memref<128x128xf32, #tpu.memory_space<vmem>>, vector<1x16xf32>,
      %broadcast_in_dim3A_79 = arith.constant 0.000000e+00 : f32
      %broadcast_in_dim3A_80 = vector.broadcast %broadcast_in_dim3A_79 : f32 to vector<16xf32>
      %swap3A_81 = arith.index_cast %scan3A_59 : i32 to index
      %swap3A_82 = arith.constant 48 : index
      %swap3A_83 = tpu.vector_load %arg11[%swap3A_81, %swap3A_82] {strides = array<i32>} : memref<128x128xf32, #tpu.memory_space<vmem>>, vector<1x16xf32>,
      %swap3A_84 = vector.shape_cast %swap3A_83 : vector<1x16xf32> to vector<16xf32>
      %swap3A_85 = vector.shape_cast %broadcast_in_dim3A_80 : vector<16xf32> to vector<1x16xf32>
      tpu.vector_store %arg11[%swap3A_81, %swap3A_82], %swap3A_85 {strides = array<i32>} : memref<128x128xf32, #tpu.memory_space<vmem>>, vector<1x16xf32>,
      %broadcast_in_dim3A_86 = arith.constant 0.000000e+00 : f32
      %broadcast_in_dim3A_87 = vector.broadcast %broadcast_in_dim3A_86 : f32 to vector<16xf32>
      %swap3A_88 = arith.index_cast %scan3A_59 : i32 to index
      %swap3A_89 = arith.constant 64 : index
      %swap3A_90 = tpu.vector_load %arg11[%swap3A_88, %swap3A_89] {strides = array<i32>} : memref<128x128xf32, #tpu.memory_space<vmem>>, vector<1x16xf32>,
      %swap3A_91 = vector.shape_cast %swap3A_90 : vector<1x16xf32> to vector<16xf32>
      %swap3A_92 = vector.shape_cast %broadcast_in_dim3A_87 : vector<16xf32> to vector<1x16xf32>
      tpu.vector_store %arg11[%swap3A_88, %swap3A_89], %swap3A_92 {strides = array<i32>} : memref<128x128xf32, #tpu.memory_space<vmem>>, vector<1x16xf32>,
      %broadcast_in_dim3A_93 = arith.constant 0.000000e+00 : f32
      %broadcast_in_dim3A_94 = vector.broadcast %broadcast_in_dim3A_93 : f32 to vector<16xf32>
      %swap3A_95 = arith.index_cast %scan3A_59 : i32 to index
      %swap3A_96 = arith.constant 80 : index
      %swap3A_97 = tpu.vector_load %arg11[%swap3A_95, %swap3A_96] {strides = array<i32>} : memref<128x128xf32, #tpu.memory_space<vmem>>, vector<1x16xf32>,
      %swap3A_98 = vector.shape_cast %swap3A_97 : vector<1x16xf32> to vector<16xf32>
      %swap3A_99 = vector.shape_cast %broadcast_in_dim3A_94 : vector<16xf32> to vector<1x16xf32>
      tpu.vector_store %arg11[%swap3A_95, %swap3A_96], %swap3A_99 {strides = array<i32>} : memref<128x128xf32, #tpu.memory_space<vmem>>, vector<1x16xf32>,
      %broadcast_in_dim3A_100 = arith.constant 0.000000e+00 : f32
      %broadcast_in_dim3A_101 = vector.broadcast %broadcast_in_dim3A_100 : f32 to vector<16xf32>
      %swap3A_102 = arith.index_cast %scan3A_59 : i32 to index
      %swap3A_103 = arith.constant 96 : index
      %swap3A_104 = tpu.vector_load %arg11[%swap3A_102, %swap3A_103] {strides = array<i32>} : memref<128x128xf32, #tpu.memory_space<vmem>>, vector<1x16xf32>,
      %swap3A_105 = vector.shape_cast %swap3A_104 : vector<1x16xf32> to vector<16xf32>
      %swap3A_106 = vector.shape_cast %broadcast_in_dim3A_101 : vector<16xf32> to vector<1x16xf32>
      tpu.vector_store %arg11[%swap3A_102, %swap3A_103], %swap3A_106 {strides = array<i32>} : memref<128x128xf32, #tpu.memory_space<vmem>>, vector<1x16xf32>,
      %broadcast_in_dim3A_107 = arith.constant 0.000000e+00 : f32
      %broadcast_in_dim3A_108 = vector.broadcast %broadcast_in_dim3A_107 : f32 to vector<16xf32>
      %swap3A_109 = arith.index_cast %scan3A_59 : i32 to index
      %swap3A_110 = arith.constant 112 : index
      %swap3A_111 = tpu.vector_load %arg11[%swap3A_109, %swap3A_110] {strides = array<i32>} : memref<128x128xf32, #tpu.memory_space<vmem>>, vector<1x16xf32>,
      %swap3A_112 = vector.shape_cast %swap3A_111 : vector<1x16xf32> to vector<16xf32>
      %swap3A_113 = vector.shape_cast %broadcast_in_dim3A_108 : vector<16xf32> to vector<1x16xf32>
      tpu.vector_store %arg11[%swap3A_109, %swap3A_110], %swap3A_113 {strides = array<i32>} : memref<128x128xf32, #tpu.memory_space<vmem>>, vector<1x16xf32>,
    }
    %scan3A_7 = arith.constant 128 : i32
    %scan3A_8 = arith.constant 0 : i32
    %scan3A_9 = arith.constant 0 : i32
    %scan3A_10 = arith.constant 3 : i32
    %scan3A_11 = arith.addi %scan3A_9, %scan3A_10 : i32
    %scan3A_12 = arith.constant 1 : i32
    scf.for %scan3A_59 = %scan3A_9 to %scan3A_11 step %scan3A_12  : i32 {
      %mul3A_60 = arith.constant 384 : i32
      %mul3A_61 = arith.muli %arg1, %mul3A_60 : i32
      %mul3A_62 = arith.constant 128 : i32
      %mul3A_63 = arith.muli %scan3A_59, %mul3A_62 : i32
      %add3A_64 = arith.addi %mul3A_61, %mul3A_63 : i32
      "tpu.region"() ({
        %run_scoped3A = tpu.sem_alloc : memref<!tpu.dma_semaphore, #tpu.memory_space<semaphore_mem>>
        %dma_start3A = arith.constant 0 : i32
        %dma_start3A_65 = tpu.memref_slice %arg6[%add3A_64, %dma_start3A] : memref<6144x128xf32, #tpu.memory_space<vmem_shared>> -> memref<128x128xf32, #tpu.memory_space<vmem_shared>>
        %dma_start3A_66 = arith.constant 0 : i32
        %dma_start3A_67 = tpu.memref_slice %arg6[%add3A_64, %dma_start3A_66] : memref<6144x128xf32, #tpu.memory_space<vmem_shared>> -> memref<128x128xf32, #tpu.memory_space<vmem_shared>>
        tpu.enqueue_dma source(%arg11 : memref<128x128xf32, #tpu.memory_space<vmem>>) target(%dma_start3A_67 : memref<128x128xf32, #tpu.memory_space<vmem_shared>>) target_semaphore(%run_scoped3A : memref<!tpu.dma_semaphore, #tpu.memory_space<semaphore_mem>>)
        %dma_wait3A = arith.constant 0 : i32
        %dma_wait3A_68 = tpu.memref_slice %arg6[%add3A_64, %dma_wait3A] : memref<6144x128xf32, #tpu.memory_space<vmem_shared>> -> memref<128x128xf32, #tpu.memory_space<vmem_shared>>
        %dma_wait3A_69 = arith.constant 0 : i32
        %dma_wait3A_70 = tpu.memref_slice %arg6[%add3A_64, %dma_wait3A_69] : memref<6144x128xf32, #tpu.memory_space<vmem_shared>> -> memref<128x128xf32, #tpu.memory_space<vmem_shared>>
        tpu.wait_dma2 semaphore(%run_scoped3A : memref<!tpu.dma_semaphore, #tpu.memory_space<semaphore_mem>>) src(%arg11 : memref<128x128xf32, #tpu.memory_space<vmem>>) dst(%dma_wait3A_70 : memref<128x128xf32, #tpu.memory_space<vmem_shared>>)
        tpu.yield
      }) : () -> ()
    }
    %scan3A_13 = arith.constant 3 : i32
    %scan3A_14 = arith.constant 0 : i32
    %scan3A_15 = arith.constant 0 : i32
    %scan3A_16 = arith.constant 128 : i32
    %scan3A_17 = arith.addi %scan3A_15, %scan3A_16 : i32
    %scan3A_18 = arith.constant 1 : i32
    scf.for %scan3A_59 = %scan3A_15 to %scan3A_17 step %scan3A_18  : i32 {
      %broadcast_in_dim3A = arith.constant 0.000000e+00 : f32
      %broadcast_in_dim3A_60 = vector.broadcast %broadcast_in_dim3A : f32 to vector<16xf32>
      %mul3A_61 = arith.constant 16 : i32
      %mul3A_62 = arith.muli %scan3A_59, %mul3A_61 : i32
      %swap3A = arith.index_cast %mul3A_62 : i32 to index
      %swap3A_63 = tpu.vector_load %arg12[%swap3A] {strides = array<i32>} : memref<2048xf32, #tpu.memory_space<vmem>>, vector<16xf32>,
      %swap3A_64 = vector.shape_cast %swap3A_63 : vector<16xf32> to vector<16xf32>
      %swap3A_65 = vector.shape_cast %broadcast_in_dim3A_60 : vector<16xf32> to vector<16xf32>
      tpu.vector_store %arg12[%swap3A], %swap3A_65 {strides = array<i32>} : memref<2048xf32, #tpu.memory_space<vmem>>, vector<16xf32>,
    }
    %scan3A_19 = arith.constant 128 : i32
    %scan3A_20 = arith.constant 0 : i32
    %scan3A_21 = arith.constant 0 : i32
    %scan3A_22 = arith.constant 5 : i32
    %scan3A_23 = arith.addi %scan3A_21, %scan3A_22 : i32
    %scan3A_24 = arith.constant 1 : i32
    scf.for %scan3A_59 = %scan3A_21 to %scan3A_23 step %scan3A_24  : i32 {
      %mul3A_60 = arith.constant 10240 : i32
      %mul3A_61 = arith.muli %arg1, %mul3A_60 : i32
      %mul3A_62 = arith.constant 2048 : i32
      %mul3A_63 = arith.muli %scan3A_59, %mul3A_62 : i32
      %add3A_64 = arith.addi %mul3A_61, %mul3A_63 : i32
      "tpu.region"() ({
        %run_scoped3A = tpu.sem_alloc : memref<!tpu.dma_semaphore, #tpu.memory_space<semaphore_mem>>
        %dma_start3A = tpu.memref_slice %arg7[%add3A_64] : memref<163840xf32, #tpu.memory_space<vmem_shared>> -> memref<2048xf32, #tpu.memory_space<vmem_shared>>
        %dma_start3A_65 = tpu.memref_slice %arg7[%add3A_64] : memref<163840xf32, #tpu.memory_space<vmem_shared>> -> memref<2048xf32, #tpu.memory_space<vmem_shared>>
        tpu.enqueue_dma source(%arg12 : memref<2048xf32, #tpu.memory_space<vmem>>) target(%dma_start3A_65 : memref<2048xf32, #tpu.memory_space<vmem_shared>>) target_semaphore(%run_scoped3A : memref<!tpu.dma_semaphore, #tpu.memory_space<semaphore_mem>>)
        %dma_wait3A = tpu.memref_slice %arg7[%add3A_64] : memref<163840xf32, #tpu.memory_space<vmem_shared>> -> memref<2048xf32, #tpu.memory_space<vmem_shared>>
        %dma_wait3A_66 = tpu.memref_slice %arg7[%add3A_64] : memref<163840xf32, #tpu.memory_space<vmem_shared>> -> memref<2048xf32, #tpu.memory_space<vmem_shared>>
        tpu.wait_dma2 semaphore(%run_scoped3A : memref<!tpu.dma_semaphore, #tpu.memory_space<semaphore_mem>>) src(%arg12 : memref<2048xf32, #tpu.memory_space<vmem>>) dst(%dma_wait3A_66 : memref<2048xf32, #tpu.memory_space<vmem_shared>>)
        tpu.yield
      }) : () -> ()
    }
    %scan3A_25 = arith.constant 5 : i32
    %scan3A_26 = arith.constant 0 : i32
    %scan3A_27 = arith.constant 0 : i32
    %scan3A_28 = arith.constant 8 : i32
    %scan3A_29 = arith.addi %scan3A_27, %scan3A_28 : i32
    %scan3A_30 = arith.constant 1 : i32
    scf.for %scan3A_59 = %scan3A_27 to %scan3A_29 step %scan3A_30  : i32 {
      %broadcast_in_dim3A = arith.constant 1.000000e+00 : f32
      %broadcast_in_dim3A_60 = vector.broadcast %broadcast_in_dim3A : f32 to vector<16xf32>
      %mul3A_61 = arith.constant 16 : i32
      %mul3A_62 = arith.muli %scan3A_59, %mul3A_61 : i32
      %swap3A = arith.index_cast %mul3A_62 : i32 to index
      %swap3A_63 = tpu.vector_load %arg10[%swap3A] {strides = array<i32>} : memref<128xf32, #tpu.memory_space<vmem>>, vector<16xf32>,
      %swap3A_64 = vector.shape_cast %swap3A_63 : vector<16xf32> to vector<16xf32>
      %swap3A_65 = vector.shape_cast %broadcast_in_dim3A_60 : vector<16xf32> to vector<16xf32>
      tpu.vector_store %arg10[%swap3A], %swap3A_65 {strides = array<i32>} : memref<128xf32, #tpu.memory_space<vmem>>, vector<16xf32>,
    }
    %scan3A_31 = arith.constant 8 : i32
    %barrier3A = arith.constant 0 : index
    tpu.barrier barrier_id(%barrier3A)
    %scan3A_32 = arith.constant 0 : i32
    %scan3A_33 = arith.constant 0 : i32
    %scan3A_34 = arith.constant 160 : i32
    %scan3A_35 = arith.addi %scan3A_33, %scan3A_34 : i32
    %scan3A_36 = arith.constant 1 : i32
    scf.for %scan3A_59 = %scan3A_33 to %scan3A_35 step %scan3A_36  : i32 {
      %add3A_60 = arith.addi %mul3A_2, %scan3A_59 : i32
      "tpu.region"() ({
        %run_scoped3A_61 = tpu.sem_alloc : memref<!tpu.dma_semaphore, #tpu.memory_space<semaphore_mem>>
        %dma_start3A = arith.constant 0 : i32
        %dma_start3A_62 = arith.constant 0 : i32
        %dma_start3A_63 = tpu.memref_slice %arg3[%add3A_60, %dma_start3A, %dma_start3A_62] : memref<5120x4x128xi32, #tpu.memory_space<hbm>> -> memref<1x4x128xi32, #tpu.memory_space<hbm>>
        %dma_start3A_64 = tpu.memref_squeeze %dma_start3A_63 : memref<1x4x128xi32, #tpu.memory_space<hbm>> -> memref<4x128xi32, #tpu.memory_space<hbm>>
        %dma_start3A_65 = arith.constant 0 : i32
        %dma_start3A_66 = arith.constant 0 : i32
        %dma_start3A_67 = tpu.memref_slice %arg3[%add3A_60, %dma_start3A_65, %dma_start3A_66] : memref<5120x4x128xi32, #tpu.memory_space<hbm>> -> memref<1x4x128xi32, #tpu.memory_space<hbm>>
        %dma_start3A_68 = tpu.memref_squeeze %dma_start3A_67 : memref<1x4x128xi32, #tpu.memory_space<hbm>> -> memref<4x128xi32, #tpu.memory_space<hbm>>
        tpu.enqueue_dma source(%dma_start3A_68 : memref<4x128xi32, #tpu.memory_space<hbm>>) target(%arg8 : memref<4x128xi32, #tpu.memory_space<vmem>>) target_semaphore(%run_scoped3A_61 : memref<!tpu.dma_semaphore, #tpu.memory_space<semaphore_mem>>)
        %dma_wait3A = arith.constant 0 : i32
        %dma_wait3A_69 = arith.constant 0 : i32
        %dma_wait3A_70 = tpu.memref_slice %arg3[%add3A_60, %dma_wait3A, %dma_wait3A_69] : memref<5120x4x128xi32, #tpu.memory_space<hbm>> -> memref<1x4x128xi32, #tpu.memory_space<hbm>>
        %dma_wait3A_71 = tpu.memref_squeeze %dma_wait3A_70 : memref<1x4x128xi32, #tpu.memory_space<hbm>> -> memref<4x128xi32, #tpu.memory_space<hbm>>
        %dma_wait3A_72 = arith.constant 0 : i32
        %dma_wait3A_73 = arith.constant 0 : i32
        %dma_wait3A_74 = tpu.memref_slice %arg3[%add3A_60, %dma_wait3A_72, %dma_wait3A_73] : memref<5120x4x128xi32, #tpu.memory_space<hbm>> -> memref<1x4x128xi32, #tpu.memory_space<hbm>>
        %dma_wait3A_75 = tpu.memref_squeeze %dma_wait3A_74 : memref<1x4x128xi32, #tpu.memory_space<hbm>> -> memref<4x128xi32, #tpu.memory_space<hbm>>
        tpu.wait_dma2 semaphore(%run_scoped3A_61 : memref<!tpu.dma_semaphore, #tpu.memory_space<semaphore_mem>>) src(%dma_wait3A_75 : memref<4x128xi32, #tpu.memory_space<hbm>>) dst(%arg8 : memref<4x128xi32, #tpu.memory_space<vmem>>)
        tpu.yield
      }) : () -> ()
      %run_scoped3A = arith.constant 1 : i32
      "tpu.region"() ({
        %run_scoped3A_61 = tpu.sem_alloc : memref<!tpu.dma_semaphore, #tpu.memory_space<semaphore_mem>>
        %dma_start3A = arith.constant 0 : i32
        %dma_start3A_62 = tpu.memref_slice %arg8[%run_scoped3A, %dma_start3A] : memref<4x128xi32, #tpu.memory_space<vmem>> -> memref<1x128xi32, #tpu.memory_space<vmem>>
        %dma_start3A_63 = tpu.memref_squeeze %dma_start3A_62 : memref<1x128xi32, #tpu.memory_space<vmem>> -> memref<128xi32, #tpu.memory_space<vmem>>
        %dma_start3A_64 = arith.constant 0 : i32
        %dma_start3A_65 = tpu.memref_slice %arg7[%dma_start3A_64] : memref<163840xf32, #tpu.memory_space<vmem_shared>> -> memref<163840xf32, #tpu.memory_space<vmem_shared>>
        tpu.enqueue_indirect_dma source(%arg10 : memref<128xf32, #tpu.memory_space<vmem>>) target(%dma_start3A_65 : memref<163840xf32, #tpu.memory_space<vmem_shared>>) offsets(%dma_start3A_63 : memref<128xi32, #tpu.memory_space<vmem>>) semaphore(%run_scoped3A_61 : memref<!tpu.dma_semaphore, #tpu.memory_space<semaphore_mem>>) {add = true}
        %dma_wait3A = arith.constant 0 : i32
        %dma_wait3A_66 = tpu.memref_slice %arg8[%run_scoped3A, %dma_wait3A] : memref<4x128xi32, #tpu.memory_space<vmem>> -> memref<1x128xi32, #tpu.memory_space<vmem>>
        %dma_wait3A_67 = tpu.memref_squeeze %dma_wait3A_66 : memref<1x128xi32, #tpu.memory_space<vmem>> -> memref<128xi32, #tpu.memory_space<vmem>>
        %dma_wait3A_68 = arith.constant 0 : i32
        %dma_wait3A_69 = tpu.memref_slice %arg7[%dma_wait3A_68] : memref<163840xf32, #tpu.memory_space<vmem_shared>> -> memref<163840xf32, #tpu.memory_space<vmem_shared>>
        tpu.wait_indirect_dma semaphore(%run_scoped3A_61 : memref<!tpu.dma_semaphore, #tpu.memory_space<semaphore_mem>>) src(%arg10 : memref<128xf32, #tpu.memory_space<vmem>>) dst(%dma_wait3A_69 : memref<163840xf32, #tpu.memory_space<vmem_shared>>)
        tpu.yield
      }) : () -> ()
    }
    %scan3A_37 = arith.constant 160 : i32
    %barrier3A_38 = arith.constant 0 : index
    tpu.barrier barrier_id(%barrier3A_38)
    %scan3A_39 = arith.constant 0 : i32
    %scan3A_40 = arith.constant 0 : i32
    %scan3A_41 = arith.constant 5 : i32
    %scan3A_42 = arith.addi %scan3A_40, %scan3A_41 : i32
    %scan3A_43 = arith.constant 1 : i32
    scf.for %scan3A_59 = %scan3A_40 to %scan3A_42 step %scan3A_43  : i32 {
      %mul3A_60 = arith.constant 10240 : i32
      %mul3A_61 = arith.muli %arg1, %mul3A_60 : i32
      %mul3A_62 = arith.constant 2048 : i32
      %mul3A_63 = arith.muli %scan3A_59, %mul3A_62 : i32
      %add3A_64 = arith.addi %mul3A_61, %mul3A_63 : i32
      "tpu.region"() ({
        %run_scoped3A = tpu.sem_alloc : memref<!tpu.dma_semaphore, #tpu.memory_space<semaphore_mem>>
        %dma_start3A = tpu.memref_slice %arg7[%add3A_64] : memref<163840xf32, #tpu.memory_space<vmem_shared>> -> memref<2048xf32, #tpu.memory_space<vmem_shared>>
        %dma_start3A_74 = tpu.memref_slice %arg7[%add3A_64] : memref<163840xf32, #tpu.memory_space<vmem_shared>> -> memref<2048xf32, #tpu.memory_space<vmem_shared>>
        tpu.enqueue_dma source(%dma_start3A_74 : memref<2048xf32, #tpu.memory_space<vmem_shared>>) target(%arg12 : memref<2048xf32, #tpu.memory_space<vmem>>) target_semaphore(%run_scoped3A : memref<!tpu.dma_semaphore, #tpu.memory_space<semaphore_mem>>)
        %dma_wait3A = tpu.memref_slice %arg7[%add3A_64] : memref<163840xf32, #tpu.memory_space<vmem_shared>> -> memref<2048xf32, #tpu.memory_space<vmem_shared>>
        %dma_wait3A_75 = tpu.memref_slice %arg7[%add3A_64] : memref<163840xf32, #tpu.memory_space<vmem_shared>> -> memref<2048xf32, #tpu.memory_space<vmem_shared>>
        tpu.wait_dma2 semaphore(%run_scoped3A : memref<!tpu.dma_semaphore, #tpu.memory_space<semaphore_mem>>) src(%dma_wait3A_75 : memref<2048xf32, #tpu.memory_space<vmem_shared>>) dst(%arg12 : memref<2048xf32, #tpu.memory_space<vmem>>)
        tpu.yield
      }) : () -> ()
      %scan3A_65 = arith.constant 0 : i32
      %scan3A_66 = arith.constant 0 : i32
      %scan3A_67 = arith.constant 128 : i32
      %scan3A_68 = arith.addi %scan3A_66, %scan3A_67 : i32
      %scan3A_69 = arith.constant 1 : i32
      scf.for %scan3A_74 = %scan3A_66 to %scan3A_68 step %scan3A_69  : i32 {
        %mul3A_75 = arith.constant 16 : i32
        %mul3A_76 = arith.muli %scan3A_74, %mul3A_75 : i32
        %get3A = arith.index_cast %mul3A_76 : i32 to index
        %get3A_77 = tpu.vector_load %arg12[%get3A] {strides = array<i32>} : memref<2048xf32, #tpu.memory_space<vmem>>, vector<16xf32>,
        %get3A_78 = vector.shape_cast %get3A_77 : vector<16xf32> to vector<16xf32>
        %max3A = arith.constant 1.000000e+00 : f32
        %max3A_79 = vector.broadcast %max3A : f32 to vector<16xf32>
        %max3A_80 = arith.maximumf %get3A_78, %max3A_79 : vector<16xf32>
        %div3A = arith.constant 1.000000e+00 : f32
        %div3A_81 = vector.broadcast %div3A : f32 to vector<16xf32>
        %div3A_82 = arith.divf %div3A_81, %max3A_80 : vector<16xf32>
        %mul3A_83 = arith.constant 16 : i32
        %mul3A_84 = arith.muli %scan3A_74, %mul3A_83 : i32
        %swap3A = arith.index_cast %mul3A_84 : i32 to index
        %swap3A_85 = tpu.vector_load %arg12[%swap3A] {strides = array<i32>} : memref<2048xf32, #tpu.memory_space<vmem>>, vector<16xf32>,
        %swap3A_86 = vector.shape_cast %swap3A_85 : vector<16xf32> to vector<16xf32>
        %swap3A_87 = vector.shape_cast %div3A_82 : vector<16xf32> to vector<16xf32>
        tpu.vector_store %arg12[%swap3A], %swap3A_87 {strides = array<i32>} : memref<2048xf32, #tpu.memory_space<vmem>>, vector<16xf32>,
      }
      %scan3A_70 = arith.constant 128 : i32
      %mul3A_71 = arith.constant 163840 : i32
      %mul3A_72 = arith.muli %arg0, %mul3A_71 : i32
      %add3A_73 = arith.addi %mul3A_72, %add3A_64 : i32
      "tpu.region"() ({
        %run_scoped3A = tpu.sem_alloc : memref<!tpu.dma_semaphore, #tpu.memory_space<semaphore_mem>>
        %dma_start3A = tpu.memref_slice %arg5[%add3A_73] : memref<327680xf32, #tpu.memory_space<hbm>> -> memref<2048xf32, #tpu.memory_space<hbm>>
        %dma_start3A_74 = tpu.memref_slice %arg5[%add3A_73] : memref<327680xf32, #tpu.memory_space<hbm>> -> memref<2048xf32, #tpu.memory_space<hbm>>
        tpu.enqueue_dma source(%arg12 : memref<2048xf32, #tpu.memory_space<vmem>>) target(%dma_start3A_74 : memref<2048xf32, #tpu.memory_space<hbm>>) target_semaphore(%run_scoped3A : memref<!tpu.dma_semaphore, #tpu.memory_space<semaphore_mem>>)
        %dma_wait3A = tpu.memref_slice %arg5[%add3A_73] : memref<327680xf32, #tpu.memory_space<hbm>> -> memref<2048xf32, #tpu.memory_space<hbm>>
        %dma_wait3A_75 = tpu.memref_slice %arg5[%add3A_73] : memref<327680xf32, #tpu.memory_space<hbm>> -> memref<2048xf32, #tpu.memory_space<hbm>>
        tpu.wait_dma2 semaphore(%run_scoped3A : memref<!tpu.dma_semaphore, #tpu.memory_space<semaphore_mem>>) src(%arg12 : memref<2048xf32, #tpu.memory_space<vmem>>) dst(%dma_wait3A_75 : memref<2048xf32, #tpu.memory_space<hbm>>)
        tpu.yield
      }) : () -> ()
    }
    %scan3A_44 = arith.constant 5 : i32
    %barrier3A_45 = arith.constant 0 : index
    tpu.barrier barrier_id(%barrier3A_45)
    %scan3A_46 = arith.constant 0 : i32
    %scan3A_47 = arith.constant 0 : i32
    %scan3A_48 = arith.constant 160 : i32
    %scan3A_49 = arith.addi %scan3A_47, %scan3A_48 : i32
    %scan3A_50 = arith.constant 1 : i32
    scf.for %scan3A_59 = %scan3A_47 to %scan3A_49 step %scan3A_50  : i32 {
      %add3A_60 = arith.addi %mul3A_2, %scan3A_59 : i32
      "tpu.region"() ({
        %run_scoped3A_80 = tpu.sem_alloc : memref<!tpu.dma_semaphore, #tpu.memory_space<semaphore_mem>>
        %dma_start3A_81 = arith.constant 0 : i32
        %dma_start3A_82 = arith.constant 0 : i32
        %dma_start3A_83 = tpu.memref_slice %arg3[%add3A_60, %dma_start3A_81, %dma_start3A_82] : memref<5120x4x128xi32, #tpu.memory_space<hbm>> -> memref<1x4x128xi32, #tpu.memory_space<hbm>>
        %dma_start3A_84 = tpu.memref_squeeze %dma_start3A_83 : memref<1x4x128xi32, #tpu.memory_space<hbm>> -> memref<4x128xi32, #tpu.memory_space<hbm>>
        %dma_start3A_85 = arith.constant 0 : i32
        %dma_start3A_86 = arith.constant 0 : i32
        %dma_start3A_87 = tpu.memref_slice %arg3[%add3A_60, %dma_start3A_85, %dma_start3A_86] : memref<5120x4x128xi32, #tpu.memory_space<hbm>> -> memref<1x4x128xi32, #tpu.memory_space<hbm>>
        %dma_start3A_88 = tpu.memref_squeeze %dma_start3A_87 : memref<1x4x128xi32, #tpu.memory_space<hbm>> -> memref<4x128xi32, #tpu.memory_space<hbm>>
        tpu.enqueue_dma source(%dma_start3A_88 : memref<4x128xi32, #tpu.memory_space<hbm>>) target(%arg8 : memref<4x128xi32, #tpu.memory_space<vmem>>) target_semaphore(%run_scoped3A_80 : memref<!tpu.dma_semaphore, #tpu.memory_space<semaphore_mem>>)
        %dma_wait3A_89 = arith.constant 0 : i32
        %dma_wait3A_90 = arith.constant 0 : i32
        %dma_wait3A_91 = tpu.memref_slice %arg3[%add3A_60, %dma_wait3A_89, %dma_wait3A_90] : memref<5120x4x128xi32, #tpu.memory_space<hbm>> -> memref<1x4x128xi32, #tpu.memory_space<hbm>>
        %dma_wait3A_92 = tpu.memref_squeeze %dma_wait3A_91 : memref<1x4x128xi32, #tpu.memory_space<hbm>> -> memref<4x128xi32, #tpu.memory_space<hbm>>
        %dma_wait3A_93 = arith.constant 0 : i32
        %dma_wait3A_94 = arith.constant 0 : i32
        %dma_wait3A_95 = tpu.memref_slice %arg3[%add3A_60, %dma_wait3A_93, %dma_wait3A_94] : memref<5120x4x128xi32, #tpu.memory_space<hbm>> -> memref<1x4x128xi32, #tpu.memory_space<hbm>>
        %dma_wait3A_96 = tpu.memref_squeeze %dma_wait3A_95 : memref<1x4x128xi32, #tpu.memory_space<hbm>> -> memref<4x128xi32, #tpu.memory_space<hbm>>
        tpu.wait_dma2 semaphore(%run_scoped3A_80 : memref<!tpu.dma_semaphore, #tpu.memory_space<semaphore_mem>>) src(%dma_wait3A_96 : memref<4x128xi32, #tpu.memory_space<hbm>>) dst(%arg8 : memref<4x128xi32, #tpu.memory_space<vmem>>)
        tpu.yield
      }) : () -> ()
      %run_scoped3A = arith.constant 3 : i32
      "tpu.region"() ({
        %run_scoped3A_80 = tpu.sem_alloc : memref<!tpu.dma_semaphore, #tpu.memory_space<semaphore_mem>>
        %dma_start3A_81 = arith.constant 0 : i32
        %dma_start3A_82 = tpu.memref_slice %arg8[%run_scoped3A, %dma_start3A_81] : memref<4x128xi32, #tpu.memory_space<vmem>> -> memref<1x128xi32, #tpu.memory_space<vmem>>
        %dma_start3A_83 = tpu.memref_squeeze %dma_start3A_82 : memref<1x128xi32, #tpu.memory_space<vmem>> -> memref<128xi32, #tpu.memory_space<vmem>>
        %dma_start3A_84 = arith.constant 0 : i32
        %dma_start3A_85 = tpu.memref_slice %arg5[%dma_start3A_84] : memref<327680xf32, #tpu.memory_space<hbm>> -> memref<327680xf32, #tpu.memory_space<hbm>>
        tpu.enqueue_indirect_dma source(%dma_start3A_85 : memref<327680xf32, #tpu.memory_space<hbm>>) target(%arg9 : memref<128xf32, #tpu.memory_space<vmem>>) offsets(%dma_start3A_83 : memref<128xi32, #tpu.memory_space<vmem>>) semaphore(%run_scoped3A_80 : memref<!tpu.dma_semaphore, #tpu.memory_space<semaphore_mem>>)
        %dma_wait3A_86 = arith.constant 0 : i32
        %dma_wait3A_87 = tpu.memref_slice %arg8[%run_scoped3A, %dma_wait3A_86] : memref<4x128xi32, #tpu.memory_space<vmem>> -> memref<1x128xi32, #tpu.memory_space<vmem>>
        %dma_wait3A_88 = tpu.memref_squeeze %dma_wait3A_87 : memref<1x128xi32, #tpu.memory_space<vmem>> -> memref<128xi32, #tpu.memory_space<vmem>>
        %dma_wait3A_89 = arith.constant 0 : i32
        %dma_wait3A_90 = tpu.memref_slice %arg5[%dma_wait3A_89] : memref<327680xf32, #tpu.memory_space<hbm>> -> memref<327680xf32, #tpu.memory_space<hbm>>
        tpu.wait_indirect_dma semaphore(%run_scoped3A_80 : memref<!tpu.dma_semaphore, #tpu.memory_space<semaphore_mem>>) src(%dma_wait3A_90 : memref<327680xf32, #tpu.memory_space<hbm>>) dst(%arg9 : memref<128xf32, #tpu.memory_space<vmem>>)
        tpu.yield
      }) : () -> ()
      %dma_start3A = arith.constant 0 : i32
      %dma_start3A_61 = arith.constant 0 : i32
      %dma_start3A_62 = tpu.memref_slice %arg8[%dma_start3A, %dma_start3A_61] : memref<4x128xi32, #tpu.memory_space<vmem>> -> memref<1x128xi32, #tpu.memory_space<vmem>>
      %dma_start3A_63 = tpu.memref_squeeze %dma_start3A_62 : memref<1x128xi32, #tpu.memory_space<vmem>> -> memref<128xi32, #tpu.memory_space<vmem>>
      %dma_start3A_64 = arith.constant 0 : i32
      %dma_start3A_65 = arith.constant 0 : i32
      %dma_start3A_66 = tpu.memref_slice %arg2[%dma_start3A_64, %dma_start3A_65] : memref<160000x128xf32, #tpu.memory_space<hbm>> -> memref<160000x128xf32, #tpu.memory_space<hbm>>
      tpu.enqueue_indirect_dma source(%dma_start3A_66 : memref<160000x128xf32, #tpu.memory_space<hbm>>) target(%arg11 : memref<128x128xf32, #tpu.memory_space<vmem>>) offsets(%dma_start3A_63 : memref<128xi32, #tpu.memory_space<vmem>>) semaphore(%arg13 : memref<!tpu.dma_semaphore, #tpu.memory_space<semaphore_mem>>)
      %dma_wait3A = arith.constant 0 : i32
      %dma_wait3A_67 = arith.constant 0 : i32
      %dma_wait3A_68 = tpu.memref_slice %arg8[%dma_wait3A, %dma_wait3A_67] : memref<4x128xi32, #tpu.memory_space<vmem>> -> memref<1x128xi32, #tpu.memory_space<vmem>>
      %dma_wait3A_69 = tpu.memref_squeeze %dma_wait3A_68 : memref<1x128xi32, #tpu.memory_space<vmem>> -> memref<128xi32, #tpu.memory_space<vmem>>
      %dma_wait3A_70 = arith.constant 0 : i32
      %dma_wait3A_71 = arith.constant 0 : i32
      %dma_wait3A_72 = tpu.memref_slice %arg2[%dma_wait3A_70, %dma_wait3A_71] : memref<160000x128xf32, #tpu.memory_space<hbm>> -> memref<160000x128xf32, #tpu.memory_space<hbm>>
      tpu.wait_indirect_dma semaphore(%arg13 : memref<!tpu.dma_semaphore, #tpu.memory_space<semaphore_mem>>) src(%dma_wait3A_72 : memref<160000x128xf32, #tpu.memory_space<hbm>>) dst(%arg11 : memref<128x128xf32, #tpu.memory_space<vmem>>)
      %scan3A_73 = arith.constant 0 : i32
      %scan3A_74 = arith.constant 0 : i32
      %scan3A_75 = arith.constant 8 : i32
      %scan3A_76 = arith.addi %scan3A_74, %scan3A_75 : i32
      %scan3A_77 = arith.constant 1 : i32
      scf.for %scan3A_80 = %scan3A_74 to %scan3A_76 step %scan3A_77  : i32 {
        %mul3A_81 = arith.constant 16 : i32
        %mul3A_82 = arith.muli %scan3A_80, %mul3A_81 : i32
        %get3A = arith.index_cast %mul3A_82 : i32 to index
        %get3A_83 = tpu.vector_load %arg9[%get3A] {strides = array<i32>} : memref<128xf32, #tpu.memory_space<vmem>>, vector<16xf32>,
        %get3A_84 = vector.shape_cast %get3A_83 : vector<16xf32> to vector<16xf32>
        %slice3A = vector.extract_strided_slice %get3A_84 {offsets = [0], sizes = [1], strides = [1]} : vector<16xf32> to vector<1xf32>
        %squeeze3A = vector.extract %slice3A[0] : f32 from vector<1xf32>
        %mul3A_85 = arith.constant 16 : i32
        %mul3A_86 = arith.muli %scan3A_80, %mul3A_85 : i32
        %add3A_87 = arith.constant 0 : i32
        %add3A_88 = arith.addi %mul3A_86, %add3A_87 : i32
        %get3A_89 = arith.index_cast %add3A_88 : i32 to index
        %get3A_90 = arith.constant 0 : index
        %get3A_91 = tpu.vector_load %arg11[%get3A_89, %get3A_90] {strides = array<i32>} : memref<128x128xf32, #tpu.memory_space<vmem>>, vector<1x16xf32>,
        %get3A_92 = vector.shape_cast %get3A_91 : vector<1x16xf32> to vector<16xf32>
        %mul3A_93 = vector.broadcast %squeeze3A : f32 to vector<16xf32>
        %mul3A_94 = arith.mulf %get3A_92, %mul3A_93 : vector<16xf32>
        %swap3A = arith.index_cast %add3A_88 : i32 to index
        %swap3A_95 = arith.constant 0 : index
        %swap3A_96 = tpu.vector_load %arg11[%swap3A, %swap3A_95] {strides = array<i32>} : memref<128x128xf32, #tpu.memory_space<vmem>>, vector<1x16xf32>,
        %swap3A_97 = vector.shape_cast %swap3A_96 : vector<1x16xf32> to vector<16xf32>
        %swap3A_98 = vector.shape_cast %mul3A_94 : vector<16xf32> to vector<1x16xf32>
        tpu.vector_store %arg11[%swap3A, %swap3A_95], %swap3A_98 {strides = array<i32>} : memref<128x128xf32, #tpu.memory_space<vmem>>, vector<1x16xf32>,
        %get3A_99 = arith.index_cast %add3A_88 : i32 to index
        %get3A_100 = arith.constant 16 : index
        %get3A_101 = tpu.vector_load %arg11[%get3A_99, %get3A_100] {strides = array<i32>} : memref<128x128xf32, #tpu.memory_space<vmem>>, vector<1x16xf32>,
        %get3A_102 = vector.shape_cast %get3A_101 : vector<1x16xf32> to vector<16xf32>
        %mul3A_103 = vector.broadcast %squeeze3A : f32 to vector<16xf32>
        %mul3A_104 = arith.mulf %get3A_102, %mul3A_103 : vector<16xf32>
        %swap3A_105 = arith.index_cast %add3A_88 : i32 to index
        %swap3A_106 = arith.constant 16 : index
        %swap3A_107 = tpu.vector_load %arg11[%swap3A_105, %swap3A_106] {strides = array<i32>} : memref<128x128xf32, #tpu.memory_space<vmem>>, vector<1x16xf32>,
        %swap3A_108 = vector.shape_cast %swap3A_107 : vector<1x16xf32> to vector<16xf32>
        %swap3A_109 = vector.shape_cast %mul3A_104 : vector<16xf32> to vector<1x16xf32>
        tpu.vector_store %arg11[%swap3A_105, %swap3A_106], %swap3A_109 {strides = array<i32>} : memref<128x128xf32, #tpu.memory_space<vmem>>, vector<1x16xf32>,
        %get3A_110 = arith.index_cast %add3A_88 : i32 to index
        %get3A_111 = arith.constant 32 : index
        %get3A_112 = tpu.vector_load %arg11[%get3A_110, %get3A_111] {strides = array<i32>} : memref<128x128xf32, #tpu.memory_space<vmem>>, vector<1x16xf32>,
        %get3A_113 = vector.shape_cast %get3A_112 : vector<1x16xf32> to vector<16xf32>
        %mul3A_114 = vector.broadcast %squeeze3A : f32 to vector<16xf32>
        %mul3A_115 = arith.mulf %get3A_113, %mul3A_114 : vector<16xf32>
        %swap3A_116 = arith.index_cast %add3A_88 : i32 to index
        %swap3A_117 = arith.constant 32 : index
        %swap3A_118 = tpu.vector_load %arg11[%swap3A_116, %swap3A_117] {strides = array<i32>} : memref<128x128xf32, #tpu.memory_space<vmem>>, vector<1x16xf32>,
        %swap3A_119 = vector.shape_cast %swap3A_118 : vector<1x16xf32> to vector<16xf32>
        %swap3A_120 = vector.shape_cast %mul3A_115 : vector<16xf32> to vector<1x16xf32>
        tpu.vector_store %arg11[%swap3A_116, %swap3A_117], %swap3A_120 {strides = array<i32>} : memref<128x128xf32, #tpu.memory_space<vmem>>, vector<1x16xf32>,
        %get3A_121 = arith.index_cast %add3A_88 : i32 to index
        %get3A_122 = arith.constant 48 : index
        %get3A_123 = tpu.vector_load %arg11[%get3A_121, %get3A_122] {strides = array<i32>} : memref<128x128xf32, #tpu.memory_space<vmem>>, vector<1x16xf32>,
        %get3A_124 = vector.shape_cast %get3A_123 : vector<1x16xf32> to vector<16xf32>
        %mul3A_125 = vector.broadcast %squeeze3A : f32 to vector<16xf32>
        %mul3A_126 = arith.mulf %get3A_124, %mul3A_125 : vector<16xf32>
        %swap3A_127 = arith.index_cast %add3A_88 : i32 to index
        %swap3A_128 = arith.constant 48 : index
        %swap3A_129 = tpu.vector_load %arg11[%swap3A_127, %swap3A_128] {strides = array<i32>} : memref<128x128xf32, #tpu.memory_space<vmem>>, vector<1x16xf32>,
        %swap3A_130 = vector.shape_cast %swap3A_129 : vector<1x16xf32> to vector<16xf32>
        %swap3A_131 = vector.shape_cast %mul3A_126 : vector<16xf32> to vector<1x16xf32>
        tpu.vector_store %arg11[%swap3A_127, %swap3A_128], %swap3A_131 {strides = array<i32>} : memref<128x128xf32, #tpu.memory_space<vmem>>, vector<1x16xf32>,
        %get3A_132 = arith.index_cast %add3A_88 : i32 to index
        %get3A_133 = arith.constant 64 : index
        %get3A_134 = tpu.vector_load %arg11[%get3A_132, %get3A_133] {strides = array<i32>} : memref<128x128xf32, #tpu.memory_space<vmem>>, vector<1x16xf32>,
        %get3A_135 = vector.shape_cast %get3A_134 : vector<1x16xf32> to vector<16xf32>
        %mul3A_136 = vector.broadcast %squeeze3A : f32 to vector<16xf32>
        %mul3A_137 = arith.mulf %get3A_135, %mul3A_136 : vector<16xf32>
        %swap3A_138 = arith.index_cast %add3A_88 : i32 to index
        %swap3A_139 = arith.constant 64 : index
        %swap3A_140 = tpu.vector_load %arg11[%swap3A_138, %swap3A_139] {strides = array<i32>} : memref<128x128xf32, #tpu.memory_space<vmem>>, vector<1x16xf32>,
        %swap3A_141 = vector.shape_cast %swap3A_140 : vector<1x16xf32> to vector<16xf32>
        %swap3A_142 = vector.shape_cast %mul3A_137 : vector<16xf32> to vector<1x16xf32>
        tpu.vector_store %arg11[%swap3A_138, %swap3A_139], %swap3A_142 {strides = array<i32>} : memref<128x128xf32, #tpu.memory_space<vmem>>, vector<1x16xf32>,
        %get3A_143 = arith.index_cast %add3A_88 : i32 to index
        %get3A_144 = arith.constant 80 : index
        %get3A_145 = tpu.vector_load %arg11[%get3A_143, %get3A_144] {strides = array<i32>} : memref<128x128xf32, #tpu.memory_space<vmem>>, vector<1x16xf32>,
        %get3A_146 = vector.shape_cast %get3A_145 : vector<1x16xf32> to vector<16xf32>
        %mul3A_147 = vector.broadcast %squeeze3A : f32 to vector<16xf32>
        %mul3A_148 = arith.mulf %get3A_146, %mul3A_147 : vector<16xf32>
        %swap3A_149 = arith.index_cast %add3A_88 : i32 to index
        %swap3A_150 = arith.constant 80 : index
        %swap3A_151 = tpu.vector_load %arg11[%swap3A_149, %swap3A_150] {strides = array<i32>} : memref<128x128xf32, #tpu.memory_space<vmem>>, vector<1x16xf32>,
        %swap3A_152 = vector.shape_cast %swap3A_151 : vector<1x16xf32> to vector<16xf32>
        %swap3A_153 = vector.shape_cast %mul3A_148 : vector<16xf32> to vector<1x16xf32>
        tpu.vector_store %arg11[%swap3A_149, %swap3A_150], %swap3A_153 {strides = array<i32>} : memref<128x128xf32, #tpu.memory_space<vmem>>, vector<1x16xf32>,
        %get3A_154 = arith.index_cast %add3A_88 : i32 to index
        %get3A_155 = arith.constant 96 : index
        %get3A_156 = tpu.vector_load %arg11[%get3A_154, %get3A_155] {strides = array<i32>} : memref<128x128xf32, #tpu.memory_space<vmem>>, vector<1x16xf32>,
        %get3A_157 = vector.shape_cast %get3A_156 : vector<1x16xf32> to vector<16xf32>
        %mul3A_158 = vector.broadcast %squeeze3A : f32 to vector<16xf32>
        %mul3A_159 = arith.mulf %get3A_157, %mul3A_158 : vector<16xf32>
        %swap3A_160 = arith.index_cast %add3A_88 : i32 to index
        %swap3A_161 = arith.constant 96 : index
        %swap3A_162 = tpu.vector_load %arg11[%swap3A_160, %swap3A_161] {strides = array<i32>} : memref<128x128xf32, #tpu.memory_space<vmem>>, vector<1x16xf32>,
        %swap3A_163 = vector.shape_cast %swap3A_162 : vector<1x16xf32> to vector<16xf32>
        %swap3A_164 = vector.shape_cast %mul3A_159 : vector<16xf32> to vector<1x16xf32>
        tpu.vector_store %arg11[%swap3A_160, %swap3A_161], %swap3A_164 {strides = array<i32>} : memref<128x128xf32, #tpu.memory_space<vmem>>, vector<1x16xf32>,
        %get3A_165 = arith.index_cast %add3A_88 : i32 to index
        %get3A_166 = arith.constant 112 : index
        %get3A_167 = tpu.vector_load %arg11[%get3A_165, %get3A_166] {strides = array<i32>} : memref<128x128xf32, #tpu.memory_space<vmem>>, vector<1x16xf32>,
        %get3A_168 = vector.shape_cast %get3A_167 : vector<1x16xf32> to vector<16xf32>
        %mul3A_169 = vector.broadcast %squeeze3A : f32 to vector<16xf32>
        %mul3A_170 = arith.mulf %get3A_168, %mul3A_169 : vector<16xf32>
        %swap3A_171 = arith.index_cast %add3A_88 : i32 to index
        %swap3A_172 = arith.constant 112 : index
        %swap3A_173 = tpu.vector_load %arg11[%swap3A_171, %swap3A_172] {strides = array<i32>} : memref<128x128xf32, #tpu.memory_space<vmem>>, vector<1x16xf32>,
        %swap3A_174 = vector.shape_cast %swap3A_173 : vector<1x16xf32> to vector<16xf32>
        %swap3A_175 = vector.shape_cast %mul3A_170 : vector<16xf32> to vector<1x16xf32>
        tpu.vector_store %arg11[%swap3A_171, %swap3A_172], %swap3A_175 {strides = array<i32>} : memref<128x128xf32, #tpu.memory_space<vmem>>, vector<1x16xf32>,
        %slice3A_176 = vector.extract_strided_slice %get3A_84 {offsets = [1], sizes = [1], strides = [1]} : vector<16xf32> to vector<1xf32>
        %squeeze3A_177 = vector.extract %slice3A_176[0] : f32 from vector<1xf32>
        %mul3A_178 = arith.constant 16 : i32
        %mul3A_179 = arith.muli %scan3A_80, %mul3A_178 : i32
        %add3A_180 = arith.constant 1 : i32
        %add3A_181 = arith.addi %mul3A_179, %add3A_180 : i32
        %get3A_182 = arith.index_cast %add3A_181 : i32 to index
        %get3A_183 = arith.constant 0 : index
        %get3A_184 = tpu.vector_load %arg11[%get3A_182, %get3A_183] {strides = array<i32>} : memref<128x128xf32, #tpu.memory_space<vmem>>, vector<1x16xf32>,
        %get3A_185 = vector.shape_cast %get3A_184 : vector<1x16xf32> to vector<16xf32>
        %mul3A_186 = vector.broadcast %squeeze3A_177 : f32 to vector<16xf32>
        %mul3A_187 = arith.mulf %get3A_185, %mul3A_186 : vector<16xf32>
        %swap3A_188 = arith.index_cast %add3A_181 : i32 to index
        %swap3A_189 = arith.constant 0 : index
        %swap3A_190 = tpu.vector_load %arg11[%swap3A_188, %swap3A_189] {strides = array<i32>} : memref<128x128xf32, #tpu.memory_space<vmem>>, vector<1x16xf32>,
        %swap3A_191 = vector.shape_cast %swap3A_190 : vector<1x16xf32> to vector<16xf32>
        %swap3A_192 = vector.shape_cast %mul3A_187 : vector<16xf32> to vector<1x16xf32>
        tpu.vector_store %arg11[%swap3A_188, %swap3A_189], %swap3A_192 {strides = array<i32>} : memref<128x128xf32, #tpu.memory_space<vmem>>, vector<1x16xf32>,
        %get3A_193 = arith.index_cast %add3A_181 : i32 to index
        %get3A_194 = arith.constant 16 : index
        %get3A_195 = tpu.vector_load %arg11[%get3A_193, %get3A_194] {strides = array<i32>} : memref<128x128xf32, #tpu.memory_space<vmem>>, vector<1x16xf32>,
        %get3A_196 = vector.shape_cast %get3A_195 : vector<1x16xf32> to vector<16xf32>
        %mul3A_197 = vector.broadcast %squeeze3A_177 : f32 to vector<16xf32>
        %mul3A_198 = arith.mulf %get3A_196, %mul3A_197 : vector<16xf32>
        %swap3A_199 = arith.index_cast %add3A_181 : i32 to index
        %swap3A_200 = arith.constant 16 : index
        %swap3A_201 = tpu.vector_load %arg11[%swap3A_199, %swap3A_200] {strides = array<i32>} : memref<128x128xf32, #tpu.memory_space<vmem>>, vector<1x16xf32>,
        %swap3A_202 = vector.shape_cast %swap3A_201 : vector<1x16xf32> to vector<16xf32>
        %swap3A_203 = vector.shape_cast %mul3A_198 : vector<16xf32> to vector<1x16xf32>
        tpu.vector_store %arg11[%swap3A_199, %swap3A_200], %swap3A_203 {strides = array<i32>} : memref<128x128xf32, #tpu.memory_space<vmem>>, vector<1x16xf32>,
        %get3A_204 = arith.index_cast %add3A_181 : i32 to index
        %get3A_205 = arith.constant 32 : index
        %get3A_206 = tpu.vector_load %arg11[%get3A_204, %get3A_205] {strides = array<i32>} : memref<128x128xf32, #tpu.memory_space<vmem>>, vector<1x16xf32>,
        %get3A_207 = vector.shape_cast %get3A_206 : vector<1x16xf32> to vector<16xf32>
        %mul3A_208 = vector.broadcast %squeeze3A_177 : f32 to vector<16xf32>
        %mul3A_209 = arith.mulf %get3A_207, %mul3A_208 : vector<16xf32>
        %swap3A_210 = arith.index_cast %add3A_181 : i32 to index
        %swap3A_211 = arith.constant 32 : index
        %swap3A_212 = tpu.vector_load %arg11[%swap3A_210, %swap3A_211] {strides = array<i32>} : memref<128x128xf32, #tpu.memory_space<vmem>>, vector<1x16xf32>,
        %swap3A_213 = vector.shape_cast %swap3A_212 : vector<1x16xf32> to vector<16xf32>
        %swap3A_214 = vector.shape_cast %mul3A_209 : vector<16xf32> to vector<1x16xf32>
        tpu.vector_store %arg11[%swap3A_210, %swap3A_211], %swap3A_214 {strides = array<i32>} : memref<128x128xf32, #tpu.memory_space<vmem>>, vector<1x16xf32>,
        %get3A_215 = arith.index_cast %add3A_181 : i32 to index
        %get3A_216 = arith.constant 48 : index
        %get3A_217 = tpu.vector_load %arg11[%get3A_215, %get3A_216] {strides = array<i32>} : memref<128x128xf32, #tpu.memory_space<vmem>>, vector<1x16xf32>,
        %get3A_218 = vector.shape_cast %get3A_217 : vector<1x16xf32> to vector<16xf32>
        %mul3A_219 = vector.broadcast %squeeze3A_177 : f32 to vector<16xf32>
        %mul3A_220 = arith.mulf %get3A_218, %mul3A_219 : vector<16xf32>
        %swap3A_221 = arith.index_cast %add3A_181 : i32 to index
        %swap3A_222 = arith.constant 48 : index
        %swap3A_223 = tpu.vector_load %arg11[%swap3A_221, %swap3A_222] {strides = array<i32>} : memref<128x128xf32, #tpu.memory_space<vmem>>, vector<1x16xf32>,
        %swap3A_224 = vector.shape_cast %swap3A_223 : vector<1x16xf32> to vector<16xf32>
        %swap3A_225 = vector.shape_cast %mul3A_220 : vector<16xf32> to vector<1x16xf32>
        tpu.vector_store %arg11[%swap3A_221, %swap3A_222], %swap3A_225 {strides = array<i32>} : memref<128x128xf32, #tpu.memory_space<vmem>>, vector<1x16xf32>,
        %get3A_226 = arith.index_cast %add3A_181 : i32 to index
        %get3A_227 = arith.constant 64 : index
        %get3A_228 = tpu.vector_load %arg11[%get3A_226, %get3A_227] {strides = array<i32>} : memref<128x128xf32, #tpu.memory_space<vmem>>, vector<1x16xf32>,
        %get3A_229 = vector.shape_cast %get3A_228 : vector<1x16xf32> to vector<16xf32>
        %mul3A_230 = vector.broadcast %squeeze3A_177 : f32 to vector<16xf32>
        %mul3A_231 = arith.mulf %get3A_229, %mul3A_230 : vector<16xf32>
        %swap3A_232 = arith.index_cast %add3A_181 : i32 to index
        %swap3A_233 = arith.constant 64 : index
        %swap3A_234 = tpu.vector_load %arg11[%swap3A_232, %swap3A_233] {strides = array<i32>} : memref<128x128xf32, #tpu.memory_space<vmem>>, vector<1x16xf32>,
        %swap3A_235 = vector.shape_cast %swap3A_234 : vector<1x16xf32> to vector<16xf32>
        %swap3A_236 = vector.shape_cast %mul3A_231 : vector<16xf32> to vector<1x16xf32>
        tpu.vector_store %arg11[%swap3A_232, %swap3A_233], %swap3A_236 {strides = array<i32>} : memref<128x128xf32, #tpu.memory_space<vmem>>, vector<1x16xf32>,
        %get3A_237 = arith.index_cast %add3A_181 : i32 to index
        %get3A_238 = arith.constant 80 : index
        %get3A_239 = tpu.vector_load %arg11[%get3A_237, %get3A_238] {strides = array<i32>} : memref<128x128xf32, #tpu.memory_space<vmem>>, vector<1x16xf32>,
        %get3A_240 = vector.shape_cast %get3A_239 : vector<1x16xf32> to vector<16xf32>
        %mul3A_241 = vector.broadcast %squeeze3A_177 : f32 to vector<16xf32>
        %mul3A_242 = arith.mulf %get3A_240, %mul3A_241 : vector<16xf32>
        %swap3A_243 = arith.index_cast %add3A_181 : i32 to index
        %swap3A_244 = arith.constant 80 : index
        %swap3A_245 = tpu.vector_load %arg11[%swap3A_243, %swap3A_244] {strides = array<i32>} : memref<128x128xf32, #tpu.memory_space<vmem>>, vector<1x16xf32>,
        %swap3A_246 = vector.shape_cast %swap3A_245 : vector<1x16xf32> to vector<16xf32>
        %swap3A_247 = vector.shape_cast %mul3A_242 : vector<16xf32> to vector<1x16xf32>
        tpu.vector_store %arg11[%swap3A_243, %swap3A_244], %swap3A_247 {strides = array<i32>} : memref<128x128xf32, #tpu.memory_space<vmem>>, vector<1x16xf32>,
        %get3A_248 = arith.index_cast %add3A_181 : i32 to index
        %get3A_249 = arith.constant 96 : index
        %get3A_250 = tpu.vector_load %arg11[%get3A_248, %get3A_249] {strides = array<i32>} : memref<128x128xf32, #tpu.memory_space<vmem>>, vector<1x16xf32>,
        %get3A_251 = vector.shape_cast %get3A_250 : vector<1x16xf32> to vector<16xf32>
        %mul3A_252 = vector.broadcast %squeeze3A_177 : f32 to vector<16xf32>
        %mul3A_253 = arith.mulf %get3A_251, %mul3A_252 : vector<16xf32>
        %swap3A_254 = arith.index_cast %add3A_181 : i32 to index
        %swap3A_255 = arith.constant 96 : index
        %swap3A_256 = tpu.vector_load %arg11[%swap3A_254, %swap3A_255] {strides = array<i32>} : memref<128x128xf32, #tpu.memory_space<vmem>>, vector<1x16xf32>,
        %swap3A_257 = vector.shape_cast %swap3A_256 : vector<1x16xf32> to vector<16xf32>
        %swap3A_258 = vector.shape_cast %mul3A_253 : vector<16xf32> to vector<1x16xf32>
        tpu.vector_store %arg11[%swap3A_254, %swap3A_255], %swap3A_258 {strides = array<i32>} : memref<128x128xf32, #tpu.memory_space<vmem>>, vector<1x16xf32>,
        %get3A_259 = arith.index_cast %add3A_181 : i32 to index
        %get3A_260 = arith.constant 112 : index
        %get3A_261 = tpu.vector_load %arg11[%get3A_259, %get3A_260] {strides = array<i32>} : memref<128x128xf32, #tpu.memory_space<vmem>>, vector<1x16xf32>,
        %get3A_262 = vector.shape_cast %get3A_261 : vector<1x16xf32> to vector<16xf32>
        %mul3A_263 = vector.broadcast %squeeze3A_177 : f32 to vector<16xf32>
        %mul3A_264 = arith.mulf %get3A_262, %mul3A_263 : vector<16xf32>
        %swap3A_265 = arith.index_cast %add3A_181 : i32 to index
        %swap3A_266 = arith.constant 112 : index
        %swap3A_267 = tpu.vector_load %arg11[%swap3A_265, %swap3A_266] {strides = array<i32>} : memref<128x128xf32, #tpu.memory_space<vmem>>, vector<1x16xf32>,
        %swap3A_268 = vector.shape_cast %swap3A_267 : vector<1x16xf32> to vector<16xf32>
        %swap3A_269 = vector.shape_cast %mul3A_264 : vector<16xf32> to vector<1x16xf32>
        tpu.vector_store %arg11[%swap3A_265, %swap3A_266], %swap3A_269 {strides = array<i32>} : memref<128x128xf32, #tpu.memory_space<vmem>>, vector<1x16xf32>,
        %slice3A_270 = vector.extract_strided_slice %get3A_84 {offsets = [2], sizes = [1], strides = [1]} : vector<16xf32> to vector<1xf32>
        %squeeze3A_271 = vector.extract %slice3A_270[0] : f32 from vector<1xf32>
        %mul3A_272 = arith.constant 16 : i32
        %mul3A_273 = arith.muli %scan3A_80, %mul3A_272 : i32
        %add3A_274 = arith.constant 2 : i32
        %add3A_275 = arith.addi %mul3A_273, %add3A_274 : i32
        %get3A_276 = arith.index_cast %add3A_275 : i32 to index
        %get3A_277 = arith.constant 0 : index
        %get3A_278 = tpu.vector_load %arg11[%get3A_276, %get3A_277] {strides = array<i32>} : memref<128x128xf32, #tpu.memory_space<vmem>>, vector<1x16xf32>,
        %get3A_279 = vector.shape_cast %get3A_278 : vector<1x16xf32> to vector<16xf32>
        %mul3A_280 = vector.broadcast %squeeze3A_271 : f32 to vector<16xf32>
        %mul3A_281 = arith.mulf %get3A_279, %mul3A_280 : vector<16xf32>
        %swap3A_282 = arith.index_cast %add3A_275 : i32 to index
        %swap3A_283 = arith.constant 0 : index
        %swap3A_284 = tpu.vector_load %arg11[%swap3A_282, %swap3A_283] {strides = array<i32>} : memref<128x128xf32, #tpu.memory_space<vmem>>, vector<1x16xf32>,
        %swap3A_285 = vector.shape_cast %swap3A_284 : vector<1x16xf32> to vector<16xf32>
        %swap3A_286 = vector.shape_cast %mul3A_281 : vector<16xf32> to vector<1x16xf32>
        tpu.vector_store %arg11[%swap3A_282, %swap3A_283], %swap3A_286 {strides = array<i32>} : memref<128x128xf32, #tpu.memory_space<vmem>>, vector<1x16xf32>,
        %get3A_287 = arith.index_cast %add3A_275 : i32 to index
        %get3A_288 = arith.constant 16 : index
        %get3A_289 = tpu.vector_load %arg11[%get3A_287, %get3A_288] {strides = array<i32>} : memref<128x128xf32, #tpu.memory_space<vmem>>, vector<1x16xf32>,
        %get3A_290 = vector.shape_cast %get3A_289 : vector<1x16xf32> to vector<16xf32>
        %mul3A_291 = vector.broadcast %squeeze3A_271 : f32 to vector<16xf32>
        %mul3A_292 = arith.mulf %get3A_290, %mul3A_291 : vector<16xf32>
        %swap3A_293 = arith.index_cast %add3A_275 : i32 to index
        %swap3A_294 = arith.constant 16 : index
        %swap3A_295 = tpu.vector_load %arg11[%swap3A_293, %swap3A_294] {strides = array<i32>} : memref<128x128xf32, #tpu.memory_space<vmem>>, vector<1x16xf32>,
        %swap3A_296 = vector.shape_cast %swap3A_295 : vector<1x16xf32> to vector<16xf32>
        %swap3A_297 = vector.shape_cast %mul3A_292 : vector<16xf32> to vector<1x16xf32>
        tpu.vector_store %arg11[%swap3A_293, %swap3A_294], %swap3A_297 {strides = array<i32>} : memref<128x128xf32, #tpu.memory_space<vmem>>, vector<1x16xf32>,
        %get3A_298 = arith.index_cast %add3A_275 : i32 to index
        %get3A_299 = arith.constant 32 : index
        %get3A_300 = tpu.vector_load %arg11[%get3A_298, %get3A_299] {strides = array<i32>} : memref<128x128xf32, #tpu.memory_space<vmem>>, vector<1x16xf32>,
        %get3A_301 = vector.shape_cast %get3A_300 : vector<1x16xf32> to vector<16xf32>
        %mul3A_302 = vector.broadcast %squeeze3A_271 : f32 to vector<16xf32>
        %mul3A_303 = arith.mulf %get3A_301, %mul3A_302 : vector<16xf32>
        %swap3A_304 = arith.index_cast %add3A_275 : i32 to index
        %swap3A_305 = arith.constant 32 : index
        %swap3A_306 = tpu.vector_load %arg11[%swap3A_304, %swap3A_305] {strides = array<i32>} : memref<128x128xf32, #tpu.memory_space<vmem>>, vector<1x16xf32>,
        %swap3A_307 = vector.shape_cast %swap3A_306 : vector<1x16xf32> to vector<16xf32>
        %swap3A_308 = vector.shape_cast %mul3A_303 : vector<16xf32> to vector<1x16xf32>
        tpu.vector_store %arg11[%swap3A_304, %swap3A_305], %swap3A_308 {strides = array<i32>} : memref<128x128xf32, #tpu.memory_space<vmem>>, vector<1x16xf32>,
        %get3A_309 = arith.index_cast %add3A_275 : i32 to index
        %get3A_310 = arith.constant 48 : index
        %get3A_311 = tpu.vector_load %arg11[%get3A_309, %get3A_310] {strides = array<i32>} : memref<128x128xf32, #tpu.memory_space<vmem>>, vector<1x16xf32>,
        %get3A_312 = vector.shape_cast %get3A_311 : vector<1x16xf32> to vector<16xf32>
        %mul3A_313 = vector.broadcast %squeeze3A_271 : f32 to vector<16xf32>
        %mul3A_314 = arith.mulf %get3A_312, %mul3A_313 : vector<16xf32>
        %swap3A_315 = arith.index_cast %add3A_275 : i32 to index
        %swap3A_316 = arith.constant 48 : index
        %swap3A_317 = tpu.vector_load %arg11[%swap3A_315, %swap3A_316] {strides = array<i32>} : memref<128x128xf32, #tpu.memory_space<vmem>>, vector<1x16xf32>,
        %swap3A_318 = vector.shape_cast %swap3A_317 : vector<1x16xf32> to vector<16xf32>
        %swap3A_319 = vector.shape_cast %mul3A_314 : vector<16xf32> to vector<1x16xf32>
        tpu.vector_store %arg11[%swap3A_315, %swap3A_316], %swap3A_319 {strides = array<i32>} : memref<128x128xf32, #tpu.memory_space<vmem>>, vector<1x16xf32>,
        %get3A_320 = arith.index_cast %add3A_275 : i32 to index
        %get3A_321 = arith.constant 64 : index
        %get3A_322 = tpu.vector_load %arg11[%get3A_320, %get3A_321] {strides = array<i32>} : memref<128x128xf32, #tpu.memory_space<vmem>>, vector<1x16xf32>,
        %get3A_323 = vector.shape_cast %get3A_322 : vector<1x16xf32> to vector<16xf32>
        %mul3A_324 = vector.broadcast %squeeze3A_271 : f32 to vector<16xf32>
        %mul3A_325 = arith.mulf %get3A_323, %mul3A_324 : vector<16xf32>
        %swap3A_326 = arith.index_cast %add3A_275 : i32 to index
        %swap3A_327 = arith.constant 64 : index
        %swap3A_328 = tpu.vector_load %arg11[%swap3A_326, %swap3A_327] {strides = array<i32>} : memref<128x128xf32, #tpu.memory_space<vmem>>, vector<1x16xf32>,
        %swap3A_329 = vector.shape_cast %swap3A_328 : vector<1x16xf32> to vector<16xf32>
        %swap3A_330 = vector.shape_cast %mul3A_325 : vector<16xf32> to vector<1x16xf32>
        tpu.vector_store %arg11[%swap3A_326, %swap3A_327], %swap3A_330 {strides = array<i32>} : memref<128x128xf32, #tpu.memory_space<vmem>>, vector<1x16xf32>,
        %get3A_331 = arith.index_cast %add3A_275 : i32 to index
        %get3A_332 = arith.constant 80 : index
        %get3A_333 = tpu.vector_load %arg11[%get3A_331, %get3A_332] {strides = array<i32>} : memref<128x128xf32, #tpu.memory_space<vmem>>, vector<1x16xf32>,
        %get3A_334 = vector.shape_cast %get3A_333 : vector<1x16xf32> to vector<16xf32>
        %mul3A_335 = vector.broadcast %squeeze3A_271 : f32 to vector<16xf32>
        %mul3A_336 = arith.mulf %get3A_334, %mul3A_335 : vector<16xf32>
        %swap3A_337 = arith.index_cast %add3A_275 : i32 to index
        %swap3A_338 = arith.constant 80 : index
        %swap3A_339 = tpu.vector_load %arg11[%swap3A_337, %swap3A_338] {strides = array<i32>} : memref<128x128xf32, #tpu.memory_space<vmem>>, vector<1x16xf32>,
        %swap3A_340 = vector.shape_cast %swap3A_339 : vector<1x16xf32> to vector<16xf32>
        %swap3A_341 = vector.shape_cast %mul3A_336 : vector<16xf32> to vector<1x16xf32>
        tpu.vector_store %arg11[%swap3A_337, %swap3A_338], %swap3A_341 {strides = array<i32>} : memref<128x128xf32, #tpu.memory_space<vmem>>, vector<1x16xf32>,
        %get3A_342 = arith.index_cast %add3A_275 : i32 to index
        %get3A_343 = arith.constant 96 : index
        %get3A_344 = tpu.vector_load %arg11[%get3A_342, %get3A_343] {strides = array<i32>} : memref<128x128xf32, #tpu.memory_space<vmem>>, vector<1x16xf32>,
        %get3A_345 = vector.shape_cast %get3A_344 : vector<1x16xf32> to vector<16xf32>
        %mul3A_346 = vector.broadcast %squeeze3A_271 : f32 to vector<16xf32>
        %mul3A_347 = arith.mulf %get3A_345, %mul3A_346 : vector<16xf32>
        %swap3A_348 = arith.index_cast %add3A_275 : i32 to index
        %swap3A_349 = arith.constant 96 : index
        %swap3A_350 = tpu.vector_load %arg11[%swap3A_348, %swap3A_349] {strides = array<i32>} : memref<128x128xf32, #tpu.memory_space<vmem>>, vector<1x16xf32>,
        %swap3A_351 = vector.shape_cast %swap3A_350 : vector<1x16xf32> to vector<16xf32>
        %swap3A_352 = vector.shape_cast %mul3A_347 : vector<16xf32> to vector<1x16xf32>
        tpu.vector_store %arg11[%swap3A_348, %swap3A_349], %swap3A_352 {strides = array<i32>} : memref<128x128xf32, #tpu.memory_space<vmem>>, vector<1x16xf32>,
        %get3A_353 = arith.index_cast %add3A_275 : i32 to index
        %get3A_354 = arith.constant 112 : index
        %get3A_355 = tpu.vector_load %arg11[%get3A_353, %get3A_354] {strides = array<i32>} : memref<128x128xf32, #tpu.memory_space<vmem>>, vector<1x16xf32>,
        %get3A_356 = vector.shape_cast %get3A_355 : vector<1x16xf32> to vector<16xf32>
        %mul3A_357 = vector.broadcast %squeeze3A_271 : f32 to vector<16xf32>
        %mul3A_358 = arith.mulf %get3A_356, %mul3A_357 : vector<16xf32>
        %swap3A_359 = arith.index_cast %add3A_275 : i32 to index
        %swap3A_360 = arith.constant 112 : index
        %swap3A_361 = tpu.vector_load %arg11[%swap3A_359, %swap3A_360] {strides = array<i32>} : memref<128x128xf32, #tpu.memory_space<vmem>>, vector<1x16xf32>,
        %swap3A_362 = vector.shape_cast %swap3A_361 : vector<1x16xf32> to vector<16xf32>
        %swap3A_363 = vector.shape_cast %mul3A_358 : vector<16xf32> to vector<1x16xf32>
        tpu.vector_store %arg11[%swap3A_359, %swap3A_360], %swap3A_363 {strides = array<i32>} : memref<128x128xf32, #tpu.memory_space<vmem>>, vector<1x16xf32>,
        %slice3A_364 = vector.extract_strided_slice %get3A_84 {offsets = [3], sizes = [1], strides = [1]} : vector<16xf32> to vector<1xf32>
        %squeeze3A_365 = vector.extract %slice3A_364[0] : f32 from vector<1xf32>
        %mul3A_366 = arith.constant 16 : i32
        %mul3A_367 = arith.muli %scan3A_80, %mul3A_366 : i32
        %add3A_368 = arith.constant 3 : i32
        %add3A_369 = arith.addi %mul3A_367, %add3A_368 : i32
        %get3A_370 = arith.index_cast %add3A_369 : i32 to index
        %get3A_371 = arith.constant 0 : index
        %get3A_372 = tpu.vector_load %arg11[%get3A_370, %get3A_371] {strides = array<i32>} : memref<128x128xf32, #tpu.memory_space<vmem>>, vector<1x16xf32>,
        %get3A_373 = vector.shape_cast %get3A_372 : vector<1x16xf32> to vector<16xf32>
        %mul3A_374 = vector.broadcast %squeeze3A_365 : f32 to vector<16xf32>
        %mul3A_375 = arith.mulf %get3A_373, %mul3A_374 : vector<16xf32>
        %swap3A_376 = arith.index_cast %add3A_369 : i32 to index
        %swap3A_377 = arith.constant 0 : index
        %swap3A_378 = tpu.vector_load %arg11[%swap3A_376, %swap3A_377] {strides = array<i32>} : memref<128x128xf32, #tpu.memory_space<vmem>>, vector<1x16xf32>,
        %swap3A_379 = vector.shape_cast %swap3A_378 : vector<1x16xf32> to vector<16xf32>
        %swap3A_380 = vector.shape_cast %mul3A_375 : vector<16xf32> to vector<1x16xf32>
        tpu.vector_store %arg11[%swap3A_376, %swap3A_377], %swap3A_380 {strides = array<i32>} : memref<128x128xf32, #tpu.memory_space<vmem>>, vector<1x16xf32>,
        %get3A_381 = arith.index_cast %add3A_369 : i32 to index
        %get3A_382 = arith.constant 16 : index
        %get3A_383 = tpu.vector_load %arg11[%get3A_381, %get3A_382] {strides = array<i32>} : memref<128x128xf32, #tpu.memory_space<vmem>>, vector<1x16xf32>,
        %get3A_384 = vector.shape_cast %get3A_383 : vector<1x16xf32> to vector<16xf32>
        %mul3A_385 = vector.broadcast %squeeze3A_365 : f32 to vector<16xf32>
        %mul3A_386 = arith.mulf %get3A_384, %mul3A_385 : vector<16xf32>
        %swap3A_387 = arith.index_cast %add3A_369 : i32 to index
        %swap3A_388 = arith.constant 16 : index
        %swap3A_389 = tpu.vector_load %arg11[%swap3A_387, %swap3A_388] {strides = array<i32>} : memref<128x128xf32, #tpu.memory_space<vmem>>, vector<1x16xf32>,
        %swap3A_390 = vector.shape_cast %swap3A_389 : vector<1x16xf32> to vector<16xf32>
        %swap3A_391 = vector.shape_cast %mul3A_386 : vector<16xf32> to vector<1x16xf32>
        tpu.vector_store %arg11[%swap3A_387, %swap3A_388], %swap3A_391 {strides = array<i32>} : memref<128x128xf32, #tpu.memory_space<vmem>>, vector<1x16xf32>,
        %get3A_392 = arith.index_cast %add3A_369 : i32 to index
        %get3A_393 = arith.constant 32 : index
        %get3A_394 = tpu.vector_load %arg11[%get3A_392, %get3A_393] {strides = array<i32>} : memref<128x128xf32, #tpu.memory_space<vmem>>, vector<1x16xf32>,
        %get3A_395 = vector.shape_cast %get3A_394 : vector<1x16xf32> to vector<16xf32>
        %mul3A_396 = vector.broadcast %squeeze3A_365 : f32 to vector<16xf32>
        %mul3A_397 = arith.mulf %get3A_395, %mul3A_396 : vector<16xf32>
        %swap3A_398 = arith.index_cast %add3A_369 : i32 to index
        %swap3A_399 = arith.constant 32 : index
        %swap3A_400 = tpu.vector_load %arg11[%swap3A_398, %swap3A_399] {strides = array<i32>} : memref<128x128xf32, #tpu.memory_space<vmem>>, vector<1x16xf32>,
        %swap3A_401 = vector.shape_cast %swap3A_400 : vector<1x16xf32> to vector<16xf32>
        %swap3A_402 = vector.shape_cast %mul3A_397 : vector<16xf32> to vector<1x16xf32>
        tpu.vector_store %arg11[%swap3A_398, %swap3A_399], %swap3A_402 {strides = array<i32>} : memref<128x128xf32, #tpu.memory_space<vmem>>, vector<1x16xf32>,
        %get3A_403 = arith.index_cast %add3A_369 : i32 to index
        %get3A_404 = arith.constant 48 : index
        %get3A_405 = tpu.vector_load %arg11[%get3A_403, %get3A_404] {strides = array<i32>} : memref<128x128xf32, #tpu.memory_space<vmem>>, vector<1x16xf32>,
        %get3A_406 = vector.shape_cast %get3A_405 : vector<1x16xf32> to vector<16xf32>
        %mul3A_407 = vector.broadcast %squeeze3A_365 : f32 to vector<16xf32>
        %mul3A_408 = arith.mulf %get3A_406, %mul3A_407 : vector<16xf32>
        %swap3A_409 = arith.index_cast %add3A_369 : i32 to index
        %swap3A_410 = arith.constant 48 : index
        %swap3A_411 = tpu.vector_load %arg11[%swap3A_409, %swap3A_410] {strides = array<i32>} : memref<128x128xf32, #tpu.memory_space<vmem>>, vector<1x16xf32>,
        %swap3A_412 = vector.shape_cast %swap3A_411 : vector<1x16xf32> to vector<16xf32>
        %swap3A_413 = vector.shape_cast %mul3A_408 : vector<16xf32> to vector<1x16xf32>
        tpu.vector_store %arg11[%swap3A_409, %swap3A_410], %swap3A_413 {strides = array<i32>} : memref<128x128xf32, #tpu.memory_space<vmem>>, vector<1x16xf32>,
        %get3A_414 = arith.index_cast %add3A_369 : i32 to index
        %get3A_415 = arith.constant 64 : index
        %get3A_416 = tpu.vector_load %arg11[%get3A_414, %get3A_415] {strides = array<i32>} : memref<128x128xf32, #tpu.memory_space<vmem>>, vector<1x16xf32>,
        %get3A_417 = vector.shape_cast %get3A_416 : vector<1x16xf32> to vector<16xf32>
        %mul3A_418 = vector.broadcast %squeeze3A_365 : f32 to vector<16xf32>
        %mul3A_419 = arith.mulf %get3A_417, %mul3A_418 : vector<16xf32>
        %swap3A_420 = arith.index_cast %add3A_369 : i32 to index
        %swap3A_421 = arith.constant 64 : index
        %swap3A_422 = tpu.vector_load %arg11[%swap3A_420, %swap3A_421] {strides = array<i32>} : memref<128x128xf32, #tpu.memory_space<vmem>>, vector<1x16xf32>,
        %swap3A_423 = vector.shape_cast %swap3A_422 : vector<1x16xf32> to vector<16xf32>
        %swap3A_424 = vector.shape_cast %mul3A_419 : vector<16xf32> to vector<1x16xf32>
        tpu.vector_store %arg11[%swap3A_420, %swap3A_421], %swap3A_424 {strides = array<i32>} : memref<128x128xf32, #tpu.memory_space<vmem>>, vector<1x16xf32>,
        %get3A_425 = arith.index_cast %add3A_369 : i32 to index
        %get3A_426 = arith.constant 80 : index
        %get3A_427 = tpu.vector_load %arg11[%get3A_425, %get3A_426] {strides = array<i32>} : memref<128x128xf32, #tpu.memory_space<vmem>>, vector<1x16xf32>,
        %get3A_428 = vector.shape_cast %get3A_427 : vector<1x16xf32> to vector<16xf32>
        %mul3A_429 = vector.broadcast %squeeze3A_365 : f32 to vector<16xf32>
        %mul3A_430 = arith.mulf %get3A_428, %mul3A_429 : vector<16xf32>
        %swap3A_431 = arith.index_cast %add3A_369 : i32 to index
        %swap3A_432 = arith.constant 80 : index
        %swap3A_433 = tpu.vector_load %arg11[%swap3A_431, %swap3A_432] {strides = array<i32>} : memref<128x128xf32, #tpu.memory_space<vmem>>, vector<1x16xf32>,
        %swap3A_434 = vector.shape_cast %swap3A_433 : vector<1x16xf32> to vector<16xf32>
        %swap3A_435 = vector.shape_cast %mul3A_430 : vector<16xf32> to vector<1x16xf32>
        tpu.vector_store %arg11[%swap3A_431, %swap3A_432], %swap3A_435 {strides = array<i32>} : memref<128x128xf32, #tpu.memory_space<vmem>>, vector<1x16xf32>,
        %get3A_436 = arith.index_cast %add3A_369 : i32 to index
        %get3A_437 = arith.constant 96 : index
        %get3A_438 = tpu.vector_load %arg11[%get3A_436, %get3A_437] {strides = array<i32>} : memref<128x128xf32, #tpu.memory_space<vmem>>, vector<1x16xf32>,
        %get3A_439 = vector.shape_cast %get3A_438 : vector<1x16xf32> to vector<16xf32>
        %mul3A_440 = vector.broadcast %squeeze3A_365 : f32 to vector<16xf32>
        %mul3A_441 = arith.mulf %get3A_439, %mul3A_440 : vector<16xf32>
        %swap3A_442 = arith.index_cast %add3A_369 : i32 to index
        %swap3A_443 = arith.constant 96 : index
        %swap3A_444 = tpu.vector_load %arg11[%swap3A_442, %swap3A_443] {strides = array<i32>} : memref<128x128xf32, #tpu.memory_space<vmem>>, vector<1x16xf32>,
        %swap3A_445 = vector.shape_cast %swap3A_444 : vector<1x16xf32> to vector<16xf32>
        %swap3A_446 = vector.shape_cast %mul3A_441 : vector<16xf32> to vector<1x16xf32>
        tpu.vector_store %arg11[%swap3A_442, %swap3A_443], %swap3A_446 {strides = array<i32>} : memref<128x128xf32, #tpu.memory_space<vmem>>, vector<1x16xf32>,
        %get3A_447 = arith.index_cast %add3A_369 : i32 to index
        %get3A_448 = arith.constant 112 : index
        %get3A_449 = tpu.vector_load %arg11[%get3A_447, %get3A_448] {strides = array<i32>} : memref<128x128xf32, #tpu.memory_space<vmem>>, vector<1x16xf32>,
        %get3A_450 = vector.shape_cast %get3A_449 : vector<1x16xf32> to vector<16xf32>
        %mul3A_451 = vector.broadcast %squeeze3A_365 : f32 to vector<16xf32>
        %mul3A_452 = arith.mulf %get3A_450, %mul3A_451 : vector<16xf32>
        %swap3A_453 = arith.index_cast %add3A_369 : i32 to index
        %swap3A_454 = arith.constant 112 : index
        %swap3A_455 = tpu.vector_load %arg11[%swap3A_453, %swap3A_454] {strides = array<i32>} : memref<128x128xf32, #tpu.memory_space<vmem>>, vector<1x16xf32>,
        %swap3A_456 = vector.shape_cast %swap3A_455 : vector<1x16xf32> to vector<16xf32>
        %swap3A_457 = vector.shape_cast %mul3A_452 : vector<16xf32> to vector<1x16xf32>
        tpu.vector_store %arg11[%swap3A_453, %swap3A_454], %swap3A_457 {strides = array<i32>} : memref<128x128xf32, #tpu.memory_space<vmem>>, vector<1x16xf32>,
        %slice3A_458 = vector.extract_strided_slice %get3A_84 {offsets = [4], sizes = [1], strides = [1]} : vector<16xf32> to vector<1xf32>
        %squeeze3A_459 = vector.extract %slice3A_458[0] : f32 from vector<1xf32>
        %mul3A_460 = arith.constant 16 : i32
        %mul3A_461 = arith.muli %scan3A_80, %mul3A_460 : i32
        %add3A_462 = arith.constant 4 : i32
        %add3A_463 = arith.addi %mul3A_461, %add3A_462 : i32
        %get3A_464 = arith.index_cast %add3A_463 : i32 to index
        %get3A_465 = arith.constant 0 : index
        %get3A_466 = tpu.vector_load %arg11[%get3A_464, %get3A_465] {strides = array<i32>} : memref<128x128xf32, #tpu.memory_space<vmem>>, vector<1x16xf32>,
        %get3A_467 = vector.shape_cast %get3A_466 : vector<1x16xf32> to vector<16xf32>
        %mul3A_468 = vector.broadcast %squeeze3A_459 : f32 to vector<16xf32>
        %mul3A_469 = arith.mulf %get3A_467, %mul3A_468 : vector<16xf32>
        %swap3A_470 = arith.index_cast %add3A_463 : i32 to index
        %swap3A_471 = arith.constant 0 : index
        %swap3A_472 = tpu.vector_load %arg11[%swap3A_470, %swap3A_471] {strides = array<i32>} : memref<128x128xf32, #tpu.memory_space<vmem>>, vector<1x16xf32>,
        %swap3A_473 = vector.shape_cast %swap3A_472 : vector<1x16xf32> to vector<16xf32>
        %swap3A_474 = vector.shape_cast %mul3A_469 : vector<16xf32> to vector<1x16xf32>
        tpu.vector_store %arg11[%swap3A_470, %swap3A_471], %swap3A_474 {strides = array<i32>} : memref<128x128xf32, #tpu.memory_space<vmem>>, vector<1x16xf32>,
        %get3A_475 = arith.index_cast %add3A_463 : i32 to index
        %get3A_476 = arith.constant 16 : index
        %get3A_477 = tpu.vector_load %arg11[%get3A_475, %get3A_476] {strides = array<i32>} : memref<128x128xf32, #tpu.memory_space<vmem>>, vector<1x16xf32>,
        %get3A_478 = vector.shape_cast %get3A_477 : vector<1x16xf32> to vector<16xf32>
        %mul3A_479 = vector.broadcast %squeeze3A_459 : f32 to vector<16xf32>
        %mul3A_480 = arith.mulf %get3A_478, %mul3A_479 : vector<16xf32>
        %swap3A_481 = arith.index_cast %add3A_463 : i32 to index
        %swap3A_482 = arith.constant 16 : index
        %swap3A_483 = tpu.vector_load %arg11[%swap3A_481, %swap3A_482] {strides = array<i32>} : memref<128x128xf32, #tpu.memory_space<vmem>>, vector<1x16xf32>,
        %swap3A_484 = vector.shape_cast %swap3A_483 : vector<1x16xf32> to vector<16xf32>
        %swap3A_485 = vector.shape_cast %mul3A_480 : vector<16xf32> to vector<1x16xf32>
        tpu.vector_store %arg11[%swap3A_481, %swap3A_482], %swap3A_485 {strides = array<i32>} : memref<128x128xf32, #tpu.memory_space<vmem>>, vector<1x16xf32>,
        %get3A_486 = arith.index_cast %add3A_463 : i32 to index
        %get3A_487 = arith.constant 32 : index
        %get3A_488 = tpu.vector_load %arg11[%get3A_486, %get3A_487] {strides = array<i32>} : memref<128x128xf32, #tpu.memory_space<vmem>>, vector<1x16xf32>,
        %get3A_489 = vector.shape_cast %get3A_488 : vector<1x16xf32> to vector<16xf32>
        %mul3A_490 = vector.broadcast %squeeze3A_459 : f32 to vector<16xf32>
        %mul3A_491 = arith.mulf %get3A_489, %mul3A_490 : vector<16xf32>
        %swap3A_492 = arith.index_cast %add3A_463 : i32 to index
        %swap3A_493 = arith.constant 32 : index
        %swap3A_494 = tpu.vector_load %arg11[%swap3A_492, %swap3A_493] {strides = array<i32>} : memref<128x128xf32, #tpu.memory_space<vmem>>, vector<1x16xf32>,
        %swap3A_495 = vector.shape_cast %swap3A_494 : vector<1x16xf32> to vector<16xf32>
        %swap3A_496 = vector.shape_cast %mul3A_491 : vector<16xf32> to vector<1x16xf32>
        tpu.vector_store %arg11[%swap3A_492, %swap3A_493], %swap3A_496 {strides = array<i32>} : memref<128x128xf32, #tpu.memory_space<vmem>>, vector<1x16xf32>,
        %get3A_497 = arith.index_cast %add3A_463 : i32 to index
        %get3A_498 = arith.constant 48 : index
        %get3A_499 = tpu.vector_load %arg11[%get3A_497, %get3A_498] {strides = array<i32>} : memref<128x128xf32, #tpu.memory_space<vmem>>, vector<1x16xf32>,
        %get3A_500 = vector.shape_cast %get3A_499 : vector<1x16xf32> to vector<16xf32>
        %mul3A_501 = vector.broadcast %squeeze3A_459 : f32 to vector<16xf32>
        %mul3A_502 = arith.mulf %get3A_500, %mul3A_501 : vector<16xf32>
        %swap3A_503 = arith.index_cast %add3A_463 : i32 to index
        %swap3A_504 = arith.constant 48 : index
        %swap3A_505 = tpu.vector_load %arg11[%swap3A_503, %swap3A_504] {strides = array<i32>} : memref<128x128xf32, #tpu.memory_space<vmem>>, vector<1x16xf32>,
        %swap3A_506 = vector.shape_cast %swap3A_505 : vector<1x16xf32> to vector<16xf32>
        %swap3A_507 = vector.shape_cast %mul3A_502 : vector<16xf32> to vector<1x16xf32>
        tpu.vector_store %arg11[%swap3A_503, %swap3A_504], %swap3A_507 {strides = array<i32>} : memref<128x128xf32, #tpu.memory_space<vmem>>, vector<1x16xf32>,
        %get3A_508 = arith.index_cast %add3A_463 : i32 to index
        %get3A_509 = arith.constant 64 : index
        %get3A_510 = tpu.vector_load %arg11[%get3A_508, %get3A_509] {strides = array<i32>} : memref<128x128xf32, #tpu.memory_space<vmem>>, vector<1x16xf32>,
        %get3A_511 = vector.shape_cast %get3A_510 : vector<1x16xf32> to vector<16xf32>
        %mul3A_512 = vector.broadcast %squeeze3A_459 : f32 to vector<16xf32>
        %mul3A_513 = arith.mulf %get3A_511, %mul3A_512 : vector<16xf32>
        %swap3A_514 = arith.index_cast %add3A_463 : i32 to index
        %swap3A_515 = arith.constant 64 : index
        %swap3A_516 = tpu.vector_load %arg11[%swap3A_514, %swap3A_515] {strides = array<i32>} : memref<128x128xf32, #tpu.memory_space<vmem>>, vector<1x16xf32>,
        %swap3A_517 = vector.shape_cast %swap3A_516 : vector<1x16xf32> to vector<16xf32>
        %swap3A_518 = vector.shape_cast %mul3A_513 : vector<16xf32> to vector<1x16xf32>
        tpu.vector_store %arg11[%swap3A_514, %swap3A_515], %swap3A_518 {strides = array<i32>} : memref<128x128xf32, #tpu.memory_space<vmem>>, vector<1x16xf32>,
        %get3A_519 = arith.index_cast %add3A_463 : i32 to index
        %get3A_520 = arith.constant 80 : index
        %get3A_521 = tpu.vector_load %arg11[%get3A_519, %get3A_520] {strides = array<i32>} : memref<128x128xf32, #tpu.memory_space<vmem>>, vector<1x16xf32>,
        %get3A_522 = vector.shape_cast %get3A_521 : vector<1x16xf32> to vector<16xf32>
        %mul3A_523 = vector.broadcast %squeeze3A_459 : f32 to vector<16xf32>
        %mul3A_524 = arith.mulf %get3A_522, %mul3A_523 : vector<16xf32>
        %swap3A_525 = arith.index_cast %add3A_463 : i32 to index
        %swap3A_526 = arith.constant 80 : index
        %swap3A_527 = tpu.vector_load %arg11[%swap3A_525, %swap3A_526] {strides = array<i32>} : memref<128x128xf32, #tpu.memory_space<vmem>>, vector<1x16xf32>,
        %swap3A_528 = vector.shape_cast %swap3A_527 : vector<1x16xf32> to vector<16xf32>
        %swap3A_529 = vector.shape_cast %mul3A_524 : vector<16xf32> to vector<1x16xf32>
        tpu.vector_store %arg11[%swap3A_525, %swap3A_526], %swap3A_529 {strides = array<i32>} : memref<128x128xf32, #tpu.memory_space<vmem>>, vector<1x16xf32>,
        %get3A_530 = arith.index_cast %add3A_463 : i32 to index
        %get3A_531 = arith.constant 96 : index
        %get3A_532 = tpu.vector_load %arg11[%get3A_530, %get3A_531] {strides = array<i32>} : memref<128x128xf32, #tpu.memory_space<vmem>>, vector<1x16xf32>,
        %get3A_533 = vector.shape_cast %get3A_532 : vector<1x16xf32> to vector<16xf32>
        %mul3A_534 = vector.broadcast %squeeze3A_459 : f32 to vector<16xf32>
        %mul3A_535 = arith.mulf %get3A_533, %mul3A_534 : vector<16xf32>
        %swap3A_536 = arith.index_cast %add3A_463 : i32 to index
        %swap3A_537 = arith.constant 96 : index
        %swap3A_538 = tpu.vector_load %arg11[%swap3A_536, %swap3A_537] {strides = array<i32>} : memref<128x128xf32, #tpu.memory_space<vmem>>, vector<1x16xf32>,
        %swap3A_539 = vector.shape_cast %swap3A_538 : vector<1x16xf32> to vector<16xf32>
        %swap3A_540 = vector.shape_cast %mul3A_535 : vector<16xf32> to vector<1x16xf32>
        tpu.vector_store %arg11[%swap3A_536, %swap3A_537], %swap3A_540 {strides = array<i32>} : memref<128x128xf32, #tpu.memory_space<vmem>>, vector<1x16xf32>,
        %get3A_541 = arith.index_cast %add3A_463 : i32 to index
        %get3A_542 = arith.constant 112 : index
        %get3A_543 = tpu.vector_load %arg11[%get3A_541, %get3A_542] {strides = array<i32>} : memref<128x128xf32, #tpu.memory_space<vmem>>, vector<1x16xf32>,
        %get3A_544 = vector.shape_cast %get3A_543 : vector<1x16xf32> to vector<16xf32>
        %mul3A_545 = vector.broadcast %squeeze3A_459 : f32 to vector<16xf32>
        %mul3A_546 = arith.mulf %get3A_544, %mul3A_545 : vector<16xf32>
        %swap3A_547 = arith.index_cast %add3A_463 : i32 to index
        %swap3A_548 = arith.constant 112 : index
        %swap3A_549 = tpu.vector_load %arg11[%swap3A_547, %swap3A_548] {strides = array<i32>} : memref<128x128xf32, #tpu.memory_space<vmem>>, vector<1x16xf32>,
        %swap3A_550 = vector.shape_cast %swap3A_549 : vector<1x16xf32> to vector<16xf32>
        %swap3A_551 = vector.shape_cast %mul3A_546 : vector<16xf32> to vector<1x16xf32>
        tpu.vector_store %arg11[%swap3A_547, %swap3A_548], %swap3A_551 {strides = array<i32>} : memref<128x128xf32, #tpu.memory_space<vmem>>, vector<1x16xf32>,
        %slice3A_552 = vector.extract_strided_slice %get3A_84 {offsets = [5], sizes = [1], strides = [1]} : vector<16xf32> to vector<1xf32>
        %squeeze3A_553 = vector.extract %slice3A_552[0] : f32 from vector<1xf32>
        %mul3A_554 = arith.constant 16 : i32
        %mul3A_555 = arith.muli %scan3A_80, %mul3A_554 : i32
        %add3A_556 = arith.constant 5 : i32
        %add3A_557 = arith.addi %mul3A_555, %add3A_556 : i32
        %get3A_558 = arith.index_cast %add3A_557 : i32 to index
        %get3A_559 = arith.constant 0 : index
        %get3A_560 = tpu.vector_load %arg11[%get3A_558, %get3A_559] {strides = array<i32>} : memref<128x128xf32, #tpu.memory_space<vmem>>, vector<1x16xf32>,
        %get3A_561 = vector.shape_cast %get3A_560 : vector<1x16xf32> to vector<16xf32>
        %mul3A_562 = vector.broadcast %squeeze3A_553 : f32 to vector<16xf32>
        %mul3A_563 = arith.mulf %get3A_561, %mul3A_562 : vector<16xf32>
        %swap3A_564 = arith.index_cast %add3A_557 : i32 to index
        %swap3A_565 = arith.constant 0 : index
        %swap3A_566 = tpu.vector_load %arg11[%swap3A_564, %swap3A_565] {strides = array<i32>} : memref<128x128xf32, #tpu.memory_space<vmem>>, vector<1x16xf32>,
        %swap3A_567 = vector.shape_cast %swap3A_566 : vector<1x16xf32> to vector<16xf32>
        %swap3A_568 = vector.shape_cast %mul3A_563 : vector<16xf32> to vector<1x16xf32>
        tpu.vector_store %arg11[%swap3A_564, %swap3A_565], %swap3A_568 {strides = array<i32>} : memref<128x128xf32, #tpu.memory_space<vmem>>, vector<1x16xf32>,
        %get3A_569 = arith.index_cast %add3A_557 : i32 to index
        %get3A_570 = arith.constant 16 : index
        %get3A_571 = tpu.vector_load %arg11[%get3A_569, %get3A_570] {strides = array<i32>} : memref<128x128xf32, #tpu.memory_space<vmem>>, vector<1x16xf32>,
        %get3A_572 = vector.shape_cast %get3A_571 : vector<1x16xf32> to vector<16xf32>
        %mul3A_573 = vector.broadcast %squeeze3A_553 : f32 to vector<16xf32>
        %mul3A_574 = arith.mulf %get3A_572, %mul3A_573 : vector<16xf32>
        %swap3A_575 = arith.index_cast %add3A_557 : i32 to index
        %swap3A_576 = arith.constant 16 : index
        %swap3A_577 = tpu.vector_load %arg11[%swap3A_575, %swap3A_576] {strides = array<i32>} : memref<128x128xf32, #tpu.memory_space<vmem>>, vector<1x16xf32>,
        %swap3A_578 = vector.shape_cast %swap3A_577 : vector<1x16xf32> to vector<16xf32>
        %swap3A_579 = vector.shape_cast %mul3A_574 : vector<16xf32> to vector<1x16xf32>
        tpu.vector_store %arg11[%swap3A_575, %swap3A_576], %swap3A_579 {strides = array<i32>} : memref<128x128xf32, #tpu.memory_space<vmem>>, vector<1x16xf32>,
        %get3A_580 = arith.index_cast %add3A_557 : i32 to index
        %get3A_581 = arith.constant 32 : index
        %get3A_582 = tpu.vector_load %arg11[%get3A_580, %get3A_581] {strides = array<i32>} : memref<128x128xf32, #tpu.memory_space<vmem>>, vector<1x16xf32>,
        %get3A_583 = vector.shape_cast %get3A_582 : vector<1x16xf32> to vector<16xf32>
        %mul3A_584 = vector.broadcast %squeeze3A_553 : f32 to vector<16xf32>
        %mul3A_585 = arith.mulf %get3A_583, %mul3A_584 : vector<16xf32>
        %swap3A_586 = arith.index_cast %add3A_557 : i32 to index
        %swap3A_587 = arith.constant 32 : index
        %swap3A_588 = tpu.vector_load %arg11[%swap3A_586, %swap3A_587] {strides = array<i32>} : memref<128x128xf32, #tpu.memory_space<vmem>>, vector<1x16xf32>,
        %swap3A_589 = vector.shape_cast %swap3A_588 : vector<1x16xf32> to vector<16xf32>
        %swap3A_590 = vector.shape_cast %mul3A_585 : vector<16xf32> to vector<1x16xf32>
        tpu.vector_store %arg11[%swap3A_586, %swap3A_587], %swap3A_590 {strides = array<i32>} : memref<128x128xf32, #tpu.memory_space<vmem>>, vector<1x16xf32>,
        %get3A_591 = arith.index_cast %add3A_557 : i32 to index
        %get3A_592 = arith.constant 48 : index
        %get3A_593 = tpu.vector_load %arg11[%get3A_591, %get3A_592] {strides = array<i32>} : memref<128x128xf32, #tpu.memory_space<vmem>>, vector<1x16xf32>,
        %get3A_594 = vector.shape_cast %get3A_593 : vector<1x16xf32> to vector<16xf32>
        %mul3A_595 = vector.broadcast %squeeze3A_553 : f32 to vector<16xf32>
        %mul3A_596 = arith.mulf %get3A_594, %mul3A_595 : vector<16xf32>
        %swap3A_597 = arith.index_cast %add3A_557 : i32 to index
        %swap3A_598 = arith.constant 48 : index
        %swap3A_599 = tpu.vector_load %arg11[%swap3A_597, %swap3A_598] {strides = array<i32>} : memref<128x128xf32, #tpu.memory_space<vmem>>, vector<1x16xf32>,
        %swap3A_600 = vector.shape_cast %swap3A_599 : vector<1x16xf32> to vector<16xf32>
        %swap3A_601 = vector.shape_cast %mul3A_596 : vector<16xf32> to vector<1x16xf32>
        tpu.vector_store %arg11[%swap3A_597, %swap3A_598], %swap3A_601 {strides = array<i32>} : memref<128x128xf32, #tpu.memory_space<vmem>>, vector<1x16xf32>,
        %get3A_602 = arith.index_cast %add3A_557 : i32 to index
        %get3A_603 = arith.constant 64 : index
        %get3A_604 = tpu.vector_load %arg11[%get3A_602, %get3A_603] {strides = array<i32>} : memref<128x128xf32, #tpu.memory_space<vmem>>, vector<1x16xf32>,
        %get3A_605 = vector.shape_cast %get3A_604 : vector<1x16xf32> to vector<16xf32>
        %mul3A_606 = vector.broadcast %squeeze3A_553 : f32 to vector<16xf32>
        %mul3A_607 = arith.mulf %get3A_605, %mul3A_606 : vector<16xf32>
        %swap3A_608 = arith.index_cast %add3A_557 : i32 to index
        %swap3A_609 = arith.constant 64 : index
        %swap3A_610 = tpu.vector_load %arg11[%swap3A_608, %swap3A_609] {strides = array<i32>} : memref<128x128xf32, #tpu.memory_space<vmem>>, vector<1x16xf32>,
        %swap3A_611 = vector.shape_cast %swap3A_610 : vector<1x16xf32> to vector<16xf32>
        %swap3A_612 = vector.shape_cast %mul3A_607 : vector<16xf32> to vector<1x16xf32>
        tpu.vector_store %arg11[%swap3A_608, %swap3A_609], %swap3A_612 {strides = array<i32>} : memref<128x128xf32, #tpu.memory_space<vmem>>, vector<1x16xf32>,
        %get3A_613 = arith.index_cast %add3A_557 : i32 to index
        %get3A_614 = arith.constant 80 : index
        %get3A_615 = tpu.vector_load %arg11[%get3A_613, %get3A_614] {strides = array<i32>} : memref<128x128xf32, #tpu.memory_space<vmem>>, vector<1x16xf32>,
        %get3A_616 = vector.shape_cast %get3A_615 : vector<1x16xf32> to vector<16xf32>
        %mul3A_617 = vector.broadcast %squeeze3A_553 : f32 to vector<16xf32>
        %mul3A_618 = arith.mulf %get3A_616, %mul3A_617 : vector<16xf32>
        %swap3A_619 = arith.index_cast %add3A_557 : i32 to index
        %swap3A_620 = arith.constant 80 : index
        %swap3A_621 = tpu.vector_load %arg11[%swap3A_619, %swap3A_620] {strides = array<i32>} : memref<128x128xf32, #tpu.memory_space<vmem>>, vector<1x16xf32>,
        %swap3A_622 = vector.shape_cast %swap3A_621 : vector<1x16xf32> to vector<16xf32>
        %swap3A_623 = vector.shape_cast %mul3A_618 : vector<16xf32> to vector<1x16xf32>
        tpu.vector_store %arg11[%swap3A_619, %swap3A_620], %swap3A_623 {strides = array<i32>} : memref<128x128xf32, #tpu.memory_space<vmem>>, vector<1x16xf32>,
        %get3A_624 = arith.index_cast %add3A_557 : i32 to index
        %get3A_625 = arith.constant 96 : index
        %get3A_626 = tpu.vector_load %arg11[%get3A_624, %get3A_625] {strides = array<i32>} : memref<128x128xf32, #tpu.memory_space<vmem>>, vector<1x16xf32>,
        %get3A_627 = vector.shape_cast %get3A_626 : vector<1x16xf32> to vector<16xf32>
        %mul3A_628 = vector.broadcast %squeeze3A_553 : f32 to vector<16xf32>
        %mul3A_629 = arith.mulf %get3A_627, %mul3A_628 : vector<16xf32>
        %swap3A_630 = arith.index_cast %add3A_557 : i32 to index
        %swap3A_631 = arith.constant 96 : index
        %swap3A_632 = tpu.vector_load %arg11[%swap3A_630, %swap3A_631] {strides = array<i32>} : memref<128x128xf32, #tpu.memory_space<vmem>>, vector<1x16xf32>,
        %swap3A_633 = vector.shape_cast %swap3A_632 : vector<1x16xf32> to vector<16xf32>
        %swap3A_634 = vector.shape_cast %mul3A_629 : vector<16xf32> to vector<1x16xf32>
        tpu.vector_store %arg11[%swap3A_630, %swap3A_631], %swap3A_634 {strides = array<i32>} : memref<128x128xf32, #tpu.memory_space<vmem>>, vector<1x16xf32>,
        %get3A_635 = arith.index_cast %add3A_557 : i32 to index
        %get3A_636 = arith.constant 112 : index
        %get3A_637 = tpu.vector_load %arg11[%get3A_635, %get3A_636] {strides = array<i32>} : memref<128x128xf32, #tpu.memory_space<vmem>>, vector<1x16xf32>,
        %get3A_638 = vector.shape_cast %get3A_637 : vector<1x16xf32> to vector<16xf32>
        %mul3A_639 = vector.broadcast %squeeze3A_553 : f32 to vector<16xf32>
        %mul3A_640 = arith.mulf %get3A_638, %mul3A_639 : vector<16xf32>
        %swap3A_641 = arith.index_cast %add3A_557 : i32 to index
        %swap3A_642 = arith.constant 112 : index
        %swap3A_643 = tpu.vector_load %arg11[%swap3A_641, %swap3A_642] {strides = array<i32>} : memref<128x128xf32, #tpu.memory_space<vmem>>, vector<1x16xf32>,
        %swap3A_644 = vector.shape_cast %swap3A_643 : vector<1x16xf32> to vector<16xf32>
        %swap3A_645 = vector.shape_cast %mul3A_640 : vector<16xf32> to vector<1x16xf32>
        tpu.vector_store %arg11[%swap3A_641, %swap3A_642], %swap3A_645 {strides = array<i32>} : memref<128x128xf32, #tpu.memory_space<vmem>>, vector<1x16xf32>,
        %slice3A_646 = vector.extract_strided_slice %get3A_84 {offsets = [6], sizes = [1], strides = [1]} : vector<16xf32> to vector<1xf32>
        %squeeze3A_647 = vector.extract %slice3A_646[0] : f32 from vector<1xf32>
        %mul3A_648 = arith.constant 16 : i32
        %mul3A_649 = arith.muli %scan3A_80, %mul3A_648 : i32
        %add3A_650 = arith.constant 6 : i32
        %add3A_651 = arith.addi %mul3A_649, %add3A_650 : i32
        %get3A_652 = arith.index_cast %add3A_651 : i32 to index
        %get3A_653 = arith.constant 0 : index
        %get3A_654 = tpu.vector_load %arg11[%get3A_652, %get3A_653] {strides = array<i32>} : memref<128x128xf32, #tpu.memory_space<vmem>>, vector<1x16xf32>,
        %get3A_655 = vector.shape_cast %get3A_654 : vector<1x16xf32> to vector<16xf32>
        %mul3A_656 = vector.broadcast %squeeze3A_647 : f32 to vector<16xf32>
        %mul3A_657 = arith.mulf %get3A_655, %mul3A_656 : vector<16xf32>
        %swap3A_658 = arith.index_cast %add3A_651 : i32 to index
        %swap3A_659 = arith.constant 0 : index
        %swap3A_660 = tpu.vector_load %arg11[%swap3A_658, %swap3A_659] {strides = array<i32>} : memref<128x128xf32, #tpu.memory_space<vmem>>, vector<1x16xf32>,
        %swap3A_661 = vector.shape_cast %swap3A_660 : vector<1x16xf32> to vector<16xf32>
        %swap3A_662 = vector.shape_cast %mul3A_657 : vector<16xf32> to vector<1x16xf32>
        tpu.vector_store %arg11[%swap3A_658, %swap3A_659], %swap3A_662 {strides = array<i32>} : memref<128x128xf32, #tpu.memory_space<vmem>>, vector<1x16xf32>,
        %get3A_663 = arith.index_cast %add3A_651 : i32 to index
        %get3A_664 = arith.constant 16 : index
        %get3A_665 = tpu.vector_load %arg11[%get3A_663, %get3A_664] {strides = array<i32>} : memref<128x128xf32, #tpu.memory_space<vmem>>, vector<1x16xf32>,
        %get3A_666 = vector.shape_cast %get3A_665 : vector<1x16xf32> to vector<16xf32>
        %mul3A_667 = vector.broadcast %squeeze3A_647 : f32 to vector<16xf32>
        %mul3A_668 = arith.mulf %get3A_666, %mul3A_667 : vector<16xf32>
        %swap3A_669 = arith.index_cast %add3A_651 : i32 to index
        %swap3A_670 = arith.constant 16 : index
        %swap3A_671 = tpu.vector_load %arg11[%swap3A_669, %swap3A_670] {strides = array<i32>} : memref<128x128xf32, #tpu.memory_space<vmem>>, vector<1x16xf32>,
        %swap3A_672 = vector.shape_cast %swap3A_671 : vector<1x16xf32> to vector<16xf32>
        %swap3A_673 = vector.shape_cast %mul3A_668 : vector<16xf32> to vector<1x16xf32>
        tpu.vector_store %arg11[%swap3A_669, %swap3A_670], %swap3A_673 {strides = array<i32>} : memref<128x128xf32, #tpu.memory_space<vmem>>, vector<1x16xf32>,
        %get3A_674 = arith.index_cast %add3A_651 : i32 to index
        %get3A_675 = arith.constant 32 : index
        %get3A_676 = tpu.vector_load %arg11[%get3A_674, %get3A_675] {strides = array<i32>} : memref<128x128xf32, #tpu.memory_space<vmem>>, vector<1x16xf32>,
        %get3A_677 = vector.shape_cast %get3A_676 : vector<1x16xf32> to vector<16xf32>
        %mul3A_678 = vector.broadcast %squeeze3A_647 : f32 to vector<16xf32>
        %mul3A_679 = arith.mulf %get3A_677, %mul3A_678 : vector<16xf32>
        %swap3A_680 = arith.index_cast %add3A_651 : i32 to index
        %swap3A_681 = arith.constant 32 : index
        %swap3A_682 = tpu.vector_load %arg11[%swap3A_680, %swap3A_681] {strides = array<i32>} : memref<128x128xf32, #tpu.memory_space<vmem>>, vector<1x16xf32>,
        %swap3A_683 = vector.shape_cast %swap3A_682 : vector<1x16xf32> to vector<16xf32>
        %swap3A_684 = vector.shape_cast %mul3A_679 : vector<16xf32> to vector<1x16xf32>
        tpu.vector_store %arg11[%swap3A_680, %swap3A_681], %swap3A_684 {strides = array<i32>} : memref<128x128xf32, #tpu.memory_space<vmem>>, vector<1x16xf32>,
        %get3A_685 = arith.index_cast %add3A_651 : i32 to index
        %get3A_686 = arith.constant 48 : index
        %get3A_687 = tpu.vector_load %arg11[%get3A_685, %get3A_686] {strides = array<i32>} : memref<128x128xf32, #tpu.memory_space<vmem>>, vector<1x16xf32>,
        %get3A_688 = vector.shape_cast %get3A_687 : vector<1x16xf32> to vector<16xf32>
        %mul3A_689 = vector.broadcast %squeeze3A_647 : f32 to vector<16xf32>
        %mul3A_690 = arith.mulf %get3A_688, %mul3A_689 : vector<16xf32>
        %swap3A_691 = arith.index_cast %add3A_651 : i32 to index
        %swap3A_692 = arith.constant 48 : index
        %swap3A_693 = tpu.vector_load %arg11[%swap3A_691, %swap3A_692] {strides = array<i32>} : memref<128x128xf32, #tpu.memory_space<vmem>>, vector<1x16xf32>,
        %swap3A_694 = vector.shape_cast %swap3A_693 : vector<1x16xf32> to vector<16xf32>
        %swap3A_695 = vector.shape_cast %mul3A_690 : vector<16xf32> to vector<1x16xf32>
        tpu.vector_store %arg11[%swap3A_691, %swap3A_692], %swap3A_695 {strides = array<i32>} : memref<128x128xf32, #tpu.memory_space<vmem>>, vector<1x16xf32>,
        %get3A_696 = arith.index_cast %add3A_651 : i32 to index
        %get3A_697 = arith.constant 64 : index
        %get3A_698 = tpu.vector_load %arg11[%get3A_696, %get3A_697] {strides = array<i32>} : memref<128x128xf32, #tpu.memory_space<vmem>>, vector<1x16xf32>,
        %get3A_699 = vector.shape_cast %get3A_698 : vector<1x16xf32> to vector<16xf32>
        %mul3A_700 = vector.broadcast %squeeze3A_647 : f32 to vector<16xf32>
        %mul3A_701 = arith.mulf %get3A_699, %mul3A_700 : vector<16xf32>
        %swap3A_702 = arith.index_cast %add3A_651 : i32 to index
        %swap3A_703 = arith.constant 64 : index
        %swap3A_704 = tpu.vector_load %arg11[%swap3A_702, %swap3A_703] {strides = array<i32>} : memref<128x128xf32, #tpu.memory_space<vmem>>, vector<1x16xf32>,
        %swap3A_705 = vector.shape_cast %swap3A_704 : vector<1x16xf32> to vector<16xf32>
        %swap3A_706 = vector.shape_cast %mul3A_701 : vector<16xf32> to vector<1x16xf32>
        tpu.vector_store %arg11[%swap3A_702, %swap3A_703], %swap3A_706 {strides = array<i32>} : memref<128x128xf32, #tpu.memory_space<vmem>>, vector<1x16xf32>,
        %get3A_707 = arith.index_cast %add3A_651 : i32 to index
        %get3A_708 = arith.constant 80 : index
        %get3A_709 = tpu.vector_load %arg11[%get3A_707, %get3A_708] {strides = array<i32>} : memref<128x128xf32, #tpu.memory_space<vmem>>, vector<1x16xf32>,
        %get3A_710 = vector.shape_cast %get3A_709 : vector<1x16xf32> to vector<16xf32>
        %mul3A_711 = vector.broadcast %squeeze3A_647 : f32 to vector<16xf32>
        %mul3A_712 = arith.mulf %get3A_710, %mul3A_711 : vector<16xf32>
        %swap3A_713 = arith.index_cast %add3A_651 : i32 to index
        %swap3A_714 = arith.constant 80 : index
        %swap3A_715 = tpu.vector_load %arg11[%swap3A_713, %swap3A_714] {strides = array<i32>} : memref<128x128xf32, #tpu.memory_space<vmem>>, vector<1x16xf32>,
        %swap3A_716 = vector.shape_cast %swap3A_715 : vector<1x16xf32> to vector<16xf32>
        %swap3A_717 = vector.shape_cast %mul3A_712 : vector<16xf32> to vector<1x16xf32>
        tpu.vector_store %arg11[%swap3A_713, %swap3A_714], %swap3A_717 {strides = array<i32>} : memref<128x128xf32, #tpu.memory_space<vmem>>, vector<1x16xf32>,
        %get3A_718 = arith.index_cast %add3A_651 : i32 to index
        %get3A_719 = arith.constant 96 : index
        %get3A_720 = tpu.vector_load %arg11[%get3A_718, %get3A_719] {strides = array<i32>} : memref<128x128xf32, #tpu.memory_space<vmem>>, vector<1x16xf32>,
        %get3A_721 = vector.shape_cast %get3A_720 : vector<1x16xf32> to vector<16xf32>
        %mul3A_722 = vector.broadcast %squeeze3A_647 : f32 to vector<16xf32>
        %mul3A_723 = arith.mulf %get3A_721, %mul3A_722 : vector<16xf32>
        %swap3A_724 = arith.index_cast %add3A_651 : i32 to index
        %swap3A_725 = arith.constant 96 : index
        %swap3A_726 = tpu.vector_load %arg11[%swap3A_724, %swap3A_725] {strides = array<i32>} : memref<128x128xf32, #tpu.memory_space<vmem>>, vector<1x16xf32>,
        %swap3A_727 = vector.shape_cast %swap3A_726 : vector<1x16xf32> to vector<16xf32>
        %swap3A_728 = vector.shape_cast %mul3A_723 : vector<16xf32> to vector<1x16xf32>
        tpu.vector_store %arg11[%swap3A_724, %swap3A_725], %swap3A_728 {strides = array<i32>} : memref<128x128xf32, #tpu.memory_space<vmem>>, vector<1x16xf32>,
        %get3A_729 = arith.index_cast %add3A_651 : i32 to index
        %get3A_730 = arith.constant 112 : index
        %get3A_731 = tpu.vector_load %arg11[%get3A_729, %get3A_730] {strides = array<i32>} : memref<128x128xf32, #tpu.memory_space<vmem>>, vector<1x16xf32>,
        %get3A_732 = vector.shape_cast %get3A_731 : vector<1x16xf32> to vector<16xf32>
        %mul3A_733 = vector.broadcast %squeeze3A_647 : f32 to vector<16xf32>
        %mul3A_734 = arith.mulf %get3A_732, %mul3A_733 : vector<16xf32>
        %swap3A_735 = arith.index_cast %add3A_651 : i32 to index
        %swap3A_736 = arith.constant 112 : index
        %swap3A_737 = tpu.vector_load %arg11[%swap3A_735, %swap3A_736] {strides = array<i32>} : memref<128x128xf32, #tpu.memory_space<vmem>>, vector<1x16xf32>,
        %swap3A_738 = vector.shape_cast %swap3A_737 : vector<1x16xf32> to vector<16xf32>
        %swap3A_739 = vector.shape_cast %mul3A_734 : vector<16xf32> to vector<1x16xf32>
        tpu.vector_store %arg11[%swap3A_735, %swap3A_736], %swap3A_739 {strides = array<i32>} : memref<128x128xf32, #tpu.memory_space<vmem>>, vector<1x16xf32>,
        %slice3A_740 = vector.extract_strided_slice %get3A_84 {offsets = [7], sizes = [1], strides = [1]} : vector<16xf32> to vector<1xf32>
        %squeeze3A_741 = vector.extract %slice3A_740[0] : f32 from vector<1xf32>
        %mul3A_742 = arith.constant 16 : i32
        %mul3A_743 = arith.muli %scan3A_80, %mul3A_742 : i32
        %add3A_744 = arith.constant 7 : i32
        %add3A_745 = arith.addi %mul3A_743, %add3A_744 : i32
        %get3A_746 = arith.index_cast %add3A_745 : i32 to index
        %get3A_747 = arith.constant 0 : index
        %get3A_748 = tpu.vector_load %arg11[%get3A_746, %get3A_747] {strides = array<i32>} : memref<128x128xf32, #tpu.memory_space<vmem>>, vector<1x16xf32>,
        %get3A_749 = vector.shape_cast %get3A_748 : vector<1x16xf32> to vector<16xf32>
        %mul3A_750 = vector.broadcast %squeeze3A_741 : f32 to vector<16xf32>
        %mul3A_751 = arith.mulf %get3A_749, %mul3A_750 : vector<16xf32>
        %swap3A_752 = arith.index_cast %add3A_745 : i32 to index
        %swap3A_753 = arith.constant 0 : index
        %swap3A_754 = tpu.vector_load %arg11[%swap3A_752, %swap3A_753] {strides = array<i32>} : memref<128x128xf32, #tpu.memory_space<vmem>>, vector<1x16xf32>,
        %swap3A_755 = vector.shape_cast %swap3A_754 : vector<1x16xf32> to vector<16xf32>
        %swap3A_756 = vector.shape_cast %mul3A_751 : vector<16xf32> to vector<1x16xf32>
        tpu.vector_store %arg11[%swap3A_752, %swap3A_753], %swap3A_756 {strides = array<i32>} : memref<128x128xf32, #tpu.memory_space<vmem>>, vector<1x16xf32>,
        %get3A_757 = arith.index_cast %add3A_745 : i32 to index
        %get3A_758 = arith.constant 16 : index
        %get3A_759 = tpu.vector_load %arg11[%get3A_757, %get3A_758] {strides = array<i32>} : memref<128x128xf32, #tpu.memory_space<vmem>>, vector<1x16xf32>,
        %get3A_760 = vector.shape_cast %get3A_759 : vector<1x16xf32> to vector<16xf32>
        %mul3A_761 = vector.broadcast %squeeze3A_741 : f32 to vector<16xf32>
        %mul3A_762 = arith.mulf %get3A_760, %mul3A_761 : vector<16xf32>
        %swap3A_763 = arith.index_cast %add3A_745 : i32 to index
        %swap3A_764 = arith.constant 16 : index
        %swap3A_765 = tpu.vector_load %arg11[%swap3A_763, %swap3A_764] {strides = array<i32>} : memref<128x128xf32, #tpu.memory_space<vmem>>, vector<1x16xf32>,
        %swap3A_766 = vector.shape_cast %swap3A_765 : vector<1x16xf32> to vector<16xf32>
        %swap3A_767 = vector.shape_cast %mul3A_762 : vector<16xf32> to vector<1x16xf32>
        tpu.vector_store %arg11[%swap3A_763, %swap3A_764], %swap3A_767 {strides = array<i32>} : memref<128x128xf32, #tpu.memory_space<vmem>>, vector<1x16xf32>,
        %get3A_768 = arith.index_cast %add3A_745 : i32 to index
        %get3A_769 = arith.constant 32 : index
        %get3A_770 = tpu.vector_load %arg11[%get3A_768, %get3A_769] {strides = array<i32>} : memref<128x128xf32, #tpu.memory_space<vmem>>, vector<1x16xf32>,
        %get3A_771 = vector.shape_cast %get3A_770 : vector<1x16xf32> to vector<16xf32>
        %mul3A_772 = vector.broadcast %squeeze3A_741 : f32 to vector<16xf32>
        %mul3A_773 = arith.mulf %get3A_771, %mul3A_772 : vector<16xf32>
        %swap3A_774 = arith.index_cast %add3A_745 : i32 to index
        %swap3A_775 = arith.constant 32 : index
        %swap3A_776 = tpu.vector_load %arg11[%swap3A_774, %swap3A_775] {strides = array<i32>} : memref<128x128xf32, #tpu.memory_space<vmem>>, vector<1x16xf32>,
        %swap3A_777 = vector.shape_cast %swap3A_776 : vector<1x16xf32> to vector<16xf32>
        %swap3A_778 = vector.shape_cast %mul3A_773 : vector<16xf32> to vector<1x16xf32>
        tpu.vector_store %arg11[%swap3A_774, %swap3A_775], %swap3A_778 {strides = array<i32>} : memref<128x128xf32, #tpu.memory_space<vmem>>, vector<1x16xf32>,
        %get3A_779 = arith.index_cast %add3A_745 : i32 to index
        %get3A_780 = arith.constant 48 : index
        %get3A_781 = tpu.vector_load %arg11[%get3A_779, %get3A_780] {strides = array<i32>} : memref<128x128xf32, #tpu.memory_space<vmem>>, vector<1x16xf32>,
        %get3A_782 = vector.shape_cast %get3A_781 : vector<1x16xf32> to vector<16xf32>
        %mul3A_783 = vector.broadcast %squeeze3A_741 : f32 to vector<16xf32>
        %mul3A_784 = arith.mulf %get3A_782, %mul3A_783 : vector<16xf32>
        %swap3A_785 = arith.index_cast %add3A_745 : i32 to index
        %swap3A_786 = arith.constant 48 : index
        %swap3A_787 = tpu.vector_load %arg11[%swap3A_785, %swap3A_786] {strides = array<i32>} : memref<128x128xf32, #tpu.memory_space<vmem>>, vector<1x16xf32>,
        %swap3A_788 = vector.shape_cast %swap3A_787 : vector<1x16xf32> to vector<16xf32>
        %swap3A_789 = vector.shape_cast %mul3A_784 : vector<16xf32> to vector<1x16xf32>
        tpu.vector_store %arg11[%swap3A_785, %swap3A_786], %swap3A_789 {strides = array<i32>} : memref<128x128xf32, #tpu.memory_space<vmem>>, vector<1x16xf32>,
        %get3A_790 = arith.index_cast %add3A_745 : i32 to index
        %get3A_791 = arith.constant 64 : index
        %get3A_792 = tpu.vector_load %arg11[%get3A_790, %get3A_791] {strides = array<i32>} : memref<128x128xf32, #tpu.memory_space<vmem>>, vector<1x16xf32>,
        %get3A_793 = vector.shape_cast %get3A_792 : vector<1x16xf32> to vector<16xf32>
        %mul3A_794 = vector.broadcast %squeeze3A_741 : f32 to vector<16xf32>
        %mul3A_795 = arith.mulf %get3A_793, %mul3A_794 : vector<16xf32>
        %swap3A_796 = arith.index_cast %add3A_745 : i32 to index
        %swap3A_797 = arith.constant 64 : index
        %swap3A_798 = tpu.vector_load %arg11[%swap3A_796, %swap3A_797] {strides = array<i32>} : memref<128x128xf32, #tpu.memory_space<vmem>>, vector<1x16xf32>,
        %swap3A_799 = vector.shape_cast %swap3A_798 : vector<1x16xf32> to vector<16xf32>
        %swap3A_800 = vector.shape_cast %mul3A_795 : vector<16xf32> to vector<1x16xf32>
        tpu.vector_store %arg11[%swap3A_796, %swap3A_797], %swap3A_800 {strides = array<i32>} : memref<128x128xf32, #tpu.memory_space<vmem>>, vector<1x16xf32>,
        %get3A_801 = arith.index_cast %add3A_745 : i32 to index
        %get3A_802 = arith.constant 80 : index
        %get3A_803 = tpu.vector_load %arg11[%get3A_801, %get3A_802] {strides = array<i32>} : memref<128x128xf32, #tpu.memory_space<vmem>>, vector<1x16xf32>,
        %get3A_804 = vector.shape_cast %get3A_803 : vector<1x16xf32> to vector<16xf32>
        %mul3A_805 = vector.broadcast %squeeze3A_741 : f32 to vector<16xf32>
        %mul3A_806 = arith.mulf %get3A_804, %mul3A_805 : vector<16xf32>
        %swap3A_807 = arith.index_cast %add3A_745 : i32 to index
        %swap3A_808 = arith.constant 80 : index
        %swap3A_809 = tpu.vector_load %arg11[%swap3A_807, %swap3A_808] {strides = array<i32>} : memref<128x128xf32, #tpu.memory_space<vmem>>, vector<1x16xf32>,
        %swap3A_810 = vector.shape_cast %swap3A_809 : vector<1x16xf32> to vector<16xf32>
        %swap3A_811 = vector.shape_cast %mul3A_806 : vector<16xf32> to vector<1x16xf32>
        tpu.vector_store %arg11[%swap3A_807, %swap3A_808], %swap3A_811 {strides = array<i32>} : memref<128x128xf32, #tpu.memory_space<vmem>>, vector<1x16xf32>,
        %get3A_812 = arith.index_cast %add3A_745 : i32 to index
        %get3A_813 = arith.constant 96 : index
        %get3A_814 = tpu.vector_load %arg11[%get3A_812, %get3A_813] {strides = array<i32>} : memref<128x128xf32, #tpu.memory_space<vmem>>, vector<1x16xf32>,
        %get3A_815 = vector.shape_cast %get3A_814 : vector<1x16xf32> to vector<16xf32>
        %mul3A_816 = vector.broadcast %squeeze3A_741 : f32 to vector<16xf32>
        %mul3A_817 = arith.mulf %get3A_815, %mul3A_816 : vector<16xf32>
        %swap3A_818 = arith.index_cast %add3A_745 : i32 to index
        %swap3A_819 = arith.constant 96 : index
        %swap3A_820 = tpu.vector_load %arg11[%swap3A_818, %swap3A_819] {strides = array<i32>} : memref<128x128xf32, #tpu.memory_space<vmem>>, vector<1x16xf32>,
        %swap3A_821 = vector.shape_cast %swap3A_820 : vector<1x16xf32> to vector<16xf32>
        %swap3A_822 = vector.shape_cast %mul3A_817 : vector<16xf32> to vector<1x16xf32>
        tpu.vector_store %arg11[%swap3A_818, %swap3A_819], %swap3A_822 {strides = array<i32>} : memref<128x128xf32, #tpu.memory_space<vmem>>, vector<1x16xf32>,
        %get3A_823 = arith.index_cast %add3A_745 : i32 to index
        %get3A_824 = arith.constant 112 : index
        %get3A_825 = tpu.vector_load %arg11[%get3A_823, %get3A_824] {strides = array<i32>} : memref<128x128xf32, #tpu.memory_space<vmem>>, vector<1x16xf32>,
        %get3A_826 = vector.shape_cast %get3A_825 : vector<1x16xf32> to vector<16xf32>
        %mul3A_827 = vector.broadcast %squeeze3A_741 : f32 to vector<16xf32>
        %mul3A_828 = arith.mulf %get3A_826, %mul3A_827 : vector<16xf32>
        %swap3A_829 = arith.index_cast %add3A_745 : i32 to index
        %swap3A_830 = arith.constant 112 : index
        %swap3A_831 = tpu.vector_load %arg11[%swap3A_829, %swap3A_830] {strides = array<i32>} : memref<128x128xf32, #tpu.memory_space<vmem>>, vector<1x16xf32>,
        %swap3A_832 = vector.shape_cast %swap3A_831 : vector<1x16xf32> to vector<16xf32>
        %swap3A_833 = vector.shape_cast %mul3A_828 : vector<16xf32> to vector<1x16xf32>
        tpu.vector_store %arg11[%swap3A_829, %swap3A_830], %swap3A_833 {strides = array<i32>} : memref<128x128xf32, #tpu.memory_space<vmem>>, vector<1x16xf32>,
        %slice3A_834 = vector.extract_strided_slice %get3A_84 {offsets = [8], sizes = [1], strides = [1]} : vector<16xf32> to vector<1xf32>
        %squeeze3A_835 = vector.extract %slice3A_834[0] : f32 from vector<1xf32>
        %mul3A_836 = arith.constant 16 : i32
        %mul3A_837 = arith.muli %scan3A_80, %mul3A_836 : i32
        %add3A_838 = arith.constant 8 : i32
        %add3A_839 = arith.addi %mul3A_837, %add3A_838 : i32
        %get3A_840 = arith.index_cast %add3A_839 : i32 to index
        %get3A_841 = arith.constant 0 : index
        %get3A_842 = tpu.vector_load %arg11[%get3A_840, %get3A_841] {strides = array<i32>} : memref<128x128xf32, #tpu.memory_space<vmem>>, vector<1x16xf32>,
        %get3A_843 = vector.shape_cast %get3A_842 : vector<1x16xf32> to vector<16xf32>
        %mul3A_844 = vector.broadcast %squeeze3A_835 : f32 to vector<16xf32>
        %mul3A_845 = arith.mulf %get3A_843, %mul3A_844 : vector<16xf32>
        %swap3A_846 = arith.index_cast %add3A_839 : i32 to index
        %swap3A_847 = arith.constant 0 : index
        %swap3A_848 = tpu.vector_load %arg11[%swap3A_846, %swap3A_847] {strides = array<i32>} : memref<128x128xf32, #tpu.memory_space<vmem>>, vector<1x16xf32>,
        %swap3A_849 = vector.shape_cast %swap3A_848 : vector<1x16xf32> to vector<16xf32>
        %swap3A_850 = vector.shape_cast %mul3A_845 : vector<16xf32> to vector<1x16xf32>
        tpu.vector_store %arg11[%swap3A_846, %swap3A_847], %swap3A_850 {strides = array<i32>} : memref<128x128xf32, #tpu.memory_space<vmem>>, vector<1x16xf32>,
        %get3A_851 = arith.index_cast %add3A_839 : i32 to index
        %get3A_852 = arith.constant 16 : index
        %get3A_853 = tpu.vector_load %arg11[%get3A_851, %get3A_852] {strides = array<i32>} : memref<128x128xf32, #tpu.memory_space<vmem>>, vector<1x16xf32>,
        %get3A_854 = vector.shape_cast %get3A_853 : vector<1x16xf32> to vector<16xf32>
        %mul3A_855 = vector.broadcast %squeeze3A_835 : f32 to vector<16xf32>
        %mul3A_856 = arith.mulf %get3A_854, %mul3A_855 : vector<16xf32>
        %swap3A_857 = arith.index_cast %add3A_839 : i32 to index
        %swap3A_858 = arith.constant 16 : index
        %swap3A_859 = tpu.vector_load %arg11[%swap3A_857, %swap3A_858] {strides = array<i32>} : memref<128x128xf32, #tpu.memory_space<vmem>>, vector<1x16xf32>,
        %swap3A_860 = vector.shape_cast %swap3A_859 : vector<1x16xf32> to vector<16xf32>
        %swap3A_861 = vector.shape_cast %mul3A_856 : vector<16xf32> to vector<1x16xf32>
        tpu.vector_store %arg11[%swap3A_857, %swap3A_858], %swap3A_861 {strides = array<i32>} : memref<128x128xf32, #tpu.memory_space<vmem>>, vector<1x16xf32>,
        %get3A_862 = arith.index_cast %add3A_839 : i32 to index
        %get3A_863 = arith.constant 32 : index
        %get3A_864 = tpu.vector_load %arg11[%get3A_862, %get3A_863] {strides = array<i32>} : memref<128x128xf32, #tpu.memory_space<vmem>>, vector<1x16xf32>,
        %get3A_865 = vector.shape_cast %get3A_864 : vector<1x16xf32> to vector<16xf32>
        %mul3A_866 = vector.broadcast %squeeze3A_835 : f32 to vector<16xf32>
        %mul3A_867 = arith.mulf %get3A_865, %mul3A_866 : vector<16xf32>
        %swap3A_868 = arith.index_cast %add3A_839 : i32 to index
        %swap3A_869 = arith.constant 32 : index
        %swap3A_870 = tpu.vector_load %arg11[%swap3A_868, %swap3A_869] {strides = array<i32>} : memref<128x128xf32, #tpu.memory_space<vmem>>, vector<1x16xf32>,
        %swap3A_871 = vector.shape_cast %swap3A_870 : vector<1x16xf32> to vector<16xf32>
        %swap3A_872 = vector.shape_cast %mul3A_867 : vector<16xf32> to vector<1x16xf32>
        tpu.vector_store %arg11[%swap3A_868, %swap3A_869], %swap3A_872 {strides = array<i32>} : memref<128x128xf32, #tpu.memory_space<vmem>>, vector<1x16xf32>,
        %get3A_873 = arith.index_cast %add3A_839 : i32 to index
        %get3A_874 = arith.constant 48 : index
        %get3A_875 = tpu.vector_load %arg11[%get3A_873, %get3A_874] {strides = array<i32>} : memref<128x128xf32, #tpu.memory_space<vmem>>, vector<1x16xf32>,
        %get3A_876 = vector.shape_cast %get3A_875 : vector<1x16xf32> to vector<16xf32>
        %mul3A_877 = vector.broadcast %squeeze3A_835 : f32 to vector<16xf32>
        %mul3A_878 = arith.mulf %get3A_876, %mul3A_877 : vector<16xf32>
        %swap3A_879 = arith.index_cast %add3A_839 : i32 to index
        %swap3A_880 = arith.constant 48 : index
        %swap3A_881 = tpu.vector_load %arg11[%swap3A_879, %swap3A_880] {strides = array<i32>} : memref<128x128xf32, #tpu.memory_space<vmem>>, vector<1x16xf32>,
        %swap3A_882 = vector.shape_cast %swap3A_881 : vector<1x16xf32> to vector<16xf32>
        %swap3A_883 = vector.shape_cast %mul3A_878 : vector<16xf32> to vector<1x16xf32>
        tpu.vector_store %arg11[%swap3A_879, %swap3A_880], %swap3A_883 {strides = array<i32>} : memref<128x128xf32, #tpu.memory_space<vmem>>, vector<1x16xf32>,
        %get3A_884 = arith.index_cast %add3A_839 : i32 to index
        %get3A_885 = arith.constant 64 : index
        %get3A_886 = tpu.vector_load %arg11[%get3A_884, %get3A_885] {strides = array<i32>} : memref<128x128xf32, #tpu.memory_space<vmem>>, vector<1x16xf32>,
        %get3A_887 = vector.shape_cast %get3A_886 : vector<1x16xf32> to vector<16xf32>
        %mul3A_888 = vector.broadcast %squeeze3A_835 : f32 to vector<16xf32>
        %mul3A_889 = arith.mulf %get3A_887, %mul3A_888 : vector<16xf32>
        %swap3A_890 = arith.index_cast %add3A_839 : i32 to index
        %swap3A_891 = arith.constant 64 : index
        %swap3A_892 = tpu.vector_load %arg11[%swap3A_890, %swap3A_891] {strides = array<i32>} : memref<128x128xf32, #tpu.memory_space<vmem>>, vector<1x16xf32>,
        %swap3A_893 = vector.shape_cast %swap3A_892 : vector<1x16xf32> to vector<16xf32>
        %swap3A_894 = vector.shape_cast %mul3A_889 : vector<16xf32> to vector<1x16xf32>
        tpu.vector_store %arg11[%swap3A_890, %swap3A_891], %swap3A_894 {strides = array<i32>} : memref<128x128xf32, #tpu.memory_space<vmem>>, vector<1x16xf32>,
        %get3A_895 = arith.index_cast %add3A_839 : i32 to index
        %get3A_896 = arith.constant 80 : index
        %get3A_897 = tpu.vector_load %arg11[%get3A_895, %get3A_896] {strides = array<i32>} : memref<128x128xf32, #tpu.memory_space<vmem>>, vector<1x16xf32>,
        %get3A_898 = vector.shape_cast %get3A_897 : vector<1x16xf32> to vector<16xf32>
        %mul3A_899 = vector.broadcast %squeeze3A_835 : f32 to vector<16xf32>
        %mul3A_900 = arith.mulf %get3A_898, %mul3A_899 : vector<16xf32>
        %swap3A_901 = arith.index_cast %add3A_839 : i32 to index
        %swap3A_902 = arith.constant 80 : index
        %swap3A_903 = tpu.vector_load %arg11[%swap3A_901, %swap3A_902] {strides = array<i32>} : memref<128x128xf32, #tpu.memory_space<vmem>>, vector<1x16xf32>,
        %swap3A_904 = vector.shape_cast %swap3A_903 : vector<1x16xf32> to vector<16xf32>
        %swap3A_905 = vector.shape_cast %mul3A_900 : vector<16xf32> to vector<1x16xf32>
        tpu.vector_store %arg11[%swap3A_901, %swap3A_902], %swap3A_905 {strides = array<i32>} : memref<128x128xf32, #tpu.memory_space<vmem>>, vector<1x16xf32>,
        %get3A_906 = arith.index_cast %add3A_839 : i32 to index
        %get3A_907 = arith.constant 96 : index
        %get3A_908 = tpu.vector_load %arg11[%get3A_906, %get3A_907] {strides = array<i32>} : memref<128x128xf32, #tpu.memory_space<vmem>>, vector<1x16xf32>,
        %get3A_909 = vector.shape_cast %get3A_908 : vector<1x16xf32> to vector<16xf32>
        %mul3A_910 = vector.broadcast %squeeze3A_835 : f32 to vector<16xf32>
        %mul3A_911 = arith.mulf %get3A_909, %mul3A_910 : vector<16xf32>
        %swap3A_912 = arith.index_cast %add3A_839 : i32 to index
        %swap3A_913 = arith.constant 96 : index
        %swap3A_914 = tpu.vector_load %arg11[%swap3A_912, %swap3A_913] {strides = array<i32>} : memref<128x128xf32, #tpu.memory_space<vmem>>, vector<1x16xf32>,
        %swap3A_915 = vector.shape_cast %swap3A_914 : vector<1x16xf32> to vector<16xf32>
        %swap3A_916 = vector.shape_cast %mul3A_911 : vector<16xf32> to vector<1x16xf32>
        tpu.vector_store %arg11[%swap3A_912, %swap3A_913], %swap3A_916 {strides = array<i32>} : memref<128x128xf32, #tpu.memory_space<vmem>>, vector<1x16xf32>,
        %get3A_917 = arith.index_cast %add3A_839 : i32 to index
        %get3A_918 = arith.constant 112 : index
        %get3A_919 = tpu.vector_load %arg11[%get3A_917, %get3A_918] {strides = array<i32>} : memref<128x128xf32, #tpu.memory_space<vmem>>, vector<1x16xf32>,
        %get3A_920 = vector.shape_cast %get3A_919 : vector<1x16xf32> to vector<16xf32>
        %mul3A_921 = vector.broadcast %squeeze3A_835 : f32 to vector<16xf32>
        %mul3A_922 = arith.mulf %get3A_920, %mul3A_921 : vector<16xf32>
        %swap3A_923 = arith.index_cast %add3A_839 : i32 to index
        %swap3A_924 = arith.constant 112 : index
        %swap3A_925 = tpu.vector_load %arg11[%swap3A_923, %swap3A_924] {strides = array<i32>} : memref<128x128xf32, #tpu.memory_space<vmem>>, vector<1x16xf32>,
        %swap3A_926 = vector.shape_cast %swap3A_925 : vector<1x16xf32> to vector<16xf32>
        %swap3A_927 = vector.shape_cast %mul3A_922 : vector<16xf32> to vector<1x16xf32>
        tpu.vector_store %arg11[%swap3A_923, %swap3A_924], %swap3A_927 {strides = array<i32>} : memref<128x128xf32, #tpu.memory_space<vmem>>, vector<1x16xf32>,
        %slice3A_928 = vector.extract_strided_slice %get3A_84 {offsets = [9], sizes = [1], strides = [1]} : vector<16xf32> to vector<1xf32>
        %squeeze3A_929 = vector.extract %slice3A_928[0] : f32 from vector<1xf32>
        %mul3A_930 = arith.constant 16 : i32
        %mul3A_931 = arith.muli %scan3A_80, %mul3A_930 : i32
        %add3A_932 = arith.constant 9 : i32
        %add3A_933 = arith.addi %mul3A_931, %add3A_932 : i32
        %get3A_934 = arith.index_cast %add3A_933 : i32 to index
        %get3A_935 = arith.constant 0 : index
        %get3A_936 = tpu.vector_load %arg11[%get3A_934, %get3A_935] {strides = array<i32>} : memref<128x128xf32, #tpu.memory_space<vmem>>, vector<1x16xf32>,
        %get3A_937 = vector.shape_cast %get3A_936 : vector<1x16xf32> to vector<16xf32>
        %mul3A_938 = vector.broadcast %squeeze3A_929 : f32 to vector<16xf32>
        %mul3A_939 = arith.mulf %get3A_937, %mul3A_938 : vector<16xf32>
        %swap3A_940 = arith.index_cast %add3A_933 : i32 to index
        %swap3A_941 = arith.constant 0 : index
        %swap3A_942 = tpu.vector_load %arg11[%swap3A_940, %swap3A_941] {strides = array<i32>} : memref<128x128xf32, #tpu.memory_space<vmem>>, vector<1x16xf32>,
        %swap3A_943 = vector.shape_cast %swap3A_942 : vector<1x16xf32> to vector<16xf32>
        %swap3A_944 = vector.shape_cast %mul3A_939 : vector<16xf32> to vector<1x16xf32>
        tpu.vector_store %arg11[%swap3A_940, %swap3A_941], %swap3A_944 {strides = array<i32>} : memref<128x128xf32, #tpu.memory_space<vmem>>, vector<1x16xf32>,
        %get3A_945 = arith.index_cast %add3A_933 : i32 to index
        %get3A_946 = arith.constant 16 : index
        %get3A_947 = tpu.vector_load %arg11[%get3A_945, %get3A_946] {strides = array<i32>} : memref<128x128xf32, #tpu.memory_space<vmem>>, vector<1x16xf32>,
        %get3A_948 = vector.shape_cast %get3A_947 : vector<1x16xf32> to vector<16xf32>
        %mul3A_949 = vector.broadcast %squeeze3A_929 : f32 to vector<16xf32>
        %mul3A_950 = arith.mulf %get3A_948, %mul3A_949 : vector<16xf32>
        %swap3A_951 = arith.index_cast %add3A_933 : i32 to index
        %swap3A_952 = arith.constant 16 : index
        %swap3A_953 = tpu.vector_load %arg11[%swap3A_951, %swap3A_952] {strides = array<i32>} : memref<128x128xf32, #tpu.memory_space<vmem>>, vector<1x16xf32>,
        %swap3A_954 = vector.shape_cast %swap3A_953 : vector<1x16xf32> to vector<16xf32>
        %swap3A_955 = vector.shape_cast %mul3A_950 : vector<16xf32> to vector<1x16xf32>
        tpu.vector_store %arg11[%swap3A_951, %swap3A_952], %swap3A_955 {strides = array<i32>} : memref<128x128xf32, #tpu.memory_space<vmem>>, vector<1x16xf32>,
        %get3A_956 = arith.index_cast %add3A_933 : i32 to index
        %get3A_957 = arith.constant 32 : index
        %get3A_958 = tpu.vector_load %arg11[%get3A_956, %get3A_957] {strides = array<i32>} : memref<128x128xf32, #tpu.memory_space<vmem>>, vector<1x16xf32>,
        %get3A_959 = vector.shape_cast %get3A_958 : vector<1x16xf32> to vector<16xf32>
        %mul3A_960 = vector.broadcast %squeeze3A_929 : f32 to vector<16xf32>
        %mul3A_961 = arith.mulf %get3A_959, %mul3A_960 : vector<16xf32>
        %swap3A_962 = arith.index_cast %add3A_933 : i32 to index
        %swap3A_963 = arith.constant 32 : index
        %swap3A_964 = tpu.vector_load %arg11[%swap3A_962, %swap3A_963] {strides = array<i32>} : memref<128x128xf32, #tpu.memory_space<vmem>>, vector<1x16xf32>,
        %swap3A_965 = vector.shape_cast %swap3A_964 : vector<1x16xf32> to vector<16xf32>
        %swap3A_966 = vector.shape_cast %mul3A_961 : vector<16xf32> to vector<1x16xf32>
        tpu.vector_store %arg11[%swap3A_962, %swap3A_963], %swap3A_966 {strides = array<i32>} : memref<128x128xf32, #tpu.memory_space<vmem>>, vector<1x16xf32>,
        %get3A_967 = arith.index_cast %add3A_933 : i32 to index
        %get3A_968 = arith.constant 48 : index
        %get3A_969 = tpu.vector_load %arg11[%get3A_967, %get3A_968] {strides = array<i32>} : memref<128x128xf32, #tpu.memory_space<vmem>>, vector<1x16xf32>,
        %get3A_970 = vector.shape_cast %get3A_969 : vector<1x16xf32> to vector<16xf32>
        %mul3A_971 = vector.broadcast %squeeze3A_929 : f32 to vector<16xf32>
        %mul3A_972 = arith.mulf %get3A_970, %mul3A_971 : vector<16xf32>
        %swap3A_973 = arith.index_cast %add3A_933 : i32 to index
        %swap3A_974 = arith.constant 48 : index
        %swap3A_975 = tpu.vector_load %arg11[%swap3A_973, %swap3A_974] {strides = array<i32>} : memref<128x128xf32, #tpu.memory_space<vmem>>, vector<1x16xf32>,
        %swap3A_976 = vector.shape_cast %swap3A_975 : vector<1x16xf32> to vector<16xf32>
        %swap3A_977 = vector.shape_cast %mul3A_972 : vector<16xf32> to vector<1x16xf32>
        tpu.vector_store %arg11[%swap3A_973, %swap3A_974], %swap3A_977 {strides = array<i32>} : memref<128x128xf32, #tpu.memory_space<vmem>>, vector<1x16xf32>,
        %get3A_978 = arith.index_cast %add3A_933 : i32 to index
        %get3A_979 = arith.constant 64 : index
        %get3A_980 = tpu.vector_load %arg11[%get3A_978, %get3A_979] {strides = array<i32>} : memref<128x128xf32, #tpu.memory_space<vmem>>, vector<1x16xf32>,
        %get3A_981 = vector.shape_cast %get3A_980 : vector<1x16xf32> to vector<16xf32>
        %mul3A_982 = vector.broadcast %squeeze3A_929 : f32 to vector<16xf32>
        %mul3A_983 = arith.mulf %get3A_981, %mul3A_982 : vector<16xf32>
        %swap3A_984 = arith.index_cast %add3A_933 : i32 to index
        %swap3A_985 = arith.constant 64 : index
        %swap3A_986 = tpu.vector_load %arg11[%swap3A_984, %swap3A_985] {strides = array<i32>} : memref<128x128xf32, #tpu.memory_space<vmem>>, vector<1x16xf32>,
        %swap3A_987 = vector.shape_cast %swap3A_986 : vector<1x16xf32> to vector<16xf32>
        %swap3A_988 = vector.shape_cast %mul3A_983 : vector<16xf32> to vector<1x16xf32>
        tpu.vector_store %arg11[%swap3A_984, %swap3A_985], %swap3A_988 {strides = array<i32>} : memref<128x128xf32, #tpu.memory_space<vmem>>, vector<1x16xf32>,
        %get3A_989 = arith.index_cast %add3A_933 : i32 to index
        %get3A_990 = arith.constant 80 : index
        %get3A_991 = tpu.vector_load %arg11[%get3A_989, %get3A_990] {strides = array<i32>} : memref<128x128xf32, #tpu.memory_space<vmem>>, vector<1x16xf32>,
        %get3A_992 = vector.shape_cast %get3A_991 : vector<1x16xf32> to vector<16xf32>
        %mul3A_993 = vector.broadcast %squeeze3A_929 : f32 to vector<16xf32>
        %mul3A_994 = arith.mulf %get3A_992, %mul3A_993 : vector<16xf32>
        %swap3A_995 = arith.index_cast %add3A_933 : i32 to index
        %swap3A_996 = arith.constant 80 : index
        %swap3A_997 = tpu.vector_load %arg11[%swap3A_995, %swap3A_996] {strides = array<i32>} : memref<128x128xf32, #tpu.memory_space<vmem>>, vector<1x16xf32>,
        %swap3A_998 = vector.shape_cast %swap3A_997 : vector<1x16xf32> to vector<16xf32>
        %swap3A_999 = vector.shape_cast %mul3A_994 : vector<16xf32> to vector<1x16xf32>
        tpu.vector_store %arg11[%swap3A_995, %swap3A_996], %swap3A_999 {strides = array<i32>} : memref<128x128xf32, #tpu.memory_space<vmem>>, vector<1x16xf32>,
        %get3A_1000 = arith.index_cast %add3A_933 : i32 to index
        %get3A_1001 = arith.constant 96 : index
        %get3A_1002 = tpu.vector_load %arg11[%get3A_1000, %get3A_1001] {strides = array<i32>} : memref<128x128xf32, #tpu.memory_space<vmem>>, vector<1x16xf32>,
        %get3A_1003 = vector.shape_cast %get3A_1002 : vector<1x16xf32> to vector<16xf32>
        %mul3A_1004 = vector.broadcast %squeeze3A_929 : f32 to vector<16xf32>
        %mul3A_1005 = arith.mulf %get3A_1003, %mul3A_1004 : vector<16xf32>
        %swap3A_1006 = arith.index_cast %add3A_933 : i32 to index
        %swap3A_1007 = arith.constant 96 : index
        %swap3A_1008 = tpu.vector_load %arg11[%swap3A_1006, %swap3A_1007] {strides = array<i32>} : memref<128x128xf32, #tpu.memory_space<vmem>>, vector<1x16xf32>,
        %swap3A_1009 = vector.shape_cast %swap3A_1008 : vector<1x16xf32> to vector<16xf32>
        %swap3A_1010 = vector.shape_cast %mul3A_1005 : vector<16xf32> to vector<1x16xf32>
        tpu.vector_store %arg11[%swap3A_1006, %swap3A_1007], %swap3A_1010 {strides = array<i32>} : memref<128x128xf32, #tpu.memory_space<vmem>>, vector<1x16xf32>,
        %get3A_1011 = arith.index_cast %add3A_933 : i32 to index
        %get3A_1012 = arith.constant 112 : index
        %get3A_1013 = tpu.vector_load %arg11[%get3A_1011, %get3A_1012] {strides = array<i32>} : memref<128x128xf32, #tpu.memory_space<vmem>>, vector<1x16xf32>,
        %get3A_1014 = vector.shape_cast %get3A_1013 : vector<1x16xf32> to vector<16xf32>
        %mul3A_1015 = vector.broadcast %squeeze3A_929 : f32 to vector<16xf32>
        %mul3A_1016 = arith.mulf %get3A_1014, %mul3A_1015 : vector<16xf32>
        %swap3A_1017 = arith.index_cast %add3A_933 : i32 to index
        %swap3A_1018 = arith.constant 112 : index
        %swap3A_1019 = tpu.vector_load %arg11[%swap3A_1017, %swap3A_1018] {strides = array<i32>} : memref<128x128xf32, #tpu.memory_space<vmem>>, vector<1x16xf32>,
        %swap3A_1020 = vector.shape_cast %swap3A_1019 : vector<1x16xf32> to vector<16xf32>
        %swap3A_1021 = vector.shape_cast %mul3A_1016 : vector<16xf32> to vector<1x16xf32>
        tpu.vector_store %arg11[%swap3A_1017, %swap3A_1018], %swap3A_1021 {strides = array<i32>} : memref<128x128xf32, #tpu.memory_space<vmem>>, vector<1x16xf32>,
        %slice3A_1022 = vector.extract_strided_slice %get3A_84 {offsets = [10], sizes = [1], strides = [1]} : vector<16xf32> to vector<1xf32>
        %squeeze3A_1023 = vector.extract %slice3A_1022[0] : f32 from vector<1xf32>
        %mul3A_1024 = arith.constant 16 : i32
        %mul3A_1025 = arith.muli %scan3A_80, %mul3A_1024 : i32
        %add3A_1026 = arith.constant 10 : i32
        %add3A_1027 = arith.addi %mul3A_1025, %add3A_1026 : i32
        %get3A_1028 = arith.index_cast %add3A_1027 : i32 to index
        %get3A_1029 = arith.constant 0 : index
        %get3A_1030 = tpu.vector_load %arg11[%get3A_1028, %get3A_1029] {strides = array<i32>} : memref<128x128xf32, #tpu.memory_space<vmem>>, vector<1x16xf32>,
        %get3A_1031 = vector.shape_cast %get3A_1030 : vector<1x16xf32> to vector<16xf32>
        %mul3A_1032 = vector.broadcast %squeeze3A_1023 : f32 to vector<16xf32>
        %mul3A_1033 = arith.mulf %get3A_1031, %mul3A_1032 : vector<16xf32>
        %swap3A_1034 = arith.index_cast %add3A_1027 : i32 to index
        %swap3A_1035 = arith.constant 0 : index
        %swap3A_1036 = tpu.vector_load %arg11[%swap3A_1034, %swap3A_1035] {strides = array<i32>} : memref<128x128xf32, #tpu.memory_space<vmem>>, vector<1x16xf32>,
        %swap3A_1037 = vector.shape_cast %swap3A_1036 : vector<1x16xf32> to vector<16xf32>
        %swap3A_1038 = vector.shape_cast %mul3A_1033 : vector<16xf32> to vector<1x16xf32>
        tpu.vector_store %arg11[%swap3A_1034, %swap3A_1035], %swap3A_1038 {strides = array<i32>} : memref<128x128xf32, #tpu.memory_space<vmem>>, vector<1x16xf32>,
        %get3A_1039 = arith.index_cast %add3A_1027 : i32 to index
        %get3A_1040 = arith.constant 16 : index
        %get3A_1041 = tpu.vector_load %arg11[%get3A_1039, %get3A_1040] {strides = array<i32>} : memref<128x128xf32, #tpu.memory_space<vmem>>, vector<1x16xf32>,
        %get3A_1042 = vector.shape_cast %get3A_1041 : vector<1x16xf32> to vector<16xf32>
        %mul3A_1043 = vector.broadcast %squeeze3A_1023 : f32 to vector<16xf32>
        %mul3A_1044 = arith.mulf %get3A_1042, %mul3A_1043 : vector<16xf32>
        %swap3A_1045 = arith.index_cast %add3A_1027 : i32 to index
        %swap3A_1046 = arith.constant 16 : index
        %swap3A_1047 = tpu.vector_load %arg11[%swap3A_1045, %swap3A_1046] {strides = array<i32>} : memref<128x128xf32, #tpu.memory_space<vmem>>, vector<1x16xf32>,
        %swap3A_1048 = vector.shape_cast %swap3A_1047 : vector<1x16xf32> to vector<16xf32>
        %swap3A_1049 = vector.shape_cast %mul3A_1044 : vector<16xf32> to vector<1x16xf32>
        tpu.vector_store %arg11[%swap3A_1045, %swap3A_1046], %swap3A_1049 {strides = array<i32>} : memref<128x128xf32, #tpu.memory_space<vmem>>, vector<1x16xf32>,
        %get3A_1050 = arith.index_cast %add3A_1027 : i32 to index
        %get3A_1051 = arith.constant 32 : index
        %get3A_1052 = tpu.vector_load %arg11[%get3A_1050, %get3A_1051] {strides = array<i32>} : memref<128x128xf32, #tpu.memory_space<vmem>>, vector<1x16xf32>,
        %get3A_1053 = vector.shape_cast %get3A_1052 : vector<1x16xf32> to vector<16xf32>
        %mul3A_1054 = vector.broadcast %squeeze3A_1023 : f32 to vector<16xf32>
        %mul3A_1055 = arith.mulf %get3A_1053, %mul3A_1054 : vector<16xf32>
        %swap3A_1056 = arith.index_cast %add3A_1027 : i32 to index
        %swap3A_1057 = arith.constant 32 : index
        %swap3A_1058 = tpu.vector_load %arg11[%swap3A_1056, %swap3A_1057] {strides = array<i32>} : memref<128x128xf32, #tpu.memory_space<vmem>>, vector<1x16xf32>,
        %swap3A_1059 = vector.shape_cast %swap3A_1058 : vector<1x16xf32> to vector<16xf32>
        %swap3A_1060 = vector.shape_cast %mul3A_1055 : vector<16xf32> to vector<1x16xf32>
        tpu.vector_store %arg11[%swap3A_1056, %swap3A_1057], %swap3A_1060 {strides = array<i32>} : memref<128x128xf32, #tpu.memory_space<vmem>>, vector<1x16xf32>,
        %get3A_1061 = arith.index_cast %add3A_1027 : i32 to index
        %get3A_1062 = arith.constant 48 : index
        %get3A_1063 = tpu.vector_load %arg11[%get3A_1061, %get3A_1062] {strides = array<i32>} : memref<128x128xf32, #tpu.memory_space<vmem>>, vector<1x16xf32>,
        %get3A_1064 = vector.shape_cast %get3A_1063 : vector<1x16xf32> to vector<16xf32>
        %mul3A_1065 = vector.broadcast %squeeze3A_1023 : f32 to vector<16xf32>
        %mul3A_1066 = arith.mulf %get3A_1064, %mul3A_1065 : vector<16xf32>
        %swap3A_1067 = arith.index_cast %add3A_1027 : i32 to index
        %swap3A_1068 = arith.constant 48 : index
        %swap3A_1069 = tpu.vector_load %arg11[%swap3A_1067, %swap3A_1068] {strides = array<i32>} : memref<128x128xf32, #tpu.memory_space<vmem>>, vector<1x16xf32>,
        %swap3A_1070 = vector.shape_cast %swap3A_1069 : vector<1x16xf32> to vector<16xf32>
        %swap3A_1071 = vector.shape_cast %mul3A_1066 : vector<16xf32> to vector<1x16xf32>
        tpu.vector_store %arg11[%swap3A_1067, %swap3A_1068], %swap3A_1071 {strides = array<i32>} : memref<128x128xf32, #tpu.memory_space<vmem>>, vector<1x16xf32>,
        %get3A_1072 = arith.index_cast %add3A_1027 : i32 to index
        %get3A_1073 = arith.constant 64 : index
        %get3A_1074 = tpu.vector_load %arg11[%get3A_1072, %get3A_1073] {strides = array<i32>} : memref<128x128xf32, #tpu.memory_space<vmem>>, vector<1x16xf32>,
        %get3A_1075 = vector.shape_cast %get3A_1074 : vector<1x16xf32> to vector<16xf32>
        %mul3A_1076 = vector.broadcast %squeeze3A_1023 : f32 to vector<16xf32>
        %mul3A_1077 = arith.mulf %get3A_1075, %mul3A_1076 : vector<16xf32>
        %swap3A_1078 = arith.index_cast %add3A_1027 : i32 to index
        %swap3A_1079 = arith.constant 64 : index
        %swap3A_1080 = tpu.vector_load %arg11[%swap3A_1078, %swap3A_1079] {strides = array<i32>} : memref<128x128xf32, #tpu.memory_space<vmem>>, vector<1x16xf32>,
        %swap3A_1081 = vector.shape_cast %swap3A_1080 : vector<1x16xf32> to vector<16xf32>
        %swap3A_1082 = vector.shape_cast %mul3A_1077 : vector<16xf32> to vector<1x16xf32>
        tpu.vector_store %arg11[%swap3A_1078, %swap3A_1079], %swap3A_1082 {strides = array<i32>} : memref<128x128xf32, #tpu.memory_space<vmem>>, vector<1x16xf32>,
        %get3A_1083 = arith.index_cast %add3A_1027 : i32 to index
        %get3A_1084 = arith.constant 80 : index
        %get3A_1085 = tpu.vector_load %arg11[%get3A_1083, %get3A_1084] {strides = array<i32>} : memref<128x128xf32, #tpu.memory_space<vmem>>, vector<1x16xf32>,
        %get3A_1086 = vector.shape_cast %get3A_1085 : vector<1x16xf32> to vector<16xf32>
        %mul3A_1087 = vector.broadcast %squeeze3A_1023 : f32 to vector<16xf32>
        %mul3A_1088 = arith.mulf %get3A_1086, %mul3A_1087 : vector<16xf32>
        %swap3A_1089 = arith.index_cast %add3A_1027 : i32 to index
        %swap3A_1090 = arith.constant 80 : index
        %swap3A_1091 = tpu.vector_load %arg11[%swap3A_1089, %swap3A_1090] {strides = array<i32>} : memref<128x128xf32, #tpu.memory_space<vmem>>, vector<1x16xf32>,
        %swap3A_1092 = vector.shape_cast %swap3A_1091 : vector<1x16xf32> to vector<16xf32>
        %swap3A_1093 = vector.shape_cast %mul3A_1088 : vector<16xf32> to vector<1x16xf32>
        tpu.vector_store %arg11[%swap3A_1089, %swap3A_1090], %swap3A_1093 {strides = array<i32>} : memref<128x128xf32, #tpu.memory_space<vmem>>, vector<1x16xf32>,
        %get3A_1094 = arith.index_cast %add3A_1027 : i32 to index
        %get3A_1095 = arith.constant 96 : index
        %get3A_1096 = tpu.vector_load %arg11[%get3A_1094, %get3A_1095] {strides = array<i32>} : memref<128x128xf32, #tpu.memory_space<vmem>>, vector<1x16xf32>,
        %get3A_1097 = vector.shape_cast %get3A_1096 : vector<1x16xf32> to vector<16xf32>
        %mul3A_1098 = vector.broadcast %squeeze3A_1023 : f32 to vector<16xf32>
        %mul3A_1099 = arith.mulf %get3A_1097, %mul3A_1098 : vector<16xf32>
        %swap3A_1100 = arith.index_cast %add3A_1027 : i32 to index
        %swap3A_1101 = arith.constant 96 : index
        %swap3A_1102 = tpu.vector_load %arg11[%swap3A_1100, %swap3A_1101] {strides = array<i32>} : memref<128x128xf32, #tpu.memory_space<vmem>>, vector<1x16xf32>,
        %swap3A_1103 = vector.shape_cast %swap3A_1102 : vector<1x16xf32> to vector<16xf32>
        %swap3A_1104 = vector.shape_cast %mul3A_1099 : vector<16xf32> to vector<1x16xf32>
        tpu.vector_store %arg11[%swap3A_1100, %swap3A_1101], %swap3A_1104 {strides = array<i32>} : memref<128x128xf32, #tpu.memory_space<vmem>>, vector<1x16xf32>,
        %get3A_1105 = arith.index_cast %add3A_1027 : i32 to index
        %get3A_1106 = arith.constant 112 : index
        %get3A_1107 = tpu.vector_load %arg11[%get3A_1105, %get3A_1106] {strides = array<i32>} : memref<128x128xf32, #tpu.memory_space<vmem>>, vector<1x16xf32>,
        %get3A_1108 = vector.shape_cast %get3A_1107 : vector<1x16xf32> to vector<16xf32>
        %mul3A_1109 = vector.broadcast %squeeze3A_1023 : f32 to vector<16xf32>
        %mul3A_1110 = arith.mulf %get3A_1108, %mul3A_1109 : vector<16xf32>
        %swap3A_1111 = arith.index_cast %add3A_1027 : i32 to index
        %swap3A_1112 = arith.constant 112 : index
        %swap3A_1113 = tpu.vector_load %arg11[%swap3A_1111, %swap3A_1112] {strides = array<i32>} : memref<128x128xf32, #tpu.memory_space<vmem>>, vector<1x16xf32>,
        %swap3A_1114 = vector.shape_cast %swap3A_1113 : vector<1x16xf32> to vector<16xf32>
        %swap3A_1115 = vector.shape_cast %mul3A_1110 : vector<16xf32> to vector<1x16xf32>
        tpu.vector_store %arg11[%swap3A_1111, %swap3A_1112], %swap3A_1115 {strides = array<i32>} : memref<128x128xf32, #tpu.memory_space<vmem>>, vector<1x16xf32>,
        %slice3A_1116 = vector.extract_strided_slice %get3A_84 {offsets = [11], sizes = [1], strides = [1]} : vector<16xf32> to vector<1xf32>
        %squeeze3A_1117 = vector.extract %slice3A_1116[0] : f32 from vector<1xf32>
        %mul3A_1118 = arith.constant 16 : i32
        %mul3A_1119 = arith.muli %scan3A_80, %mul3A_1118 : i32
        %add3A_1120 = arith.constant 11 : i32
        %add3A_1121 = arith.addi %mul3A_1119, %add3A_1120 : i32
        %get3A_1122 = arith.index_cast %add3A_1121 : i32 to index
        %get3A_1123 = arith.constant 0 : index
        %get3A_1124 = tpu.vector_load %arg11[%get3A_1122, %get3A_1123] {strides = array<i32>} : memref<128x128xf32, #tpu.memory_space<vmem>>, vector<1x16xf32>,
        %get3A_1125 = vector.shape_cast %get3A_1124 : vector<1x16xf32> to vector<16xf32>
        %mul3A_1126 = vector.broadcast %squeeze3A_1117 : f32 to vector<16xf32>
        %mul3A_1127 = arith.mulf %get3A_1125, %mul3A_1126 : vector<16xf32>
        %swap3A_1128 = arith.index_cast %add3A_1121 : i32 to index
        %swap3A_1129 = arith.constant 0 : index
        %swap3A_1130 = tpu.vector_load %arg11[%swap3A_1128, %swap3A_1129] {strides = array<i32>} : memref<128x128xf32, #tpu.memory_space<vmem>>, vector<1x16xf32>,
        %swap3A_1131 = vector.shape_cast %swap3A_1130 : vector<1x16xf32> to vector<16xf32>
        %swap3A_1132 = vector.shape_cast %mul3A_1127 : vector<16xf32> to vector<1x16xf32>
        tpu.vector_store %arg11[%swap3A_1128, %swap3A_1129], %swap3A_1132 {strides = array<i32>} : memref<128x128xf32, #tpu.memory_space<vmem>>, vector<1x16xf32>,
        %get3A_1133 = arith.index_cast %add3A_1121 : i32 to index
        %get3A_1134 = arith.constant 16 : index
        %get3A_1135 = tpu.vector_load %arg11[%get3A_1133, %get3A_1134] {strides = array<i32>} : memref<128x128xf32, #tpu.memory_space<vmem>>, vector<1x16xf32>,
        %get3A_1136 = vector.shape_cast %get3A_1135 : vector<1x16xf32> to vector<16xf32>
        %mul3A_1137 = vector.broadcast %squeeze3A_1117 : f32 to vector<16xf32>
        %mul3A_1138 = arith.mulf %get3A_1136, %mul3A_1137 : vector<16xf32>
        %swap3A_1139 = arith.index_cast %add3A_1121 : i32 to index
        %swap3A_1140 = arith.constant 16 : index
        %swap3A_1141 = tpu.vector_load %arg11[%swap3A_1139, %swap3A_1140] {strides = array<i32>} : memref<128x128xf32, #tpu.memory_space<vmem>>, vector<1x16xf32>,
        %swap3A_1142 = vector.shape_cast %swap3A_1141 : vector<1x16xf32> to vector<16xf32>
        %swap3A_1143 = vector.shape_cast %mul3A_1138 : vector<16xf32> to vector<1x16xf32>
        tpu.vector_store %arg11[%swap3A_1139, %swap3A_1140], %swap3A_1143 {strides = array<i32>} : memref<128x128xf32, #tpu.memory_space<vmem>>, vector<1x16xf32>,
        %get3A_1144 = arith.index_cast %add3A_1121 : i32 to index
        %get3A_1145 = arith.constant 32 : index
        %get3A_1146 = tpu.vector_load %arg11[%get3A_1144, %get3A_1145] {strides = array<i32>} : memref<128x128xf32, #tpu.memory_space<vmem>>, vector<1x16xf32>,
        %get3A_1147 = vector.shape_cast %get3A_1146 : vector<1x16xf32> to vector<16xf32>
        %mul3A_1148 = vector.broadcast %squeeze3A_1117 : f32 to vector<16xf32>
        %mul3A_1149 = arith.mulf %get3A_1147, %mul3A_1148 : vector<16xf32>
        %swap3A_1150 = arith.index_cast %add3A_1121 : i32 to index
        %swap3A_1151 = arith.constant 32 : index
        %swap3A_1152 = tpu.vector_load %arg11[%swap3A_1150, %swap3A_1151] {strides = array<i32>} : memref<128x128xf32, #tpu.memory_space<vmem>>, vector<1x16xf32>,
        %swap3A_1153 = vector.shape_cast %swap3A_1152 : vector<1x16xf32> to vector<16xf32>
        %swap3A_1154 = vector.shape_cast %mul3A_1149 : vector<16xf32> to vector<1x16xf32>
        tpu.vector_store %arg11[%swap3A_1150, %swap3A_1151], %swap3A_1154 {strides = array<i32>} : memref<128x128xf32, #tpu.memory_space<vmem>>, vector<1x16xf32>,
        %get3A_1155 = arith.index_cast %add3A_1121 : i32 to index
        %get3A_1156 = arith.constant 48 : index
        %get3A_1157 = tpu.vector_load %arg11[%get3A_1155, %get3A_1156] {strides = array<i32>} : memref<128x128xf32, #tpu.memory_space<vmem>>, vector<1x16xf32>,
        %get3A_1158 = vector.shape_cast %get3A_1157 : vector<1x16xf32> to vector<16xf32>
        %mul3A_1159 = vector.broadcast %squeeze3A_1117 : f32 to vector<16xf32>
        %mul3A_1160 = arith.mulf %get3A_1158, %mul3A_1159 : vector<16xf32>
        %swap3A_1161 = arith.index_cast %add3A_1121 : i32 to index
        %swap3A_1162 = arith.constant 48 : index
        %swap3A_1163 = tpu.vector_load %arg11[%swap3A_1161, %swap3A_1162] {strides = array<i32>} : memref<128x128xf32, #tpu.memory_space<vmem>>, vector<1x16xf32>,
        %swap3A_1164 = vector.shape_cast %swap3A_1163 : vector<1x16xf32> to vector<16xf32>
        %swap3A_1165 = vector.shape_cast %mul3A_1160 : vector<16xf32> to vector<1x16xf32>
        tpu.vector_store %arg11[%swap3A_1161, %swap3A_1162], %swap3A_1165 {strides = array<i32>} : memref<128x128xf32, #tpu.memory_space<vmem>>, vector<1x16xf32>,
        %get3A_1166 = arith.index_cast %add3A_1121 : i32 to index
        %get3A_1167 = arith.constant 64 : index
        %get3A_1168 = tpu.vector_load %arg11[%get3A_1166, %get3A_1167] {strides = array<i32>} : memref<128x128xf32, #tpu.memory_space<vmem>>, vector<1x16xf32>,
        %get3A_1169 = vector.shape_cast %get3A_1168 : vector<1x16xf32> to vector<16xf32>
        %mul3A_1170 = vector.broadcast %squeeze3A_1117 : f32 to vector<16xf32>
        %mul3A_1171 = arith.mulf %get3A_1169, %mul3A_1170 : vector<16xf32>
        %swap3A_1172 = arith.index_cast %add3A_1121 : i32 to index
        %swap3A_1173 = arith.constant 64 : index
        %swap3A_1174 = tpu.vector_load %arg11[%swap3A_1172, %swap3A_1173] {strides = array<i32>} : memref<128x128xf32, #tpu.memory_space<vmem>>, vector<1x16xf32>,
        %swap3A_1175 = vector.shape_cast %swap3A_1174 : vector<1x16xf32> to vector<16xf32>
        %swap3A_1176 = vector.shape_cast %mul3A_1171 : vector<16xf32> to vector<1x16xf32>
        tpu.vector_store %arg11[%swap3A_1172, %swap3A_1173], %swap3A_1176 {strides = array<i32>} : memref<128x128xf32, #tpu.memory_space<vmem>>, vector<1x16xf32>,
        %get3A_1177 = arith.index_cast %add3A_1121 : i32 to index
        %get3A_1178 = arith.constant 80 : index
        %get3A_1179 = tpu.vector_load %arg11[%get3A_1177, %get3A_1178] {strides = array<i32>} : memref<128x128xf32, #tpu.memory_space<vmem>>, vector<1x16xf32>,
        %get3A_1180 = vector.shape_cast %get3A_1179 : vector<1x16xf32> to vector<16xf32>
        %mul3A_1181 = vector.broadcast %squeeze3A_1117 : f32 to vector<16xf32>
        %mul3A_1182 = arith.mulf %get3A_1180, %mul3A_1181 : vector<16xf32>
        %swap3A_1183 = arith.index_cast %add3A_1121 : i32 to index
        %swap3A_1184 = arith.constant 80 : index
        %swap3A_1185 = tpu.vector_load %arg11[%swap3A_1183, %swap3A_1184] {strides = array<i32>} : memref<128x128xf32, #tpu.memory_space<vmem>>, vector<1x16xf32>,
        %swap3A_1186 = vector.shape_cast %swap3A_1185 : vector<1x16xf32> to vector<16xf32>
        %swap3A_1187 = vector.shape_cast %mul3A_1182 : vector<16xf32> to vector<1x16xf32>
        tpu.vector_store %arg11[%swap3A_1183, %swap3A_1184], %swap3A_1187 {strides = array<i32>} : memref<128x128xf32, #tpu.memory_space<vmem>>, vector<1x16xf32>,
        %get3A_1188 = arith.index_cast %add3A_1121 : i32 to index
        %get3A_1189 = arith.constant 96 : index
        %get3A_1190 = tpu.vector_load %arg11[%get3A_1188, %get3A_1189] {strides = array<i32>} : memref<128x128xf32, #tpu.memory_space<vmem>>, vector<1x16xf32>,
        %get3A_1191 = vector.shape_cast %get3A_1190 : vector<1x16xf32> to vector<16xf32>
        %mul3A_1192 = vector.broadcast %squeeze3A_1117 : f32 to vector<16xf32>
        %mul3A_1193 = arith.mulf %get3A_1191, %mul3A_1192 : vector<16xf32>
        %swap3A_1194 = arith.index_cast %add3A_1121 : i32 to index
        %swap3A_1195 = arith.constant 96 : index
        %swap3A_1196 = tpu.vector_load %arg11[%swap3A_1194, %swap3A_1195] {strides = array<i32>} : memref<128x128xf32, #tpu.memory_space<vmem>>, vector<1x16xf32>,
        %swap3A_1197 = vector.shape_cast %swap3A_1196 : vector<1x16xf32> to vector<16xf32>
        %swap3A_1198 = vector.shape_cast %mul3A_1193 : vector<16xf32> to vector<1x16xf32>
        tpu.vector_store %arg11[%swap3A_1194, %swap3A_1195], %swap3A_1198 {strides = array<i32>} : memref<128x128xf32, #tpu.memory_space<vmem>>, vector<1x16xf32>,
        %get3A_1199 = arith.index_cast %add3A_1121 : i32 to index
        %get3A_1200 = arith.constant 112 : index
        %get3A_1201 = tpu.vector_load %arg11[%get3A_1199, %get3A_1200] {strides = array<i32>} : memref<128x128xf32, #tpu.memory_space<vmem>>, vector<1x16xf32>,
        %get3A_1202 = vector.shape_cast %get3A_1201 : vector<1x16xf32> to vector<16xf32>
        %mul3A_1203 = vector.broadcast %squeeze3A_1117 : f32 to vector<16xf32>
        %mul3A_1204 = arith.mulf %get3A_1202, %mul3A_1203 : vector<16xf32>
        %swap3A_1205 = arith.index_cast %add3A_1121 : i32 to index
        %swap3A_1206 = arith.constant 112 : index
        %swap3A_1207 = tpu.vector_load %arg11[%swap3A_1205, %swap3A_1206] {strides = array<i32>} : memref<128x128xf32, #tpu.memory_space<vmem>>, vector<1x16xf32>,
        %swap3A_1208 = vector.shape_cast %swap3A_1207 : vector<1x16xf32> to vector<16xf32>
        %swap3A_1209 = vector.shape_cast %mul3A_1204 : vector<16xf32> to vector<1x16xf32>
        tpu.vector_store %arg11[%swap3A_1205, %swap3A_1206], %swap3A_1209 {strides = array<i32>} : memref<128x128xf32, #tpu.memory_space<vmem>>, vector<1x16xf32>,
        %slice3A_1210 = vector.extract_strided_slice %get3A_84 {offsets = [12], sizes = [1], strides = [1]} : vector<16xf32> to vector<1xf32>
        %squeeze3A_1211 = vector.extract %slice3A_1210[0] : f32 from vector<1xf32>
        %mul3A_1212 = arith.constant 16 : i32
        %mul3A_1213 = arith.muli %scan3A_80, %mul3A_1212 : i32
        %add3A_1214 = arith.constant 12 : i32
        %add3A_1215 = arith.addi %mul3A_1213, %add3A_1214 : i32
        %get3A_1216 = arith.index_cast %add3A_1215 : i32 to index
        %get3A_1217 = arith.constant 0 : index
        %get3A_1218 = tpu.vector_load %arg11[%get3A_1216, %get3A_1217] {strides = array<i32>} : memref<128x128xf32, #tpu.memory_space<vmem>>, vector<1x16xf32>,
        %get3A_1219 = vector.shape_cast %get3A_1218 : vector<1x16xf32> to vector<16xf32>
        %mul3A_1220 = vector.broadcast %squeeze3A_1211 : f32 to vector<16xf32>
        %mul3A_1221 = arith.mulf %get3A_1219, %mul3A_1220 : vector<16xf32>
        %swap3A_1222 = arith.index_cast %add3A_1215 : i32 to index
        %swap3A_1223 = arith.constant 0 : index
        %swap3A_1224 = tpu.vector_load %arg11[%swap3A_1222, %swap3A_1223] {strides = array<i32>} : memref<128x128xf32, #tpu.memory_space<vmem>>, vector<1x16xf32>,
        %swap3A_1225 = vector.shape_cast %swap3A_1224 : vector<1x16xf32> to vector<16xf32>
        %swap3A_1226 = vector.shape_cast %mul3A_1221 : vector<16xf32> to vector<1x16xf32>
        tpu.vector_store %arg11[%swap3A_1222, %swap3A_1223], %swap3A_1226 {strides = array<i32>} : memref<128x128xf32, #tpu.memory_space<vmem>>, vector<1x16xf32>,
        %get3A_1227 = arith.index_cast %add3A_1215 : i32 to index
        %get3A_1228 = arith.constant 16 : index
        %get3A_1229 = tpu.vector_load %arg11[%get3A_1227, %get3A_1228] {strides = array<i32>} : memref<128x128xf32, #tpu.memory_space<vmem>>, vector<1x16xf32>,
        %get3A_1230 = vector.shape_cast %get3A_1229 : vector<1x16xf32> to vector<16xf32>
        %mul3A_1231 = vector.broadcast %squeeze3A_1211 : f32 to vector<16xf32>
        %mul3A_1232 = arith.mulf %get3A_1230, %mul3A_1231 : vector<16xf32>
        %swap3A_1233 = arith.index_cast %add3A_1215 : i32 to index
        %swap3A_1234 = arith.constant 16 : index
        %swap3A_1235 = tpu.vector_load %arg11[%swap3A_1233, %swap3A_1234] {strides = array<i32>} : memref<128x128xf32, #tpu.memory_space<vmem>>, vector<1x16xf32>,
        %swap3A_1236 = vector.shape_cast %swap3A_1235 : vector<1x16xf32> to vector<16xf32>
        %swap3A_1237 = vector.shape_cast %mul3A_1232 : vector<16xf32> to vector<1x16xf32>
        tpu.vector_store %arg11[%swap3A_1233, %swap3A_1234], %swap3A_1237 {strides = array<i32>} : memref<128x128xf32, #tpu.memory_space<vmem>>, vector<1x16xf32>,
        %get3A_1238 = arith.index_cast %add3A_1215 : i32 to index
        %get3A_1239 = arith.constant 32 : index
        %get3A_1240 = tpu.vector_load %arg11[%get3A_1238, %get3A_1239] {strides = array<i32>} : memref<128x128xf32, #tpu.memory_space<vmem>>, vector<1x16xf32>,
        %get3A_1241 = vector.shape_cast %get3A_1240 : vector<1x16xf32> to vector<16xf32>
        %mul3A_1242 = vector.broadcast %squeeze3A_1211 : f32 to vector<16xf32>
        %mul3A_1243 = arith.mulf %get3A_1241, %mul3A_1242 : vector<16xf32>
        %swap3A_1244 = arith.index_cast %add3A_1215 : i32 to index
        %swap3A_1245 = arith.constant 32 : index
        %swap3A_1246 = tpu.vector_load %arg11[%swap3A_1244, %swap3A_1245] {strides = array<i32>} : memref<128x128xf32, #tpu.memory_space<vmem>>, vector<1x16xf32>,
        %swap3A_1247 = vector.shape_cast %swap3A_1246 : vector<1x16xf32> to vector<16xf32>
        %swap3A_1248 = vector.shape_cast %mul3A_1243 : vector<16xf32> to vector<1x16xf32>
        tpu.vector_store %arg11[%swap3A_1244, %swap3A_1245], %swap3A_1248 {strides = array<i32>} : memref<128x128xf32, #tpu.memory_space<vmem>>, vector<1x16xf32>,
        %get3A_1249 = arith.index_cast %add3A_1215 : i32 to index
        %get3A_1250 = arith.constant 48 : index
        %get3A_1251 = tpu.vector_load %arg11[%get3A_1249, %get3A_1250] {strides = array<i32>} : memref<128x128xf32, #tpu.memory_space<vmem>>, vector<1x16xf32>,
        %get3A_1252 = vector.shape_cast %get3A_1251 : vector<1x16xf32> to vector<16xf32>
        %mul3A_1253 = vector.broadcast %squeeze3A_1211 : f32 to vector<16xf32>
        %mul3A_1254 = arith.mulf %get3A_1252, %mul3A_1253 : vector<16xf32>
        %swap3A_1255 = arith.index_cast %add3A_1215 : i32 to index
        %swap3A_1256 = arith.constant 48 : index
        %swap3A_1257 = tpu.vector_load %arg11[%swap3A_1255, %swap3A_1256] {strides = array<i32>} : memref<128x128xf32, #tpu.memory_space<vmem>>, vector<1x16xf32>,
        %swap3A_1258 = vector.shape_cast %swap3A_1257 : vector<1x16xf32> to vector<16xf32>
        %swap3A_1259 = vector.shape_cast %mul3A_1254 : vector<16xf32> to vector<1x16xf32>
        tpu.vector_store %arg11[%swap3A_1255, %swap3A_1256], %swap3A_1259 {strides = array<i32>} : memref<128x128xf32, #tpu.memory_space<vmem>>, vector<1x16xf32>,
        %get3A_1260 = arith.index_cast %add3A_1215 : i32 to index
        %get3A_1261 = arith.constant 64 : index
        %get3A_1262 = tpu.vector_load %arg11[%get3A_1260, %get3A_1261] {strides = array<i32>} : memref<128x128xf32, #tpu.memory_space<vmem>>, vector<1x16xf32>,
        %get3A_1263 = vector.shape_cast %get3A_1262 : vector<1x16xf32> to vector<16xf32>
        %mul3A_1264 = vector.broadcast %squeeze3A_1211 : f32 to vector<16xf32>
        %mul3A_1265 = arith.mulf %get3A_1263, %mul3A_1264 : vector<16xf32>
        %swap3A_1266 = arith.index_cast %add3A_1215 : i32 to index
        %swap3A_1267 = arith.constant 64 : index
        %swap3A_1268 = tpu.vector_load %arg11[%swap3A_1266, %swap3A_1267] {strides = array<i32>} : memref<128x128xf32, #tpu.memory_space<vmem>>, vector<1x16xf32>,
        %swap3A_1269 = vector.shape_cast %swap3A_1268 : vector<1x16xf32> to vector<16xf32>
        %swap3A_1270 = vector.shape_cast %mul3A_1265 : vector<16xf32> to vector<1x16xf32>
        tpu.vector_store %arg11[%swap3A_1266, %swap3A_1267], %swap3A_1270 {strides = array<i32>} : memref<128x128xf32, #tpu.memory_space<vmem>>, vector<1x16xf32>,
        %get3A_1271 = arith.index_cast %add3A_1215 : i32 to index
        %get3A_1272 = arith.constant 80 : index
        %get3A_1273 = tpu.vector_load %arg11[%get3A_1271, %get3A_1272] {strides = array<i32>} : memref<128x128xf32, #tpu.memory_space<vmem>>, vector<1x16xf32>,
        %get3A_1274 = vector.shape_cast %get3A_1273 : vector<1x16xf32> to vector<16xf32>
        %mul3A_1275 = vector.broadcast %squeeze3A_1211 : f32 to vector<16xf32>
        %mul3A_1276 = arith.mulf %get3A_1274, %mul3A_1275 : vector<16xf32>
        %swap3A_1277 = arith.index_cast %add3A_1215 : i32 to index
        %swap3A_1278 = arith.constant 80 : index
        %swap3A_1279 = tpu.vector_load %arg11[%swap3A_1277, %swap3A_1278] {strides = array<i32>} : memref<128x128xf32, #tpu.memory_space<vmem>>, vector<1x16xf32>,
        %swap3A_1280 = vector.shape_cast %swap3A_1279 : vector<1x16xf32> to vector<16xf32>
        %swap3A_1281 = vector.shape_cast %mul3A_1276 : vector<16xf32> to vector<1x16xf32>
        tpu.vector_store %arg11[%swap3A_1277, %swap3A_1278], %swap3A_1281 {strides = array<i32>} : memref<128x128xf32, #tpu.memory_space<vmem>>, vector<1x16xf32>,
        %get3A_1282 = arith.index_cast %add3A_1215 : i32 to index
        %get3A_1283 = arith.constant 96 : index
        %get3A_1284 = tpu.vector_load %arg11[%get3A_1282, %get3A_1283] {strides = array<i32>} : memref<128x128xf32, #tpu.memory_space<vmem>>, vector<1x16xf32>,
        %get3A_1285 = vector.shape_cast %get3A_1284 : vector<1x16xf32> to vector<16xf32>
        %mul3A_1286 = vector.broadcast %squeeze3A_1211 : f32 to vector<16xf32>
        %mul3A_1287 = arith.mulf %get3A_1285, %mul3A_1286 : vector<16xf32>
        %swap3A_1288 = arith.index_cast %add3A_1215 : i32 to index
        %swap3A_1289 = arith.constant 96 : index
        %swap3A_1290 = tpu.vector_load %arg11[%swap3A_1288, %swap3A_1289] {strides = array<i32>} : memref<128x128xf32, #tpu.memory_space<vmem>>, vector<1x16xf32>,
        %swap3A_1291 = vector.shape_cast %swap3A_1290 : vector<1x16xf32> to vector<16xf32>
        %swap3A_1292 = vector.shape_cast %mul3A_1287 : vector<16xf32> to vector<1x16xf32>
        tpu.vector_store %arg11[%swap3A_1288, %swap3A_1289], %swap3A_1292 {strides = array<i32>} : memref<128x128xf32, #tpu.memory_space<vmem>>, vector<1x16xf32>,
        %get3A_1293 = arith.index_cast %add3A_1215 : i32 to index
        %get3A_1294 = arith.constant 112 : index
        %get3A_1295 = tpu.vector_load %arg11[%get3A_1293, %get3A_1294] {strides = array<i32>} : memref<128x128xf32, #tpu.memory_space<vmem>>, vector<1x16xf32>,
        %get3A_1296 = vector.shape_cast %get3A_1295 : vector<1x16xf32> to vector<16xf32>
        %mul3A_1297 = vector.broadcast %squeeze3A_1211 : f32 to vector<16xf32>
        %mul3A_1298 = arith.mulf %get3A_1296, %mul3A_1297 : vector<16xf32>
        %swap3A_1299 = arith.index_cast %add3A_1215 : i32 to index
        %swap3A_1300 = arith.constant 112 : index
        %swap3A_1301 = tpu.vector_load %arg11[%swap3A_1299, %swap3A_1300] {strides = array<i32>} : memref<128x128xf32, #tpu.memory_space<vmem>>, vector<1x16xf32>,
        %swap3A_1302 = vector.shape_cast %swap3A_1301 : vector<1x16xf32> to vector<16xf32>
        %swap3A_1303 = vector.shape_cast %mul3A_1298 : vector<16xf32> to vector<1x16xf32>
        tpu.vector_store %arg11[%swap3A_1299, %swap3A_1300], %swap3A_1303 {strides = array<i32>} : memref<128x128xf32, #tpu.memory_space<vmem>>, vector<1x16xf32>,
        %slice3A_1304 = vector.extract_strided_slice %get3A_84 {offsets = [13], sizes = [1], strides = [1]} : vector<16xf32> to vector<1xf32>
        %squeeze3A_1305 = vector.extract %slice3A_1304[0] : f32 from vector<1xf32>
        %mul3A_1306 = arith.constant 16 : i32
        %mul3A_1307 = arith.muli %scan3A_80, %mul3A_1306 : i32
        %add3A_1308 = arith.constant 13 : i32
        %add3A_1309 = arith.addi %mul3A_1307, %add3A_1308 : i32
        %get3A_1310 = arith.index_cast %add3A_1309 : i32 to index
        %get3A_1311 = arith.constant 0 : index
        %get3A_1312 = tpu.vector_load %arg11[%get3A_1310, %get3A_1311] {strides = array<i32>} : memref<128x128xf32, #tpu.memory_space<vmem>>, vector<1x16xf32>,
        %get3A_1313 = vector.shape_cast %get3A_1312 : vector<1x16xf32> to vector<16xf32>
        %mul3A_1314 = vector.broadcast %squeeze3A_1305 : f32 to vector<16xf32>
        %mul3A_1315 = arith.mulf %get3A_1313, %mul3A_1314 : vector<16xf32>
        %swap3A_1316 = arith.index_cast %add3A_1309 : i32 to index
        %swap3A_1317 = arith.constant 0 : index
        %swap3A_1318 = tpu.vector_load %arg11[%swap3A_1316, %swap3A_1317] {strides = array<i32>} : memref<128x128xf32, #tpu.memory_space<vmem>>, vector<1x16xf32>,
        %swap3A_1319 = vector.shape_cast %swap3A_1318 : vector<1x16xf32> to vector<16xf32>
        %swap3A_1320 = vector.shape_cast %mul3A_1315 : vector<16xf32> to vector<1x16xf32>
        tpu.vector_store %arg11[%swap3A_1316, %swap3A_1317], %swap3A_1320 {strides = array<i32>} : memref<128x128xf32, #tpu.memory_space<vmem>>, vector<1x16xf32>,
        %get3A_1321 = arith.index_cast %add3A_1309 : i32 to index
        %get3A_1322 = arith.constant 16 : index
        %get3A_1323 = tpu.vector_load %arg11[%get3A_1321, %get3A_1322] {strides = array<i32>} : memref<128x128xf32, #tpu.memory_space<vmem>>, vector<1x16xf32>,
        %get3A_1324 = vector.shape_cast %get3A_1323 : vector<1x16xf32> to vector<16xf32>
        %mul3A_1325 = vector.broadcast %squeeze3A_1305 : f32 to vector<16xf32>
        %mul3A_1326 = arith.mulf %get3A_1324, %mul3A_1325 : vector<16xf32>
        %swap3A_1327 = arith.index_cast %add3A_1309 : i32 to index
        %swap3A_1328 = arith.constant 16 : index
        %swap3A_1329 = tpu.vector_load %arg11[%swap3A_1327, %swap3A_1328] {strides = array<i32>} : memref<128x128xf32, #tpu.memory_space<vmem>>, vector<1x16xf32>,
        %swap3A_1330 = vector.shape_cast %swap3A_1329 : vector<1x16xf32> to vector<16xf32>
        %swap3A_1331 = vector.shape_cast %mul3A_1326 : vector<16xf32> to vector<1x16xf32>
        tpu.vector_store %arg11[%swap3A_1327, %swap3A_1328], %swap3A_1331 {strides = array<i32>} : memref<128x128xf32, #tpu.memory_space<vmem>>, vector<1x16xf32>,
        %get3A_1332 = arith.index_cast %add3A_1309 : i32 to index
        %get3A_1333 = arith.constant 32 : index
        %get3A_1334 = tpu.vector_load %arg11[%get3A_1332, %get3A_1333] {strides = array<i32>} : memref<128x128xf32, #tpu.memory_space<vmem>>, vector<1x16xf32>,
        %get3A_1335 = vector.shape_cast %get3A_1334 : vector<1x16xf32> to vector<16xf32>
        %mul3A_1336 = vector.broadcast %squeeze3A_1305 : f32 to vector<16xf32>
        %mul3A_1337 = arith.mulf %get3A_1335, %mul3A_1336 : vector<16xf32>
        %swap3A_1338 = arith.index_cast %add3A_1309 : i32 to index
        %swap3A_1339 = arith.constant 32 : index
        %swap3A_1340 = tpu.vector_load %arg11[%swap3A_1338, %swap3A_1339] {strides = array<i32>} : memref<128x128xf32, #tpu.memory_space<vmem>>, vector<1x16xf32>,
        %swap3A_1341 = vector.shape_cast %swap3A_1340 : vector<1x16xf32> to vector<16xf32>
        %swap3A_1342 = vector.shape_cast %mul3A_1337 : vector<16xf32> to vector<1x16xf32>
        tpu.vector_store %arg11[%swap3A_1338, %swap3A_1339], %swap3A_1342 {strides = array<i32>} : memref<128x128xf32, #tpu.memory_space<vmem>>, vector<1x16xf32>,
        %get3A_1343 = arith.index_cast %add3A_1309 : i32 to index
        %get3A_1344 = arith.constant 48 : index
        %get3A_1345 = tpu.vector_load %arg11[%get3A_1343, %get3A_1344] {strides = array<i32>} : memref<128x128xf32, #tpu.memory_space<vmem>>, vector<1x16xf32>,
        %get3A_1346 = vector.shape_cast %get3A_1345 : vector<1x16xf32> to vector<16xf32>
        %mul3A_1347 = vector.broadcast %squeeze3A_1305 : f32 to vector<16xf32>
        %mul3A_1348 = arith.mulf %get3A_1346, %mul3A_1347 : vector<16xf32>
        %swap3A_1349 = arith.index_cast %add3A_1309 : i32 to index
        %swap3A_1350 = arith.constant 48 : index
        %swap3A_1351 = tpu.vector_load %arg11[%swap3A_1349, %swap3A_1350] {strides = array<i32>} : memref<128x128xf32, #tpu.memory_space<vmem>>, vector<1x16xf32>,
        %swap3A_1352 = vector.shape_cast %swap3A_1351 : vector<1x16xf32> to vector<16xf32>
        %swap3A_1353 = vector.shape_cast %mul3A_1348 : vector<16xf32> to vector<1x16xf32>
        tpu.vector_store %arg11[%swap3A_1349, %swap3A_1350], %swap3A_1353 {strides = array<i32>} : memref<128x128xf32, #tpu.memory_space<vmem>>, vector<1x16xf32>,
        %get3A_1354 = arith.index_cast %add3A_1309 : i32 to index
        %get3A_1355 = arith.constant 64 : index
        %get3A_1356 = tpu.vector_load %arg11[%get3A_1354, %get3A_1355] {strides = array<i32>} : memref<128x128xf32, #tpu.memory_space<vmem>>, vector<1x16xf32>,
        %get3A_1357 = vector.shape_cast %get3A_1356 : vector<1x16xf32> to vector<16xf32>
        %mul3A_1358 = vector.broadcast %squeeze3A_1305 : f32 to vector<16xf32>
        %mul3A_1359 = arith.mulf %get3A_1357, %mul3A_1358 : vector<16xf32>
        %swap3A_1360 = arith.index_cast %add3A_1309 : i32 to index
        %swap3A_1361 = arith.constant 64 : index
        %swap3A_1362 = tpu.vector_load %arg11[%swap3A_1360, %swap3A_1361] {strides = array<i32>} : memref<128x128xf32, #tpu.memory_space<vmem>>, vector<1x16xf32>,
        %swap3A_1363 = vector.shape_cast %swap3A_1362 : vector<1x16xf32> to vector<16xf32>
        %swap3A_1364 = vector.shape_cast %mul3A_1359 : vector<16xf32> to vector<1x16xf32>
        tpu.vector_store %arg11[%swap3A_1360, %swap3A_1361], %swap3A_1364 {strides = array<i32>} : memref<128x128xf32, #tpu.memory_space<vmem>>, vector<1x16xf32>,
        %get3A_1365 = arith.index_cast %add3A_1309 : i32 to index
        %get3A_1366 = arith.constant 80 : index
        %get3A_1367 = tpu.vector_load %arg11[%get3A_1365, %get3A_1366] {strides = array<i32>} : memref<128x128xf32, #tpu.memory_space<vmem>>, vector<1x16xf32>,
        %get3A_1368 = vector.shape_cast %get3A_1367 : vector<1x16xf32> to vector<16xf32>
        %mul3A_1369 = vector.broadcast %squeeze3A_1305 : f32 to vector<16xf32>
        %mul3A_1370 = arith.mulf %get3A_1368, %mul3A_1369 : vector<16xf32>
        %swap3A_1371 = arith.index_cast %add3A_1309 : i32 to index
        %swap3A_1372 = arith.constant 80 : index
        %swap3A_1373 = tpu.vector_load %arg11[%swap3A_1371, %swap3A_1372] {strides = array<i32>} : memref<128x128xf32, #tpu.memory_space<vmem>>, vector<1x16xf32>,
        %swap3A_1374 = vector.shape_cast %swap3A_1373 : vector<1x16xf32> to vector<16xf32>
        %swap3A_1375 = vector.shape_cast %mul3A_1370 : vector<16xf32> to vector<1x16xf32>
        tpu.vector_store %arg11[%swap3A_1371, %swap3A_1372], %swap3A_1375 {strides = array<i32>} : memref<128x128xf32, #tpu.memory_space<vmem>>, vector<1x16xf32>,
        %get3A_1376 = arith.index_cast %add3A_1309 : i32 to index
        %get3A_1377 = arith.constant 96 : index
        %get3A_1378 = tpu.vector_load %arg11[%get3A_1376, %get3A_1377] {strides = array<i32>} : memref<128x128xf32, #tpu.memory_space<vmem>>, vector<1x16xf32>,
        %get3A_1379 = vector.shape_cast %get3A_1378 : vector<1x16xf32> to vector<16xf32>
        %mul3A_1380 = vector.broadcast %squeeze3A_1305 : f32 to vector<16xf32>
        %mul3A_1381 = arith.mulf %get3A_1379, %mul3A_1380 : vector<16xf32>
        %swap3A_1382 = arith.index_cast %add3A_1309 : i32 to index
        %swap3A_1383 = arith.constant 96 : index
        %swap3A_1384 = tpu.vector_load %arg11[%swap3A_1382, %swap3A_1383] {strides = array<i32>} : memref<128x128xf32, #tpu.memory_space<vmem>>, vector<1x16xf32>,
        %swap3A_1385 = vector.shape_cast %swap3A_1384 : vector<1x16xf32> to vector<16xf32>
        %swap3A_1386 = vector.shape_cast %mul3A_1381 : vector<16xf32> to vector<1x16xf32>
        tpu.vector_store %arg11[%swap3A_1382, %swap3A_1383], %swap3A_1386 {strides = array<i32>} : memref<128x128xf32, #tpu.memory_space<vmem>>, vector<1x16xf32>,
        %get3A_1387 = arith.index_cast %add3A_1309 : i32 to index
        %get3A_1388 = arith.constant 112 : index
        %get3A_1389 = tpu.vector_load %arg11[%get3A_1387, %get3A_1388] {strides = array<i32>} : memref<128x128xf32, #tpu.memory_space<vmem>>, vector<1x16xf32>,
        %get3A_1390 = vector.shape_cast %get3A_1389 : vector<1x16xf32> to vector<16xf32>
        %mul3A_1391 = vector.broadcast %squeeze3A_1305 : f32 to vector<16xf32>
        %mul3A_1392 = arith.mulf %get3A_1390, %mul3A_1391 : vector<16xf32>
        %swap3A_1393 = arith.index_cast %add3A_1309 : i32 to index
        %swap3A_1394 = arith.constant 112 : index
        %swap3A_1395 = tpu.vector_load %arg11[%swap3A_1393, %swap3A_1394] {strides = array<i32>} : memref<128x128xf32, #tpu.memory_space<vmem>>, vector<1x16xf32>,
        %swap3A_1396 = vector.shape_cast %swap3A_1395 : vector<1x16xf32> to vector<16xf32>
        %swap3A_1397 = vector.shape_cast %mul3A_1392 : vector<16xf32> to vector<1x16xf32>
        tpu.vector_store %arg11[%swap3A_1393, %swap3A_1394], %swap3A_1397 {strides = array<i32>} : memref<128x128xf32, #tpu.memory_space<vmem>>, vector<1x16xf32>,
        %slice3A_1398 = vector.extract_strided_slice %get3A_84 {offsets = [14], sizes = [1], strides = [1]} : vector<16xf32> to vector<1xf32>
        %squeeze3A_1399 = vector.extract %slice3A_1398[0] : f32 from vector<1xf32>
        %mul3A_1400 = arith.constant 16 : i32
        %mul3A_1401 = arith.muli %scan3A_80, %mul3A_1400 : i32
        %add3A_1402 = arith.constant 14 : i32
        %add3A_1403 = arith.addi %mul3A_1401, %add3A_1402 : i32
        %get3A_1404 = arith.index_cast %add3A_1403 : i32 to index
        %get3A_1405 = arith.constant 0 : index
        %get3A_1406 = tpu.vector_load %arg11[%get3A_1404, %get3A_1405] {strides = array<i32>} : memref<128x128xf32, #tpu.memory_space<vmem>>, vector<1x16xf32>,
        %get3A_1407 = vector.shape_cast %get3A_1406 : vector<1x16xf32> to vector<16xf32>
        %mul3A_1408 = vector.broadcast %squeeze3A_1399 : f32 to vector<16xf32>
        %mul3A_1409 = arith.mulf %get3A_1407, %mul3A_1408 : vector<16xf32>
        %swap3A_1410 = arith.index_cast %add3A_1403 : i32 to index
        %swap3A_1411 = arith.constant 0 : index
        %swap3A_1412 = tpu.vector_load %arg11[%swap3A_1410, %swap3A_1411] {strides = array<i32>} : memref<128x128xf32, #tpu.memory_space<vmem>>, vector<1x16xf32>,
        %swap3A_1413 = vector.shape_cast %swap3A_1412 : vector<1x16xf32> to vector<16xf32>
        %swap3A_1414 = vector.shape_cast %mul3A_1409 : vector<16xf32> to vector<1x16xf32>
        tpu.vector_store %arg11[%swap3A_1410, %swap3A_1411], %swap3A_1414 {strides = array<i32>} : memref<128x128xf32, #tpu.memory_space<vmem>>, vector<1x16xf32>,
        %get3A_1415 = arith.index_cast %add3A_1403 : i32 to index
        %get3A_1416 = arith.constant 16 : index
        %get3A_1417 = tpu.vector_load %arg11[%get3A_1415, %get3A_1416] {strides = array<i32>} : memref<128x128xf32, #tpu.memory_space<vmem>>, vector<1x16xf32>,
        %get3A_1418 = vector.shape_cast %get3A_1417 : vector<1x16xf32> to vector<16xf32>
        %mul3A_1419 = vector.broadcast %squeeze3A_1399 : f32 to vector<16xf32>
        %mul3A_1420 = arith.mulf %get3A_1418, %mul3A_1419 : vector<16xf32>
        %swap3A_1421 = arith.index_cast %add3A_1403 : i32 to index
        %swap3A_1422 = arith.constant 16 : index
        %swap3A_1423 = tpu.vector_load %arg11[%swap3A_1421, %swap3A_1422] {strides = array<i32>} : memref<128x128xf32, #tpu.memory_space<vmem>>, vector<1x16xf32>,
        %swap3A_1424 = vector.shape_cast %swap3A_1423 : vector<1x16xf32> to vector<16xf32>
        %swap3A_1425 = vector.shape_cast %mul3A_1420 : vector<16xf32> to vector<1x16xf32>
        tpu.vector_store %arg11[%swap3A_1421, %swap3A_1422], %swap3A_1425 {strides = array<i32>} : memref<128x128xf32, #tpu.memory_space<vmem>>, vector<1x16xf32>,
        %get3A_1426 = arith.index_cast %add3A_1403 : i32 to index
        %get3A_1427 = arith.constant 32 : index
        %get3A_1428 = tpu.vector_load %arg11[%get3A_1426, %get3A_1427] {strides = array<i32>} : memref<128x128xf32, #tpu.memory_space<vmem>>, vector<1x16xf32>,
        %get3A_1429 = vector.shape_cast %get3A_1428 : vector<1x16xf32> to vector<16xf32>
        %mul3A_1430 = vector.broadcast %squeeze3A_1399 : f32 to vector<16xf32>
        %mul3A_1431 = arith.mulf %get3A_1429, %mul3A_1430 : vector<16xf32>
        %swap3A_1432 = arith.index_cast %add3A_1403 : i32 to index
        %swap3A_1433 = arith.constant 32 : index
        %swap3A_1434 = tpu.vector_load %arg11[%swap3A_1432, %swap3A_1433] {strides = array<i32>} : memref<128x128xf32, #tpu.memory_space<vmem>>, vector<1x16xf32>,
        %swap3A_1435 = vector.shape_cast %swap3A_1434 : vector<1x16xf32> to vector<16xf32>
        %swap3A_1436 = vector.shape_cast %mul3A_1431 : vector<16xf32> to vector<1x16xf32>
        tpu.vector_store %arg11[%swap3A_1432, %swap3A_1433], %swap3A_1436 {strides = array<i32>} : memref<128x128xf32, #tpu.memory_space<vmem>>, vector<1x16xf32>,
        %get3A_1437 = arith.index_cast %add3A_1403 : i32 to index
        %get3A_1438 = arith.constant 48 : index
        %get3A_1439 = tpu.vector_load %arg11[%get3A_1437, %get3A_1438] {strides = array<i32>} : memref<128x128xf32, #tpu.memory_space<vmem>>, vector<1x16xf32>,
        %get3A_1440 = vector.shape_cast %get3A_1439 : vector<1x16xf32> to vector<16xf32>
        %mul3A_1441 = vector.broadcast %squeeze3A_1399 : f32 to vector<16xf32>
        %mul3A_1442 = arith.mulf %get3A_1440, %mul3A_1441 : vector<16xf32>
        %swap3A_1443 = arith.index_cast %add3A_1403 : i32 to index
        %swap3A_1444 = arith.constant 48 : index
        %swap3A_1445 = tpu.vector_load %arg11[%swap3A_1443, %swap3A_1444] {strides = array<i32>} : memref<128x128xf32, #tpu.memory_space<vmem>>, vector<1x16xf32>,
        %swap3A_1446 = vector.shape_cast %swap3A_1445 : vector<1x16xf32> to vector<16xf32>
        %swap3A_1447 = vector.shape_cast %mul3A_1442 : vector<16xf32> to vector<1x16xf32>
        tpu.vector_store %arg11[%swap3A_1443, %swap3A_1444], %swap3A_1447 {strides = array<i32>} : memref<128x128xf32, #tpu.memory_space<vmem>>, vector<1x16xf32>,
        %get3A_1448 = arith.index_cast %add3A_1403 : i32 to index
        %get3A_1449 = arith.constant 64 : index
        %get3A_1450 = tpu.vector_load %arg11[%get3A_1448, %get3A_1449] {strides = array<i32>} : memref<128x128xf32, #tpu.memory_space<vmem>>, vector<1x16xf32>,
        %get3A_1451 = vector.shape_cast %get3A_1450 : vector<1x16xf32> to vector<16xf32>
        %mul3A_1452 = vector.broadcast %squeeze3A_1399 : f32 to vector<16xf32>
        %mul3A_1453 = arith.mulf %get3A_1451, %mul3A_1452 : vector<16xf32>
        %swap3A_1454 = arith.index_cast %add3A_1403 : i32 to index
        %swap3A_1455 = arith.constant 64 : index
        %swap3A_1456 = tpu.vector_load %arg11[%swap3A_1454, %swap3A_1455] {strides = array<i32>} : memref<128x128xf32, #tpu.memory_space<vmem>>, vector<1x16xf32>,
        %swap3A_1457 = vector.shape_cast %swap3A_1456 : vector<1x16xf32> to vector<16xf32>
        %swap3A_1458 = vector.shape_cast %mul3A_1453 : vector<16xf32> to vector<1x16xf32>
        tpu.vector_store %arg11[%swap3A_1454, %swap3A_1455], %swap3A_1458 {strides = array<i32>} : memref<128x128xf32, #tpu.memory_space<vmem>>, vector<1x16xf32>,
        %get3A_1459 = arith.index_cast %add3A_1403 : i32 to index
        %get3A_1460 = arith.constant 80 : index
        %get3A_1461 = tpu.vector_load %arg11[%get3A_1459, %get3A_1460] {strides = array<i32>} : memref<128x128xf32, #tpu.memory_space<vmem>>, vector<1x16xf32>,
        %get3A_1462 = vector.shape_cast %get3A_1461 : vector<1x16xf32> to vector<16xf32>
        %mul3A_1463 = vector.broadcast %squeeze3A_1399 : f32 to vector<16xf32>
        %mul3A_1464 = arith.mulf %get3A_1462, %mul3A_1463 : vector<16xf32>
        %swap3A_1465 = arith.index_cast %add3A_1403 : i32 to index
        %swap3A_1466 = arith.constant 80 : index
        %swap3A_1467 = tpu.vector_load %arg11[%swap3A_1465, %swap3A_1466] {strides = array<i32>} : memref<128x128xf32, #tpu.memory_space<vmem>>, vector<1x16xf32>,
        %swap3A_1468 = vector.shape_cast %swap3A_1467 : vector<1x16xf32> to vector<16xf32>
        %swap3A_1469 = vector.shape_cast %mul3A_1464 : vector<16xf32> to vector<1x16xf32>
        tpu.vector_store %arg11[%swap3A_1465, %swap3A_1466], %swap3A_1469 {strides = array<i32>} : memref<128x128xf32, #tpu.memory_space<vmem>>, vector<1x16xf32>,
        %get3A_1470 = arith.index_cast %add3A_1403 : i32 to index
        %get3A_1471 = arith.constant 96 : index
        %get3A_1472 = tpu.vector_load %arg11[%get3A_1470, %get3A_1471] {strides = array<i32>} : memref<128x128xf32, #tpu.memory_space<vmem>>, vector<1x16xf32>,
        %get3A_1473 = vector.shape_cast %get3A_1472 : vector<1x16xf32> to vector<16xf32>
        %mul3A_1474 = vector.broadcast %squeeze3A_1399 : f32 to vector<16xf32>
        %mul3A_1475 = arith.mulf %get3A_1473, %mul3A_1474 : vector<16xf32>
        %swap3A_1476 = arith.index_cast %add3A_1403 : i32 to index
        %swap3A_1477 = arith.constant 96 : index
        %swap3A_1478 = tpu.vector_load %arg11[%swap3A_1476, %swap3A_1477] {strides = array<i32>} : memref<128x128xf32, #tpu.memory_space<vmem>>, vector<1x16xf32>,
        %swap3A_1479 = vector.shape_cast %swap3A_1478 : vector<1x16xf32> to vector<16xf32>
        %swap3A_1480 = vector.shape_cast %mul3A_1475 : vector<16xf32> to vector<1x16xf32>
        tpu.vector_store %arg11[%swap3A_1476, %swap3A_1477], %swap3A_1480 {strides = array<i32>} : memref<128x128xf32, #tpu.memory_space<vmem>>, vector<1x16xf32>,
        %get3A_1481 = arith.index_cast %add3A_1403 : i32 to index
        %get3A_1482 = arith.constant 112 : index
        %get3A_1483 = tpu.vector_load %arg11[%get3A_1481, %get3A_1482] {strides = array<i32>} : memref<128x128xf32, #tpu.memory_space<vmem>>, vector<1x16xf32>,
        %get3A_1484 = vector.shape_cast %get3A_1483 : vector<1x16xf32> to vector<16xf32>
        %mul3A_1485 = vector.broadcast %squeeze3A_1399 : f32 to vector<16xf32>
        %mul3A_1486 = arith.mulf %get3A_1484, %mul3A_1485 : vector<16xf32>
        %swap3A_1487 = arith.index_cast %add3A_1403 : i32 to index
        %swap3A_1488 = arith.constant 112 : index
        %swap3A_1489 = tpu.vector_load %arg11[%swap3A_1487, %swap3A_1488] {strides = array<i32>} : memref<128x128xf32, #tpu.memory_space<vmem>>, vector<1x16xf32>,
        %swap3A_1490 = vector.shape_cast %swap3A_1489 : vector<1x16xf32> to vector<16xf32>
        %swap3A_1491 = vector.shape_cast %mul3A_1486 : vector<16xf32> to vector<1x16xf32>
        tpu.vector_store %arg11[%swap3A_1487, %swap3A_1488], %swap3A_1491 {strides = array<i32>} : memref<128x128xf32, #tpu.memory_space<vmem>>, vector<1x16xf32>,
        %slice3A_1492 = vector.extract_strided_slice %get3A_84 {offsets = [15], sizes = [1], strides = [1]} : vector<16xf32> to vector<1xf32>
        %squeeze3A_1493 = vector.extract %slice3A_1492[0] : f32 from vector<1xf32>
        %mul3A_1494 = arith.constant 16 : i32
        %mul3A_1495 = arith.muli %scan3A_80, %mul3A_1494 : i32
        %add3A_1496 = arith.constant 15 : i32
        %add3A_1497 = arith.addi %mul3A_1495, %add3A_1496 : i32
        %get3A_1498 = arith.index_cast %add3A_1497 : i32 to index
        %get3A_1499 = arith.constant 0 : index
        %get3A_1500 = tpu.vector_load %arg11[%get3A_1498, %get3A_1499] {strides = array<i32>} : memref<128x128xf32, #tpu.memory_space<vmem>>, vector<1x16xf32>,
        %get3A_1501 = vector.shape_cast %get3A_1500 : vector<1x16xf32> to vector<16xf32>
        %mul3A_1502 = vector.broadcast %squeeze3A_1493 : f32 to vector<16xf32>
        %mul3A_1503 = arith.mulf %get3A_1501, %mul3A_1502 : vector<16xf32>
        %swap3A_1504 = arith.index_cast %add3A_1497 : i32 to index
        %swap3A_1505 = arith.constant 0 : index
        %swap3A_1506 = tpu.vector_load %arg11[%swap3A_1504, %swap3A_1505] {strides = array<i32>} : memref<128x128xf32, #tpu.memory_space<vmem>>, vector<1x16xf32>,
        %swap3A_1507 = vector.shape_cast %swap3A_1506 : vector<1x16xf32> to vector<16xf32>
        %swap3A_1508 = vector.shape_cast %mul3A_1503 : vector<16xf32> to vector<1x16xf32>
        tpu.vector_store %arg11[%swap3A_1504, %swap3A_1505], %swap3A_1508 {strides = array<i32>} : memref<128x128xf32, #tpu.memory_space<vmem>>, vector<1x16xf32>,
        %get3A_1509 = arith.index_cast %add3A_1497 : i32 to index
        %get3A_1510 = arith.constant 16 : index
        %get3A_1511 = tpu.vector_load %arg11[%get3A_1509, %get3A_1510] {strides = array<i32>} : memref<128x128xf32, #tpu.memory_space<vmem>>, vector<1x16xf32>,
        %get3A_1512 = vector.shape_cast %get3A_1511 : vector<1x16xf32> to vector<16xf32>
        %mul3A_1513 = vector.broadcast %squeeze3A_1493 : f32 to vector<16xf32>
        %mul3A_1514 = arith.mulf %get3A_1512, %mul3A_1513 : vector<16xf32>
        %swap3A_1515 = arith.index_cast %add3A_1497 : i32 to index
        %swap3A_1516 = arith.constant 16 : index
        %swap3A_1517 = tpu.vector_load %arg11[%swap3A_1515, %swap3A_1516] {strides = array<i32>} : memref<128x128xf32, #tpu.memory_space<vmem>>, vector<1x16xf32>,
        %swap3A_1518 = vector.shape_cast %swap3A_1517 : vector<1x16xf32> to vector<16xf32>
        %swap3A_1519 = vector.shape_cast %mul3A_1514 : vector<16xf32> to vector<1x16xf32>
        tpu.vector_store %arg11[%swap3A_1515, %swap3A_1516], %swap3A_1519 {strides = array<i32>} : memref<128x128xf32, #tpu.memory_space<vmem>>, vector<1x16xf32>,
        %get3A_1520 = arith.index_cast %add3A_1497 : i32 to index
        %get3A_1521 = arith.constant 32 : index
        %get3A_1522 = tpu.vector_load %arg11[%get3A_1520, %get3A_1521] {strides = array<i32>} : memref<128x128xf32, #tpu.memory_space<vmem>>, vector<1x16xf32>,
        %get3A_1523 = vector.shape_cast %get3A_1522 : vector<1x16xf32> to vector<16xf32>
        %mul3A_1524 = vector.broadcast %squeeze3A_1493 : f32 to vector<16xf32>
        %mul3A_1525 = arith.mulf %get3A_1523, %mul3A_1524 : vector<16xf32>
        %swap3A_1526 = arith.index_cast %add3A_1497 : i32 to index
        %swap3A_1527 = arith.constant 32 : index
        %swap3A_1528 = tpu.vector_load %arg11[%swap3A_1526, %swap3A_1527] {strides = array<i32>} : memref<128x128xf32, #tpu.memory_space<vmem>>, vector<1x16xf32>,
        %swap3A_1529 = vector.shape_cast %swap3A_1528 : vector<1x16xf32> to vector<16xf32>
        %swap3A_1530 = vector.shape_cast %mul3A_1525 : vector<16xf32> to vector<1x16xf32>
        tpu.vector_store %arg11[%swap3A_1526, %swap3A_1527], %swap3A_1530 {strides = array<i32>} : memref<128x128xf32, #tpu.memory_space<vmem>>, vector<1x16xf32>,
        %get3A_1531 = arith.index_cast %add3A_1497 : i32 to index
        %get3A_1532 = arith.constant 48 : index
        %get3A_1533 = tpu.vector_load %arg11[%get3A_1531, %get3A_1532] {strides = array<i32>} : memref<128x128xf32, #tpu.memory_space<vmem>>, vector<1x16xf32>,
        %get3A_1534 = vector.shape_cast %get3A_1533 : vector<1x16xf32> to vector<16xf32>
        %mul3A_1535 = vector.broadcast %squeeze3A_1493 : f32 to vector<16xf32>
        %mul3A_1536 = arith.mulf %get3A_1534, %mul3A_1535 : vector<16xf32>
        %swap3A_1537 = arith.index_cast %add3A_1497 : i32 to index
        %swap3A_1538 = arith.constant 48 : index
        %swap3A_1539 = tpu.vector_load %arg11[%swap3A_1537, %swap3A_1538] {strides = array<i32>} : memref<128x128xf32, #tpu.memory_space<vmem>>, vector<1x16xf32>,
        %swap3A_1540 = vector.shape_cast %swap3A_1539 : vector<1x16xf32> to vector<16xf32>
        %swap3A_1541 = vector.shape_cast %mul3A_1536 : vector<16xf32> to vector<1x16xf32>
        tpu.vector_store %arg11[%swap3A_1537, %swap3A_1538], %swap3A_1541 {strides = array<i32>} : memref<128x128xf32, #tpu.memory_space<vmem>>, vector<1x16xf32>,
        %get3A_1542 = arith.index_cast %add3A_1497 : i32 to index
        %get3A_1543 = arith.constant 64 : index
        %get3A_1544 = tpu.vector_load %arg11[%get3A_1542, %get3A_1543] {strides = array<i32>} : memref<128x128xf32, #tpu.memory_space<vmem>>, vector<1x16xf32>,
        %get3A_1545 = vector.shape_cast %get3A_1544 : vector<1x16xf32> to vector<16xf32>
        %mul3A_1546 = vector.broadcast %squeeze3A_1493 : f32 to vector<16xf32>
        %mul3A_1547 = arith.mulf %get3A_1545, %mul3A_1546 : vector<16xf32>
        %swap3A_1548 = arith.index_cast %add3A_1497 : i32 to index
        %swap3A_1549 = arith.constant 64 : index
        %swap3A_1550 = tpu.vector_load %arg11[%swap3A_1548, %swap3A_1549] {strides = array<i32>} : memref<128x128xf32, #tpu.memory_space<vmem>>, vector<1x16xf32>,
        %swap3A_1551 = vector.shape_cast %swap3A_1550 : vector<1x16xf32> to vector<16xf32>
        %swap3A_1552 = vector.shape_cast %mul3A_1547 : vector<16xf32> to vector<1x16xf32>
        tpu.vector_store %arg11[%swap3A_1548, %swap3A_1549], %swap3A_1552 {strides = array<i32>} : memref<128x128xf32, #tpu.memory_space<vmem>>, vector<1x16xf32>,
        %get3A_1553 = arith.index_cast %add3A_1497 : i32 to index
        %get3A_1554 = arith.constant 80 : index
        %get3A_1555 = tpu.vector_load %arg11[%get3A_1553, %get3A_1554] {strides = array<i32>} : memref<128x128xf32, #tpu.memory_space<vmem>>, vector<1x16xf32>,
        %get3A_1556 = vector.shape_cast %get3A_1555 : vector<1x16xf32> to vector<16xf32>
        %mul3A_1557 = vector.broadcast %squeeze3A_1493 : f32 to vector<16xf32>
        %mul3A_1558 = arith.mulf %get3A_1556, %mul3A_1557 : vector<16xf32>
        %swap3A_1559 = arith.index_cast %add3A_1497 : i32 to index
        %swap3A_1560 = arith.constant 80 : index
        %swap3A_1561 = tpu.vector_load %arg11[%swap3A_1559, %swap3A_1560] {strides = array<i32>} : memref<128x128xf32, #tpu.memory_space<vmem>>, vector<1x16xf32>,
        %swap3A_1562 = vector.shape_cast %swap3A_1561 : vector<1x16xf32> to vector<16xf32>
        %swap3A_1563 = vector.shape_cast %mul3A_1558 : vector<16xf32> to vector<1x16xf32>
        tpu.vector_store %arg11[%swap3A_1559, %swap3A_1560], %swap3A_1563 {strides = array<i32>} : memref<128x128xf32, #tpu.memory_space<vmem>>, vector<1x16xf32>,
        %get3A_1564 = arith.index_cast %add3A_1497 : i32 to index
        %get3A_1565 = arith.constant 96 : index
        %get3A_1566 = tpu.vector_load %arg11[%get3A_1564, %get3A_1565] {strides = array<i32>} : memref<128x128xf32, #tpu.memory_space<vmem>>, vector<1x16xf32>,
        %get3A_1567 = vector.shape_cast %get3A_1566 : vector<1x16xf32> to vector<16xf32>
        %mul3A_1568 = vector.broadcast %squeeze3A_1493 : f32 to vector<16xf32>
        %mul3A_1569 = arith.mulf %get3A_1567, %mul3A_1568 : vector<16xf32>
        %swap3A_1570 = arith.index_cast %add3A_1497 : i32 to index
        %swap3A_1571 = arith.constant 96 : index
        %swap3A_1572 = tpu.vector_load %arg11[%swap3A_1570, %swap3A_1571] {strides = array<i32>} : memref<128x128xf32, #tpu.memory_space<vmem>>, vector<1x16xf32>,
        %swap3A_1573 = vector.shape_cast %swap3A_1572 : vector<1x16xf32> to vector<16xf32>
        %swap3A_1574 = vector.shape_cast %mul3A_1569 : vector<16xf32> to vector<1x16xf32>
        tpu.vector_store %arg11[%swap3A_1570, %swap3A_1571], %swap3A_1574 {strides = array<i32>} : memref<128x128xf32, #tpu.memory_space<vmem>>, vector<1x16xf32>,
        %get3A_1575 = arith.index_cast %add3A_1497 : i32 to index
        %get3A_1576 = arith.constant 112 : index
        %get3A_1577 = tpu.vector_load %arg11[%get3A_1575, %get3A_1576] {strides = array<i32>} : memref<128x128xf32, #tpu.memory_space<vmem>>, vector<1x16xf32>,
        %get3A_1578 = vector.shape_cast %get3A_1577 : vector<1x16xf32> to vector<16xf32>
        %mul3A_1579 = vector.broadcast %squeeze3A_1493 : f32 to vector<16xf32>
        %mul3A_1580 = arith.mulf %get3A_1578, %mul3A_1579 : vector<16xf32>
        %swap3A_1581 = arith.index_cast %add3A_1497 : i32 to index
        %swap3A_1582 = arith.constant 112 : index
        %swap3A_1583 = tpu.vector_load %arg11[%swap3A_1581, %swap3A_1582] {strides = array<i32>} : memref<128x128xf32, #tpu.memory_space<vmem>>, vector<1x16xf32>,
        %swap3A_1584 = vector.shape_cast %swap3A_1583 : vector<1x16xf32> to vector<16xf32>
        %swap3A_1585 = vector.shape_cast %mul3A_1580 : vector<16xf32> to vector<1x16xf32>
        tpu.vector_store %arg11[%swap3A_1581, %swap3A_1582], %swap3A_1585 {strides = array<i32>} : memref<128x128xf32, #tpu.memory_space<vmem>>, vector<1x16xf32>,
      }
      %scan3A_78 = arith.constant 8 : i32
      %run_scoped3A_79 = arith.constant 2 : i32
      "tpu.region"() ({
        %run_scoped3A_80 = tpu.sem_alloc : memref<!tpu.dma_semaphore, #tpu.memory_space<semaphore_mem>>
        %dma_start3A_81 = arith.constant 0 : i32
        %dma_start3A_82 = tpu.memref_slice %arg8[%run_scoped3A_79, %dma_start3A_81] : memref<4x128xi32, #tpu.memory_space<vmem>> -> memref<1x128xi32, #tpu.memory_space<vmem>>
        %dma_start3A_83 = tpu.memref_squeeze %dma_start3A_82 : memref<1x128xi32, #tpu.memory_space<vmem>> -> memref<128xi32, #tpu.memory_space<vmem>>
        %dma_start3A_84 = arith.constant 0 : i32
        %dma_start3A_85 = arith.constant 0 : i32
        %dma_start3A_86 = tpu.memref_slice %arg6[%dma_start3A_84, %dma_start3A_85] : memref<6144x128xf32, #tpu.memory_space<vmem_shared>> -> memref<6144x128xf32, #tpu.memory_space<vmem_shared>>
        tpu.enqueue_indirect_dma source(%arg11 : memref<128x128xf32, #tpu.memory_space<vmem>>) target(%dma_start3A_86 : memref<6144x128xf32, #tpu.memory_space<vmem_shared>>) offsets(%dma_start3A_83 : memref<128xi32, #tpu.memory_space<vmem>>) semaphore(%run_scoped3A_80 : memref<!tpu.dma_semaphore, #tpu.memory_space<semaphore_mem>>) {add = true}
        %dma_wait3A_87 = arith.constant 0 : i32
        %dma_wait3A_88 = tpu.memref_slice %arg8[%run_scoped3A_79, %dma_wait3A_87] : memref<4x128xi32, #tpu.memory_space<vmem>> -> memref<1x128xi32, #tpu.memory_space<vmem>>
        %dma_wait3A_89 = tpu.memref_squeeze %dma_wait3A_88 : memref<1x128xi32, #tpu.memory_space<vmem>> -> memref<128xi32, #tpu.memory_space<vmem>>
        %dma_wait3A_90 = arith.constant 0 : i32
        %dma_wait3A_91 = arith.constant 0 : i32
        %dma_wait3A_92 = tpu.memref_slice %arg6[%dma_wait3A_90, %dma_wait3A_91] : memref<6144x128xf32, #tpu.memory_space<vmem_shared>> -> memref<6144x128xf32, #tpu.memory_space<vmem_shared>>
        tpu.wait_indirect_dma semaphore(%run_scoped3A_80 : memref<!tpu.dma_semaphore, #tpu.memory_space<semaphore_mem>>) src(%arg11 : memref<128x128xf32, #tpu.memory_space<vmem>>) dst(%dma_wait3A_92 : memref<6144x128xf32, #tpu.memory_space<vmem_shared>>)
        tpu.yield
      }) : () -> ()
    }
    %scan3A_51 = arith.constant 160 : i32
    %barrier3A_52 = arith.constant 0 : index
    tpu.barrier barrier_id(%barrier3A_52)
    %scan3A_53 = arith.constant 0 : i32
    %scan3A_54 = arith.constant 0 : i32
    %scan3A_55 = arith.constant 3 : i32
    %scan3A_56 = arith.addi %scan3A_54, %scan3A_55 : i32
    %scan3A_57 = arith.constant 1 : i32
    scf.for %scan3A_59 = %scan3A_54 to %scan3A_56 step %scan3A_57  : i32 {
      %mul3A_60 = arith.constant 384 : i32
      %mul3A_61 = arith.muli %arg1, %mul3A_60 : i32
      %mul3A_62 = arith.constant 128 : i32
      %mul3A_63 = arith.muli %scan3A_59, %mul3A_62 : i32
      %add3A_64 = arith.addi %mul3A_61, %mul3A_63 : i32
      "tpu.region"() ({
        %run_scoped3A = tpu.sem_alloc : memref<!tpu.dma_semaphore, #tpu.memory_space<semaphore_mem>>
        %dma_start3A = arith.constant 0 : i32
        %dma_start3A_73 = tpu.memref_slice %arg6[%add3A_64, %dma_start3A] : memref<6144x128xf32, #tpu.memory_space<vmem_shared>> -> memref<128x128xf32, #tpu.memory_space<vmem_shared>>
        %dma_start3A_74 = arith.constant 0 : i32
        %dma_start3A_75 = tpu.memref_slice %arg6[%add3A_64, %dma_start3A_74] : memref<6144x128xf32, #tpu.memory_space<vmem_shared>> -> memref<128x128xf32, #tpu.memory_space<vmem_shared>>
        tpu.enqueue_dma source(%dma_start3A_75 : memref<128x128xf32, #tpu.memory_space<vmem_shared>>) target(%arg11 : memref<128x128xf32, #tpu.memory_space<vmem>>) target_semaphore(%run_scoped3A : memref<!tpu.dma_semaphore, #tpu.memory_space<semaphore_mem>>)
        %dma_wait3A = arith.constant 0 : i32
        %dma_wait3A_76 = tpu.memref_slice %arg6[%add3A_64, %dma_wait3A] : memref<6144x128xf32, #tpu.memory_space<vmem_shared>> -> memref<128x128xf32, #tpu.memory_space<vmem_shared>>
        %dma_wait3A_77 = arith.constant 0 : i32
        %dma_wait3A_78 = tpu.memref_slice %arg6[%add3A_64, %dma_wait3A_77] : memref<6144x128xf32, #tpu.memory_space<vmem_shared>> -> memref<128x128xf32, #tpu.memory_space<vmem_shared>>
        tpu.wait_dma2 semaphore(%run_scoped3A : memref<!tpu.dma_semaphore, #tpu.memory_space<semaphore_mem>>) src(%dma_wait3A_78 : memref<128x128xf32, #tpu.memory_space<vmem_shared>>) dst(%arg11 : memref<128x128xf32, #tpu.memory_space<vmem>>)
        tpu.yield
      }) : () -> ()
      %mul3A_65 = arith.constant 6144 : i32
      %mul3A_66 = arith.muli %arg0, %mul3A_65 : i32
      %mul3A_67 = arith.constant 384 : i32
      %mul3A_68 = arith.muli %arg1, %mul3A_67 : i32
      %add3A_69 = arith.addi %mul3A_66, %mul3A_68 : i32
      %mul3A_70 = arith.constant 128 : i32
      %mul3A_71 = arith.muli %scan3A_59, %mul3A_70 : i32
      %add3A_72 = arith.addi %add3A_69, %mul3A_71 : i32
      "tpu.region"() ({
        %run_scoped3A = tpu.sem_alloc : memref<!tpu.dma_semaphore, #tpu.memory_space<semaphore_mem>>
        %dma_start3A = arith.constant 0 : i32
        %dma_start3A_73 = tpu.memref_slice %arg4[%add3A_72, %dma_start3A] : memref<12288x128xf32, #tpu.memory_space<hbm>> -> memref<128x128xf32, #tpu.memory_space<hbm>>
        %dma_start3A_74 = arith.constant 0 : i32
        %dma_start3A_75 = tpu.memref_slice %arg4[%add3A_72, %dma_start3A_74] : memref<12288x128xf32, #tpu.memory_space<hbm>> -> memref<128x128xf32, #tpu.memory_space<hbm>>
        tpu.enqueue_dma source(%arg11 : memref<128x128xf32, #tpu.memory_space<vmem>>) target(%dma_start3A_75 : memref<128x128xf32, #tpu.memory_space<hbm>>) target_semaphore(%run_scoped3A : memref<!tpu.dma_semaphore, #tpu.memory_space<semaphore_mem>>)
        %dma_wait3A = arith.constant 0 : i32
        %dma_wait3A_76 = tpu.memref_slice %arg4[%add3A_72, %dma_wait3A] : memref<12288x128xf32, #tpu.memory_space<hbm>> -> memref<128x128xf32, #tpu.memory_space<hbm>>
        %dma_wait3A_77 = arith.constant 0 : i32
        %dma_wait3A_78 = tpu.memref_slice %arg4[%add3A_72, %dma_wait3A_77] : memref<12288x128xf32, #tpu.memory_space<hbm>> -> memref<128x128xf32, #tpu.memory_space<hbm>>
        tpu.wait_dma2 semaphore(%run_scoped3A : memref<!tpu.dma_semaphore, #tpu.memory_space<semaphore_mem>>) src(%arg11 : memref<128x128xf32, #tpu.memory_space<vmem>>) dst(%dma_wait3A_78 : memref<128x128xf32, #tpu.memory_space<hbm>>)
        tpu.yield
      }) : () -> ()
    }
    %scan3A_58 = arith.constant 3 : i32
    return
  }
}

#map = affine_map<(d0, d1) -> (0, 0)>
#map1 = affine_map<(d0, d1) -> (0, 0, 0)>
#map2 = affine_map<(d0, d1) -> (0)>
module attributes {stable_mosaic.version = 14 : i64} {
  func.func @_edge_body1(%arg0: i32, %arg1: i32, %arg2: memref<160000x128xf32, #tpu.memory_space<hbm>>, %arg3: memref<5120x4x128xi32, #tpu.memory_space<hbm>>, %arg4: memref<327680xf32, #tpu.memory_space<hbm>>, %arg5: memref<12288x128xf32, #tpu.memory_space<hbm>>, %arg6: memref<6144x128xf32, #tpu.memory_space<vmem_shared>>, %arg7: memref<4x128xi32, #tpu.memory_space<vmem>>, %arg8: memref<128xf32, #tpu.memory_space<vmem>>, %arg9: memref<128x128xf32, #tpu.memory_space<vmem>>, %arg10: memref<!tpu.dma_semaphore, #tpu.memory_space<semaphore_mem>>) attributes {dimension_semantics = [#tpu.dimension_semantics<core_parallel>, #tpu.dimension_semantics<subcore_parallel>], iteration_bounds = array<i64: 2, 16>, scalar_prefetch = 0 : i64, scratch_operands = 5 : i64, tpu.core_type = #tpu.core_type<sc_vector_subcore>, window_params = [{transform_indices = #map}, {transform_indices = #map1}, {transform_indices = #map2}, {transform_indices = #map}]} {
    %mul3A = arith.constant 16 : i32
    %mul3A_0 = arith.muli %arg0, %mul3A : i32
    %add3A = arith.addi %mul3A_0, %arg1 : i32
    %mul3A_1 = arith.constant 160 : i32
    %mul3A_2 = arith.muli %add3A, %mul3A_1 : i32
    %scan3A = arith.constant 0 : i32
    %scan3A_3 = arith.constant 0 : i32
    %scan3A_4 = arith.constant 128 : i32
    %scan3A_5 = arith.addi %scan3A_3, %scan3A_4 : i32
    %scan3A_6 = arith.constant 1 : i32
    scf.for %scan3A_27 = %scan3A_3 to %scan3A_5 step %scan3A_6  : i32 {
      %broadcast_in_dim3A = arith.constant 0.000000e+00 : f32
      %broadcast_in_dim3A_28 = vector.broadcast %broadcast_in_dim3A : f32 to vector<16xf32>
      %swap3A = arith.index_cast %scan3A_27 : i32 to index
      %swap3A_29 = arith.constant 0 : index
      %swap3A_30 = tpu.vector_load %arg9[%swap3A, %swap3A_29] {strides = array<i32>} : memref<128x128xf32, #tpu.memory_space<vmem>>, vector<1x16xf32>,
      %swap3A_31 = vector.shape_cast %swap3A_30 : vector<1x16xf32> to vector<16xf32>
      %swap3A_32 = vector.shape_cast %broadcast_in_dim3A_28 : vector<16xf32> to vector<1x16xf32>
      tpu.vector_store %arg9[%swap3A, %swap3A_29], %swap3A_32 {strides = array<i32>} : memref<128x128xf32, #tpu.memory_space<vmem>>, vector<1x16xf32>,
      %broadcast_in_dim3A_33 = arith.constant 0.000000e+00 : f32
      %broadcast_in_dim3A_34 = vector.broadcast %broadcast_in_dim3A_33 : f32 to vector<16xf32>
      %swap3A_35 = arith.index_cast %scan3A_27 : i32 to index
      %swap3A_36 = arith.constant 16 : index
      %swap3A_37 = tpu.vector_load %arg9[%swap3A_35, %swap3A_36] {strides = array<i32>} : memref<128x128xf32, #tpu.memory_space<vmem>>, vector<1x16xf32>,
      %swap3A_38 = vector.shape_cast %swap3A_37 : vector<1x16xf32> to vector<16xf32>
      %swap3A_39 = vector.shape_cast %broadcast_in_dim3A_34 : vector<16xf32> to vector<1x16xf32>
      tpu.vector_store %arg9[%swap3A_35, %swap3A_36], %swap3A_39 {strides = array<i32>} : memref<128x128xf32, #tpu.memory_space<vmem>>, vector<1x16xf32>,
      %broadcast_in_dim3A_40 = arith.constant 0.000000e+00 : f32
      %broadcast_in_dim3A_41 = vector.broadcast %broadcast_in_dim3A_40 : f32 to vector<16xf32>
      %swap3A_42 = arith.index_cast %scan3A_27 : i32 to index
      %swap3A_43 = arith.constant 32 : index
      %swap3A_44 = tpu.vector_load %arg9[%swap3A_42, %swap3A_43] {strides = array<i32>} : memref<128x128xf32, #tpu.memory_space<vmem>>, vector<1x16xf32>,
      %swap3A_45 = vector.shape_cast %swap3A_44 : vector<1x16xf32> to vector<16xf32>
      %swap3A_46 = vector.shape_cast %broadcast_in_dim3A_41 : vector<16xf32> to vector<1x16xf32>
      tpu.vector_store %arg9[%swap3A_42, %swap3A_43], %swap3A_46 {strides = array<i32>} : memref<128x128xf32, #tpu.memory_space<vmem>>, vector<1x16xf32>,
      %broadcast_in_dim3A_47 = arith.constant 0.000000e+00 : f32
      %broadcast_in_dim3A_48 = vector.broadcast %broadcast_in_dim3A_47 : f32 to vector<16xf32>
      %swap3A_49 = arith.index_cast %scan3A_27 : i32 to index
      %swap3A_50 = arith.constant 48 : index
      %swap3A_51 = tpu.vector_load %arg9[%swap3A_49, %swap3A_50] {strides = array<i32>} : memref<128x128xf32, #tpu.memory_space<vmem>>, vector<1x16xf32>,
      %swap3A_52 = vector.shape_cast %swap3A_51 : vector<1x16xf32> to vector<16xf32>
      %swap3A_53 = vector.shape_cast %broadcast_in_dim3A_48 : vector<16xf32> to vector<1x16xf32>
      tpu.vector_store %arg9[%swap3A_49, %swap3A_50], %swap3A_53 {strides = array<i32>} : memref<128x128xf32, #tpu.memory_space<vmem>>, vector<1x16xf32>,
      %broadcast_in_dim3A_54 = arith.constant 0.000000e+00 : f32
      %broadcast_in_dim3A_55 = vector.broadcast %broadcast_in_dim3A_54 : f32 to vector<16xf32>
      %swap3A_56 = arith.index_cast %scan3A_27 : i32 to index
      %swap3A_57 = arith.constant 64 : index
      %swap3A_58 = tpu.vector_load %arg9[%swap3A_56, %swap3A_57] {strides = array<i32>} : memref<128x128xf32, #tpu.memory_space<vmem>>, vector<1x16xf32>,
      %swap3A_59 = vector.shape_cast %swap3A_58 : vector<1x16xf32> to vector<16xf32>
      %swap3A_60 = vector.shape_cast %broadcast_in_dim3A_55 : vector<16xf32> to vector<1x16xf32>
      tpu.vector_store %arg9[%swap3A_56, %swap3A_57], %swap3A_60 {strides = array<i32>} : memref<128x128xf32, #tpu.memory_space<vmem>>, vector<1x16xf32>,
      %broadcast_in_dim3A_61 = arith.constant 0.000000e+00 : f32
      %broadcast_in_dim3A_62 = vector.broadcast %broadcast_in_dim3A_61 : f32 to vector<16xf32>
      %swap3A_63 = arith.index_cast %scan3A_27 : i32 to index
      %swap3A_64 = arith.constant 80 : index
      %swap3A_65 = tpu.vector_load %arg9[%swap3A_63, %swap3A_64] {strides = array<i32>} : memref<128x128xf32, #tpu.memory_space<vmem>>, vector<1x16xf32>,
      %swap3A_66 = vector.shape_cast %swap3A_65 : vector<1x16xf32> to vector<16xf32>
      %swap3A_67 = vector.shape_cast %broadcast_in_dim3A_62 : vector<16xf32> to vector<1x16xf32>
      tpu.vector_store %arg9[%swap3A_63, %swap3A_64], %swap3A_67 {strides = array<i32>} : memref<128x128xf32, #tpu.memory_space<vmem>>, vector<1x16xf32>,
      %broadcast_in_dim3A_68 = arith.constant 0.000000e+00 : f32
      %broadcast_in_dim3A_69 = vector.broadcast %broadcast_in_dim3A_68 : f32 to vector<16xf32>
      %swap3A_70 = arith.index_cast %scan3A_27 : i32 to index
      %swap3A_71 = arith.constant 96 : index
      %swap3A_72 = tpu.vector_load %arg9[%swap3A_70, %swap3A_71] {strides = array<i32>} : memref<128x128xf32, #tpu.memory_space<vmem>>, vector<1x16xf32>,
      %swap3A_73 = vector.shape_cast %swap3A_72 : vector<1x16xf32> to vector<16xf32>
      %swap3A_74 = vector.shape_cast %broadcast_in_dim3A_69 : vector<16xf32> to vector<1x16xf32>
      tpu.vector_store %arg9[%swap3A_70, %swap3A_71], %swap3A_74 {strides = array<i32>} : memref<128x128xf32, #tpu.memory_space<vmem>>, vector<1x16xf32>,
      %broadcast_in_dim3A_75 = arith.constant 0.000000e+00 : f32
      %broadcast_in_dim3A_76 = vector.broadcast %broadcast_in_dim3A_75 : f32 to vector<16xf32>
      %swap3A_77 = arith.index_cast %scan3A_27 : i32 to index
      %swap3A_78 = arith.constant 112 : index
      %swap3A_79 = tpu.vector_load %arg9[%swap3A_77, %swap3A_78] {strides = array<i32>} : memref<128x128xf32, #tpu.memory_space<vmem>>, vector<1x16xf32>,
      %swap3A_80 = vector.shape_cast %swap3A_79 : vector<1x16xf32> to vector<16xf32>
      %swap3A_81 = vector.shape_cast %broadcast_in_dim3A_76 : vector<16xf32> to vector<1x16xf32>
      tpu.vector_store %arg9[%swap3A_77, %swap3A_78], %swap3A_81 {strides = array<i32>} : memref<128x128xf32, #tpu.memory_space<vmem>>, vector<1x16xf32>,
    }
    %scan3A_7 = arith.constant 128 : i32
    %scan3A_8 = arith.constant 0 : i32
    %scan3A_9 = arith.constant 0 : i32
    %scan3A_10 = arith.constant 3 : i32
    %scan3A_11 = arith.addi %scan3A_9, %scan3A_10 : i32
    %scan3A_12 = arith.constant 1 : i32
    scf.for %scan3A_27 = %scan3A_9 to %scan3A_11 step %scan3A_12  : i32 {
      %mul3A_28 = arith.constant 384 : i32
      %mul3A_29 = arith.muli %arg1, %mul3A_28 : i32
      %mul3A_30 = arith.constant 128 : i32
      %mul3A_31 = arith.muli %scan3A_27, %mul3A_30 : i32
      %add3A_32 = arith.addi %mul3A_29, %mul3A_31 : i32
      "tpu.region"() ({
        %run_scoped3A = tpu.sem_alloc : memref<!tpu.dma_semaphore, #tpu.memory_space<semaphore_mem>>
        %dma_start3A = arith.constant 0 : i32
        %dma_start3A_33 = tpu.memref_slice %arg6[%add3A_32, %dma_start3A] : memref<6144x128xf32, #tpu.memory_space<vmem_shared>> -> memref<128x128xf32, #tpu.memory_space<vmem_shared>>
        %dma_start3A_34 = arith.constant 0 : i32
        %dma_start3A_35 = tpu.memref_slice %arg6[%add3A_32, %dma_start3A_34] : memref<6144x128xf32, #tpu.memory_space<vmem_shared>> -> memref<128x128xf32, #tpu.memory_space<vmem_shared>>
        tpu.enqueue_dma source(%arg9 : memref<128x128xf32, #tpu.memory_space<vmem>>) target(%dma_start3A_35 : memref<128x128xf32, #tpu.memory_space<vmem_shared>>) target_semaphore(%run_scoped3A : memref<!tpu.dma_semaphore, #tpu.memory_space<semaphore_mem>>)
        %dma_wait3A = arith.constant 0 : i32
        %dma_wait3A_36 = tpu.memref_slice %arg6[%add3A_32, %dma_wait3A] : memref<6144x128xf32, #tpu.memory_space<vmem_shared>> -> memref<128x128xf32, #tpu.memory_space<vmem_shared>>
        %dma_wait3A_37 = arith.constant 0 : i32
        %dma_wait3A_38 = tpu.memref_slice %arg6[%add3A_32, %dma_wait3A_37] : memref<6144x128xf32, #tpu.memory_space<vmem_shared>> -> memref<128x128xf32, #tpu.memory_space<vmem_shared>>
        tpu.wait_dma2 semaphore(%run_scoped3A : memref<!tpu.dma_semaphore, #tpu.memory_space<semaphore_mem>>) src(%arg9 : memref<128x128xf32, #tpu.memory_space<vmem>>) dst(%dma_wait3A_38 : memref<128x128xf32, #tpu.memory_space<vmem_shared>>)
        tpu.yield
      }) : () -> ()
    }
    %scan3A_13 = arith.constant 3 : i32
    %barrier3A = arith.constant 0 : index
    tpu.barrier barrier_id(%barrier3A)
    %scan3A_14 = arith.constant 0 : i32
    %scan3A_15 = arith.constant 0 : i32
    %scan3A_16 = arith.constant 160 : i32
    %scan3A_17 = arith.addi %scan3A_15, %scan3A_16 : i32
    %scan3A_18 = arith.constant 1 : i32
    scf.for %scan3A_27 = %scan3A_15 to %scan3A_17 step %scan3A_18  : i32 {
      %add3A_28 = arith.addi %mul3A_2, %scan3A_27 : i32
      "tpu.region"() ({
        %run_scoped3A_48 = tpu.sem_alloc : memref<!tpu.dma_semaphore, #tpu.memory_space<semaphore_mem>>
        %dma_start3A_49 = arith.constant 0 : i32
        %dma_start3A_50 = arith.constant 0 : i32
        %dma_start3A_51 = tpu.memref_slice %arg3[%add3A_28, %dma_start3A_49, %dma_start3A_50] : memref<5120x4x128xi32, #tpu.memory_space<hbm>> -> memref<1x4x128xi32, #tpu.memory_space<hbm>>
        %dma_start3A_52 = tpu.memref_squeeze %dma_start3A_51 : memref<1x4x128xi32, #tpu.memory_space<hbm>> -> memref<4x128xi32, #tpu.memory_space<hbm>>
        %dma_start3A_53 = arith.constant 0 : i32
        %dma_start3A_54 = arith.constant 0 : i32
        %dma_start3A_55 = tpu.memref_slice %arg3[%add3A_28, %dma_start3A_53, %dma_start3A_54] : memref<5120x4x128xi32, #tpu.memory_space<hbm>> -> memref<1x4x128xi32, #tpu.memory_space<hbm>>
        %dma_start3A_56 = tpu.memref_squeeze %dma_start3A_55 : memref<1x4x128xi32, #tpu.memory_space<hbm>> -> memref<4x128xi32, #tpu.memory_space<hbm>>
        tpu.enqueue_dma source(%dma_start3A_56 : memref<4x128xi32, #tpu.memory_space<hbm>>) target(%arg7 : memref<4x128xi32, #tpu.memory_space<vmem>>) target_semaphore(%run_scoped3A_48 : memref<!tpu.dma_semaphore, #tpu.memory_space<semaphore_mem>>)
        %dma_wait3A_57 = arith.constant 0 : i32
        %dma_wait3A_58 = arith.constant 0 : i32
        %dma_wait3A_59 = tpu.memref_slice %arg3[%add3A_28, %dma_wait3A_57, %dma_wait3A_58] : memref<5120x4x128xi32, #tpu.memory_space<hbm>> -> memref<1x4x128xi32, #tpu.memory_space<hbm>>
        %dma_wait3A_60 = tpu.memref_squeeze %dma_wait3A_59 : memref<1x4x128xi32, #tpu.memory_space<hbm>> -> memref<4x128xi32, #tpu.memory_space<hbm>>
        %dma_wait3A_61 = arith.constant 0 : i32
        %dma_wait3A_62 = arith.constant 0 : i32
        %dma_wait3A_63 = tpu.memref_slice %arg3[%add3A_28, %dma_wait3A_61, %dma_wait3A_62] : memref<5120x4x128xi32, #tpu.memory_space<hbm>> -> memref<1x4x128xi32, #tpu.memory_space<hbm>>
        %dma_wait3A_64 = tpu.memref_squeeze %dma_wait3A_63 : memref<1x4x128xi32, #tpu.memory_space<hbm>> -> memref<4x128xi32, #tpu.memory_space<hbm>>
        tpu.wait_dma2 semaphore(%run_scoped3A_48 : memref<!tpu.dma_semaphore, #tpu.memory_space<semaphore_mem>>) src(%dma_wait3A_64 : memref<4x128xi32, #tpu.memory_space<hbm>>) dst(%arg7 : memref<4x128xi32, #tpu.memory_space<vmem>>)
        tpu.yield
      }) : () -> ()
      %run_scoped3A = arith.constant 3 : i32
      "tpu.region"() ({
        %run_scoped3A_48 = tpu.sem_alloc : memref<!tpu.dma_semaphore, #tpu.memory_space<semaphore_mem>>
        %dma_start3A_49 = arith.constant 0 : i32
        %dma_start3A_50 = tpu.memref_slice %arg7[%run_scoped3A, %dma_start3A_49] : memref<4x128xi32, #tpu.memory_space<vmem>> -> memref<1x128xi32, #tpu.memory_space<vmem>>
        %dma_start3A_51 = tpu.memref_squeeze %dma_start3A_50 : memref<1x128xi32, #tpu.memory_space<vmem>> -> memref<128xi32, #tpu.memory_space<vmem>>
        %dma_start3A_52 = arith.constant 0 : i32
        %dma_start3A_53 = tpu.memref_slice %arg4[%dma_start3A_52] : memref<327680xf32, #tpu.memory_space<hbm>> -> memref<327680xf32, #tpu.memory_space<hbm>>
        tpu.enqueue_indirect_dma source(%dma_start3A_53 : memref<327680xf32, #tpu.memory_space<hbm>>) target(%arg8 : memref<128xf32, #tpu.memory_space<vmem>>) offsets(%dma_start3A_51 : memref<128xi32, #tpu.memory_space<vmem>>) semaphore(%run_scoped3A_48 : memref<!tpu.dma_semaphore, #tpu.memory_space<semaphore_mem>>)
        %dma_wait3A_54 = arith.constant 0 : i32
        %dma_wait3A_55 = tpu.memref_slice %arg7[%run_scoped3A, %dma_wait3A_54] : memref<4x128xi32, #tpu.memory_space<vmem>> -> memref<1x128xi32, #tpu.memory_space<vmem>>
        %dma_wait3A_56 = tpu.memref_squeeze %dma_wait3A_55 : memref<1x128xi32, #tpu.memory_space<vmem>> -> memref<128xi32, #tpu.memory_space<vmem>>
        %dma_wait3A_57 = arith.constant 0 : i32
        %dma_wait3A_58 = tpu.memref_slice %arg4[%dma_wait3A_57] : memref<327680xf32, #tpu.memory_space<hbm>> -> memref<327680xf32, #tpu.memory_space<hbm>>
        tpu.wait_indirect_dma semaphore(%run_scoped3A_48 : memref<!tpu.dma_semaphore, #tpu.memory_space<semaphore_mem>>) src(%dma_wait3A_58 : memref<327680xf32, #tpu.memory_space<hbm>>) dst(%arg8 : memref<128xf32, #tpu.memory_space<vmem>>)
        tpu.yield
      }) : () -> ()
      %dma_start3A = arith.constant 0 : i32
      %dma_start3A_29 = arith.constant 0 : i32
      %dma_start3A_30 = tpu.memref_slice %arg7[%dma_start3A, %dma_start3A_29] : memref<4x128xi32, #tpu.memory_space<vmem>> -> memref<1x128xi32, #tpu.memory_space<vmem>>
      %dma_start3A_31 = tpu.memref_squeeze %dma_start3A_30 : memref<1x128xi32, #tpu.memory_space<vmem>> -> memref<128xi32, #tpu.memory_space<vmem>>
      %dma_start3A_32 = arith.constant 0 : i32
      %dma_start3A_33 = arith.constant 0 : i32
      %dma_start3A_34 = tpu.memref_slice %arg2[%dma_start3A_32, %dma_start3A_33] : memref<160000x128xf32, #tpu.memory_space<hbm>> -> memref<160000x128xf32, #tpu.memory_space<hbm>>
      tpu.enqueue_indirect_dma source(%dma_start3A_34 : memref<160000x128xf32, #tpu.memory_space<hbm>>) target(%arg9 : memref<128x128xf32, #tpu.memory_space<vmem>>) offsets(%dma_start3A_31 : memref<128xi32, #tpu.memory_space<vmem>>) semaphore(%arg10 : memref<!tpu.dma_semaphore, #tpu.memory_space<semaphore_mem>>)
      %dma_wait3A = arith.constant 0 : i32
      %dma_wait3A_35 = arith.constant 0 : i32
      %dma_wait3A_36 = tpu.memref_slice %arg7[%dma_wait3A, %dma_wait3A_35] : memref<4x128xi32, #tpu.memory_space<vmem>> -> memref<1x128xi32, #tpu.memory_space<vmem>>
      %dma_wait3A_37 = tpu.memref_squeeze %dma_wait3A_36 : memref<1x128xi32, #tpu.memory_space<vmem>> -> memref<128xi32, #tpu.memory_space<vmem>>
      %dma_wait3A_38 = arith.constant 0 : i32
      %dma_wait3A_39 = arith.constant 0 : i32
      %dma_wait3A_40 = tpu.memref_slice %arg2[%dma_wait3A_38, %dma_wait3A_39] : memref<160000x128xf32, #tpu.memory_space<hbm>> -> memref<160000x128xf32, #tpu.memory_space<hbm>>
      tpu.wait_indirect_dma semaphore(%arg10 : memref<!tpu.dma_semaphore, #tpu.memory_space<semaphore_mem>>) src(%dma_wait3A_40 : memref<160000x128xf32, #tpu.memory_space<hbm>>) dst(%arg9 : memref<128x128xf32, #tpu.memory_space<vmem>>)
      %scan3A_41 = arith.constant 0 : i32
      %scan3A_42 = arith.constant 0 : i32
      %scan3A_43 = arith.constant 8 : i32
      %scan3A_44 = arith.addi %scan3A_42, %scan3A_43 : i32
      %scan3A_45 = arith.constant 1 : i32
      scf.for %scan3A_48 = %scan3A_42 to %scan3A_44 step %scan3A_45  : i32 {
        %mul3A_49 = arith.constant 16 : i32
        %mul3A_50 = arith.muli %scan3A_48, %mul3A_49 : i32
        %get3A = arith.index_cast %mul3A_50 : i32 to index
        %get3A_51 = tpu.vector_load %arg8[%get3A] {strides = array<i32>} : memref<128xf32, #tpu.memory_space<vmem>>, vector<16xf32>,
        %get3A_52 = vector.shape_cast %get3A_51 : vector<16xf32> to vector<16xf32>
        %slice3A = vector.extract_strided_slice %get3A_52 {offsets = [0], sizes = [1], strides = [1]} : vector<16xf32> to vector<1xf32>
        %squeeze3A = vector.extract %slice3A[0] : f32 from vector<1xf32>
        %mul3A_53 = arith.constant 16 : i32
        %mul3A_54 = arith.muli %scan3A_48, %mul3A_53 : i32
        %add3A_55 = arith.constant 0 : i32
        %add3A_56 = arith.addi %mul3A_54, %add3A_55 : i32
        %get3A_57 = arith.index_cast %add3A_56 : i32 to index
        %get3A_58 = arith.constant 0 : index
        %get3A_59 = tpu.vector_load %arg9[%get3A_57, %get3A_58] {strides = array<i32>} : memref<128x128xf32, #tpu.memory_space<vmem>>, vector<1x16xf32>,
        %get3A_60 = vector.shape_cast %get3A_59 : vector<1x16xf32> to vector<16xf32>
        %mul3A_61 = vector.broadcast %squeeze3A : f32 to vector<16xf32>
        %mul3A_62 = arith.mulf %get3A_60, %mul3A_61 : vector<16xf32>
        %swap3A = arith.index_cast %add3A_56 : i32 to index
        %swap3A_63 = arith.constant 0 : index
        %swap3A_64 = tpu.vector_load %arg9[%swap3A, %swap3A_63] {strides = array<i32>} : memref<128x128xf32, #tpu.memory_space<vmem>>, vector<1x16xf32>,
        %swap3A_65 = vector.shape_cast %swap3A_64 : vector<1x16xf32> to vector<16xf32>
        %swap3A_66 = vector.shape_cast %mul3A_62 : vector<16xf32> to vector<1x16xf32>
        tpu.vector_store %arg9[%swap3A, %swap3A_63], %swap3A_66 {strides = array<i32>} : memref<128x128xf32, #tpu.memory_space<vmem>>, vector<1x16xf32>,
        %get3A_67 = arith.index_cast %add3A_56 : i32 to index
        %get3A_68 = arith.constant 16 : index
        %get3A_69 = tpu.vector_load %arg9[%get3A_67, %get3A_68] {strides = array<i32>} : memref<128x128xf32, #tpu.memory_space<vmem>>, vector<1x16xf32>,
        %get3A_70 = vector.shape_cast %get3A_69 : vector<1x16xf32> to vector<16xf32>
        %mul3A_71 = vector.broadcast %squeeze3A : f32 to vector<16xf32>
        %mul3A_72 = arith.mulf %get3A_70, %mul3A_71 : vector<16xf32>
        %swap3A_73 = arith.index_cast %add3A_56 : i32 to index
        %swap3A_74 = arith.constant 16 : index
        %swap3A_75 = tpu.vector_load %arg9[%swap3A_73, %swap3A_74] {strides = array<i32>} : memref<128x128xf32, #tpu.memory_space<vmem>>, vector<1x16xf32>,
        %swap3A_76 = vector.shape_cast %swap3A_75 : vector<1x16xf32> to vector<16xf32>
        %swap3A_77 = vector.shape_cast %mul3A_72 : vector<16xf32> to vector<1x16xf32>
        tpu.vector_store %arg9[%swap3A_73, %swap3A_74], %swap3A_77 {strides = array<i32>} : memref<128x128xf32, #tpu.memory_space<vmem>>, vector<1x16xf32>,
        %get3A_78 = arith.index_cast %add3A_56 : i32 to index
        %get3A_79 = arith.constant 32 : index
        %get3A_80 = tpu.vector_load %arg9[%get3A_78, %get3A_79] {strides = array<i32>} : memref<128x128xf32, #tpu.memory_space<vmem>>, vector<1x16xf32>,
        %get3A_81 = vector.shape_cast %get3A_80 : vector<1x16xf32> to vector<16xf32>
        %mul3A_82 = vector.broadcast %squeeze3A : f32 to vector<16xf32>
        %mul3A_83 = arith.mulf %get3A_81, %mul3A_82 : vector<16xf32>
        %swap3A_84 = arith.index_cast %add3A_56 : i32 to index
        %swap3A_85 = arith.constant 32 : index
        %swap3A_86 = tpu.vector_load %arg9[%swap3A_84, %swap3A_85] {strides = array<i32>} : memref<128x128xf32, #tpu.memory_space<vmem>>, vector<1x16xf32>,
        %swap3A_87 = vector.shape_cast %swap3A_86 : vector<1x16xf32> to vector<16xf32>
        %swap3A_88 = vector.shape_cast %mul3A_83 : vector<16xf32> to vector<1x16xf32>
        tpu.vector_store %arg9[%swap3A_84, %swap3A_85], %swap3A_88 {strides = array<i32>} : memref<128x128xf32, #tpu.memory_space<vmem>>, vector<1x16xf32>,
        %get3A_89 = arith.index_cast %add3A_56 : i32 to index
        %get3A_90 = arith.constant 48 : index
        %get3A_91 = tpu.vector_load %arg9[%get3A_89, %get3A_90] {strides = array<i32>} : memref<128x128xf32, #tpu.memory_space<vmem>>, vector<1x16xf32>,
        %get3A_92 = vector.shape_cast %get3A_91 : vector<1x16xf32> to vector<16xf32>
        %mul3A_93 = vector.broadcast %squeeze3A : f32 to vector<16xf32>
        %mul3A_94 = arith.mulf %get3A_92, %mul3A_93 : vector<16xf32>
        %swap3A_95 = arith.index_cast %add3A_56 : i32 to index
        %swap3A_96 = arith.constant 48 : index
        %swap3A_97 = tpu.vector_load %arg9[%swap3A_95, %swap3A_96] {strides = array<i32>} : memref<128x128xf32, #tpu.memory_space<vmem>>, vector<1x16xf32>,
        %swap3A_98 = vector.shape_cast %swap3A_97 : vector<1x16xf32> to vector<16xf32>
        %swap3A_99 = vector.shape_cast %mul3A_94 : vector<16xf32> to vector<1x16xf32>
        tpu.vector_store %arg9[%swap3A_95, %swap3A_96], %swap3A_99 {strides = array<i32>} : memref<128x128xf32, #tpu.memory_space<vmem>>, vector<1x16xf32>,
        %get3A_100 = arith.index_cast %add3A_56 : i32 to index
        %get3A_101 = arith.constant 64 : index
        %get3A_102 = tpu.vector_load %arg9[%get3A_100, %get3A_101] {strides = array<i32>} : memref<128x128xf32, #tpu.memory_space<vmem>>, vector<1x16xf32>,
        %get3A_103 = vector.shape_cast %get3A_102 : vector<1x16xf32> to vector<16xf32>
        %mul3A_104 = vector.broadcast %squeeze3A : f32 to vector<16xf32>
        %mul3A_105 = arith.mulf %get3A_103, %mul3A_104 : vector<16xf32>
        %swap3A_106 = arith.index_cast %add3A_56 : i32 to index
        %swap3A_107 = arith.constant 64 : index
        %swap3A_108 = tpu.vector_load %arg9[%swap3A_106, %swap3A_107] {strides = array<i32>} : memref<128x128xf32, #tpu.memory_space<vmem>>, vector<1x16xf32>,
        %swap3A_109 = vector.shape_cast %swap3A_108 : vector<1x16xf32> to vector<16xf32>
        %swap3A_110 = vector.shape_cast %mul3A_105 : vector<16xf32> to vector<1x16xf32>
        tpu.vector_store %arg9[%swap3A_106, %swap3A_107], %swap3A_110 {strides = array<i32>} : memref<128x128xf32, #tpu.memory_space<vmem>>, vector<1x16xf32>,
        %get3A_111 = arith.index_cast %add3A_56 : i32 to index
        %get3A_112 = arith.constant 80 : index
        %get3A_113 = tpu.vector_load %arg9[%get3A_111, %get3A_112] {strides = array<i32>} : memref<128x128xf32, #tpu.memory_space<vmem>>, vector<1x16xf32>,
        %get3A_114 = vector.shape_cast %get3A_113 : vector<1x16xf32> to vector<16xf32>
        %mul3A_115 = vector.broadcast %squeeze3A : f32 to vector<16xf32>
        %mul3A_116 = arith.mulf %get3A_114, %mul3A_115 : vector<16xf32>
        %swap3A_117 = arith.index_cast %add3A_56 : i32 to index
        %swap3A_118 = arith.constant 80 : index
        %swap3A_119 = tpu.vector_load %arg9[%swap3A_117, %swap3A_118] {strides = array<i32>} : memref<128x128xf32, #tpu.memory_space<vmem>>, vector<1x16xf32>,
        %swap3A_120 = vector.shape_cast %swap3A_119 : vector<1x16xf32> to vector<16xf32>
        %swap3A_121 = vector.shape_cast %mul3A_116 : vector<16xf32> to vector<1x16xf32>
        tpu.vector_store %arg9[%swap3A_117, %swap3A_118], %swap3A_121 {strides = array<i32>} : memref<128x128xf32, #tpu.memory_space<vmem>>, vector<1x16xf32>,
        %get3A_122 = arith.index_cast %add3A_56 : i32 to index
        %get3A_123 = arith.constant 96 : index
        %get3A_124 = tpu.vector_load %arg9[%get3A_122, %get3A_123] {strides = array<i32>} : memref<128x128xf32, #tpu.memory_space<vmem>>, vector<1x16xf32>,
        %get3A_125 = vector.shape_cast %get3A_124 : vector<1x16xf32> to vector<16xf32>
        %mul3A_126 = vector.broadcast %squeeze3A : f32 to vector<16xf32>
        %mul3A_127 = arith.mulf %get3A_125, %mul3A_126 : vector<16xf32>
        %swap3A_128 = arith.index_cast %add3A_56 : i32 to index
        %swap3A_129 = arith.constant 96 : index
        %swap3A_130 = tpu.vector_load %arg9[%swap3A_128, %swap3A_129] {strides = array<i32>} : memref<128x128xf32, #tpu.memory_space<vmem>>, vector<1x16xf32>,
        %swap3A_131 = vector.shape_cast %swap3A_130 : vector<1x16xf32> to vector<16xf32>
        %swap3A_132 = vector.shape_cast %mul3A_127 : vector<16xf32> to vector<1x16xf32>
        tpu.vector_store %arg9[%swap3A_128, %swap3A_129], %swap3A_132 {strides = array<i32>} : memref<128x128xf32, #tpu.memory_space<vmem>>, vector<1x16xf32>,
        %get3A_133 = arith.index_cast %add3A_56 : i32 to index
        %get3A_134 = arith.constant 112 : index
        %get3A_135 = tpu.vector_load %arg9[%get3A_133, %get3A_134] {strides = array<i32>} : memref<128x128xf32, #tpu.memory_space<vmem>>, vector<1x16xf32>,
        %get3A_136 = vector.shape_cast %get3A_135 : vector<1x16xf32> to vector<16xf32>
        %mul3A_137 = vector.broadcast %squeeze3A : f32 to vector<16xf32>
        %mul3A_138 = arith.mulf %get3A_136, %mul3A_137 : vector<16xf32>
        %swap3A_139 = arith.index_cast %add3A_56 : i32 to index
        %swap3A_140 = arith.constant 112 : index
        %swap3A_141 = tpu.vector_load %arg9[%swap3A_139, %swap3A_140] {strides = array<i32>} : memref<128x128xf32, #tpu.memory_space<vmem>>, vector<1x16xf32>,
        %swap3A_142 = vector.shape_cast %swap3A_141 : vector<1x16xf32> to vector<16xf32>
        %swap3A_143 = vector.shape_cast %mul3A_138 : vector<16xf32> to vector<1x16xf32>
        tpu.vector_store %arg9[%swap3A_139, %swap3A_140], %swap3A_143 {strides = array<i32>} : memref<128x128xf32, #tpu.memory_space<vmem>>, vector<1x16xf32>,
        %slice3A_144 = vector.extract_strided_slice %get3A_52 {offsets = [1], sizes = [1], strides = [1]} : vector<16xf32> to vector<1xf32>
        %squeeze3A_145 = vector.extract %slice3A_144[0] : f32 from vector<1xf32>
        %mul3A_146 = arith.constant 16 : i32
        %mul3A_147 = arith.muli %scan3A_48, %mul3A_146 : i32
        %add3A_148 = arith.constant 1 : i32
        %add3A_149 = arith.addi %mul3A_147, %add3A_148 : i32
        %get3A_150 = arith.index_cast %add3A_149 : i32 to index
        %get3A_151 = arith.constant 0 : index
        %get3A_152 = tpu.vector_load %arg9[%get3A_150, %get3A_151] {strides = array<i32>} : memref<128x128xf32, #tpu.memory_space<vmem>>, vector<1x16xf32>,
        %get3A_153 = vector.shape_cast %get3A_152 : vector<1x16xf32> to vector<16xf32>
        %mul3A_154 = vector.broadcast %squeeze3A_145 : f32 to vector<16xf32>
        %mul3A_155 = arith.mulf %get3A_153, %mul3A_154 : vector<16xf32>
        %swap3A_156 = arith.index_cast %add3A_149 : i32 to index
        %swap3A_157 = arith.constant 0 : index
        %swap3A_158 = tpu.vector_load %arg9[%swap3A_156, %swap3A_157] {strides = array<i32>} : memref<128x128xf32, #tpu.memory_space<vmem>>, vector<1x16xf32>,
        %swap3A_159 = vector.shape_cast %swap3A_158 : vector<1x16xf32> to vector<16xf32>
        %swap3A_160 = vector.shape_cast %mul3A_155 : vector<16xf32> to vector<1x16xf32>
        tpu.vector_store %arg9[%swap3A_156, %swap3A_157], %swap3A_160 {strides = array<i32>} : memref<128x128xf32, #tpu.memory_space<vmem>>, vector<1x16xf32>,
        %get3A_161 = arith.index_cast %add3A_149 : i32 to index
        %get3A_162 = arith.constant 16 : index
        %get3A_163 = tpu.vector_load %arg9[%get3A_161, %get3A_162] {strides = array<i32>} : memref<128x128xf32, #tpu.memory_space<vmem>>, vector<1x16xf32>,
        %get3A_164 = vector.shape_cast %get3A_163 : vector<1x16xf32> to vector<16xf32>
        %mul3A_165 = vector.broadcast %squeeze3A_145 : f32 to vector<16xf32>
        %mul3A_166 = arith.mulf %get3A_164, %mul3A_165 : vector<16xf32>
        %swap3A_167 = arith.index_cast %add3A_149 : i32 to index
        %swap3A_168 = arith.constant 16 : index
        %swap3A_169 = tpu.vector_load %arg9[%swap3A_167, %swap3A_168] {strides = array<i32>} : memref<128x128xf32, #tpu.memory_space<vmem>>, vector<1x16xf32>,
        %swap3A_170 = vector.shape_cast %swap3A_169 : vector<1x16xf32> to vector<16xf32>
        %swap3A_171 = vector.shape_cast %mul3A_166 : vector<16xf32> to vector<1x16xf32>
        tpu.vector_store %arg9[%swap3A_167, %swap3A_168], %swap3A_171 {strides = array<i32>} : memref<128x128xf32, #tpu.memory_space<vmem>>, vector<1x16xf32>,
        %get3A_172 = arith.index_cast %add3A_149 : i32 to index
        %get3A_173 = arith.constant 32 : index
        %get3A_174 = tpu.vector_load %arg9[%get3A_172, %get3A_173] {strides = array<i32>} : memref<128x128xf32, #tpu.memory_space<vmem>>, vector<1x16xf32>,
        %get3A_175 = vector.shape_cast %get3A_174 : vector<1x16xf32> to vector<16xf32>
        %mul3A_176 = vector.broadcast %squeeze3A_145 : f32 to vector<16xf32>
        %mul3A_177 = arith.mulf %get3A_175, %mul3A_176 : vector<16xf32>
        %swap3A_178 = arith.index_cast %add3A_149 : i32 to index
        %swap3A_179 = arith.constant 32 : index
        %swap3A_180 = tpu.vector_load %arg9[%swap3A_178, %swap3A_179] {strides = array<i32>} : memref<128x128xf32, #tpu.memory_space<vmem>>, vector<1x16xf32>,
        %swap3A_181 = vector.shape_cast %swap3A_180 : vector<1x16xf32> to vector<16xf32>
        %swap3A_182 = vector.shape_cast %mul3A_177 : vector<16xf32> to vector<1x16xf32>
        tpu.vector_store %arg9[%swap3A_178, %swap3A_179], %swap3A_182 {strides = array<i32>} : memref<128x128xf32, #tpu.memory_space<vmem>>, vector<1x16xf32>,
        %get3A_183 = arith.index_cast %add3A_149 : i32 to index
        %get3A_184 = arith.constant 48 : index
        %get3A_185 = tpu.vector_load %arg9[%get3A_183, %get3A_184] {strides = array<i32>} : memref<128x128xf32, #tpu.memory_space<vmem>>, vector<1x16xf32>,
        %get3A_186 = vector.shape_cast %get3A_185 : vector<1x16xf32> to vector<16xf32>
        %mul3A_187 = vector.broadcast %squeeze3A_145 : f32 to vector<16xf32>
        %mul3A_188 = arith.mulf %get3A_186, %mul3A_187 : vector<16xf32>
        %swap3A_189 = arith.index_cast %add3A_149 : i32 to index
        %swap3A_190 = arith.constant 48 : index
        %swap3A_191 = tpu.vector_load %arg9[%swap3A_189, %swap3A_190] {strides = array<i32>} : memref<128x128xf32, #tpu.memory_space<vmem>>, vector<1x16xf32>,
        %swap3A_192 = vector.shape_cast %swap3A_191 : vector<1x16xf32> to vector<16xf32>
        %swap3A_193 = vector.shape_cast %mul3A_188 : vector<16xf32> to vector<1x16xf32>
        tpu.vector_store %arg9[%swap3A_189, %swap3A_190], %swap3A_193 {strides = array<i32>} : memref<128x128xf32, #tpu.memory_space<vmem>>, vector<1x16xf32>,
        %get3A_194 = arith.index_cast %add3A_149 : i32 to index
        %get3A_195 = arith.constant 64 : index
        %get3A_196 = tpu.vector_load %arg9[%get3A_194, %get3A_195] {strides = array<i32>} : memref<128x128xf32, #tpu.memory_space<vmem>>, vector<1x16xf32>,
        %get3A_197 = vector.shape_cast %get3A_196 : vector<1x16xf32> to vector<16xf32>
        %mul3A_198 = vector.broadcast %squeeze3A_145 : f32 to vector<16xf32>
        %mul3A_199 = arith.mulf %get3A_197, %mul3A_198 : vector<16xf32>
        %swap3A_200 = arith.index_cast %add3A_149 : i32 to index
        %swap3A_201 = arith.constant 64 : index
        %swap3A_202 = tpu.vector_load %arg9[%swap3A_200, %swap3A_201] {strides = array<i32>} : memref<128x128xf32, #tpu.memory_space<vmem>>, vector<1x16xf32>,
        %swap3A_203 = vector.shape_cast %swap3A_202 : vector<1x16xf32> to vector<16xf32>
        %swap3A_204 = vector.shape_cast %mul3A_199 : vector<16xf32> to vector<1x16xf32>
        tpu.vector_store %arg9[%swap3A_200, %swap3A_201], %swap3A_204 {strides = array<i32>} : memref<128x128xf32, #tpu.memory_space<vmem>>, vector<1x16xf32>,
        %get3A_205 = arith.index_cast %add3A_149 : i32 to index
        %get3A_206 = arith.constant 80 : index
        %get3A_207 = tpu.vector_load %arg9[%get3A_205, %get3A_206] {strides = array<i32>} : memref<128x128xf32, #tpu.memory_space<vmem>>, vector<1x16xf32>,
        %get3A_208 = vector.shape_cast %get3A_207 : vector<1x16xf32> to vector<16xf32>
        %mul3A_209 = vector.broadcast %squeeze3A_145 : f32 to vector<16xf32>
        %mul3A_210 = arith.mulf %get3A_208, %mul3A_209 : vector<16xf32>
        %swap3A_211 = arith.index_cast %add3A_149 : i32 to index
        %swap3A_212 = arith.constant 80 : index
        %swap3A_213 = tpu.vector_load %arg9[%swap3A_211, %swap3A_212] {strides = array<i32>} : memref<128x128xf32, #tpu.memory_space<vmem>>, vector<1x16xf32>,
        %swap3A_214 = vector.shape_cast %swap3A_213 : vector<1x16xf32> to vector<16xf32>
        %swap3A_215 = vector.shape_cast %mul3A_210 : vector<16xf32> to vector<1x16xf32>
        tpu.vector_store %arg9[%swap3A_211, %swap3A_212], %swap3A_215 {strides = array<i32>} : memref<128x128xf32, #tpu.memory_space<vmem>>, vector<1x16xf32>,
        %get3A_216 = arith.index_cast %add3A_149 : i32 to index
        %get3A_217 = arith.constant 96 : index
        %get3A_218 = tpu.vector_load %arg9[%get3A_216, %get3A_217] {strides = array<i32>} : memref<128x128xf32, #tpu.memory_space<vmem>>, vector<1x16xf32>,
        %get3A_219 = vector.shape_cast %get3A_218 : vector<1x16xf32> to vector<16xf32>
        %mul3A_220 = vector.broadcast %squeeze3A_145 : f32 to vector<16xf32>
        %mul3A_221 = arith.mulf %get3A_219, %mul3A_220 : vector<16xf32>
        %swap3A_222 = arith.index_cast %add3A_149 : i32 to index
        %swap3A_223 = arith.constant 96 : index
        %swap3A_224 = tpu.vector_load %arg9[%swap3A_222, %swap3A_223] {strides = array<i32>} : memref<128x128xf32, #tpu.memory_space<vmem>>, vector<1x16xf32>,
        %swap3A_225 = vector.shape_cast %swap3A_224 : vector<1x16xf32> to vector<16xf32>
        %swap3A_226 = vector.shape_cast %mul3A_221 : vector<16xf32> to vector<1x16xf32>
        tpu.vector_store %arg9[%swap3A_222, %swap3A_223], %swap3A_226 {strides = array<i32>} : memref<128x128xf32, #tpu.memory_space<vmem>>, vector<1x16xf32>,
        %get3A_227 = arith.index_cast %add3A_149 : i32 to index
        %get3A_228 = arith.constant 112 : index
        %get3A_229 = tpu.vector_load %arg9[%get3A_227, %get3A_228] {strides = array<i32>} : memref<128x128xf32, #tpu.memory_space<vmem>>, vector<1x16xf32>,
        %get3A_230 = vector.shape_cast %get3A_229 : vector<1x16xf32> to vector<16xf32>
        %mul3A_231 = vector.broadcast %squeeze3A_145 : f32 to vector<16xf32>
        %mul3A_232 = arith.mulf %get3A_230, %mul3A_231 : vector<16xf32>
        %swap3A_233 = arith.index_cast %add3A_149 : i32 to index
        %swap3A_234 = arith.constant 112 : index
        %swap3A_235 = tpu.vector_load %arg9[%swap3A_233, %swap3A_234] {strides = array<i32>} : memref<128x128xf32, #tpu.memory_space<vmem>>, vector<1x16xf32>,
        %swap3A_236 = vector.shape_cast %swap3A_235 : vector<1x16xf32> to vector<16xf32>
        %swap3A_237 = vector.shape_cast %mul3A_232 : vector<16xf32> to vector<1x16xf32>
        tpu.vector_store %arg9[%swap3A_233, %swap3A_234], %swap3A_237 {strides = array<i32>} : memref<128x128xf32, #tpu.memory_space<vmem>>, vector<1x16xf32>,
        %slice3A_238 = vector.extract_strided_slice %get3A_52 {offsets = [2], sizes = [1], strides = [1]} : vector<16xf32> to vector<1xf32>
        %squeeze3A_239 = vector.extract %slice3A_238[0] : f32 from vector<1xf32>
        %mul3A_240 = arith.constant 16 : i32
        %mul3A_241 = arith.muli %scan3A_48, %mul3A_240 : i32
        %add3A_242 = arith.constant 2 : i32
        %add3A_243 = arith.addi %mul3A_241, %add3A_242 : i32
        %get3A_244 = arith.index_cast %add3A_243 : i32 to index
        %get3A_245 = arith.constant 0 : index
        %get3A_246 = tpu.vector_load %arg9[%get3A_244, %get3A_245] {strides = array<i32>} : memref<128x128xf32, #tpu.memory_space<vmem>>, vector<1x16xf32>,
        %get3A_247 = vector.shape_cast %get3A_246 : vector<1x16xf32> to vector<16xf32>
        %mul3A_248 = vector.broadcast %squeeze3A_239 : f32 to vector<16xf32>
        %mul3A_249 = arith.mulf %get3A_247, %mul3A_248 : vector<16xf32>
        %swap3A_250 = arith.index_cast %add3A_243 : i32 to index
        %swap3A_251 = arith.constant 0 : index
        %swap3A_252 = tpu.vector_load %arg9[%swap3A_250, %swap3A_251] {strides = array<i32>} : memref<128x128xf32, #tpu.memory_space<vmem>>, vector<1x16xf32>,
        %swap3A_253 = vector.shape_cast %swap3A_252 : vector<1x16xf32> to vector<16xf32>
        %swap3A_254 = vector.shape_cast %mul3A_249 : vector<16xf32> to vector<1x16xf32>
        tpu.vector_store %arg9[%swap3A_250, %swap3A_251], %swap3A_254 {strides = array<i32>} : memref<128x128xf32, #tpu.memory_space<vmem>>, vector<1x16xf32>,
        %get3A_255 = arith.index_cast %add3A_243 : i32 to index
        %get3A_256 = arith.constant 16 : index
        %get3A_257 = tpu.vector_load %arg9[%get3A_255, %get3A_256] {strides = array<i32>} : memref<128x128xf32, #tpu.memory_space<vmem>>, vector<1x16xf32>,
        %get3A_258 = vector.shape_cast %get3A_257 : vector<1x16xf32> to vector<16xf32>
        %mul3A_259 = vector.broadcast %squeeze3A_239 : f32 to vector<16xf32>
        %mul3A_260 = arith.mulf %get3A_258, %mul3A_259 : vector<16xf32>
        %swap3A_261 = arith.index_cast %add3A_243 : i32 to index
        %swap3A_262 = arith.constant 16 : index
        %swap3A_263 = tpu.vector_load %arg9[%swap3A_261, %swap3A_262] {strides = array<i32>} : memref<128x128xf32, #tpu.memory_space<vmem>>, vector<1x16xf32>,
        %swap3A_264 = vector.shape_cast %swap3A_263 : vector<1x16xf32> to vector<16xf32>
        %swap3A_265 = vector.shape_cast %mul3A_260 : vector<16xf32> to vector<1x16xf32>
        tpu.vector_store %arg9[%swap3A_261, %swap3A_262], %swap3A_265 {strides = array<i32>} : memref<128x128xf32, #tpu.memory_space<vmem>>, vector<1x16xf32>,
        %get3A_266 = arith.index_cast %add3A_243 : i32 to index
        %get3A_267 = arith.constant 32 : index
        %get3A_268 = tpu.vector_load %arg9[%get3A_266, %get3A_267] {strides = array<i32>} : memref<128x128xf32, #tpu.memory_space<vmem>>, vector<1x16xf32>,
        %get3A_269 = vector.shape_cast %get3A_268 : vector<1x16xf32> to vector<16xf32>
        %mul3A_270 = vector.broadcast %squeeze3A_239 : f32 to vector<16xf32>
        %mul3A_271 = arith.mulf %get3A_269, %mul3A_270 : vector<16xf32>
        %swap3A_272 = arith.index_cast %add3A_243 : i32 to index
        %swap3A_273 = arith.constant 32 : index
        %swap3A_274 = tpu.vector_load %arg9[%swap3A_272, %swap3A_273] {strides = array<i32>} : memref<128x128xf32, #tpu.memory_space<vmem>>, vector<1x16xf32>,
        %swap3A_275 = vector.shape_cast %swap3A_274 : vector<1x16xf32> to vector<16xf32>
        %swap3A_276 = vector.shape_cast %mul3A_271 : vector<16xf32> to vector<1x16xf32>
        tpu.vector_store %arg9[%swap3A_272, %swap3A_273], %swap3A_276 {strides = array<i32>} : memref<128x128xf32, #tpu.memory_space<vmem>>, vector<1x16xf32>,
        %get3A_277 = arith.index_cast %add3A_243 : i32 to index
        %get3A_278 = arith.constant 48 : index
        %get3A_279 = tpu.vector_load %arg9[%get3A_277, %get3A_278] {strides = array<i32>} : memref<128x128xf32, #tpu.memory_space<vmem>>, vector<1x16xf32>,
        %get3A_280 = vector.shape_cast %get3A_279 : vector<1x16xf32> to vector<16xf32>
        %mul3A_281 = vector.broadcast %squeeze3A_239 : f32 to vector<16xf32>
        %mul3A_282 = arith.mulf %get3A_280, %mul3A_281 : vector<16xf32>
        %swap3A_283 = arith.index_cast %add3A_243 : i32 to index
        %swap3A_284 = arith.constant 48 : index
        %swap3A_285 = tpu.vector_load %arg9[%swap3A_283, %swap3A_284] {strides = array<i32>} : memref<128x128xf32, #tpu.memory_space<vmem>>, vector<1x16xf32>,
        %swap3A_286 = vector.shape_cast %swap3A_285 : vector<1x16xf32> to vector<16xf32>
        %swap3A_287 = vector.shape_cast %mul3A_282 : vector<16xf32> to vector<1x16xf32>
        tpu.vector_store %arg9[%swap3A_283, %swap3A_284], %swap3A_287 {strides = array<i32>} : memref<128x128xf32, #tpu.memory_space<vmem>>, vector<1x16xf32>,
        %get3A_288 = arith.index_cast %add3A_243 : i32 to index
        %get3A_289 = arith.constant 64 : index
        %get3A_290 = tpu.vector_load %arg9[%get3A_288, %get3A_289] {strides = array<i32>} : memref<128x128xf32, #tpu.memory_space<vmem>>, vector<1x16xf32>,
        %get3A_291 = vector.shape_cast %get3A_290 : vector<1x16xf32> to vector<16xf32>
        %mul3A_292 = vector.broadcast %squeeze3A_239 : f32 to vector<16xf32>
        %mul3A_293 = arith.mulf %get3A_291, %mul3A_292 : vector<16xf32>
        %swap3A_294 = arith.index_cast %add3A_243 : i32 to index
        %swap3A_295 = arith.constant 64 : index
        %swap3A_296 = tpu.vector_load %arg9[%swap3A_294, %swap3A_295] {strides = array<i32>} : memref<128x128xf32, #tpu.memory_space<vmem>>, vector<1x16xf32>,
        %swap3A_297 = vector.shape_cast %swap3A_296 : vector<1x16xf32> to vector<16xf32>
        %swap3A_298 = vector.shape_cast %mul3A_293 : vector<16xf32> to vector<1x16xf32>
        tpu.vector_store %arg9[%swap3A_294, %swap3A_295], %swap3A_298 {strides = array<i32>} : memref<128x128xf32, #tpu.memory_space<vmem>>, vector<1x16xf32>,
        %get3A_299 = arith.index_cast %add3A_243 : i32 to index
        %get3A_300 = arith.constant 80 : index
        %get3A_301 = tpu.vector_load %arg9[%get3A_299, %get3A_300] {strides = array<i32>} : memref<128x128xf32, #tpu.memory_space<vmem>>, vector<1x16xf32>,
        %get3A_302 = vector.shape_cast %get3A_301 : vector<1x16xf32> to vector<16xf32>
        %mul3A_303 = vector.broadcast %squeeze3A_239 : f32 to vector<16xf32>
        %mul3A_304 = arith.mulf %get3A_302, %mul3A_303 : vector<16xf32>
        %swap3A_305 = arith.index_cast %add3A_243 : i32 to index
        %swap3A_306 = arith.constant 80 : index
        %swap3A_307 = tpu.vector_load %arg9[%swap3A_305, %swap3A_306] {strides = array<i32>} : memref<128x128xf32, #tpu.memory_space<vmem>>, vector<1x16xf32>,
        %swap3A_308 = vector.shape_cast %swap3A_307 : vector<1x16xf32> to vector<16xf32>
        %swap3A_309 = vector.shape_cast %mul3A_304 : vector<16xf32> to vector<1x16xf32>
        tpu.vector_store %arg9[%swap3A_305, %swap3A_306], %swap3A_309 {strides = array<i32>} : memref<128x128xf32, #tpu.memory_space<vmem>>, vector<1x16xf32>,
        %get3A_310 = arith.index_cast %add3A_243 : i32 to index
        %get3A_311 = arith.constant 96 : index
        %get3A_312 = tpu.vector_load %arg9[%get3A_310, %get3A_311] {strides = array<i32>} : memref<128x128xf32, #tpu.memory_space<vmem>>, vector<1x16xf32>,
        %get3A_313 = vector.shape_cast %get3A_312 : vector<1x16xf32> to vector<16xf32>
        %mul3A_314 = vector.broadcast %squeeze3A_239 : f32 to vector<16xf32>
        %mul3A_315 = arith.mulf %get3A_313, %mul3A_314 : vector<16xf32>
        %swap3A_316 = arith.index_cast %add3A_243 : i32 to index
        %swap3A_317 = arith.constant 96 : index
        %swap3A_318 = tpu.vector_load %arg9[%swap3A_316, %swap3A_317] {strides = array<i32>} : memref<128x128xf32, #tpu.memory_space<vmem>>, vector<1x16xf32>,
        %swap3A_319 = vector.shape_cast %swap3A_318 : vector<1x16xf32> to vector<16xf32>
        %swap3A_320 = vector.shape_cast %mul3A_315 : vector<16xf32> to vector<1x16xf32>
        tpu.vector_store %arg9[%swap3A_316, %swap3A_317], %swap3A_320 {strides = array<i32>} : memref<128x128xf32, #tpu.memory_space<vmem>>, vector<1x16xf32>,
        %get3A_321 = arith.index_cast %add3A_243 : i32 to index
        %get3A_322 = arith.constant 112 : index
        %get3A_323 = tpu.vector_load %arg9[%get3A_321, %get3A_322] {strides = array<i32>} : memref<128x128xf32, #tpu.memory_space<vmem>>, vector<1x16xf32>,
        %get3A_324 = vector.shape_cast %get3A_323 : vector<1x16xf32> to vector<16xf32>
        %mul3A_325 = vector.broadcast %squeeze3A_239 : f32 to vector<16xf32>
        %mul3A_326 = arith.mulf %get3A_324, %mul3A_325 : vector<16xf32>
        %swap3A_327 = arith.index_cast %add3A_243 : i32 to index
        %swap3A_328 = arith.constant 112 : index
        %swap3A_329 = tpu.vector_load %arg9[%swap3A_327, %swap3A_328] {strides = array<i32>} : memref<128x128xf32, #tpu.memory_space<vmem>>, vector<1x16xf32>,
        %swap3A_330 = vector.shape_cast %swap3A_329 : vector<1x16xf32> to vector<16xf32>
        %swap3A_331 = vector.shape_cast %mul3A_326 : vector<16xf32> to vector<1x16xf32>
        tpu.vector_store %arg9[%swap3A_327, %swap3A_328], %swap3A_331 {strides = array<i32>} : memref<128x128xf32, #tpu.memory_space<vmem>>, vector<1x16xf32>,
        %slice3A_332 = vector.extract_strided_slice %get3A_52 {offsets = [3], sizes = [1], strides = [1]} : vector<16xf32> to vector<1xf32>
        %squeeze3A_333 = vector.extract %slice3A_332[0] : f32 from vector<1xf32>
        %mul3A_334 = arith.constant 16 : i32
        %mul3A_335 = arith.muli %scan3A_48, %mul3A_334 : i32
        %add3A_336 = arith.constant 3 : i32
        %add3A_337 = arith.addi %mul3A_335, %add3A_336 : i32
        %get3A_338 = arith.index_cast %add3A_337 : i32 to index
        %get3A_339 = arith.constant 0 : index
        %get3A_340 = tpu.vector_load %arg9[%get3A_338, %get3A_339] {strides = array<i32>} : memref<128x128xf32, #tpu.memory_space<vmem>>, vector<1x16xf32>,
        %get3A_341 = vector.shape_cast %get3A_340 : vector<1x16xf32> to vector<16xf32>
        %mul3A_342 = vector.broadcast %squeeze3A_333 : f32 to vector<16xf32>
        %mul3A_343 = arith.mulf %get3A_341, %mul3A_342 : vector<16xf32>
        %swap3A_344 = arith.index_cast %add3A_337 : i32 to index
        %swap3A_345 = arith.constant 0 : index
        %swap3A_346 = tpu.vector_load %arg9[%swap3A_344, %swap3A_345] {strides = array<i32>} : memref<128x128xf32, #tpu.memory_space<vmem>>, vector<1x16xf32>,
        %swap3A_347 = vector.shape_cast %swap3A_346 : vector<1x16xf32> to vector<16xf32>
        %swap3A_348 = vector.shape_cast %mul3A_343 : vector<16xf32> to vector<1x16xf32>
        tpu.vector_store %arg9[%swap3A_344, %swap3A_345], %swap3A_348 {strides = array<i32>} : memref<128x128xf32, #tpu.memory_space<vmem>>, vector<1x16xf32>,
        %get3A_349 = arith.index_cast %add3A_337 : i32 to index
        %get3A_350 = arith.constant 16 : index
        %get3A_351 = tpu.vector_load %arg9[%get3A_349, %get3A_350] {strides = array<i32>} : memref<128x128xf32, #tpu.memory_space<vmem>>, vector<1x16xf32>,
        %get3A_352 = vector.shape_cast %get3A_351 : vector<1x16xf32> to vector<16xf32>
        %mul3A_353 = vector.broadcast %squeeze3A_333 : f32 to vector<16xf32>
        %mul3A_354 = arith.mulf %get3A_352, %mul3A_353 : vector<16xf32>
        %swap3A_355 = arith.index_cast %add3A_337 : i32 to index
        %swap3A_356 = arith.constant 16 : index
        %swap3A_357 = tpu.vector_load %arg9[%swap3A_355, %swap3A_356] {strides = array<i32>} : memref<128x128xf32, #tpu.memory_space<vmem>>, vector<1x16xf32>,
        %swap3A_358 = vector.shape_cast %swap3A_357 : vector<1x16xf32> to vector<16xf32>
        %swap3A_359 = vector.shape_cast %mul3A_354 : vector<16xf32> to vector<1x16xf32>
        tpu.vector_store %arg9[%swap3A_355, %swap3A_356], %swap3A_359 {strides = array<i32>} : memref<128x128xf32, #tpu.memory_space<vmem>>, vector<1x16xf32>,
        %get3A_360 = arith.index_cast %add3A_337 : i32 to index
        %get3A_361 = arith.constant 32 : index
        %get3A_362 = tpu.vector_load %arg9[%get3A_360, %get3A_361] {strides = array<i32>} : memref<128x128xf32, #tpu.memory_space<vmem>>, vector<1x16xf32>,
        %get3A_363 = vector.shape_cast %get3A_362 : vector<1x16xf32> to vector<16xf32>
        %mul3A_364 = vector.broadcast %squeeze3A_333 : f32 to vector<16xf32>
        %mul3A_365 = arith.mulf %get3A_363, %mul3A_364 : vector<16xf32>
        %swap3A_366 = arith.index_cast %add3A_337 : i32 to index
        %swap3A_367 = arith.constant 32 : index
        %swap3A_368 = tpu.vector_load %arg9[%swap3A_366, %swap3A_367] {strides = array<i32>} : memref<128x128xf32, #tpu.memory_space<vmem>>, vector<1x16xf32>,
        %swap3A_369 = vector.shape_cast %swap3A_368 : vector<1x16xf32> to vector<16xf32>
        %swap3A_370 = vector.shape_cast %mul3A_365 : vector<16xf32> to vector<1x16xf32>
        tpu.vector_store %arg9[%swap3A_366, %swap3A_367], %swap3A_370 {strides = array<i32>} : memref<128x128xf32, #tpu.memory_space<vmem>>, vector<1x16xf32>,
        %get3A_371 = arith.index_cast %add3A_337 : i32 to index
        %get3A_372 = arith.constant 48 : index
        %get3A_373 = tpu.vector_load %arg9[%get3A_371, %get3A_372] {strides = array<i32>} : memref<128x128xf32, #tpu.memory_space<vmem>>, vector<1x16xf32>,
        %get3A_374 = vector.shape_cast %get3A_373 : vector<1x16xf32> to vector<16xf32>
        %mul3A_375 = vector.broadcast %squeeze3A_333 : f32 to vector<16xf32>
        %mul3A_376 = arith.mulf %get3A_374, %mul3A_375 : vector<16xf32>
        %swap3A_377 = arith.index_cast %add3A_337 : i32 to index
        %swap3A_378 = arith.constant 48 : index
        %swap3A_379 = tpu.vector_load %arg9[%swap3A_377, %swap3A_378] {strides = array<i32>} : memref<128x128xf32, #tpu.memory_space<vmem>>, vector<1x16xf32>,
        %swap3A_380 = vector.shape_cast %swap3A_379 : vector<1x16xf32> to vector<16xf32>
        %swap3A_381 = vector.shape_cast %mul3A_376 : vector<16xf32> to vector<1x16xf32>
        tpu.vector_store %arg9[%swap3A_377, %swap3A_378], %swap3A_381 {strides = array<i32>} : memref<128x128xf32, #tpu.memory_space<vmem>>, vector<1x16xf32>,
        %get3A_382 = arith.index_cast %add3A_337 : i32 to index
        %get3A_383 = arith.constant 64 : index
        %get3A_384 = tpu.vector_load %arg9[%get3A_382, %get3A_383] {strides = array<i32>} : memref<128x128xf32, #tpu.memory_space<vmem>>, vector<1x16xf32>,
        %get3A_385 = vector.shape_cast %get3A_384 : vector<1x16xf32> to vector<16xf32>
        %mul3A_386 = vector.broadcast %squeeze3A_333 : f32 to vector<16xf32>
        %mul3A_387 = arith.mulf %get3A_385, %mul3A_386 : vector<16xf32>
        %swap3A_388 = arith.index_cast %add3A_337 : i32 to index
        %swap3A_389 = arith.constant 64 : index
        %swap3A_390 = tpu.vector_load %arg9[%swap3A_388, %swap3A_389] {strides = array<i32>} : memref<128x128xf32, #tpu.memory_space<vmem>>, vector<1x16xf32>,
        %swap3A_391 = vector.shape_cast %swap3A_390 : vector<1x16xf32> to vector<16xf32>
        %swap3A_392 = vector.shape_cast %mul3A_387 : vector<16xf32> to vector<1x16xf32>
        tpu.vector_store %arg9[%swap3A_388, %swap3A_389], %swap3A_392 {strides = array<i32>} : memref<128x128xf32, #tpu.memory_space<vmem>>, vector<1x16xf32>,
        %get3A_393 = arith.index_cast %add3A_337 : i32 to index
        %get3A_394 = arith.constant 80 : index
        %get3A_395 = tpu.vector_load %arg9[%get3A_393, %get3A_394] {strides = array<i32>} : memref<128x128xf32, #tpu.memory_space<vmem>>, vector<1x16xf32>,
        %get3A_396 = vector.shape_cast %get3A_395 : vector<1x16xf32> to vector<16xf32>
        %mul3A_397 = vector.broadcast %squeeze3A_333 : f32 to vector<16xf32>
        %mul3A_398 = arith.mulf %get3A_396, %mul3A_397 : vector<16xf32>
        %swap3A_399 = arith.index_cast %add3A_337 : i32 to index
        %swap3A_400 = arith.constant 80 : index
        %swap3A_401 = tpu.vector_load %arg9[%swap3A_399, %swap3A_400] {strides = array<i32>} : memref<128x128xf32, #tpu.memory_space<vmem>>, vector<1x16xf32>,
        %swap3A_402 = vector.shape_cast %swap3A_401 : vector<1x16xf32> to vector<16xf32>
        %swap3A_403 = vector.shape_cast %mul3A_398 : vector<16xf32> to vector<1x16xf32>
        tpu.vector_store %arg9[%swap3A_399, %swap3A_400], %swap3A_403 {strides = array<i32>} : memref<128x128xf32, #tpu.memory_space<vmem>>, vector<1x16xf32>,
        %get3A_404 = arith.index_cast %add3A_337 : i32 to index
        %get3A_405 = arith.constant 96 : index
        %get3A_406 = tpu.vector_load %arg9[%get3A_404, %get3A_405] {strides = array<i32>} : memref<128x128xf32, #tpu.memory_space<vmem>>, vector<1x16xf32>,
        %get3A_407 = vector.shape_cast %get3A_406 : vector<1x16xf32> to vector<16xf32>
        %mul3A_408 = vector.broadcast %squeeze3A_333 : f32 to vector<16xf32>
        %mul3A_409 = arith.mulf %get3A_407, %mul3A_408 : vector<16xf32>
        %swap3A_410 = arith.index_cast %add3A_337 : i32 to index
        %swap3A_411 = arith.constant 96 : index
        %swap3A_412 = tpu.vector_load %arg9[%swap3A_410, %swap3A_411] {strides = array<i32>} : memref<128x128xf32, #tpu.memory_space<vmem>>, vector<1x16xf32>,
        %swap3A_413 = vector.shape_cast %swap3A_412 : vector<1x16xf32> to vector<16xf32>
        %swap3A_414 = vector.shape_cast %mul3A_409 : vector<16xf32> to vector<1x16xf32>
        tpu.vector_store %arg9[%swap3A_410, %swap3A_411], %swap3A_414 {strides = array<i32>} : memref<128x128xf32, #tpu.memory_space<vmem>>, vector<1x16xf32>,
        %get3A_415 = arith.index_cast %add3A_337 : i32 to index
        %get3A_416 = arith.constant 112 : index
        %get3A_417 = tpu.vector_load %arg9[%get3A_415, %get3A_416] {strides = array<i32>} : memref<128x128xf32, #tpu.memory_space<vmem>>, vector<1x16xf32>,
        %get3A_418 = vector.shape_cast %get3A_417 : vector<1x16xf32> to vector<16xf32>
        %mul3A_419 = vector.broadcast %squeeze3A_333 : f32 to vector<16xf32>
        %mul3A_420 = arith.mulf %get3A_418, %mul3A_419 : vector<16xf32>
        %swap3A_421 = arith.index_cast %add3A_337 : i32 to index
        %swap3A_422 = arith.constant 112 : index
        %swap3A_423 = tpu.vector_load %arg9[%swap3A_421, %swap3A_422] {strides = array<i32>} : memref<128x128xf32, #tpu.memory_space<vmem>>, vector<1x16xf32>,
        %swap3A_424 = vector.shape_cast %swap3A_423 : vector<1x16xf32> to vector<16xf32>
        %swap3A_425 = vector.shape_cast %mul3A_420 : vector<16xf32> to vector<1x16xf32>
        tpu.vector_store %arg9[%swap3A_421, %swap3A_422], %swap3A_425 {strides = array<i32>} : memref<128x128xf32, #tpu.memory_space<vmem>>, vector<1x16xf32>,
        %slice3A_426 = vector.extract_strided_slice %get3A_52 {offsets = [4], sizes = [1], strides = [1]} : vector<16xf32> to vector<1xf32>
        %squeeze3A_427 = vector.extract %slice3A_426[0] : f32 from vector<1xf32>
        %mul3A_428 = arith.constant 16 : i32
        %mul3A_429 = arith.muli %scan3A_48, %mul3A_428 : i32
        %add3A_430 = arith.constant 4 : i32
        %add3A_431 = arith.addi %mul3A_429, %add3A_430 : i32
        %get3A_432 = arith.index_cast %add3A_431 : i32 to index
        %get3A_433 = arith.constant 0 : index
        %get3A_434 = tpu.vector_load %arg9[%get3A_432, %get3A_433] {strides = array<i32>} : memref<128x128xf32, #tpu.memory_space<vmem>>, vector<1x16xf32>,
        %get3A_435 = vector.shape_cast %get3A_434 : vector<1x16xf32> to vector<16xf32>
        %mul3A_436 = vector.broadcast %squeeze3A_427 : f32 to vector<16xf32>
        %mul3A_437 = arith.mulf %get3A_435, %mul3A_436 : vector<16xf32>
        %swap3A_438 = arith.index_cast %add3A_431 : i32 to index
        %swap3A_439 = arith.constant 0 : index
        %swap3A_440 = tpu.vector_load %arg9[%swap3A_438, %swap3A_439] {strides = array<i32>} : memref<128x128xf32, #tpu.memory_space<vmem>>, vector<1x16xf32>,
        %swap3A_441 = vector.shape_cast %swap3A_440 : vector<1x16xf32> to vector<16xf32>
        %swap3A_442 = vector.shape_cast %mul3A_437 : vector<16xf32> to vector<1x16xf32>
        tpu.vector_store %arg9[%swap3A_438, %swap3A_439], %swap3A_442 {strides = array<i32>} : memref<128x128xf32, #tpu.memory_space<vmem>>, vector<1x16xf32>,
        %get3A_443 = arith.index_cast %add3A_431 : i32 to index
        %get3A_444 = arith.constant 16 : index
        %get3A_445 = tpu.vector_load %arg9[%get3A_443, %get3A_444] {strides = array<i32>} : memref<128x128xf32, #tpu.memory_space<vmem>>, vector<1x16xf32>,
        %get3A_446 = vector.shape_cast %get3A_445 : vector<1x16xf32> to vector<16xf32>
        %mul3A_447 = vector.broadcast %squeeze3A_427 : f32 to vector<16xf32>
        %mul3A_448 = arith.mulf %get3A_446, %mul3A_447 : vector<16xf32>
        %swap3A_449 = arith.index_cast %add3A_431 : i32 to index
        %swap3A_450 = arith.constant 16 : index
        %swap3A_451 = tpu.vector_load %arg9[%swap3A_449, %swap3A_450] {strides = array<i32>} : memref<128x128xf32, #tpu.memory_space<vmem>>, vector<1x16xf32>,
        %swap3A_452 = vector.shape_cast %swap3A_451 : vector<1x16xf32> to vector<16xf32>
        %swap3A_453 = vector.shape_cast %mul3A_448 : vector<16xf32> to vector<1x16xf32>
        tpu.vector_store %arg9[%swap3A_449, %swap3A_450], %swap3A_453 {strides = array<i32>} : memref<128x128xf32, #tpu.memory_space<vmem>>, vector<1x16xf32>,
        %get3A_454 = arith.index_cast %add3A_431 : i32 to index
        %get3A_455 = arith.constant 32 : index
        %get3A_456 = tpu.vector_load %arg9[%get3A_454, %get3A_455] {strides = array<i32>} : memref<128x128xf32, #tpu.memory_space<vmem>>, vector<1x16xf32>,
        %get3A_457 = vector.shape_cast %get3A_456 : vector<1x16xf32> to vector<16xf32>
        %mul3A_458 = vector.broadcast %squeeze3A_427 : f32 to vector<16xf32>
        %mul3A_459 = arith.mulf %get3A_457, %mul3A_458 : vector<16xf32>
        %swap3A_460 = arith.index_cast %add3A_431 : i32 to index
        %swap3A_461 = arith.constant 32 : index
        %swap3A_462 = tpu.vector_load %arg9[%swap3A_460, %swap3A_461] {strides = array<i32>} : memref<128x128xf32, #tpu.memory_space<vmem>>, vector<1x16xf32>,
        %swap3A_463 = vector.shape_cast %swap3A_462 : vector<1x16xf32> to vector<16xf32>
        %swap3A_464 = vector.shape_cast %mul3A_459 : vector<16xf32> to vector<1x16xf32>
        tpu.vector_store %arg9[%swap3A_460, %swap3A_461], %swap3A_464 {strides = array<i32>} : memref<128x128xf32, #tpu.memory_space<vmem>>, vector<1x16xf32>,
        %get3A_465 = arith.index_cast %add3A_431 : i32 to index
        %get3A_466 = arith.constant 48 : index
        %get3A_467 = tpu.vector_load %arg9[%get3A_465, %get3A_466] {strides = array<i32>} : memref<128x128xf32, #tpu.memory_space<vmem>>, vector<1x16xf32>,
        %get3A_468 = vector.shape_cast %get3A_467 : vector<1x16xf32> to vector<16xf32>
        %mul3A_469 = vector.broadcast %squeeze3A_427 : f32 to vector<16xf32>
        %mul3A_470 = arith.mulf %get3A_468, %mul3A_469 : vector<16xf32>
        %swap3A_471 = arith.index_cast %add3A_431 : i32 to index
        %swap3A_472 = arith.constant 48 : index
        %swap3A_473 = tpu.vector_load %arg9[%swap3A_471, %swap3A_472] {strides = array<i32>} : memref<128x128xf32, #tpu.memory_space<vmem>>, vector<1x16xf32>,
        %swap3A_474 = vector.shape_cast %swap3A_473 : vector<1x16xf32> to vector<16xf32>
        %swap3A_475 = vector.shape_cast %mul3A_470 : vector<16xf32> to vector<1x16xf32>
        tpu.vector_store %arg9[%swap3A_471, %swap3A_472], %swap3A_475 {strides = array<i32>} : memref<128x128xf32, #tpu.memory_space<vmem>>, vector<1x16xf32>,
        %get3A_476 = arith.index_cast %add3A_431 : i32 to index
        %get3A_477 = arith.constant 64 : index
        %get3A_478 = tpu.vector_load %arg9[%get3A_476, %get3A_477] {strides = array<i32>} : memref<128x128xf32, #tpu.memory_space<vmem>>, vector<1x16xf32>,
        %get3A_479 = vector.shape_cast %get3A_478 : vector<1x16xf32> to vector<16xf32>
        %mul3A_480 = vector.broadcast %squeeze3A_427 : f32 to vector<16xf32>
        %mul3A_481 = arith.mulf %get3A_479, %mul3A_480 : vector<16xf32>
        %swap3A_482 = arith.index_cast %add3A_431 : i32 to index
        %swap3A_483 = arith.constant 64 : index
        %swap3A_484 = tpu.vector_load %arg9[%swap3A_482, %swap3A_483] {strides = array<i32>} : memref<128x128xf32, #tpu.memory_space<vmem>>, vector<1x16xf32>,
        %swap3A_485 = vector.shape_cast %swap3A_484 : vector<1x16xf32> to vector<16xf32>
        %swap3A_486 = vector.shape_cast %mul3A_481 : vector<16xf32> to vector<1x16xf32>
        tpu.vector_store %arg9[%swap3A_482, %swap3A_483], %swap3A_486 {strides = array<i32>} : memref<128x128xf32, #tpu.memory_space<vmem>>, vector<1x16xf32>,
        %get3A_487 = arith.index_cast %add3A_431 : i32 to index
        %get3A_488 = arith.constant 80 : index
        %get3A_489 = tpu.vector_load %arg9[%get3A_487, %get3A_488] {strides = array<i32>} : memref<128x128xf32, #tpu.memory_space<vmem>>, vector<1x16xf32>,
        %get3A_490 = vector.shape_cast %get3A_489 : vector<1x16xf32> to vector<16xf32>
        %mul3A_491 = vector.broadcast %squeeze3A_427 : f32 to vector<16xf32>
        %mul3A_492 = arith.mulf %get3A_490, %mul3A_491 : vector<16xf32>
        %swap3A_493 = arith.index_cast %add3A_431 : i32 to index
        %swap3A_494 = arith.constant 80 : index
        %swap3A_495 = tpu.vector_load %arg9[%swap3A_493, %swap3A_494] {strides = array<i32>} : memref<128x128xf32, #tpu.memory_space<vmem>>, vector<1x16xf32>,
        %swap3A_496 = vector.shape_cast %swap3A_495 : vector<1x16xf32> to vector<16xf32>
        %swap3A_497 = vector.shape_cast %mul3A_492 : vector<16xf32> to vector<1x16xf32>
        tpu.vector_store %arg9[%swap3A_493, %swap3A_494], %swap3A_497 {strides = array<i32>} : memref<128x128xf32, #tpu.memory_space<vmem>>, vector<1x16xf32>,
        %get3A_498 = arith.index_cast %add3A_431 : i32 to index
        %get3A_499 = arith.constant 96 : index
        %get3A_500 = tpu.vector_load %arg9[%get3A_498, %get3A_499] {strides = array<i32>} : memref<128x128xf32, #tpu.memory_space<vmem>>, vector<1x16xf32>,
        %get3A_501 = vector.shape_cast %get3A_500 : vector<1x16xf32> to vector<16xf32>
        %mul3A_502 = vector.broadcast %squeeze3A_427 : f32 to vector<16xf32>
        %mul3A_503 = arith.mulf %get3A_501, %mul3A_502 : vector<16xf32>
        %swap3A_504 = arith.index_cast %add3A_431 : i32 to index
        %swap3A_505 = arith.constant 96 : index
        %swap3A_506 = tpu.vector_load %arg9[%swap3A_504, %swap3A_505] {strides = array<i32>} : memref<128x128xf32, #tpu.memory_space<vmem>>, vector<1x16xf32>,
        %swap3A_507 = vector.shape_cast %swap3A_506 : vector<1x16xf32> to vector<16xf32>
        %swap3A_508 = vector.shape_cast %mul3A_503 : vector<16xf32> to vector<1x16xf32>
        tpu.vector_store %arg9[%swap3A_504, %swap3A_505], %swap3A_508 {strides = array<i32>} : memref<128x128xf32, #tpu.memory_space<vmem>>, vector<1x16xf32>,
        %get3A_509 = arith.index_cast %add3A_431 : i32 to index
        %get3A_510 = arith.constant 112 : index
        %get3A_511 = tpu.vector_load %arg9[%get3A_509, %get3A_510] {strides = array<i32>} : memref<128x128xf32, #tpu.memory_space<vmem>>, vector<1x16xf32>,
        %get3A_512 = vector.shape_cast %get3A_511 : vector<1x16xf32> to vector<16xf32>
        %mul3A_513 = vector.broadcast %squeeze3A_427 : f32 to vector<16xf32>
        %mul3A_514 = arith.mulf %get3A_512, %mul3A_513 : vector<16xf32>
        %swap3A_515 = arith.index_cast %add3A_431 : i32 to index
        %swap3A_516 = arith.constant 112 : index
        %swap3A_517 = tpu.vector_load %arg9[%swap3A_515, %swap3A_516] {strides = array<i32>} : memref<128x128xf32, #tpu.memory_space<vmem>>, vector<1x16xf32>,
        %swap3A_518 = vector.shape_cast %swap3A_517 : vector<1x16xf32> to vector<16xf32>
        %swap3A_519 = vector.shape_cast %mul3A_514 : vector<16xf32> to vector<1x16xf32>
        tpu.vector_store %arg9[%swap3A_515, %swap3A_516], %swap3A_519 {strides = array<i32>} : memref<128x128xf32, #tpu.memory_space<vmem>>, vector<1x16xf32>,
        %slice3A_520 = vector.extract_strided_slice %get3A_52 {offsets = [5], sizes = [1], strides = [1]} : vector<16xf32> to vector<1xf32>
        %squeeze3A_521 = vector.extract %slice3A_520[0] : f32 from vector<1xf32>
        %mul3A_522 = arith.constant 16 : i32
        %mul3A_523 = arith.muli %scan3A_48, %mul3A_522 : i32
        %add3A_524 = arith.constant 5 : i32
        %add3A_525 = arith.addi %mul3A_523, %add3A_524 : i32
        %get3A_526 = arith.index_cast %add3A_525 : i32 to index
        %get3A_527 = arith.constant 0 : index
        %get3A_528 = tpu.vector_load %arg9[%get3A_526, %get3A_527] {strides = array<i32>} : memref<128x128xf32, #tpu.memory_space<vmem>>, vector<1x16xf32>,
        %get3A_529 = vector.shape_cast %get3A_528 : vector<1x16xf32> to vector<16xf32>
        %mul3A_530 = vector.broadcast %squeeze3A_521 : f32 to vector<16xf32>
        %mul3A_531 = arith.mulf %get3A_529, %mul3A_530 : vector<16xf32>
        %swap3A_532 = arith.index_cast %add3A_525 : i32 to index
        %swap3A_533 = arith.constant 0 : index
        %swap3A_534 = tpu.vector_load %arg9[%swap3A_532, %swap3A_533] {strides = array<i32>} : memref<128x128xf32, #tpu.memory_space<vmem>>, vector<1x16xf32>,
        %swap3A_535 = vector.shape_cast %swap3A_534 : vector<1x16xf32> to vector<16xf32>
        %swap3A_536 = vector.shape_cast %mul3A_531 : vector<16xf32> to vector<1x16xf32>
        tpu.vector_store %arg9[%swap3A_532, %swap3A_533], %swap3A_536 {strides = array<i32>} : memref<128x128xf32, #tpu.memory_space<vmem>>, vector<1x16xf32>,
        %get3A_537 = arith.index_cast %add3A_525 : i32 to index
        %get3A_538 = arith.constant 16 : index
        %get3A_539 = tpu.vector_load %arg9[%get3A_537, %get3A_538] {strides = array<i32>} : memref<128x128xf32, #tpu.memory_space<vmem>>, vector<1x16xf32>,
        %get3A_540 = vector.shape_cast %get3A_539 : vector<1x16xf32> to vector<16xf32>
        %mul3A_541 = vector.broadcast %squeeze3A_521 : f32 to vector<16xf32>
        %mul3A_542 = arith.mulf %get3A_540, %mul3A_541 : vector<16xf32>
        %swap3A_543 = arith.index_cast %add3A_525 : i32 to index
        %swap3A_544 = arith.constant 16 : index
        %swap3A_545 = tpu.vector_load %arg9[%swap3A_543, %swap3A_544] {strides = array<i32>} : memref<128x128xf32, #tpu.memory_space<vmem>>, vector<1x16xf32>,
        %swap3A_546 = vector.shape_cast %swap3A_545 : vector<1x16xf32> to vector<16xf32>
        %swap3A_547 = vector.shape_cast %mul3A_542 : vector<16xf32> to vector<1x16xf32>
        tpu.vector_store %arg9[%swap3A_543, %swap3A_544], %swap3A_547 {strides = array<i32>} : memref<128x128xf32, #tpu.memory_space<vmem>>, vector<1x16xf32>,
        %get3A_548 = arith.index_cast %add3A_525 : i32 to index
        %get3A_549 = arith.constant 32 : index
        %get3A_550 = tpu.vector_load %arg9[%get3A_548, %get3A_549] {strides = array<i32>} : memref<128x128xf32, #tpu.memory_space<vmem>>, vector<1x16xf32>,
        %get3A_551 = vector.shape_cast %get3A_550 : vector<1x16xf32> to vector<16xf32>
        %mul3A_552 = vector.broadcast %squeeze3A_521 : f32 to vector<16xf32>
        %mul3A_553 = arith.mulf %get3A_551, %mul3A_552 : vector<16xf32>
        %swap3A_554 = arith.index_cast %add3A_525 : i32 to index
        %swap3A_555 = arith.constant 32 : index
        %swap3A_556 = tpu.vector_load %arg9[%swap3A_554, %swap3A_555] {strides = array<i32>} : memref<128x128xf32, #tpu.memory_space<vmem>>, vector<1x16xf32>,
        %swap3A_557 = vector.shape_cast %swap3A_556 : vector<1x16xf32> to vector<16xf32>
        %swap3A_558 = vector.shape_cast %mul3A_553 : vector<16xf32> to vector<1x16xf32>
        tpu.vector_store %arg9[%swap3A_554, %swap3A_555], %swap3A_558 {strides = array<i32>} : memref<128x128xf32, #tpu.memory_space<vmem>>, vector<1x16xf32>,
        %get3A_559 = arith.index_cast %add3A_525 : i32 to index
        %get3A_560 = arith.constant 48 : index
        %get3A_561 = tpu.vector_load %arg9[%get3A_559, %get3A_560] {strides = array<i32>} : memref<128x128xf32, #tpu.memory_space<vmem>>, vector<1x16xf32>,
        %get3A_562 = vector.shape_cast %get3A_561 : vector<1x16xf32> to vector<16xf32>
        %mul3A_563 = vector.broadcast %squeeze3A_521 : f32 to vector<16xf32>
        %mul3A_564 = arith.mulf %get3A_562, %mul3A_563 : vector<16xf32>
        %swap3A_565 = arith.index_cast %add3A_525 : i32 to index
        %swap3A_566 = arith.constant 48 : index
        %swap3A_567 = tpu.vector_load %arg9[%swap3A_565, %swap3A_566] {strides = array<i32>} : memref<128x128xf32, #tpu.memory_space<vmem>>, vector<1x16xf32>,
        %swap3A_568 = vector.shape_cast %swap3A_567 : vector<1x16xf32> to vector<16xf32>
        %swap3A_569 = vector.shape_cast %mul3A_564 : vector<16xf32> to vector<1x16xf32>
        tpu.vector_store %arg9[%swap3A_565, %swap3A_566], %swap3A_569 {strides = array<i32>} : memref<128x128xf32, #tpu.memory_space<vmem>>, vector<1x16xf32>,
        %get3A_570 = arith.index_cast %add3A_525 : i32 to index
        %get3A_571 = arith.constant 64 : index
        %get3A_572 = tpu.vector_load %arg9[%get3A_570, %get3A_571] {strides = array<i32>} : memref<128x128xf32, #tpu.memory_space<vmem>>, vector<1x16xf32>,
        %get3A_573 = vector.shape_cast %get3A_572 : vector<1x16xf32> to vector<16xf32>
        %mul3A_574 = vector.broadcast %squeeze3A_521 : f32 to vector<16xf32>
        %mul3A_575 = arith.mulf %get3A_573, %mul3A_574 : vector<16xf32>
        %swap3A_576 = arith.index_cast %add3A_525 : i32 to index
        %swap3A_577 = arith.constant 64 : index
        %swap3A_578 = tpu.vector_load %arg9[%swap3A_576, %swap3A_577] {strides = array<i32>} : memref<128x128xf32, #tpu.memory_space<vmem>>, vector<1x16xf32>,
        %swap3A_579 = vector.shape_cast %swap3A_578 : vector<1x16xf32> to vector<16xf32>
        %swap3A_580 = vector.shape_cast %mul3A_575 : vector<16xf32> to vector<1x16xf32>
        tpu.vector_store %arg9[%swap3A_576, %swap3A_577], %swap3A_580 {strides = array<i32>} : memref<128x128xf32, #tpu.memory_space<vmem>>, vector<1x16xf32>,
        %get3A_581 = arith.index_cast %add3A_525 : i32 to index
        %get3A_582 = arith.constant 80 : index
        %get3A_583 = tpu.vector_load %arg9[%get3A_581, %get3A_582] {strides = array<i32>} : memref<128x128xf32, #tpu.memory_space<vmem>>, vector<1x16xf32>,
        %get3A_584 = vector.shape_cast %get3A_583 : vector<1x16xf32> to vector<16xf32>
        %mul3A_585 = vector.broadcast %squeeze3A_521 : f32 to vector<16xf32>
        %mul3A_586 = arith.mulf %get3A_584, %mul3A_585 : vector<16xf32>
        %swap3A_587 = arith.index_cast %add3A_525 : i32 to index
        %swap3A_588 = arith.constant 80 : index
        %swap3A_589 = tpu.vector_load %arg9[%swap3A_587, %swap3A_588] {strides = array<i32>} : memref<128x128xf32, #tpu.memory_space<vmem>>, vector<1x16xf32>,
        %swap3A_590 = vector.shape_cast %swap3A_589 : vector<1x16xf32> to vector<16xf32>
        %swap3A_591 = vector.shape_cast %mul3A_586 : vector<16xf32> to vector<1x16xf32>
        tpu.vector_store %arg9[%swap3A_587, %swap3A_588], %swap3A_591 {strides = array<i32>} : memref<128x128xf32, #tpu.memory_space<vmem>>, vector<1x16xf32>,
        %get3A_592 = arith.index_cast %add3A_525 : i32 to index
        %get3A_593 = arith.constant 96 : index
        %get3A_594 = tpu.vector_load %arg9[%get3A_592, %get3A_593] {strides = array<i32>} : memref<128x128xf32, #tpu.memory_space<vmem>>, vector<1x16xf32>,
        %get3A_595 = vector.shape_cast %get3A_594 : vector<1x16xf32> to vector<16xf32>
        %mul3A_596 = vector.broadcast %squeeze3A_521 : f32 to vector<16xf32>
        %mul3A_597 = arith.mulf %get3A_595, %mul3A_596 : vector<16xf32>
        %swap3A_598 = arith.index_cast %add3A_525 : i32 to index
        %swap3A_599 = arith.constant 96 : index
        %swap3A_600 = tpu.vector_load %arg9[%swap3A_598, %swap3A_599] {strides = array<i32>} : memref<128x128xf32, #tpu.memory_space<vmem>>, vector<1x16xf32>,
        %swap3A_601 = vector.shape_cast %swap3A_600 : vector<1x16xf32> to vector<16xf32>
        %swap3A_602 = vector.shape_cast %mul3A_597 : vector<16xf32> to vector<1x16xf32>
        tpu.vector_store %arg9[%swap3A_598, %swap3A_599], %swap3A_602 {strides = array<i32>} : memref<128x128xf32, #tpu.memory_space<vmem>>, vector<1x16xf32>,
        %get3A_603 = arith.index_cast %add3A_525 : i32 to index
        %get3A_604 = arith.constant 112 : index
        %get3A_605 = tpu.vector_load %arg9[%get3A_603, %get3A_604] {strides = array<i32>} : memref<128x128xf32, #tpu.memory_space<vmem>>, vector<1x16xf32>,
        %get3A_606 = vector.shape_cast %get3A_605 : vector<1x16xf32> to vector<16xf32>
        %mul3A_607 = vector.broadcast %squeeze3A_521 : f32 to vector<16xf32>
        %mul3A_608 = arith.mulf %get3A_606, %mul3A_607 : vector<16xf32>
        %swap3A_609 = arith.index_cast %add3A_525 : i32 to index
        %swap3A_610 = arith.constant 112 : index
        %swap3A_611 = tpu.vector_load %arg9[%swap3A_609, %swap3A_610] {strides = array<i32>} : memref<128x128xf32, #tpu.memory_space<vmem>>, vector<1x16xf32>,
        %swap3A_612 = vector.shape_cast %swap3A_611 : vector<1x16xf32> to vector<16xf32>
        %swap3A_613 = vector.shape_cast %mul3A_608 : vector<16xf32> to vector<1x16xf32>
        tpu.vector_store %arg9[%swap3A_609, %swap3A_610], %swap3A_613 {strides = array<i32>} : memref<128x128xf32, #tpu.memory_space<vmem>>, vector<1x16xf32>,
        %slice3A_614 = vector.extract_strided_slice %get3A_52 {offsets = [6], sizes = [1], strides = [1]} : vector<16xf32> to vector<1xf32>
        %squeeze3A_615 = vector.extract %slice3A_614[0] : f32 from vector<1xf32>
        %mul3A_616 = arith.constant 16 : i32
        %mul3A_617 = arith.muli %scan3A_48, %mul3A_616 : i32
        %add3A_618 = arith.constant 6 : i32
        %add3A_619 = arith.addi %mul3A_617, %add3A_618 : i32
        %get3A_620 = arith.index_cast %add3A_619 : i32 to index
        %get3A_621 = arith.constant 0 : index
        %get3A_622 = tpu.vector_load %arg9[%get3A_620, %get3A_621] {strides = array<i32>} : memref<128x128xf32, #tpu.memory_space<vmem>>, vector<1x16xf32>,
        %get3A_623 = vector.shape_cast %get3A_622 : vector<1x16xf32> to vector<16xf32>
        %mul3A_624 = vector.broadcast %squeeze3A_615 : f32 to vector<16xf32>
        %mul3A_625 = arith.mulf %get3A_623, %mul3A_624 : vector<16xf32>
        %swap3A_626 = arith.index_cast %add3A_619 : i32 to index
        %swap3A_627 = arith.constant 0 : index
        %swap3A_628 = tpu.vector_load %arg9[%swap3A_626, %swap3A_627] {strides = array<i32>} : memref<128x128xf32, #tpu.memory_space<vmem>>, vector<1x16xf32>,
        %swap3A_629 = vector.shape_cast %swap3A_628 : vector<1x16xf32> to vector<16xf32>
        %swap3A_630 = vector.shape_cast %mul3A_625 : vector<16xf32> to vector<1x16xf32>
        tpu.vector_store %arg9[%swap3A_626, %swap3A_627], %swap3A_630 {strides = array<i32>} : memref<128x128xf32, #tpu.memory_space<vmem>>, vector<1x16xf32>,
        %get3A_631 = arith.index_cast %add3A_619 : i32 to index
        %get3A_632 = arith.constant 16 : index
        %get3A_633 = tpu.vector_load %arg9[%get3A_631, %get3A_632] {strides = array<i32>} : memref<128x128xf32, #tpu.memory_space<vmem>>, vector<1x16xf32>,
        %get3A_634 = vector.shape_cast %get3A_633 : vector<1x16xf32> to vector<16xf32>
        %mul3A_635 = vector.broadcast %squeeze3A_615 : f32 to vector<16xf32>
        %mul3A_636 = arith.mulf %get3A_634, %mul3A_635 : vector<16xf32>
        %swap3A_637 = arith.index_cast %add3A_619 : i32 to index
        %swap3A_638 = arith.constant 16 : index
        %swap3A_639 = tpu.vector_load %arg9[%swap3A_637, %swap3A_638] {strides = array<i32>} : memref<128x128xf32, #tpu.memory_space<vmem>>, vector<1x16xf32>,
        %swap3A_640 = vector.shape_cast %swap3A_639 : vector<1x16xf32> to vector<16xf32>
        %swap3A_641 = vector.shape_cast %mul3A_636 : vector<16xf32> to vector<1x16xf32>
        tpu.vector_store %arg9[%swap3A_637, %swap3A_638], %swap3A_641 {strides = array<i32>} : memref<128x128xf32, #tpu.memory_space<vmem>>, vector<1x16xf32>,
        %get3A_642 = arith.index_cast %add3A_619 : i32 to index
        %get3A_643 = arith.constant 32 : index
        %get3A_644 = tpu.vector_load %arg9[%get3A_642, %get3A_643] {strides = array<i32>} : memref<128x128xf32, #tpu.memory_space<vmem>>, vector<1x16xf32>,
        %get3A_645 = vector.shape_cast %get3A_644 : vector<1x16xf32> to vector<16xf32>
        %mul3A_646 = vector.broadcast %squeeze3A_615 : f32 to vector<16xf32>
        %mul3A_647 = arith.mulf %get3A_645, %mul3A_646 : vector<16xf32>
        %swap3A_648 = arith.index_cast %add3A_619 : i32 to index
        %swap3A_649 = arith.constant 32 : index
        %swap3A_650 = tpu.vector_load %arg9[%swap3A_648, %swap3A_649] {strides = array<i32>} : memref<128x128xf32, #tpu.memory_space<vmem>>, vector<1x16xf32>,
        %swap3A_651 = vector.shape_cast %swap3A_650 : vector<1x16xf32> to vector<16xf32>
        %swap3A_652 = vector.shape_cast %mul3A_647 : vector<16xf32> to vector<1x16xf32>
        tpu.vector_store %arg9[%swap3A_648, %swap3A_649], %swap3A_652 {strides = array<i32>} : memref<128x128xf32, #tpu.memory_space<vmem>>, vector<1x16xf32>,
        %get3A_653 = arith.index_cast %add3A_619 : i32 to index
        %get3A_654 = arith.constant 48 : index
        %get3A_655 = tpu.vector_load %arg9[%get3A_653, %get3A_654] {strides = array<i32>} : memref<128x128xf32, #tpu.memory_space<vmem>>, vector<1x16xf32>,
        %get3A_656 = vector.shape_cast %get3A_655 : vector<1x16xf32> to vector<16xf32>
        %mul3A_657 = vector.broadcast %squeeze3A_615 : f32 to vector<16xf32>
        %mul3A_658 = arith.mulf %get3A_656, %mul3A_657 : vector<16xf32>
        %swap3A_659 = arith.index_cast %add3A_619 : i32 to index
        %swap3A_660 = arith.constant 48 : index
        %swap3A_661 = tpu.vector_load %arg9[%swap3A_659, %swap3A_660] {strides = array<i32>} : memref<128x128xf32, #tpu.memory_space<vmem>>, vector<1x16xf32>,
        %swap3A_662 = vector.shape_cast %swap3A_661 : vector<1x16xf32> to vector<16xf32>
        %swap3A_663 = vector.shape_cast %mul3A_658 : vector<16xf32> to vector<1x16xf32>
        tpu.vector_store %arg9[%swap3A_659, %swap3A_660], %swap3A_663 {strides = array<i32>} : memref<128x128xf32, #tpu.memory_space<vmem>>, vector<1x16xf32>,
        %get3A_664 = arith.index_cast %add3A_619 : i32 to index
        %get3A_665 = arith.constant 64 : index
        %get3A_666 = tpu.vector_load %arg9[%get3A_664, %get3A_665] {strides = array<i32>} : memref<128x128xf32, #tpu.memory_space<vmem>>, vector<1x16xf32>,
        %get3A_667 = vector.shape_cast %get3A_666 : vector<1x16xf32> to vector<16xf32>
        %mul3A_668 = vector.broadcast %squeeze3A_615 : f32 to vector<16xf32>
        %mul3A_669 = arith.mulf %get3A_667, %mul3A_668 : vector<16xf32>
        %swap3A_670 = arith.index_cast %add3A_619 : i32 to index
        %swap3A_671 = arith.constant 64 : index
        %swap3A_672 = tpu.vector_load %arg9[%swap3A_670, %swap3A_671] {strides = array<i32>} : memref<128x128xf32, #tpu.memory_space<vmem>>, vector<1x16xf32>,
        %swap3A_673 = vector.shape_cast %swap3A_672 : vector<1x16xf32> to vector<16xf32>
        %swap3A_674 = vector.shape_cast %mul3A_669 : vector<16xf32> to vector<1x16xf32>
        tpu.vector_store %arg9[%swap3A_670, %swap3A_671], %swap3A_674 {strides = array<i32>} : memref<128x128xf32, #tpu.memory_space<vmem>>, vector<1x16xf32>,
        %get3A_675 = arith.index_cast %add3A_619 : i32 to index
        %get3A_676 = arith.constant 80 : index
        %get3A_677 = tpu.vector_load %arg9[%get3A_675, %get3A_676] {strides = array<i32>} : memref<128x128xf32, #tpu.memory_space<vmem>>, vector<1x16xf32>,
        %get3A_678 = vector.shape_cast %get3A_677 : vector<1x16xf32> to vector<16xf32>
        %mul3A_679 = vector.broadcast %squeeze3A_615 : f32 to vector<16xf32>
        %mul3A_680 = arith.mulf %get3A_678, %mul3A_679 : vector<16xf32>
        %swap3A_681 = arith.index_cast %add3A_619 : i32 to index
        %swap3A_682 = arith.constant 80 : index
        %swap3A_683 = tpu.vector_load %arg9[%swap3A_681, %swap3A_682] {strides = array<i32>} : memref<128x128xf32, #tpu.memory_space<vmem>>, vector<1x16xf32>,
        %swap3A_684 = vector.shape_cast %swap3A_683 : vector<1x16xf32> to vector<16xf32>
        %swap3A_685 = vector.shape_cast %mul3A_680 : vector<16xf32> to vector<1x16xf32>
        tpu.vector_store %arg9[%swap3A_681, %swap3A_682], %swap3A_685 {strides = array<i32>} : memref<128x128xf32, #tpu.memory_space<vmem>>, vector<1x16xf32>,
        %get3A_686 = arith.index_cast %add3A_619 : i32 to index
        %get3A_687 = arith.constant 96 : index
        %get3A_688 = tpu.vector_load %arg9[%get3A_686, %get3A_687] {strides = array<i32>} : memref<128x128xf32, #tpu.memory_space<vmem>>, vector<1x16xf32>,
        %get3A_689 = vector.shape_cast %get3A_688 : vector<1x16xf32> to vector<16xf32>
        %mul3A_690 = vector.broadcast %squeeze3A_615 : f32 to vector<16xf32>
        %mul3A_691 = arith.mulf %get3A_689, %mul3A_690 : vector<16xf32>
        %swap3A_692 = arith.index_cast %add3A_619 : i32 to index
        %swap3A_693 = arith.constant 96 : index
        %swap3A_694 = tpu.vector_load %arg9[%swap3A_692, %swap3A_693] {strides = array<i32>} : memref<128x128xf32, #tpu.memory_space<vmem>>, vector<1x16xf32>,
        %swap3A_695 = vector.shape_cast %swap3A_694 : vector<1x16xf32> to vector<16xf32>
        %swap3A_696 = vector.shape_cast %mul3A_691 : vector<16xf32> to vector<1x16xf32>
        tpu.vector_store %arg9[%swap3A_692, %swap3A_693], %swap3A_696 {strides = array<i32>} : memref<128x128xf32, #tpu.memory_space<vmem>>, vector<1x16xf32>,
        %get3A_697 = arith.index_cast %add3A_619 : i32 to index
        %get3A_698 = arith.constant 112 : index
        %get3A_699 = tpu.vector_load %arg9[%get3A_697, %get3A_698] {strides = array<i32>} : memref<128x128xf32, #tpu.memory_space<vmem>>, vector<1x16xf32>,
        %get3A_700 = vector.shape_cast %get3A_699 : vector<1x16xf32> to vector<16xf32>
        %mul3A_701 = vector.broadcast %squeeze3A_615 : f32 to vector<16xf32>
        %mul3A_702 = arith.mulf %get3A_700, %mul3A_701 : vector<16xf32>
        %swap3A_703 = arith.index_cast %add3A_619 : i32 to index
        %swap3A_704 = arith.constant 112 : index
        %swap3A_705 = tpu.vector_load %arg9[%swap3A_703, %swap3A_704] {strides = array<i32>} : memref<128x128xf32, #tpu.memory_space<vmem>>, vector<1x16xf32>,
        %swap3A_706 = vector.shape_cast %swap3A_705 : vector<1x16xf32> to vector<16xf32>
        %swap3A_707 = vector.shape_cast %mul3A_702 : vector<16xf32> to vector<1x16xf32>
        tpu.vector_store %arg9[%swap3A_703, %swap3A_704], %swap3A_707 {strides = array<i32>} : memref<128x128xf32, #tpu.memory_space<vmem>>, vector<1x16xf32>,
        %slice3A_708 = vector.extract_strided_slice %get3A_52 {offsets = [7], sizes = [1], strides = [1]} : vector<16xf32> to vector<1xf32>
        %squeeze3A_709 = vector.extract %slice3A_708[0] : f32 from vector<1xf32>
        %mul3A_710 = arith.constant 16 : i32
        %mul3A_711 = arith.muli %scan3A_48, %mul3A_710 : i32
        %add3A_712 = arith.constant 7 : i32
        %add3A_713 = arith.addi %mul3A_711, %add3A_712 : i32
        %get3A_714 = arith.index_cast %add3A_713 : i32 to index
        %get3A_715 = arith.constant 0 : index
        %get3A_716 = tpu.vector_load %arg9[%get3A_714, %get3A_715] {strides = array<i32>} : memref<128x128xf32, #tpu.memory_space<vmem>>, vector<1x16xf32>,
        %get3A_717 = vector.shape_cast %get3A_716 : vector<1x16xf32> to vector<16xf32>
        %mul3A_718 = vector.broadcast %squeeze3A_709 : f32 to vector<16xf32>
        %mul3A_719 = arith.mulf %get3A_717, %mul3A_718 : vector<16xf32>
        %swap3A_720 = arith.index_cast %add3A_713 : i32 to index
        %swap3A_721 = arith.constant 0 : index
        %swap3A_722 = tpu.vector_load %arg9[%swap3A_720, %swap3A_721] {strides = array<i32>} : memref<128x128xf32, #tpu.memory_space<vmem>>, vector<1x16xf32>,
        %swap3A_723 = vector.shape_cast %swap3A_722 : vector<1x16xf32> to vector<16xf32>
        %swap3A_724 = vector.shape_cast %mul3A_719 : vector<16xf32> to vector<1x16xf32>
        tpu.vector_store %arg9[%swap3A_720, %swap3A_721], %swap3A_724 {strides = array<i32>} : memref<128x128xf32, #tpu.memory_space<vmem>>, vector<1x16xf32>,
        %get3A_725 = arith.index_cast %add3A_713 : i32 to index
        %get3A_726 = arith.constant 16 : index
        %get3A_727 = tpu.vector_load %arg9[%get3A_725, %get3A_726] {strides = array<i32>} : memref<128x128xf32, #tpu.memory_space<vmem>>, vector<1x16xf32>,
        %get3A_728 = vector.shape_cast %get3A_727 : vector<1x16xf32> to vector<16xf32>
        %mul3A_729 = vector.broadcast %squeeze3A_709 : f32 to vector<16xf32>
        %mul3A_730 = arith.mulf %get3A_728, %mul3A_729 : vector<16xf32>
        %swap3A_731 = arith.index_cast %add3A_713 : i32 to index
        %swap3A_732 = arith.constant 16 : index
        %swap3A_733 = tpu.vector_load %arg9[%swap3A_731, %swap3A_732] {strides = array<i32>} : memref<128x128xf32, #tpu.memory_space<vmem>>, vector<1x16xf32>,
        %swap3A_734 = vector.shape_cast %swap3A_733 : vector<1x16xf32> to vector<16xf32>
        %swap3A_735 = vector.shape_cast %mul3A_730 : vector<16xf32> to vector<1x16xf32>
        tpu.vector_store %arg9[%swap3A_731, %swap3A_732], %swap3A_735 {strides = array<i32>} : memref<128x128xf32, #tpu.memory_space<vmem>>, vector<1x16xf32>,
        %get3A_736 = arith.index_cast %add3A_713 : i32 to index
        %get3A_737 = arith.constant 32 : index
        %get3A_738 = tpu.vector_load %arg9[%get3A_736, %get3A_737] {strides = array<i32>} : memref<128x128xf32, #tpu.memory_space<vmem>>, vector<1x16xf32>,
        %get3A_739 = vector.shape_cast %get3A_738 : vector<1x16xf32> to vector<16xf32>
        %mul3A_740 = vector.broadcast %squeeze3A_709 : f32 to vector<16xf32>
        %mul3A_741 = arith.mulf %get3A_739, %mul3A_740 : vector<16xf32>
        %swap3A_742 = arith.index_cast %add3A_713 : i32 to index
        %swap3A_743 = arith.constant 32 : index
        %swap3A_744 = tpu.vector_load %arg9[%swap3A_742, %swap3A_743] {strides = array<i32>} : memref<128x128xf32, #tpu.memory_space<vmem>>, vector<1x16xf32>,
        %swap3A_745 = vector.shape_cast %swap3A_744 : vector<1x16xf32> to vector<16xf32>
        %swap3A_746 = vector.shape_cast %mul3A_741 : vector<16xf32> to vector<1x16xf32>
        tpu.vector_store %arg9[%swap3A_742, %swap3A_743], %swap3A_746 {strides = array<i32>} : memref<128x128xf32, #tpu.memory_space<vmem>>, vector<1x16xf32>,
        %get3A_747 = arith.index_cast %add3A_713 : i32 to index
        %get3A_748 = arith.constant 48 : index
        %get3A_749 = tpu.vector_load %arg9[%get3A_747, %get3A_748] {strides = array<i32>} : memref<128x128xf32, #tpu.memory_space<vmem>>, vector<1x16xf32>,
        %get3A_750 = vector.shape_cast %get3A_749 : vector<1x16xf32> to vector<16xf32>
        %mul3A_751 = vector.broadcast %squeeze3A_709 : f32 to vector<16xf32>
        %mul3A_752 = arith.mulf %get3A_750, %mul3A_751 : vector<16xf32>
        %swap3A_753 = arith.index_cast %add3A_713 : i32 to index
        %swap3A_754 = arith.constant 48 : index
        %swap3A_755 = tpu.vector_load %arg9[%swap3A_753, %swap3A_754] {strides = array<i32>} : memref<128x128xf32, #tpu.memory_space<vmem>>, vector<1x16xf32>,
        %swap3A_756 = vector.shape_cast %swap3A_755 : vector<1x16xf32> to vector<16xf32>
        %swap3A_757 = vector.shape_cast %mul3A_752 : vector<16xf32> to vector<1x16xf32>
        tpu.vector_store %arg9[%swap3A_753, %swap3A_754], %swap3A_757 {strides = array<i32>} : memref<128x128xf32, #tpu.memory_space<vmem>>, vector<1x16xf32>,
        %get3A_758 = arith.index_cast %add3A_713 : i32 to index
        %get3A_759 = arith.constant 64 : index
        %get3A_760 = tpu.vector_load %arg9[%get3A_758, %get3A_759] {strides = array<i32>} : memref<128x128xf32, #tpu.memory_space<vmem>>, vector<1x16xf32>,
        %get3A_761 = vector.shape_cast %get3A_760 : vector<1x16xf32> to vector<16xf32>
        %mul3A_762 = vector.broadcast %squeeze3A_709 : f32 to vector<16xf32>
        %mul3A_763 = arith.mulf %get3A_761, %mul3A_762 : vector<16xf32>
        %swap3A_764 = arith.index_cast %add3A_713 : i32 to index
        %swap3A_765 = arith.constant 64 : index
        %swap3A_766 = tpu.vector_load %arg9[%swap3A_764, %swap3A_765] {strides = array<i32>} : memref<128x128xf32, #tpu.memory_space<vmem>>, vector<1x16xf32>,
        %swap3A_767 = vector.shape_cast %swap3A_766 : vector<1x16xf32> to vector<16xf32>
        %swap3A_768 = vector.shape_cast %mul3A_763 : vector<16xf32> to vector<1x16xf32>
        tpu.vector_store %arg9[%swap3A_764, %swap3A_765], %swap3A_768 {strides = array<i32>} : memref<128x128xf32, #tpu.memory_space<vmem>>, vector<1x16xf32>,
        %get3A_769 = arith.index_cast %add3A_713 : i32 to index
        %get3A_770 = arith.constant 80 : index
        %get3A_771 = tpu.vector_load %arg9[%get3A_769, %get3A_770] {strides = array<i32>} : memref<128x128xf32, #tpu.memory_space<vmem>>, vector<1x16xf32>,
        %get3A_772 = vector.shape_cast %get3A_771 : vector<1x16xf32> to vector<16xf32>
        %mul3A_773 = vector.broadcast %squeeze3A_709 : f32 to vector<16xf32>
        %mul3A_774 = arith.mulf %get3A_772, %mul3A_773 : vector<16xf32>
        %swap3A_775 = arith.index_cast %add3A_713 : i32 to index
        %swap3A_776 = arith.constant 80 : index
        %swap3A_777 = tpu.vector_load %arg9[%swap3A_775, %swap3A_776] {strides = array<i32>} : memref<128x128xf32, #tpu.memory_space<vmem>>, vector<1x16xf32>,
        %swap3A_778 = vector.shape_cast %swap3A_777 : vector<1x16xf32> to vector<16xf32>
        %swap3A_779 = vector.shape_cast %mul3A_774 : vector<16xf32> to vector<1x16xf32>
        tpu.vector_store %arg9[%swap3A_775, %swap3A_776], %swap3A_779 {strides = array<i32>} : memref<128x128xf32, #tpu.memory_space<vmem>>, vector<1x16xf32>,
        %get3A_780 = arith.index_cast %add3A_713 : i32 to index
        %get3A_781 = arith.constant 96 : index
        %get3A_782 = tpu.vector_load %arg9[%get3A_780, %get3A_781] {strides = array<i32>} : memref<128x128xf32, #tpu.memory_space<vmem>>, vector<1x16xf32>,
        %get3A_783 = vector.shape_cast %get3A_782 : vector<1x16xf32> to vector<16xf32>
        %mul3A_784 = vector.broadcast %squeeze3A_709 : f32 to vector<16xf32>
        %mul3A_785 = arith.mulf %get3A_783, %mul3A_784 : vector<16xf32>
        %swap3A_786 = arith.index_cast %add3A_713 : i32 to index
        %swap3A_787 = arith.constant 96 : index
        %swap3A_788 = tpu.vector_load %arg9[%swap3A_786, %swap3A_787] {strides = array<i32>} : memref<128x128xf32, #tpu.memory_space<vmem>>, vector<1x16xf32>,
        %swap3A_789 = vector.shape_cast %swap3A_788 : vector<1x16xf32> to vector<16xf32>
        %swap3A_790 = vector.shape_cast %mul3A_785 : vector<16xf32> to vector<1x16xf32>
        tpu.vector_store %arg9[%swap3A_786, %swap3A_787], %swap3A_790 {strides = array<i32>} : memref<128x128xf32, #tpu.memory_space<vmem>>, vector<1x16xf32>,
        %get3A_791 = arith.index_cast %add3A_713 : i32 to index
        %get3A_792 = arith.constant 112 : index
        %get3A_793 = tpu.vector_load %arg9[%get3A_791, %get3A_792] {strides = array<i32>} : memref<128x128xf32, #tpu.memory_space<vmem>>, vector<1x16xf32>,
        %get3A_794 = vector.shape_cast %get3A_793 : vector<1x16xf32> to vector<16xf32>
        %mul3A_795 = vector.broadcast %squeeze3A_709 : f32 to vector<16xf32>
        %mul3A_796 = arith.mulf %get3A_794, %mul3A_795 : vector<16xf32>
        %swap3A_797 = arith.index_cast %add3A_713 : i32 to index
        %swap3A_798 = arith.constant 112 : index
        %swap3A_799 = tpu.vector_load %arg9[%swap3A_797, %swap3A_798] {strides = array<i32>} : memref<128x128xf32, #tpu.memory_space<vmem>>, vector<1x16xf32>,
        %swap3A_800 = vector.shape_cast %swap3A_799 : vector<1x16xf32> to vector<16xf32>
        %swap3A_801 = vector.shape_cast %mul3A_796 : vector<16xf32> to vector<1x16xf32>
        tpu.vector_store %arg9[%swap3A_797, %swap3A_798], %swap3A_801 {strides = array<i32>} : memref<128x128xf32, #tpu.memory_space<vmem>>, vector<1x16xf32>,
        %slice3A_802 = vector.extract_strided_slice %get3A_52 {offsets = [8], sizes = [1], strides = [1]} : vector<16xf32> to vector<1xf32>
        %squeeze3A_803 = vector.extract %slice3A_802[0] : f32 from vector<1xf32>
        %mul3A_804 = arith.constant 16 : i32
        %mul3A_805 = arith.muli %scan3A_48, %mul3A_804 : i32
        %add3A_806 = arith.constant 8 : i32
        %add3A_807 = arith.addi %mul3A_805, %add3A_806 : i32
        %get3A_808 = arith.index_cast %add3A_807 : i32 to index
        %get3A_809 = arith.constant 0 : index
        %get3A_810 = tpu.vector_load %arg9[%get3A_808, %get3A_809] {strides = array<i32>} : memref<128x128xf32, #tpu.memory_space<vmem>>, vector<1x16xf32>,
        %get3A_811 = vector.shape_cast %get3A_810 : vector<1x16xf32> to vector<16xf32>
        %mul3A_812 = vector.broadcast %squeeze3A_803 : f32 to vector<16xf32>
        %mul3A_813 = arith.mulf %get3A_811, %mul3A_812 : vector<16xf32>
        %swap3A_814 = arith.index_cast %add3A_807 : i32 to index
        %swap3A_815 = arith.constant 0 : index
        %swap3A_816 = tpu.vector_load %arg9[%swap3A_814, %swap3A_815] {strides = array<i32>} : memref<128x128xf32, #tpu.memory_space<vmem>>, vector<1x16xf32>,
        %swap3A_817 = vector.shape_cast %swap3A_816 : vector<1x16xf32> to vector<16xf32>
        %swap3A_818 = vector.shape_cast %mul3A_813 : vector<16xf32> to vector<1x16xf32>
        tpu.vector_store %arg9[%swap3A_814, %swap3A_815], %swap3A_818 {strides = array<i32>} : memref<128x128xf32, #tpu.memory_space<vmem>>, vector<1x16xf32>,
        %get3A_819 = arith.index_cast %add3A_807 : i32 to index
        %get3A_820 = arith.constant 16 : index
        %get3A_821 = tpu.vector_load %arg9[%get3A_819, %get3A_820] {strides = array<i32>} : memref<128x128xf32, #tpu.memory_space<vmem>>, vector<1x16xf32>,
        %get3A_822 = vector.shape_cast %get3A_821 : vector<1x16xf32> to vector<16xf32>
        %mul3A_823 = vector.broadcast %squeeze3A_803 : f32 to vector<16xf32>
        %mul3A_824 = arith.mulf %get3A_822, %mul3A_823 : vector<16xf32>
        %swap3A_825 = arith.index_cast %add3A_807 : i32 to index
        %swap3A_826 = arith.constant 16 : index
        %swap3A_827 = tpu.vector_load %arg9[%swap3A_825, %swap3A_826] {strides = array<i32>} : memref<128x128xf32, #tpu.memory_space<vmem>>, vector<1x16xf32>,
        %swap3A_828 = vector.shape_cast %swap3A_827 : vector<1x16xf32> to vector<16xf32>
        %swap3A_829 = vector.shape_cast %mul3A_824 : vector<16xf32> to vector<1x16xf32>
        tpu.vector_store %arg9[%swap3A_825, %swap3A_826], %swap3A_829 {strides = array<i32>} : memref<128x128xf32, #tpu.memory_space<vmem>>, vector<1x16xf32>,
        %get3A_830 = arith.index_cast %add3A_807 : i32 to index
        %get3A_831 = arith.constant 32 : index
        %get3A_832 = tpu.vector_load %arg9[%get3A_830, %get3A_831] {strides = array<i32>} : memref<128x128xf32, #tpu.memory_space<vmem>>, vector<1x16xf32>,
        %get3A_833 = vector.shape_cast %get3A_832 : vector<1x16xf32> to vector<16xf32>
        %mul3A_834 = vector.broadcast %squeeze3A_803 : f32 to vector<16xf32>
        %mul3A_835 = arith.mulf %get3A_833, %mul3A_834 : vector<16xf32>
        %swap3A_836 = arith.index_cast %add3A_807 : i32 to index
        %swap3A_837 = arith.constant 32 : index
        %swap3A_838 = tpu.vector_load %arg9[%swap3A_836, %swap3A_837] {strides = array<i32>} : memref<128x128xf32, #tpu.memory_space<vmem>>, vector<1x16xf32>,
        %swap3A_839 = vector.shape_cast %swap3A_838 : vector<1x16xf32> to vector<16xf32>
        %swap3A_840 = vector.shape_cast %mul3A_835 : vector<16xf32> to vector<1x16xf32>
        tpu.vector_store %arg9[%swap3A_836, %swap3A_837], %swap3A_840 {strides = array<i32>} : memref<128x128xf32, #tpu.memory_space<vmem>>, vector<1x16xf32>,
        %get3A_841 = arith.index_cast %add3A_807 : i32 to index
        %get3A_842 = arith.constant 48 : index
        %get3A_843 = tpu.vector_load %arg9[%get3A_841, %get3A_842] {strides = array<i32>} : memref<128x128xf32, #tpu.memory_space<vmem>>, vector<1x16xf32>,
        %get3A_844 = vector.shape_cast %get3A_843 : vector<1x16xf32> to vector<16xf32>
        %mul3A_845 = vector.broadcast %squeeze3A_803 : f32 to vector<16xf32>
        %mul3A_846 = arith.mulf %get3A_844, %mul3A_845 : vector<16xf32>
        %swap3A_847 = arith.index_cast %add3A_807 : i32 to index
        %swap3A_848 = arith.constant 48 : index
        %swap3A_849 = tpu.vector_load %arg9[%swap3A_847, %swap3A_848] {strides = array<i32>} : memref<128x128xf32, #tpu.memory_space<vmem>>, vector<1x16xf32>,
        %swap3A_850 = vector.shape_cast %swap3A_849 : vector<1x16xf32> to vector<16xf32>
        %swap3A_851 = vector.shape_cast %mul3A_846 : vector<16xf32> to vector<1x16xf32>
        tpu.vector_store %arg9[%swap3A_847, %swap3A_848], %swap3A_851 {strides = array<i32>} : memref<128x128xf32, #tpu.memory_space<vmem>>, vector<1x16xf32>,
        %get3A_852 = arith.index_cast %add3A_807 : i32 to index
        %get3A_853 = arith.constant 64 : index
        %get3A_854 = tpu.vector_load %arg9[%get3A_852, %get3A_853] {strides = array<i32>} : memref<128x128xf32, #tpu.memory_space<vmem>>, vector<1x16xf32>,
        %get3A_855 = vector.shape_cast %get3A_854 : vector<1x16xf32> to vector<16xf32>
        %mul3A_856 = vector.broadcast %squeeze3A_803 : f32 to vector<16xf32>
        %mul3A_857 = arith.mulf %get3A_855, %mul3A_856 : vector<16xf32>
        %swap3A_858 = arith.index_cast %add3A_807 : i32 to index
        %swap3A_859 = arith.constant 64 : index
        %swap3A_860 = tpu.vector_load %arg9[%swap3A_858, %swap3A_859] {strides = array<i32>} : memref<128x128xf32, #tpu.memory_space<vmem>>, vector<1x16xf32>,
        %swap3A_861 = vector.shape_cast %swap3A_860 : vector<1x16xf32> to vector<16xf32>
        %swap3A_862 = vector.shape_cast %mul3A_857 : vector<16xf32> to vector<1x16xf32>
        tpu.vector_store %arg9[%swap3A_858, %swap3A_859], %swap3A_862 {strides = array<i32>} : memref<128x128xf32, #tpu.memory_space<vmem>>, vector<1x16xf32>,
        %get3A_863 = arith.index_cast %add3A_807 : i32 to index
        %get3A_864 = arith.constant 80 : index
        %get3A_865 = tpu.vector_load %arg9[%get3A_863, %get3A_864] {strides = array<i32>} : memref<128x128xf32, #tpu.memory_space<vmem>>, vector<1x16xf32>,
        %get3A_866 = vector.shape_cast %get3A_865 : vector<1x16xf32> to vector<16xf32>
        %mul3A_867 = vector.broadcast %squeeze3A_803 : f32 to vector<16xf32>
        %mul3A_868 = arith.mulf %get3A_866, %mul3A_867 : vector<16xf32>
        %swap3A_869 = arith.index_cast %add3A_807 : i32 to index
        %swap3A_870 = arith.constant 80 : index
        %swap3A_871 = tpu.vector_load %arg9[%swap3A_869, %swap3A_870] {strides = array<i32>} : memref<128x128xf32, #tpu.memory_space<vmem>>, vector<1x16xf32>,
        %swap3A_872 = vector.shape_cast %swap3A_871 : vector<1x16xf32> to vector<16xf32>
        %swap3A_873 = vector.shape_cast %mul3A_868 : vector<16xf32> to vector<1x16xf32>
        tpu.vector_store %arg9[%swap3A_869, %swap3A_870], %swap3A_873 {strides = array<i32>} : memref<128x128xf32, #tpu.memory_space<vmem>>, vector<1x16xf32>,
        %get3A_874 = arith.index_cast %add3A_807 : i32 to index
        %get3A_875 = arith.constant 96 : index
        %get3A_876 = tpu.vector_load %arg9[%get3A_874, %get3A_875] {strides = array<i32>} : memref<128x128xf32, #tpu.memory_space<vmem>>, vector<1x16xf32>,
        %get3A_877 = vector.shape_cast %get3A_876 : vector<1x16xf32> to vector<16xf32>
        %mul3A_878 = vector.broadcast %squeeze3A_803 : f32 to vector<16xf32>
        %mul3A_879 = arith.mulf %get3A_877, %mul3A_878 : vector<16xf32>
        %swap3A_880 = arith.index_cast %add3A_807 : i32 to index
        %swap3A_881 = arith.constant 96 : index
        %swap3A_882 = tpu.vector_load %arg9[%swap3A_880, %swap3A_881] {strides = array<i32>} : memref<128x128xf32, #tpu.memory_space<vmem>>, vector<1x16xf32>,
        %swap3A_883 = vector.shape_cast %swap3A_882 : vector<1x16xf32> to vector<16xf32>
        %swap3A_884 = vector.shape_cast %mul3A_879 : vector<16xf32> to vector<1x16xf32>
        tpu.vector_store %arg9[%swap3A_880, %swap3A_881], %swap3A_884 {strides = array<i32>} : memref<128x128xf32, #tpu.memory_space<vmem>>, vector<1x16xf32>,
        %get3A_885 = arith.index_cast %add3A_807 : i32 to index
        %get3A_886 = arith.constant 112 : index
        %get3A_887 = tpu.vector_load %arg9[%get3A_885, %get3A_886] {strides = array<i32>} : memref<128x128xf32, #tpu.memory_space<vmem>>, vector<1x16xf32>,
        %get3A_888 = vector.shape_cast %get3A_887 : vector<1x16xf32> to vector<16xf32>
        %mul3A_889 = vector.broadcast %squeeze3A_803 : f32 to vector<16xf32>
        %mul3A_890 = arith.mulf %get3A_888, %mul3A_889 : vector<16xf32>
        %swap3A_891 = arith.index_cast %add3A_807 : i32 to index
        %swap3A_892 = arith.constant 112 : index
        %swap3A_893 = tpu.vector_load %arg9[%swap3A_891, %swap3A_892] {strides = array<i32>} : memref<128x128xf32, #tpu.memory_space<vmem>>, vector<1x16xf32>,
        %swap3A_894 = vector.shape_cast %swap3A_893 : vector<1x16xf32> to vector<16xf32>
        %swap3A_895 = vector.shape_cast %mul3A_890 : vector<16xf32> to vector<1x16xf32>
        tpu.vector_store %arg9[%swap3A_891, %swap3A_892], %swap3A_895 {strides = array<i32>} : memref<128x128xf32, #tpu.memory_space<vmem>>, vector<1x16xf32>,
        %slice3A_896 = vector.extract_strided_slice %get3A_52 {offsets = [9], sizes = [1], strides = [1]} : vector<16xf32> to vector<1xf32>
        %squeeze3A_897 = vector.extract %slice3A_896[0] : f32 from vector<1xf32>
        %mul3A_898 = arith.constant 16 : i32
        %mul3A_899 = arith.muli %scan3A_48, %mul3A_898 : i32
        %add3A_900 = arith.constant 9 : i32
        %add3A_901 = arith.addi %mul3A_899, %add3A_900 : i32
        %get3A_902 = arith.index_cast %add3A_901 : i32 to index
        %get3A_903 = arith.constant 0 : index
        %get3A_904 = tpu.vector_load %arg9[%get3A_902, %get3A_903] {strides = array<i32>} : memref<128x128xf32, #tpu.memory_space<vmem>>, vector<1x16xf32>,
        %get3A_905 = vector.shape_cast %get3A_904 : vector<1x16xf32> to vector<16xf32>
        %mul3A_906 = vector.broadcast %squeeze3A_897 : f32 to vector<16xf32>
        %mul3A_907 = arith.mulf %get3A_905, %mul3A_906 : vector<16xf32>
        %swap3A_908 = arith.index_cast %add3A_901 : i32 to index
        %swap3A_909 = arith.constant 0 : index
        %swap3A_910 = tpu.vector_load %arg9[%swap3A_908, %swap3A_909] {strides = array<i32>} : memref<128x128xf32, #tpu.memory_space<vmem>>, vector<1x16xf32>,
        %swap3A_911 = vector.shape_cast %swap3A_910 : vector<1x16xf32> to vector<16xf32>
        %swap3A_912 = vector.shape_cast %mul3A_907 : vector<16xf32> to vector<1x16xf32>
        tpu.vector_store %arg9[%swap3A_908, %swap3A_909], %swap3A_912 {strides = array<i32>} : memref<128x128xf32, #tpu.memory_space<vmem>>, vector<1x16xf32>,
        %get3A_913 = arith.index_cast %add3A_901 : i32 to index
        %get3A_914 = arith.constant 16 : index
        %get3A_915 = tpu.vector_load %arg9[%get3A_913, %get3A_914] {strides = array<i32>} : memref<128x128xf32, #tpu.memory_space<vmem>>, vector<1x16xf32>,
        %get3A_916 = vector.shape_cast %get3A_915 : vector<1x16xf32> to vector<16xf32>
        %mul3A_917 = vector.broadcast %squeeze3A_897 : f32 to vector<16xf32>
        %mul3A_918 = arith.mulf %get3A_916, %mul3A_917 : vector<16xf32>
        %swap3A_919 = arith.index_cast %add3A_901 : i32 to index
        %swap3A_920 = arith.constant 16 : index
        %swap3A_921 = tpu.vector_load %arg9[%swap3A_919, %swap3A_920] {strides = array<i32>} : memref<128x128xf32, #tpu.memory_space<vmem>>, vector<1x16xf32>,
        %swap3A_922 = vector.shape_cast %swap3A_921 : vector<1x16xf32> to vector<16xf32>
        %swap3A_923 = vector.shape_cast %mul3A_918 : vector<16xf32> to vector<1x16xf32>
        tpu.vector_store %arg9[%swap3A_919, %swap3A_920], %swap3A_923 {strides = array<i32>} : memref<128x128xf32, #tpu.memory_space<vmem>>, vector<1x16xf32>,
        %get3A_924 = arith.index_cast %add3A_901 : i32 to index
        %get3A_925 = arith.constant 32 : index
        %get3A_926 = tpu.vector_load %arg9[%get3A_924, %get3A_925] {strides = array<i32>} : memref<128x128xf32, #tpu.memory_space<vmem>>, vector<1x16xf32>,
        %get3A_927 = vector.shape_cast %get3A_926 : vector<1x16xf32> to vector<16xf32>
        %mul3A_928 = vector.broadcast %squeeze3A_897 : f32 to vector<16xf32>
        %mul3A_929 = arith.mulf %get3A_927, %mul3A_928 : vector<16xf32>
        %swap3A_930 = arith.index_cast %add3A_901 : i32 to index
        %swap3A_931 = arith.constant 32 : index
        %swap3A_932 = tpu.vector_load %arg9[%swap3A_930, %swap3A_931] {strides = array<i32>} : memref<128x128xf32, #tpu.memory_space<vmem>>, vector<1x16xf32>,
        %swap3A_933 = vector.shape_cast %swap3A_932 : vector<1x16xf32> to vector<16xf32>
        %swap3A_934 = vector.shape_cast %mul3A_929 : vector<16xf32> to vector<1x16xf32>
        tpu.vector_store %arg9[%swap3A_930, %swap3A_931], %swap3A_934 {strides = array<i32>} : memref<128x128xf32, #tpu.memory_space<vmem>>, vector<1x16xf32>,
        %get3A_935 = arith.index_cast %add3A_901 : i32 to index
        %get3A_936 = arith.constant 48 : index
        %get3A_937 = tpu.vector_load %arg9[%get3A_935, %get3A_936] {strides = array<i32>} : memref<128x128xf32, #tpu.memory_space<vmem>>, vector<1x16xf32>,
        %get3A_938 = vector.shape_cast %get3A_937 : vector<1x16xf32> to vector<16xf32>
        %mul3A_939 = vector.broadcast %squeeze3A_897 : f32 to vector<16xf32>
        %mul3A_940 = arith.mulf %get3A_938, %mul3A_939 : vector<16xf32>
        %swap3A_941 = arith.index_cast %add3A_901 : i32 to index
        %swap3A_942 = arith.constant 48 : index
        %swap3A_943 = tpu.vector_load %arg9[%swap3A_941, %swap3A_942] {strides = array<i32>} : memref<128x128xf32, #tpu.memory_space<vmem>>, vector<1x16xf32>,
        %swap3A_944 = vector.shape_cast %swap3A_943 : vector<1x16xf32> to vector<16xf32>
        %swap3A_945 = vector.shape_cast %mul3A_940 : vector<16xf32> to vector<1x16xf32>
        tpu.vector_store %arg9[%swap3A_941, %swap3A_942], %swap3A_945 {strides = array<i32>} : memref<128x128xf32, #tpu.memory_space<vmem>>, vector<1x16xf32>,
        %get3A_946 = arith.index_cast %add3A_901 : i32 to index
        %get3A_947 = arith.constant 64 : index
        %get3A_948 = tpu.vector_load %arg9[%get3A_946, %get3A_947] {strides = array<i32>} : memref<128x128xf32, #tpu.memory_space<vmem>>, vector<1x16xf32>,
        %get3A_949 = vector.shape_cast %get3A_948 : vector<1x16xf32> to vector<16xf32>
        %mul3A_950 = vector.broadcast %squeeze3A_897 : f32 to vector<16xf32>
        %mul3A_951 = arith.mulf %get3A_949, %mul3A_950 : vector<16xf32>
        %swap3A_952 = arith.index_cast %add3A_901 : i32 to index
        %swap3A_953 = arith.constant 64 : index
        %swap3A_954 = tpu.vector_load %arg9[%swap3A_952, %swap3A_953] {strides = array<i32>} : memref<128x128xf32, #tpu.memory_space<vmem>>, vector<1x16xf32>,
        %swap3A_955 = vector.shape_cast %swap3A_954 : vector<1x16xf32> to vector<16xf32>
        %swap3A_956 = vector.shape_cast %mul3A_951 : vector<16xf32> to vector<1x16xf32>
        tpu.vector_store %arg9[%swap3A_952, %swap3A_953], %swap3A_956 {strides = array<i32>} : memref<128x128xf32, #tpu.memory_space<vmem>>, vector<1x16xf32>,
        %get3A_957 = arith.index_cast %add3A_901 : i32 to index
        %get3A_958 = arith.constant 80 : index
        %get3A_959 = tpu.vector_load %arg9[%get3A_957, %get3A_958] {strides = array<i32>} : memref<128x128xf32, #tpu.memory_space<vmem>>, vector<1x16xf32>,
        %get3A_960 = vector.shape_cast %get3A_959 : vector<1x16xf32> to vector<16xf32>
        %mul3A_961 = vector.broadcast %squeeze3A_897 : f32 to vector<16xf32>
        %mul3A_962 = arith.mulf %get3A_960, %mul3A_961 : vector<16xf32>
        %swap3A_963 = arith.index_cast %add3A_901 : i32 to index
        %swap3A_964 = arith.constant 80 : index
        %swap3A_965 = tpu.vector_load %arg9[%swap3A_963, %swap3A_964] {strides = array<i32>} : memref<128x128xf32, #tpu.memory_space<vmem>>, vector<1x16xf32>,
        %swap3A_966 = vector.shape_cast %swap3A_965 : vector<1x16xf32> to vector<16xf32>
        %swap3A_967 = vector.shape_cast %mul3A_962 : vector<16xf32> to vector<1x16xf32>
        tpu.vector_store %arg9[%swap3A_963, %swap3A_964], %swap3A_967 {strides = array<i32>} : memref<128x128xf32, #tpu.memory_space<vmem>>, vector<1x16xf32>,
        %get3A_968 = arith.index_cast %add3A_901 : i32 to index
        %get3A_969 = arith.constant 96 : index
        %get3A_970 = tpu.vector_load %arg9[%get3A_968, %get3A_969] {strides = array<i32>} : memref<128x128xf32, #tpu.memory_space<vmem>>, vector<1x16xf32>,
        %get3A_971 = vector.shape_cast %get3A_970 : vector<1x16xf32> to vector<16xf32>
        %mul3A_972 = vector.broadcast %squeeze3A_897 : f32 to vector<16xf32>
        %mul3A_973 = arith.mulf %get3A_971, %mul3A_972 : vector<16xf32>
        %swap3A_974 = arith.index_cast %add3A_901 : i32 to index
        %swap3A_975 = arith.constant 96 : index
        %swap3A_976 = tpu.vector_load %arg9[%swap3A_974, %swap3A_975] {strides = array<i32>} : memref<128x128xf32, #tpu.memory_space<vmem>>, vector<1x16xf32>,
        %swap3A_977 = vector.shape_cast %swap3A_976 : vector<1x16xf32> to vector<16xf32>
        %swap3A_978 = vector.shape_cast %mul3A_973 : vector<16xf32> to vector<1x16xf32>
        tpu.vector_store %arg9[%swap3A_974, %swap3A_975], %swap3A_978 {strides = array<i32>} : memref<128x128xf32, #tpu.memory_space<vmem>>, vector<1x16xf32>,
        %get3A_979 = arith.index_cast %add3A_901 : i32 to index
        %get3A_980 = arith.constant 112 : index
        %get3A_981 = tpu.vector_load %arg9[%get3A_979, %get3A_980] {strides = array<i32>} : memref<128x128xf32, #tpu.memory_space<vmem>>, vector<1x16xf32>,
        %get3A_982 = vector.shape_cast %get3A_981 : vector<1x16xf32> to vector<16xf32>
        %mul3A_983 = vector.broadcast %squeeze3A_897 : f32 to vector<16xf32>
        %mul3A_984 = arith.mulf %get3A_982, %mul3A_983 : vector<16xf32>
        %swap3A_985 = arith.index_cast %add3A_901 : i32 to index
        %swap3A_986 = arith.constant 112 : index
        %swap3A_987 = tpu.vector_load %arg9[%swap3A_985, %swap3A_986] {strides = array<i32>} : memref<128x128xf32, #tpu.memory_space<vmem>>, vector<1x16xf32>,
        %swap3A_988 = vector.shape_cast %swap3A_987 : vector<1x16xf32> to vector<16xf32>
        %swap3A_989 = vector.shape_cast %mul3A_984 : vector<16xf32> to vector<1x16xf32>
        tpu.vector_store %arg9[%swap3A_985, %swap3A_986], %swap3A_989 {strides = array<i32>} : memref<128x128xf32, #tpu.memory_space<vmem>>, vector<1x16xf32>,
        %slice3A_990 = vector.extract_strided_slice %get3A_52 {offsets = [10], sizes = [1], strides = [1]} : vector<16xf32> to vector<1xf32>
        %squeeze3A_991 = vector.extract %slice3A_990[0] : f32 from vector<1xf32>
        %mul3A_992 = arith.constant 16 : i32
        %mul3A_993 = arith.muli %scan3A_48, %mul3A_992 : i32
        %add3A_994 = arith.constant 10 : i32
        %add3A_995 = arith.addi %mul3A_993, %add3A_994 : i32
        %get3A_996 = arith.index_cast %add3A_995 : i32 to index
        %get3A_997 = arith.constant 0 : index
        %get3A_998 = tpu.vector_load %arg9[%get3A_996, %get3A_997] {strides = array<i32>} : memref<128x128xf32, #tpu.memory_space<vmem>>, vector<1x16xf32>,
        %get3A_999 = vector.shape_cast %get3A_998 : vector<1x16xf32> to vector<16xf32>
        %mul3A_1000 = vector.broadcast %squeeze3A_991 : f32 to vector<16xf32>
        %mul3A_1001 = arith.mulf %get3A_999, %mul3A_1000 : vector<16xf32>
        %swap3A_1002 = arith.index_cast %add3A_995 : i32 to index
        %swap3A_1003 = arith.constant 0 : index
        %swap3A_1004 = tpu.vector_load %arg9[%swap3A_1002, %swap3A_1003] {strides = array<i32>} : memref<128x128xf32, #tpu.memory_space<vmem>>, vector<1x16xf32>,
        %swap3A_1005 = vector.shape_cast %swap3A_1004 : vector<1x16xf32> to vector<16xf32>
        %swap3A_1006 = vector.shape_cast %mul3A_1001 : vector<16xf32> to vector<1x16xf32>
        tpu.vector_store %arg9[%swap3A_1002, %swap3A_1003], %swap3A_1006 {strides = array<i32>} : memref<128x128xf32, #tpu.memory_space<vmem>>, vector<1x16xf32>,
        %get3A_1007 = arith.index_cast %add3A_995 : i32 to index
        %get3A_1008 = arith.constant 16 : index
        %get3A_1009 = tpu.vector_load %arg9[%get3A_1007, %get3A_1008] {strides = array<i32>} : memref<128x128xf32, #tpu.memory_space<vmem>>, vector<1x16xf32>,
        %get3A_1010 = vector.shape_cast %get3A_1009 : vector<1x16xf32> to vector<16xf32>
        %mul3A_1011 = vector.broadcast %squeeze3A_991 : f32 to vector<16xf32>
        %mul3A_1012 = arith.mulf %get3A_1010, %mul3A_1011 : vector<16xf32>
        %swap3A_1013 = arith.index_cast %add3A_995 : i32 to index
        %swap3A_1014 = arith.constant 16 : index
        %swap3A_1015 = tpu.vector_load %arg9[%swap3A_1013, %swap3A_1014] {strides = array<i32>} : memref<128x128xf32, #tpu.memory_space<vmem>>, vector<1x16xf32>,
        %swap3A_1016 = vector.shape_cast %swap3A_1015 : vector<1x16xf32> to vector<16xf32>
        %swap3A_1017 = vector.shape_cast %mul3A_1012 : vector<16xf32> to vector<1x16xf32>
        tpu.vector_store %arg9[%swap3A_1013, %swap3A_1014], %swap3A_1017 {strides = array<i32>} : memref<128x128xf32, #tpu.memory_space<vmem>>, vector<1x16xf32>,
        %get3A_1018 = arith.index_cast %add3A_995 : i32 to index
        %get3A_1019 = arith.constant 32 : index
        %get3A_1020 = tpu.vector_load %arg9[%get3A_1018, %get3A_1019] {strides = array<i32>} : memref<128x128xf32, #tpu.memory_space<vmem>>, vector<1x16xf32>,
        %get3A_1021 = vector.shape_cast %get3A_1020 : vector<1x16xf32> to vector<16xf32>
        %mul3A_1022 = vector.broadcast %squeeze3A_991 : f32 to vector<16xf32>
        %mul3A_1023 = arith.mulf %get3A_1021, %mul3A_1022 : vector<16xf32>
        %swap3A_1024 = arith.index_cast %add3A_995 : i32 to index
        %swap3A_1025 = arith.constant 32 : index
        %swap3A_1026 = tpu.vector_load %arg9[%swap3A_1024, %swap3A_1025] {strides = array<i32>} : memref<128x128xf32, #tpu.memory_space<vmem>>, vector<1x16xf32>,
        %swap3A_1027 = vector.shape_cast %swap3A_1026 : vector<1x16xf32> to vector<16xf32>
        %swap3A_1028 = vector.shape_cast %mul3A_1023 : vector<16xf32> to vector<1x16xf32>
        tpu.vector_store %arg9[%swap3A_1024, %swap3A_1025], %swap3A_1028 {strides = array<i32>} : memref<128x128xf32, #tpu.memory_space<vmem>>, vector<1x16xf32>,
        %get3A_1029 = arith.index_cast %add3A_995 : i32 to index
        %get3A_1030 = arith.constant 48 : index
        %get3A_1031 = tpu.vector_load %arg9[%get3A_1029, %get3A_1030] {strides = array<i32>} : memref<128x128xf32, #tpu.memory_space<vmem>>, vector<1x16xf32>,
        %get3A_1032 = vector.shape_cast %get3A_1031 : vector<1x16xf32> to vector<16xf32>
        %mul3A_1033 = vector.broadcast %squeeze3A_991 : f32 to vector<16xf32>
        %mul3A_1034 = arith.mulf %get3A_1032, %mul3A_1033 : vector<16xf32>
        %swap3A_1035 = arith.index_cast %add3A_995 : i32 to index
        %swap3A_1036 = arith.constant 48 : index
        %swap3A_1037 = tpu.vector_load %arg9[%swap3A_1035, %swap3A_1036] {strides = array<i32>} : memref<128x128xf32, #tpu.memory_space<vmem>>, vector<1x16xf32>,
        %swap3A_1038 = vector.shape_cast %swap3A_1037 : vector<1x16xf32> to vector<16xf32>
        %swap3A_1039 = vector.shape_cast %mul3A_1034 : vector<16xf32> to vector<1x16xf32>
        tpu.vector_store %arg9[%swap3A_1035, %swap3A_1036], %swap3A_1039 {strides = array<i32>} : memref<128x128xf32, #tpu.memory_space<vmem>>, vector<1x16xf32>,
        %get3A_1040 = arith.index_cast %add3A_995 : i32 to index
        %get3A_1041 = arith.constant 64 : index
        %get3A_1042 = tpu.vector_load %arg9[%get3A_1040, %get3A_1041] {strides = array<i32>} : memref<128x128xf32, #tpu.memory_space<vmem>>, vector<1x16xf32>,
        %get3A_1043 = vector.shape_cast %get3A_1042 : vector<1x16xf32> to vector<16xf32>
        %mul3A_1044 = vector.broadcast %squeeze3A_991 : f32 to vector<16xf32>
        %mul3A_1045 = arith.mulf %get3A_1043, %mul3A_1044 : vector<16xf32>
        %swap3A_1046 = arith.index_cast %add3A_995 : i32 to index
        %swap3A_1047 = arith.constant 64 : index
        %swap3A_1048 = tpu.vector_load %arg9[%swap3A_1046, %swap3A_1047] {strides = array<i32>} : memref<128x128xf32, #tpu.memory_space<vmem>>, vector<1x16xf32>,
        %swap3A_1049 = vector.shape_cast %swap3A_1048 : vector<1x16xf32> to vector<16xf32>
        %swap3A_1050 = vector.shape_cast %mul3A_1045 : vector<16xf32> to vector<1x16xf32>
        tpu.vector_store %arg9[%swap3A_1046, %swap3A_1047], %swap3A_1050 {strides = array<i32>} : memref<128x128xf32, #tpu.memory_space<vmem>>, vector<1x16xf32>,
        %get3A_1051 = arith.index_cast %add3A_995 : i32 to index
        %get3A_1052 = arith.constant 80 : index
        %get3A_1053 = tpu.vector_load %arg9[%get3A_1051, %get3A_1052] {strides = array<i32>} : memref<128x128xf32, #tpu.memory_space<vmem>>, vector<1x16xf32>,
        %get3A_1054 = vector.shape_cast %get3A_1053 : vector<1x16xf32> to vector<16xf32>
        %mul3A_1055 = vector.broadcast %squeeze3A_991 : f32 to vector<16xf32>
        %mul3A_1056 = arith.mulf %get3A_1054, %mul3A_1055 : vector<16xf32>
        %swap3A_1057 = arith.index_cast %add3A_995 : i32 to index
        %swap3A_1058 = arith.constant 80 : index
        %swap3A_1059 = tpu.vector_load %arg9[%swap3A_1057, %swap3A_1058] {strides = array<i32>} : memref<128x128xf32, #tpu.memory_space<vmem>>, vector<1x16xf32>,
        %swap3A_1060 = vector.shape_cast %swap3A_1059 : vector<1x16xf32> to vector<16xf32>
        %swap3A_1061 = vector.shape_cast %mul3A_1056 : vector<16xf32> to vector<1x16xf32>
        tpu.vector_store %arg9[%swap3A_1057, %swap3A_1058], %swap3A_1061 {strides = array<i32>} : memref<128x128xf32, #tpu.memory_space<vmem>>, vector<1x16xf32>,
        %get3A_1062 = arith.index_cast %add3A_995 : i32 to index
        %get3A_1063 = arith.constant 96 : index
        %get3A_1064 = tpu.vector_load %arg9[%get3A_1062, %get3A_1063] {strides = array<i32>} : memref<128x128xf32, #tpu.memory_space<vmem>>, vector<1x16xf32>,
        %get3A_1065 = vector.shape_cast %get3A_1064 : vector<1x16xf32> to vector<16xf32>
        %mul3A_1066 = vector.broadcast %squeeze3A_991 : f32 to vector<16xf32>
        %mul3A_1067 = arith.mulf %get3A_1065, %mul3A_1066 : vector<16xf32>
        %swap3A_1068 = arith.index_cast %add3A_995 : i32 to index
        %swap3A_1069 = arith.constant 96 : index
        %swap3A_1070 = tpu.vector_load %arg9[%swap3A_1068, %swap3A_1069] {strides = array<i32>} : memref<128x128xf32, #tpu.memory_space<vmem>>, vector<1x16xf32>,
        %swap3A_1071 = vector.shape_cast %swap3A_1070 : vector<1x16xf32> to vector<16xf32>
        %swap3A_1072 = vector.shape_cast %mul3A_1067 : vector<16xf32> to vector<1x16xf32>
        tpu.vector_store %arg9[%swap3A_1068, %swap3A_1069], %swap3A_1072 {strides = array<i32>} : memref<128x128xf32, #tpu.memory_space<vmem>>, vector<1x16xf32>,
        %get3A_1073 = arith.index_cast %add3A_995 : i32 to index
        %get3A_1074 = arith.constant 112 : index
        %get3A_1075 = tpu.vector_load %arg9[%get3A_1073, %get3A_1074] {strides = array<i32>} : memref<128x128xf32, #tpu.memory_space<vmem>>, vector<1x16xf32>,
        %get3A_1076 = vector.shape_cast %get3A_1075 : vector<1x16xf32> to vector<16xf32>
        %mul3A_1077 = vector.broadcast %squeeze3A_991 : f32 to vector<16xf32>
        %mul3A_1078 = arith.mulf %get3A_1076, %mul3A_1077 : vector<16xf32>
        %swap3A_1079 = arith.index_cast %add3A_995 : i32 to index
        %swap3A_1080 = arith.constant 112 : index
        %swap3A_1081 = tpu.vector_load %arg9[%swap3A_1079, %swap3A_1080] {strides = array<i32>} : memref<128x128xf32, #tpu.memory_space<vmem>>, vector<1x16xf32>,
        %swap3A_1082 = vector.shape_cast %swap3A_1081 : vector<1x16xf32> to vector<16xf32>
        %swap3A_1083 = vector.shape_cast %mul3A_1078 : vector<16xf32> to vector<1x16xf32>
        tpu.vector_store %arg9[%swap3A_1079, %swap3A_1080], %swap3A_1083 {strides = array<i32>} : memref<128x128xf32, #tpu.memory_space<vmem>>, vector<1x16xf32>,
        %slice3A_1084 = vector.extract_strided_slice %get3A_52 {offsets = [11], sizes = [1], strides = [1]} : vector<16xf32> to vector<1xf32>
        %squeeze3A_1085 = vector.extract %slice3A_1084[0] : f32 from vector<1xf32>
        %mul3A_1086 = arith.constant 16 : i32
        %mul3A_1087 = arith.muli %scan3A_48, %mul3A_1086 : i32
        %add3A_1088 = arith.constant 11 : i32
        %add3A_1089 = arith.addi %mul3A_1087, %add3A_1088 : i32
        %get3A_1090 = arith.index_cast %add3A_1089 : i32 to index
        %get3A_1091 = arith.constant 0 : index
        %get3A_1092 = tpu.vector_load %arg9[%get3A_1090, %get3A_1091] {strides = array<i32>} : memref<128x128xf32, #tpu.memory_space<vmem>>, vector<1x16xf32>,
        %get3A_1093 = vector.shape_cast %get3A_1092 : vector<1x16xf32> to vector<16xf32>
        %mul3A_1094 = vector.broadcast %squeeze3A_1085 : f32 to vector<16xf32>
        %mul3A_1095 = arith.mulf %get3A_1093, %mul3A_1094 : vector<16xf32>
        %swap3A_1096 = arith.index_cast %add3A_1089 : i32 to index
        %swap3A_1097 = arith.constant 0 : index
        %swap3A_1098 = tpu.vector_load %arg9[%swap3A_1096, %swap3A_1097] {strides = array<i32>} : memref<128x128xf32, #tpu.memory_space<vmem>>, vector<1x16xf32>,
        %swap3A_1099 = vector.shape_cast %swap3A_1098 : vector<1x16xf32> to vector<16xf32>
        %swap3A_1100 = vector.shape_cast %mul3A_1095 : vector<16xf32> to vector<1x16xf32>
        tpu.vector_store %arg9[%swap3A_1096, %swap3A_1097], %swap3A_1100 {strides = array<i32>} : memref<128x128xf32, #tpu.memory_space<vmem>>, vector<1x16xf32>,
        %get3A_1101 = arith.index_cast %add3A_1089 : i32 to index
        %get3A_1102 = arith.constant 16 : index
        %get3A_1103 = tpu.vector_load %arg9[%get3A_1101, %get3A_1102] {strides = array<i32>} : memref<128x128xf32, #tpu.memory_space<vmem>>, vector<1x16xf32>,
        %get3A_1104 = vector.shape_cast %get3A_1103 : vector<1x16xf32> to vector<16xf32>
        %mul3A_1105 = vector.broadcast %squeeze3A_1085 : f32 to vector<16xf32>
        %mul3A_1106 = arith.mulf %get3A_1104, %mul3A_1105 : vector<16xf32>
        %swap3A_1107 = arith.index_cast %add3A_1089 : i32 to index
        %swap3A_1108 = arith.constant 16 : index
        %swap3A_1109 = tpu.vector_load %arg9[%swap3A_1107, %swap3A_1108] {strides = array<i32>} : memref<128x128xf32, #tpu.memory_space<vmem>>, vector<1x16xf32>,
        %swap3A_1110 = vector.shape_cast %swap3A_1109 : vector<1x16xf32> to vector<16xf32>
        %swap3A_1111 = vector.shape_cast %mul3A_1106 : vector<16xf32> to vector<1x16xf32>
        tpu.vector_store %arg9[%swap3A_1107, %swap3A_1108], %swap3A_1111 {strides = array<i32>} : memref<128x128xf32, #tpu.memory_space<vmem>>, vector<1x16xf32>,
        %get3A_1112 = arith.index_cast %add3A_1089 : i32 to index
        %get3A_1113 = arith.constant 32 : index
        %get3A_1114 = tpu.vector_load %arg9[%get3A_1112, %get3A_1113] {strides = array<i32>} : memref<128x128xf32, #tpu.memory_space<vmem>>, vector<1x16xf32>,
        %get3A_1115 = vector.shape_cast %get3A_1114 : vector<1x16xf32> to vector<16xf32>
        %mul3A_1116 = vector.broadcast %squeeze3A_1085 : f32 to vector<16xf32>
        %mul3A_1117 = arith.mulf %get3A_1115, %mul3A_1116 : vector<16xf32>
        %swap3A_1118 = arith.index_cast %add3A_1089 : i32 to index
        %swap3A_1119 = arith.constant 32 : index
        %swap3A_1120 = tpu.vector_load %arg9[%swap3A_1118, %swap3A_1119] {strides = array<i32>} : memref<128x128xf32, #tpu.memory_space<vmem>>, vector<1x16xf32>,
        %swap3A_1121 = vector.shape_cast %swap3A_1120 : vector<1x16xf32> to vector<16xf32>
        %swap3A_1122 = vector.shape_cast %mul3A_1117 : vector<16xf32> to vector<1x16xf32>
        tpu.vector_store %arg9[%swap3A_1118, %swap3A_1119], %swap3A_1122 {strides = array<i32>} : memref<128x128xf32, #tpu.memory_space<vmem>>, vector<1x16xf32>,
        %get3A_1123 = arith.index_cast %add3A_1089 : i32 to index
        %get3A_1124 = arith.constant 48 : index
        %get3A_1125 = tpu.vector_load %arg9[%get3A_1123, %get3A_1124] {strides = array<i32>} : memref<128x128xf32, #tpu.memory_space<vmem>>, vector<1x16xf32>,
        %get3A_1126 = vector.shape_cast %get3A_1125 : vector<1x16xf32> to vector<16xf32>
        %mul3A_1127 = vector.broadcast %squeeze3A_1085 : f32 to vector<16xf32>
        %mul3A_1128 = arith.mulf %get3A_1126, %mul3A_1127 : vector<16xf32>
        %swap3A_1129 = arith.index_cast %add3A_1089 : i32 to index
        %swap3A_1130 = arith.constant 48 : index
        %swap3A_1131 = tpu.vector_load %arg9[%swap3A_1129, %swap3A_1130] {strides = array<i32>} : memref<128x128xf32, #tpu.memory_space<vmem>>, vector<1x16xf32>,
        %swap3A_1132 = vector.shape_cast %swap3A_1131 : vector<1x16xf32> to vector<16xf32>
        %swap3A_1133 = vector.shape_cast %mul3A_1128 : vector<16xf32> to vector<1x16xf32>
        tpu.vector_store %arg9[%swap3A_1129, %swap3A_1130], %swap3A_1133 {strides = array<i32>} : memref<128x128xf32, #tpu.memory_space<vmem>>, vector<1x16xf32>,
        %get3A_1134 = arith.index_cast %add3A_1089 : i32 to index
        %get3A_1135 = arith.constant 64 : index
        %get3A_1136 = tpu.vector_load %arg9[%get3A_1134, %get3A_1135] {strides = array<i32>} : memref<128x128xf32, #tpu.memory_space<vmem>>, vector<1x16xf32>,
        %get3A_1137 = vector.shape_cast %get3A_1136 : vector<1x16xf32> to vector<16xf32>
        %mul3A_1138 = vector.broadcast %squeeze3A_1085 : f32 to vector<16xf32>
        %mul3A_1139 = arith.mulf %get3A_1137, %mul3A_1138 : vector<16xf32>
        %swap3A_1140 = arith.index_cast %add3A_1089 : i32 to index
        %swap3A_1141 = arith.constant 64 : index
        %swap3A_1142 = tpu.vector_load %arg9[%swap3A_1140, %swap3A_1141] {strides = array<i32>} : memref<128x128xf32, #tpu.memory_space<vmem>>, vector<1x16xf32>,
        %swap3A_1143 = vector.shape_cast %swap3A_1142 : vector<1x16xf32> to vector<16xf32>
        %swap3A_1144 = vector.shape_cast %mul3A_1139 : vector<16xf32> to vector<1x16xf32>
        tpu.vector_store %arg9[%swap3A_1140, %swap3A_1141], %swap3A_1144 {strides = array<i32>} : memref<128x128xf32, #tpu.memory_space<vmem>>, vector<1x16xf32>,
        %get3A_1145 = arith.index_cast %add3A_1089 : i32 to index
        %get3A_1146 = arith.constant 80 : index
        %get3A_1147 = tpu.vector_load %arg9[%get3A_1145, %get3A_1146] {strides = array<i32>} : memref<128x128xf32, #tpu.memory_space<vmem>>, vector<1x16xf32>,
        %get3A_1148 = vector.shape_cast %get3A_1147 : vector<1x16xf32> to vector<16xf32>
        %mul3A_1149 = vector.broadcast %squeeze3A_1085 : f32 to vector<16xf32>
        %mul3A_1150 = arith.mulf %get3A_1148, %mul3A_1149 : vector<16xf32>
        %swap3A_1151 = arith.index_cast %add3A_1089 : i32 to index
        %swap3A_1152 = arith.constant 80 : index
        %swap3A_1153 = tpu.vector_load %arg9[%swap3A_1151, %swap3A_1152] {strides = array<i32>} : memref<128x128xf32, #tpu.memory_space<vmem>>, vector<1x16xf32>,
        %swap3A_1154 = vector.shape_cast %swap3A_1153 : vector<1x16xf32> to vector<16xf32>
        %swap3A_1155 = vector.shape_cast %mul3A_1150 : vector<16xf32> to vector<1x16xf32>
        tpu.vector_store %arg9[%swap3A_1151, %swap3A_1152], %swap3A_1155 {strides = array<i32>} : memref<128x128xf32, #tpu.memory_space<vmem>>, vector<1x16xf32>,
        %get3A_1156 = arith.index_cast %add3A_1089 : i32 to index
        %get3A_1157 = arith.constant 96 : index
        %get3A_1158 = tpu.vector_load %arg9[%get3A_1156, %get3A_1157] {strides = array<i32>} : memref<128x128xf32, #tpu.memory_space<vmem>>, vector<1x16xf32>,
        %get3A_1159 = vector.shape_cast %get3A_1158 : vector<1x16xf32> to vector<16xf32>
        %mul3A_1160 = vector.broadcast %squeeze3A_1085 : f32 to vector<16xf32>
        %mul3A_1161 = arith.mulf %get3A_1159, %mul3A_1160 : vector<16xf32>
        %swap3A_1162 = arith.index_cast %add3A_1089 : i32 to index
        %swap3A_1163 = arith.constant 96 : index
        %swap3A_1164 = tpu.vector_load %arg9[%swap3A_1162, %swap3A_1163] {strides = array<i32>} : memref<128x128xf32, #tpu.memory_space<vmem>>, vector<1x16xf32>,
        %swap3A_1165 = vector.shape_cast %swap3A_1164 : vector<1x16xf32> to vector<16xf32>
        %swap3A_1166 = vector.shape_cast %mul3A_1161 : vector<16xf32> to vector<1x16xf32>
        tpu.vector_store %arg9[%swap3A_1162, %swap3A_1163], %swap3A_1166 {strides = array<i32>} : memref<128x128xf32, #tpu.memory_space<vmem>>, vector<1x16xf32>,
        %get3A_1167 = arith.index_cast %add3A_1089 : i32 to index
        %get3A_1168 = arith.constant 112 : index
        %get3A_1169 = tpu.vector_load %arg9[%get3A_1167, %get3A_1168] {strides = array<i32>} : memref<128x128xf32, #tpu.memory_space<vmem>>, vector<1x16xf32>,
        %get3A_1170 = vector.shape_cast %get3A_1169 : vector<1x16xf32> to vector<16xf32>
        %mul3A_1171 = vector.broadcast %squeeze3A_1085 : f32 to vector<16xf32>
        %mul3A_1172 = arith.mulf %get3A_1170, %mul3A_1171 : vector<16xf32>
        %swap3A_1173 = arith.index_cast %add3A_1089 : i32 to index
        %swap3A_1174 = arith.constant 112 : index
        %swap3A_1175 = tpu.vector_load %arg9[%swap3A_1173, %swap3A_1174] {strides = array<i32>} : memref<128x128xf32, #tpu.memory_space<vmem>>, vector<1x16xf32>,
        %swap3A_1176 = vector.shape_cast %swap3A_1175 : vector<1x16xf32> to vector<16xf32>
        %swap3A_1177 = vector.shape_cast %mul3A_1172 : vector<16xf32> to vector<1x16xf32>
        tpu.vector_store %arg9[%swap3A_1173, %swap3A_1174], %swap3A_1177 {strides = array<i32>} : memref<128x128xf32, #tpu.memory_space<vmem>>, vector<1x16xf32>,
        %slice3A_1178 = vector.extract_strided_slice %get3A_52 {offsets = [12], sizes = [1], strides = [1]} : vector<16xf32> to vector<1xf32>
        %squeeze3A_1179 = vector.extract %slice3A_1178[0] : f32 from vector<1xf32>
        %mul3A_1180 = arith.constant 16 : i32
        %mul3A_1181 = arith.muli %scan3A_48, %mul3A_1180 : i32
        %add3A_1182 = arith.constant 12 : i32
        %add3A_1183 = arith.addi %mul3A_1181, %add3A_1182 : i32
        %get3A_1184 = arith.index_cast %add3A_1183 : i32 to index
        %get3A_1185 = arith.constant 0 : index
        %get3A_1186 = tpu.vector_load %arg9[%get3A_1184, %get3A_1185] {strides = array<i32>} : memref<128x128xf32, #tpu.memory_space<vmem>>, vector<1x16xf32>,
        %get3A_1187 = vector.shape_cast %get3A_1186 : vector<1x16xf32> to vector<16xf32>
        %mul3A_1188 = vector.broadcast %squeeze3A_1179 : f32 to vector<16xf32>
        %mul3A_1189 = arith.mulf %get3A_1187, %mul3A_1188 : vector<16xf32>
        %swap3A_1190 = arith.index_cast %add3A_1183 : i32 to index
        %swap3A_1191 = arith.constant 0 : index
        %swap3A_1192 = tpu.vector_load %arg9[%swap3A_1190, %swap3A_1191] {strides = array<i32>} : memref<128x128xf32, #tpu.memory_space<vmem>>, vector<1x16xf32>,
        %swap3A_1193 = vector.shape_cast %swap3A_1192 : vector<1x16xf32> to vector<16xf32>
        %swap3A_1194 = vector.shape_cast %mul3A_1189 : vector<16xf32> to vector<1x16xf32>
        tpu.vector_store %arg9[%swap3A_1190, %swap3A_1191], %swap3A_1194 {strides = array<i32>} : memref<128x128xf32, #tpu.memory_space<vmem>>, vector<1x16xf32>,
        %get3A_1195 = arith.index_cast %add3A_1183 : i32 to index
        %get3A_1196 = arith.constant 16 : index
        %get3A_1197 = tpu.vector_load %arg9[%get3A_1195, %get3A_1196] {strides = array<i32>} : memref<128x128xf32, #tpu.memory_space<vmem>>, vector<1x16xf32>,
        %get3A_1198 = vector.shape_cast %get3A_1197 : vector<1x16xf32> to vector<16xf32>
        %mul3A_1199 = vector.broadcast %squeeze3A_1179 : f32 to vector<16xf32>
        %mul3A_1200 = arith.mulf %get3A_1198, %mul3A_1199 : vector<16xf32>
        %swap3A_1201 = arith.index_cast %add3A_1183 : i32 to index
        %swap3A_1202 = arith.constant 16 : index
        %swap3A_1203 = tpu.vector_load %arg9[%swap3A_1201, %swap3A_1202] {strides = array<i32>} : memref<128x128xf32, #tpu.memory_space<vmem>>, vector<1x16xf32>,
        %swap3A_1204 = vector.shape_cast %swap3A_1203 : vector<1x16xf32> to vector<16xf32>
        %swap3A_1205 = vector.shape_cast %mul3A_1200 : vector<16xf32> to vector<1x16xf32>
        tpu.vector_store %arg9[%swap3A_1201, %swap3A_1202], %swap3A_1205 {strides = array<i32>} : memref<128x128xf32, #tpu.memory_space<vmem>>, vector<1x16xf32>,
        %get3A_1206 = arith.index_cast %add3A_1183 : i32 to index
        %get3A_1207 = arith.constant 32 : index
        %get3A_1208 = tpu.vector_load %arg9[%get3A_1206, %get3A_1207] {strides = array<i32>} : memref<128x128xf32, #tpu.memory_space<vmem>>, vector<1x16xf32>,
        %get3A_1209 = vector.shape_cast %get3A_1208 : vector<1x16xf32> to vector<16xf32>
        %mul3A_1210 = vector.broadcast %squeeze3A_1179 : f32 to vector<16xf32>
        %mul3A_1211 = arith.mulf %get3A_1209, %mul3A_1210 : vector<16xf32>
        %swap3A_1212 = arith.index_cast %add3A_1183 : i32 to index
        %swap3A_1213 = arith.constant 32 : index
        %swap3A_1214 = tpu.vector_load %arg9[%swap3A_1212, %swap3A_1213] {strides = array<i32>} : memref<128x128xf32, #tpu.memory_space<vmem>>, vector<1x16xf32>,
        %swap3A_1215 = vector.shape_cast %swap3A_1214 : vector<1x16xf32> to vector<16xf32>
        %swap3A_1216 = vector.shape_cast %mul3A_1211 : vector<16xf32> to vector<1x16xf32>
        tpu.vector_store %arg9[%swap3A_1212, %swap3A_1213], %swap3A_1216 {strides = array<i32>} : memref<128x128xf32, #tpu.memory_space<vmem>>, vector<1x16xf32>,
        %get3A_1217 = arith.index_cast %add3A_1183 : i32 to index
        %get3A_1218 = arith.constant 48 : index
        %get3A_1219 = tpu.vector_load %arg9[%get3A_1217, %get3A_1218] {strides = array<i32>} : memref<128x128xf32, #tpu.memory_space<vmem>>, vector<1x16xf32>,
        %get3A_1220 = vector.shape_cast %get3A_1219 : vector<1x16xf32> to vector<16xf32>
        %mul3A_1221 = vector.broadcast %squeeze3A_1179 : f32 to vector<16xf32>
        %mul3A_1222 = arith.mulf %get3A_1220, %mul3A_1221 : vector<16xf32>
        %swap3A_1223 = arith.index_cast %add3A_1183 : i32 to index
        %swap3A_1224 = arith.constant 48 : index
        %swap3A_1225 = tpu.vector_load %arg9[%swap3A_1223, %swap3A_1224] {strides = array<i32>} : memref<128x128xf32, #tpu.memory_space<vmem>>, vector<1x16xf32>,
        %swap3A_1226 = vector.shape_cast %swap3A_1225 : vector<1x16xf32> to vector<16xf32>
        %swap3A_1227 = vector.shape_cast %mul3A_1222 : vector<16xf32> to vector<1x16xf32>
        tpu.vector_store %arg9[%swap3A_1223, %swap3A_1224], %swap3A_1227 {strides = array<i32>} : memref<128x128xf32, #tpu.memory_space<vmem>>, vector<1x16xf32>,
        %get3A_1228 = arith.index_cast %add3A_1183 : i32 to index
        %get3A_1229 = arith.constant 64 : index
        %get3A_1230 = tpu.vector_load %arg9[%get3A_1228, %get3A_1229] {strides = array<i32>} : memref<128x128xf32, #tpu.memory_space<vmem>>, vector<1x16xf32>,
        %get3A_1231 = vector.shape_cast %get3A_1230 : vector<1x16xf32> to vector<16xf32>
        %mul3A_1232 = vector.broadcast %squeeze3A_1179 : f32 to vector<16xf32>
        %mul3A_1233 = arith.mulf %get3A_1231, %mul3A_1232 : vector<16xf32>
        %swap3A_1234 = arith.index_cast %add3A_1183 : i32 to index
        %swap3A_1235 = arith.constant 64 : index
        %swap3A_1236 = tpu.vector_load %arg9[%swap3A_1234, %swap3A_1235] {strides = array<i32>} : memref<128x128xf32, #tpu.memory_space<vmem>>, vector<1x16xf32>,
        %swap3A_1237 = vector.shape_cast %swap3A_1236 : vector<1x16xf32> to vector<16xf32>
        %swap3A_1238 = vector.shape_cast %mul3A_1233 : vector<16xf32> to vector<1x16xf32>
        tpu.vector_store %arg9[%swap3A_1234, %swap3A_1235], %swap3A_1238 {strides = array<i32>} : memref<128x128xf32, #tpu.memory_space<vmem>>, vector<1x16xf32>,
        %get3A_1239 = arith.index_cast %add3A_1183 : i32 to index
        %get3A_1240 = arith.constant 80 : index
        %get3A_1241 = tpu.vector_load %arg9[%get3A_1239, %get3A_1240] {strides = array<i32>} : memref<128x128xf32, #tpu.memory_space<vmem>>, vector<1x16xf32>,
        %get3A_1242 = vector.shape_cast %get3A_1241 : vector<1x16xf32> to vector<16xf32>
        %mul3A_1243 = vector.broadcast %squeeze3A_1179 : f32 to vector<16xf32>
        %mul3A_1244 = arith.mulf %get3A_1242, %mul3A_1243 : vector<16xf32>
        %swap3A_1245 = arith.index_cast %add3A_1183 : i32 to index
        %swap3A_1246 = arith.constant 80 : index
        %swap3A_1247 = tpu.vector_load %arg9[%swap3A_1245, %swap3A_1246] {strides = array<i32>} : memref<128x128xf32, #tpu.memory_space<vmem>>, vector<1x16xf32>,
        %swap3A_1248 = vector.shape_cast %swap3A_1247 : vector<1x16xf32> to vector<16xf32>
        %swap3A_1249 = vector.shape_cast %mul3A_1244 : vector<16xf32> to vector<1x16xf32>
        tpu.vector_store %arg9[%swap3A_1245, %swap3A_1246], %swap3A_1249 {strides = array<i32>} : memref<128x128xf32, #tpu.memory_space<vmem>>, vector<1x16xf32>,
        %get3A_1250 = arith.index_cast %add3A_1183 : i32 to index
        %get3A_1251 = arith.constant 96 : index
        %get3A_1252 = tpu.vector_load %arg9[%get3A_1250, %get3A_1251] {strides = array<i32>} : memref<128x128xf32, #tpu.memory_space<vmem>>, vector<1x16xf32>,
        %get3A_1253 = vector.shape_cast %get3A_1252 : vector<1x16xf32> to vector<16xf32>
        %mul3A_1254 = vector.broadcast %squeeze3A_1179 : f32 to vector<16xf32>
        %mul3A_1255 = arith.mulf %get3A_1253, %mul3A_1254 : vector<16xf32>
        %swap3A_1256 = arith.index_cast %add3A_1183 : i32 to index
        %swap3A_1257 = arith.constant 96 : index
        %swap3A_1258 = tpu.vector_load %arg9[%swap3A_1256, %swap3A_1257] {strides = array<i32>} : memref<128x128xf32, #tpu.memory_space<vmem>>, vector<1x16xf32>,
        %swap3A_1259 = vector.shape_cast %swap3A_1258 : vector<1x16xf32> to vector<16xf32>
        %swap3A_1260 = vector.shape_cast %mul3A_1255 : vector<16xf32> to vector<1x16xf32>
        tpu.vector_store %arg9[%swap3A_1256, %swap3A_1257], %swap3A_1260 {strides = array<i32>} : memref<128x128xf32, #tpu.memory_space<vmem>>, vector<1x16xf32>,
        %get3A_1261 = arith.index_cast %add3A_1183 : i32 to index
        %get3A_1262 = arith.constant 112 : index
        %get3A_1263 = tpu.vector_load %arg9[%get3A_1261, %get3A_1262] {strides = array<i32>} : memref<128x128xf32, #tpu.memory_space<vmem>>, vector<1x16xf32>,
        %get3A_1264 = vector.shape_cast %get3A_1263 : vector<1x16xf32> to vector<16xf32>
        %mul3A_1265 = vector.broadcast %squeeze3A_1179 : f32 to vector<16xf32>
        %mul3A_1266 = arith.mulf %get3A_1264, %mul3A_1265 : vector<16xf32>
        %swap3A_1267 = arith.index_cast %add3A_1183 : i32 to index
        %swap3A_1268 = arith.constant 112 : index
        %swap3A_1269 = tpu.vector_load %arg9[%swap3A_1267, %swap3A_1268] {strides = array<i32>} : memref<128x128xf32, #tpu.memory_space<vmem>>, vector<1x16xf32>,
        %swap3A_1270 = vector.shape_cast %swap3A_1269 : vector<1x16xf32> to vector<16xf32>
        %swap3A_1271 = vector.shape_cast %mul3A_1266 : vector<16xf32> to vector<1x16xf32>
        tpu.vector_store %arg9[%swap3A_1267, %swap3A_1268], %swap3A_1271 {strides = array<i32>} : memref<128x128xf32, #tpu.memory_space<vmem>>, vector<1x16xf32>,
        %slice3A_1272 = vector.extract_strided_slice %get3A_52 {offsets = [13], sizes = [1], strides = [1]} : vector<16xf32> to vector<1xf32>
        %squeeze3A_1273 = vector.extract %slice3A_1272[0] : f32 from vector<1xf32>
        %mul3A_1274 = arith.constant 16 : i32
        %mul3A_1275 = arith.muli %scan3A_48, %mul3A_1274 : i32
        %add3A_1276 = arith.constant 13 : i32
        %add3A_1277 = arith.addi %mul3A_1275, %add3A_1276 : i32
        %get3A_1278 = arith.index_cast %add3A_1277 : i32 to index
        %get3A_1279 = arith.constant 0 : index
        %get3A_1280 = tpu.vector_load %arg9[%get3A_1278, %get3A_1279] {strides = array<i32>} : memref<128x128xf32, #tpu.memory_space<vmem>>, vector<1x16xf32>,
        %get3A_1281 = vector.shape_cast %get3A_1280 : vector<1x16xf32> to vector<16xf32>
        %mul3A_1282 = vector.broadcast %squeeze3A_1273 : f32 to vector<16xf32>
        %mul3A_1283 = arith.mulf %get3A_1281, %mul3A_1282 : vector<16xf32>
        %swap3A_1284 = arith.index_cast %add3A_1277 : i32 to index
        %swap3A_1285 = arith.constant 0 : index
        %swap3A_1286 = tpu.vector_load %arg9[%swap3A_1284, %swap3A_1285] {strides = array<i32>} : memref<128x128xf32, #tpu.memory_space<vmem>>, vector<1x16xf32>,
        %swap3A_1287 = vector.shape_cast %swap3A_1286 : vector<1x16xf32> to vector<16xf32>
        %swap3A_1288 = vector.shape_cast %mul3A_1283 : vector<16xf32> to vector<1x16xf32>
        tpu.vector_store %arg9[%swap3A_1284, %swap3A_1285], %swap3A_1288 {strides = array<i32>} : memref<128x128xf32, #tpu.memory_space<vmem>>, vector<1x16xf32>,
        %get3A_1289 = arith.index_cast %add3A_1277 : i32 to index
        %get3A_1290 = arith.constant 16 : index
        %get3A_1291 = tpu.vector_load %arg9[%get3A_1289, %get3A_1290] {strides = array<i32>} : memref<128x128xf32, #tpu.memory_space<vmem>>, vector<1x16xf32>,
        %get3A_1292 = vector.shape_cast %get3A_1291 : vector<1x16xf32> to vector<16xf32>
        %mul3A_1293 = vector.broadcast %squeeze3A_1273 : f32 to vector<16xf32>
        %mul3A_1294 = arith.mulf %get3A_1292, %mul3A_1293 : vector<16xf32>
        %swap3A_1295 = arith.index_cast %add3A_1277 : i32 to index
        %swap3A_1296 = arith.constant 16 : index
        %swap3A_1297 = tpu.vector_load %arg9[%swap3A_1295, %swap3A_1296] {strides = array<i32>} : memref<128x128xf32, #tpu.memory_space<vmem>>, vector<1x16xf32>,
        %swap3A_1298 = vector.shape_cast %swap3A_1297 : vector<1x16xf32> to vector<16xf32>
        %swap3A_1299 = vector.shape_cast %mul3A_1294 : vector<16xf32> to vector<1x16xf32>
        tpu.vector_store %arg9[%swap3A_1295, %swap3A_1296], %swap3A_1299 {strides = array<i32>} : memref<128x128xf32, #tpu.memory_space<vmem>>, vector<1x16xf32>,
        %get3A_1300 = arith.index_cast %add3A_1277 : i32 to index
        %get3A_1301 = arith.constant 32 : index
        %get3A_1302 = tpu.vector_load %arg9[%get3A_1300, %get3A_1301] {strides = array<i32>} : memref<128x128xf32, #tpu.memory_space<vmem>>, vector<1x16xf32>,
        %get3A_1303 = vector.shape_cast %get3A_1302 : vector<1x16xf32> to vector<16xf32>
        %mul3A_1304 = vector.broadcast %squeeze3A_1273 : f32 to vector<16xf32>
        %mul3A_1305 = arith.mulf %get3A_1303, %mul3A_1304 : vector<16xf32>
        %swap3A_1306 = arith.index_cast %add3A_1277 : i32 to index
        %swap3A_1307 = arith.constant 32 : index
        %swap3A_1308 = tpu.vector_load %arg9[%swap3A_1306, %swap3A_1307] {strides = array<i32>} : memref<128x128xf32, #tpu.memory_space<vmem>>, vector<1x16xf32>,
        %swap3A_1309 = vector.shape_cast %swap3A_1308 : vector<1x16xf32> to vector<16xf32>
        %swap3A_1310 = vector.shape_cast %mul3A_1305 : vector<16xf32> to vector<1x16xf32>
        tpu.vector_store %arg9[%swap3A_1306, %swap3A_1307], %swap3A_1310 {strides = array<i32>} : memref<128x128xf32, #tpu.memory_space<vmem>>, vector<1x16xf32>,
        %get3A_1311 = arith.index_cast %add3A_1277 : i32 to index
        %get3A_1312 = arith.constant 48 : index
        %get3A_1313 = tpu.vector_load %arg9[%get3A_1311, %get3A_1312] {strides = array<i32>} : memref<128x128xf32, #tpu.memory_space<vmem>>, vector<1x16xf32>,
        %get3A_1314 = vector.shape_cast %get3A_1313 : vector<1x16xf32> to vector<16xf32>
        %mul3A_1315 = vector.broadcast %squeeze3A_1273 : f32 to vector<16xf32>
        %mul3A_1316 = arith.mulf %get3A_1314, %mul3A_1315 : vector<16xf32>
        %swap3A_1317 = arith.index_cast %add3A_1277 : i32 to index
        %swap3A_1318 = arith.constant 48 : index
        %swap3A_1319 = tpu.vector_load %arg9[%swap3A_1317, %swap3A_1318] {strides = array<i32>} : memref<128x128xf32, #tpu.memory_space<vmem>>, vector<1x16xf32>,
        %swap3A_1320 = vector.shape_cast %swap3A_1319 : vector<1x16xf32> to vector<16xf32>
        %swap3A_1321 = vector.shape_cast %mul3A_1316 : vector<16xf32> to vector<1x16xf32>
        tpu.vector_store %arg9[%swap3A_1317, %swap3A_1318], %swap3A_1321 {strides = array<i32>} : memref<128x128xf32, #tpu.memory_space<vmem>>, vector<1x16xf32>,
        %get3A_1322 = arith.index_cast %add3A_1277 : i32 to index
        %get3A_1323 = arith.constant 64 : index
        %get3A_1324 = tpu.vector_load %arg9[%get3A_1322, %get3A_1323] {strides = array<i32>} : memref<128x128xf32, #tpu.memory_space<vmem>>, vector<1x16xf32>,
        %get3A_1325 = vector.shape_cast %get3A_1324 : vector<1x16xf32> to vector<16xf32>
        %mul3A_1326 = vector.broadcast %squeeze3A_1273 : f32 to vector<16xf32>
        %mul3A_1327 = arith.mulf %get3A_1325, %mul3A_1326 : vector<16xf32>
        %swap3A_1328 = arith.index_cast %add3A_1277 : i32 to index
        %swap3A_1329 = arith.constant 64 : index
        %swap3A_1330 = tpu.vector_load %arg9[%swap3A_1328, %swap3A_1329] {strides = array<i32>} : memref<128x128xf32, #tpu.memory_space<vmem>>, vector<1x16xf32>,
        %swap3A_1331 = vector.shape_cast %swap3A_1330 : vector<1x16xf32> to vector<16xf32>
        %swap3A_1332 = vector.shape_cast %mul3A_1327 : vector<16xf32> to vector<1x16xf32>
        tpu.vector_store %arg9[%swap3A_1328, %swap3A_1329], %swap3A_1332 {strides = array<i32>} : memref<128x128xf32, #tpu.memory_space<vmem>>, vector<1x16xf32>,
        %get3A_1333 = arith.index_cast %add3A_1277 : i32 to index
        %get3A_1334 = arith.constant 80 : index
        %get3A_1335 = tpu.vector_load %arg9[%get3A_1333, %get3A_1334] {strides = array<i32>} : memref<128x128xf32, #tpu.memory_space<vmem>>, vector<1x16xf32>,
        %get3A_1336 = vector.shape_cast %get3A_1335 : vector<1x16xf32> to vector<16xf32>
        %mul3A_1337 = vector.broadcast %squeeze3A_1273 : f32 to vector<16xf32>
        %mul3A_1338 = arith.mulf %get3A_1336, %mul3A_1337 : vector<16xf32>
        %swap3A_1339 = arith.index_cast %add3A_1277 : i32 to index
        %swap3A_1340 = arith.constant 80 : index
        %swap3A_1341 = tpu.vector_load %arg9[%swap3A_1339, %swap3A_1340] {strides = array<i32>} : memref<128x128xf32, #tpu.memory_space<vmem>>, vector<1x16xf32>,
        %swap3A_1342 = vector.shape_cast %swap3A_1341 : vector<1x16xf32> to vector<16xf32>
        %swap3A_1343 = vector.shape_cast %mul3A_1338 : vector<16xf32> to vector<1x16xf32>
        tpu.vector_store %arg9[%swap3A_1339, %swap3A_1340], %swap3A_1343 {strides = array<i32>} : memref<128x128xf32, #tpu.memory_space<vmem>>, vector<1x16xf32>,
        %get3A_1344 = arith.index_cast %add3A_1277 : i32 to index
        %get3A_1345 = arith.constant 96 : index
        %get3A_1346 = tpu.vector_load %arg9[%get3A_1344, %get3A_1345] {strides = array<i32>} : memref<128x128xf32, #tpu.memory_space<vmem>>, vector<1x16xf32>,
        %get3A_1347 = vector.shape_cast %get3A_1346 : vector<1x16xf32> to vector<16xf32>
        %mul3A_1348 = vector.broadcast %squeeze3A_1273 : f32 to vector<16xf32>
        %mul3A_1349 = arith.mulf %get3A_1347, %mul3A_1348 : vector<16xf32>
        %swap3A_1350 = arith.index_cast %add3A_1277 : i32 to index
        %swap3A_1351 = arith.constant 96 : index
        %swap3A_1352 = tpu.vector_load %arg9[%swap3A_1350, %swap3A_1351] {strides = array<i32>} : memref<128x128xf32, #tpu.memory_space<vmem>>, vector<1x16xf32>,
        %swap3A_1353 = vector.shape_cast %swap3A_1352 : vector<1x16xf32> to vector<16xf32>
        %swap3A_1354 = vector.shape_cast %mul3A_1349 : vector<16xf32> to vector<1x16xf32>
        tpu.vector_store %arg9[%swap3A_1350, %swap3A_1351], %swap3A_1354 {strides = array<i32>} : memref<128x128xf32, #tpu.memory_space<vmem>>, vector<1x16xf32>,
        %get3A_1355 = arith.index_cast %add3A_1277 : i32 to index
        %get3A_1356 = arith.constant 112 : index
        %get3A_1357 = tpu.vector_load %arg9[%get3A_1355, %get3A_1356] {strides = array<i32>} : memref<128x128xf32, #tpu.memory_space<vmem>>, vector<1x16xf32>,
        %get3A_1358 = vector.shape_cast %get3A_1357 : vector<1x16xf32> to vector<16xf32>
        %mul3A_1359 = vector.broadcast %squeeze3A_1273 : f32 to vector<16xf32>
        %mul3A_1360 = arith.mulf %get3A_1358, %mul3A_1359 : vector<16xf32>
        %swap3A_1361 = arith.index_cast %add3A_1277 : i32 to index
        %swap3A_1362 = arith.constant 112 : index
        %swap3A_1363 = tpu.vector_load %arg9[%swap3A_1361, %swap3A_1362] {strides = array<i32>} : memref<128x128xf32, #tpu.memory_space<vmem>>, vector<1x16xf32>,
        %swap3A_1364 = vector.shape_cast %swap3A_1363 : vector<1x16xf32> to vector<16xf32>
        %swap3A_1365 = vector.shape_cast %mul3A_1360 : vector<16xf32> to vector<1x16xf32>
        tpu.vector_store %arg9[%swap3A_1361, %swap3A_1362], %swap3A_1365 {strides = array<i32>} : memref<128x128xf32, #tpu.memory_space<vmem>>, vector<1x16xf32>,
        %slice3A_1366 = vector.extract_strided_slice %get3A_52 {offsets = [14], sizes = [1], strides = [1]} : vector<16xf32> to vector<1xf32>
        %squeeze3A_1367 = vector.extract %slice3A_1366[0] : f32 from vector<1xf32>
        %mul3A_1368 = arith.constant 16 : i32
        %mul3A_1369 = arith.muli %scan3A_48, %mul3A_1368 : i32
        %add3A_1370 = arith.constant 14 : i32
        %add3A_1371 = arith.addi %mul3A_1369, %add3A_1370 : i32
        %get3A_1372 = arith.index_cast %add3A_1371 : i32 to index
        %get3A_1373 = arith.constant 0 : index
        %get3A_1374 = tpu.vector_load %arg9[%get3A_1372, %get3A_1373] {strides = array<i32>} : memref<128x128xf32, #tpu.memory_space<vmem>>, vector<1x16xf32>,
        %get3A_1375 = vector.shape_cast %get3A_1374 : vector<1x16xf32> to vector<16xf32>
        %mul3A_1376 = vector.broadcast %squeeze3A_1367 : f32 to vector<16xf32>
        %mul3A_1377 = arith.mulf %get3A_1375, %mul3A_1376 : vector<16xf32>
        %swap3A_1378 = arith.index_cast %add3A_1371 : i32 to index
        %swap3A_1379 = arith.constant 0 : index
        %swap3A_1380 = tpu.vector_load %arg9[%swap3A_1378, %swap3A_1379] {strides = array<i32>} : memref<128x128xf32, #tpu.memory_space<vmem>>, vector<1x16xf32>,
        %swap3A_1381 = vector.shape_cast %swap3A_1380 : vector<1x16xf32> to vector<16xf32>
        %swap3A_1382 = vector.shape_cast %mul3A_1377 : vector<16xf32> to vector<1x16xf32>
        tpu.vector_store %arg9[%swap3A_1378, %swap3A_1379], %swap3A_1382 {strides = array<i32>} : memref<128x128xf32, #tpu.memory_space<vmem>>, vector<1x16xf32>,
        %get3A_1383 = arith.index_cast %add3A_1371 : i32 to index
        %get3A_1384 = arith.constant 16 : index
        %get3A_1385 = tpu.vector_load %arg9[%get3A_1383, %get3A_1384] {strides = array<i32>} : memref<128x128xf32, #tpu.memory_space<vmem>>, vector<1x16xf32>,
        %get3A_1386 = vector.shape_cast %get3A_1385 : vector<1x16xf32> to vector<16xf32>
        %mul3A_1387 = vector.broadcast %squeeze3A_1367 : f32 to vector<16xf32>
        %mul3A_1388 = arith.mulf %get3A_1386, %mul3A_1387 : vector<16xf32>
        %swap3A_1389 = arith.index_cast %add3A_1371 : i32 to index
        %swap3A_1390 = arith.constant 16 : index
        %swap3A_1391 = tpu.vector_load %arg9[%swap3A_1389, %swap3A_1390] {strides = array<i32>} : memref<128x128xf32, #tpu.memory_space<vmem>>, vector<1x16xf32>,
        %swap3A_1392 = vector.shape_cast %swap3A_1391 : vector<1x16xf32> to vector<16xf32>
        %swap3A_1393 = vector.shape_cast %mul3A_1388 : vector<16xf32> to vector<1x16xf32>
        tpu.vector_store %arg9[%swap3A_1389, %swap3A_1390], %swap3A_1393 {strides = array<i32>} : memref<128x128xf32, #tpu.memory_space<vmem>>, vector<1x16xf32>,
        %get3A_1394 = arith.index_cast %add3A_1371 : i32 to index
        %get3A_1395 = arith.constant 32 : index
        %get3A_1396 = tpu.vector_load %arg9[%get3A_1394, %get3A_1395] {strides = array<i32>} : memref<128x128xf32, #tpu.memory_space<vmem>>, vector<1x16xf32>,
        %get3A_1397 = vector.shape_cast %get3A_1396 : vector<1x16xf32> to vector<16xf32>
        %mul3A_1398 = vector.broadcast %squeeze3A_1367 : f32 to vector<16xf32>
        %mul3A_1399 = arith.mulf %get3A_1397, %mul3A_1398 : vector<16xf32>
        %swap3A_1400 = arith.index_cast %add3A_1371 : i32 to index
        %swap3A_1401 = arith.constant 32 : index
        %swap3A_1402 = tpu.vector_load %arg9[%swap3A_1400, %swap3A_1401] {strides = array<i32>} : memref<128x128xf32, #tpu.memory_space<vmem>>, vector<1x16xf32>,
        %swap3A_1403 = vector.shape_cast %swap3A_1402 : vector<1x16xf32> to vector<16xf32>
        %swap3A_1404 = vector.shape_cast %mul3A_1399 : vector<16xf32> to vector<1x16xf32>
        tpu.vector_store %arg9[%swap3A_1400, %swap3A_1401], %swap3A_1404 {strides = array<i32>} : memref<128x128xf32, #tpu.memory_space<vmem>>, vector<1x16xf32>,
        %get3A_1405 = arith.index_cast %add3A_1371 : i32 to index
        %get3A_1406 = arith.constant 48 : index
        %get3A_1407 = tpu.vector_load %arg9[%get3A_1405, %get3A_1406] {strides = array<i32>} : memref<128x128xf32, #tpu.memory_space<vmem>>, vector<1x16xf32>,
        %get3A_1408 = vector.shape_cast %get3A_1407 : vector<1x16xf32> to vector<16xf32>
        %mul3A_1409 = vector.broadcast %squeeze3A_1367 : f32 to vector<16xf32>
        %mul3A_1410 = arith.mulf %get3A_1408, %mul3A_1409 : vector<16xf32>
        %swap3A_1411 = arith.index_cast %add3A_1371 : i32 to index
        %swap3A_1412 = arith.constant 48 : index
        %swap3A_1413 = tpu.vector_load %arg9[%swap3A_1411, %swap3A_1412] {strides = array<i32>} : memref<128x128xf32, #tpu.memory_space<vmem>>, vector<1x16xf32>,
        %swap3A_1414 = vector.shape_cast %swap3A_1413 : vector<1x16xf32> to vector<16xf32>
        %swap3A_1415 = vector.shape_cast %mul3A_1410 : vector<16xf32> to vector<1x16xf32>
        tpu.vector_store %arg9[%swap3A_1411, %swap3A_1412], %swap3A_1415 {strides = array<i32>} : memref<128x128xf32, #tpu.memory_space<vmem>>, vector<1x16xf32>,
        %get3A_1416 = arith.index_cast %add3A_1371 : i32 to index
        %get3A_1417 = arith.constant 64 : index
        %get3A_1418 = tpu.vector_load %arg9[%get3A_1416, %get3A_1417] {strides = array<i32>} : memref<128x128xf32, #tpu.memory_space<vmem>>, vector<1x16xf32>,
        %get3A_1419 = vector.shape_cast %get3A_1418 : vector<1x16xf32> to vector<16xf32>
        %mul3A_1420 = vector.broadcast %squeeze3A_1367 : f32 to vector<16xf32>
        %mul3A_1421 = arith.mulf %get3A_1419, %mul3A_1420 : vector<16xf32>
        %swap3A_1422 = arith.index_cast %add3A_1371 : i32 to index
        %swap3A_1423 = arith.constant 64 : index
        %swap3A_1424 = tpu.vector_load %arg9[%swap3A_1422, %swap3A_1423] {strides = array<i32>} : memref<128x128xf32, #tpu.memory_space<vmem>>, vector<1x16xf32>,
        %swap3A_1425 = vector.shape_cast %swap3A_1424 : vector<1x16xf32> to vector<16xf32>
        %swap3A_1426 = vector.shape_cast %mul3A_1421 : vector<16xf32> to vector<1x16xf32>
        tpu.vector_store %arg9[%swap3A_1422, %swap3A_1423], %swap3A_1426 {strides = array<i32>} : memref<128x128xf32, #tpu.memory_space<vmem>>, vector<1x16xf32>,
        %get3A_1427 = arith.index_cast %add3A_1371 : i32 to index
        %get3A_1428 = arith.constant 80 : index
        %get3A_1429 = tpu.vector_load %arg9[%get3A_1427, %get3A_1428] {strides = array<i32>} : memref<128x128xf32, #tpu.memory_space<vmem>>, vector<1x16xf32>,
        %get3A_1430 = vector.shape_cast %get3A_1429 : vector<1x16xf32> to vector<16xf32>
        %mul3A_1431 = vector.broadcast %squeeze3A_1367 : f32 to vector<16xf32>
        %mul3A_1432 = arith.mulf %get3A_1430, %mul3A_1431 : vector<16xf32>
        %swap3A_1433 = arith.index_cast %add3A_1371 : i32 to index
        %swap3A_1434 = arith.constant 80 : index
        %swap3A_1435 = tpu.vector_load %arg9[%swap3A_1433, %swap3A_1434] {strides = array<i32>} : memref<128x128xf32, #tpu.memory_space<vmem>>, vector<1x16xf32>,
        %swap3A_1436 = vector.shape_cast %swap3A_1435 : vector<1x16xf32> to vector<16xf32>
        %swap3A_1437 = vector.shape_cast %mul3A_1432 : vector<16xf32> to vector<1x16xf32>
        tpu.vector_store %arg9[%swap3A_1433, %swap3A_1434], %swap3A_1437 {strides = array<i32>} : memref<128x128xf32, #tpu.memory_space<vmem>>, vector<1x16xf32>,
        %get3A_1438 = arith.index_cast %add3A_1371 : i32 to index
        %get3A_1439 = arith.constant 96 : index
        %get3A_1440 = tpu.vector_load %arg9[%get3A_1438, %get3A_1439] {strides = array<i32>} : memref<128x128xf32, #tpu.memory_space<vmem>>, vector<1x16xf32>,
        %get3A_1441 = vector.shape_cast %get3A_1440 : vector<1x16xf32> to vector<16xf32>
        %mul3A_1442 = vector.broadcast %squeeze3A_1367 : f32 to vector<16xf32>
        %mul3A_1443 = arith.mulf %get3A_1441, %mul3A_1442 : vector<16xf32>
        %swap3A_1444 = arith.index_cast %add3A_1371 : i32 to index
        %swap3A_1445 = arith.constant 96 : index
        %swap3A_1446 = tpu.vector_load %arg9[%swap3A_1444, %swap3A_1445] {strides = array<i32>} : memref<128x128xf32, #tpu.memory_space<vmem>>, vector<1x16xf32>,
        %swap3A_1447 = vector.shape_cast %swap3A_1446 : vector<1x16xf32> to vector<16xf32>
        %swap3A_1448 = vector.shape_cast %mul3A_1443 : vector<16xf32> to vector<1x16xf32>
        tpu.vector_store %arg9[%swap3A_1444, %swap3A_1445], %swap3A_1448 {strides = array<i32>} : memref<128x128xf32, #tpu.memory_space<vmem>>, vector<1x16xf32>,
        %get3A_1449 = arith.index_cast %add3A_1371 : i32 to index
        %get3A_1450 = arith.constant 112 : index
        %get3A_1451 = tpu.vector_load %arg9[%get3A_1449, %get3A_1450] {strides = array<i32>} : memref<128x128xf32, #tpu.memory_space<vmem>>, vector<1x16xf32>,
        %get3A_1452 = vector.shape_cast %get3A_1451 : vector<1x16xf32> to vector<16xf32>
        %mul3A_1453 = vector.broadcast %squeeze3A_1367 : f32 to vector<16xf32>
        %mul3A_1454 = arith.mulf %get3A_1452, %mul3A_1453 : vector<16xf32>
        %swap3A_1455 = arith.index_cast %add3A_1371 : i32 to index
        %swap3A_1456 = arith.constant 112 : index
        %swap3A_1457 = tpu.vector_load %arg9[%swap3A_1455, %swap3A_1456] {strides = array<i32>} : memref<128x128xf32, #tpu.memory_space<vmem>>, vector<1x16xf32>,
        %swap3A_1458 = vector.shape_cast %swap3A_1457 : vector<1x16xf32> to vector<16xf32>
        %swap3A_1459 = vector.shape_cast %mul3A_1454 : vector<16xf32> to vector<1x16xf32>
        tpu.vector_store %arg9[%swap3A_1455, %swap3A_1456], %swap3A_1459 {strides = array<i32>} : memref<128x128xf32, #tpu.memory_space<vmem>>, vector<1x16xf32>,
        %slice3A_1460 = vector.extract_strided_slice %get3A_52 {offsets = [15], sizes = [1], strides = [1]} : vector<16xf32> to vector<1xf32>
        %squeeze3A_1461 = vector.extract %slice3A_1460[0] : f32 from vector<1xf32>
        %mul3A_1462 = arith.constant 16 : i32
        %mul3A_1463 = arith.muli %scan3A_48, %mul3A_1462 : i32
        %add3A_1464 = arith.constant 15 : i32
        %add3A_1465 = arith.addi %mul3A_1463, %add3A_1464 : i32
        %get3A_1466 = arith.index_cast %add3A_1465 : i32 to index
        %get3A_1467 = arith.constant 0 : index
        %get3A_1468 = tpu.vector_load %arg9[%get3A_1466, %get3A_1467] {strides = array<i32>} : memref<128x128xf32, #tpu.memory_space<vmem>>, vector<1x16xf32>,
        %get3A_1469 = vector.shape_cast %get3A_1468 : vector<1x16xf32> to vector<16xf32>
        %mul3A_1470 = vector.broadcast %squeeze3A_1461 : f32 to vector<16xf32>
        %mul3A_1471 = arith.mulf %get3A_1469, %mul3A_1470 : vector<16xf32>
        %swap3A_1472 = arith.index_cast %add3A_1465 : i32 to index
        %swap3A_1473 = arith.constant 0 : index
        %swap3A_1474 = tpu.vector_load %arg9[%swap3A_1472, %swap3A_1473] {strides = array<i32>} : memref<128x128xf32, #tpu.memory_space<vmem>>, vector<1x16xf32>,
        %swap3A_1475 = vector.shape_cast %swap3A_1474 : vector<1x16xf32> to vector<16xf32>
        %swap3A_1476 = vector.shape_cast %mul3A_1471 : vector<16xf32> to vector<1x16xf32>
        tpu.vector_store %arg9[%swap3A_1472, %swap3A_1473], %swap3A_1476 {strides = array<i32>} : memref<128x128xf32, #tpu.memory_space<vmem>>, vector<1x16xf32>,
        %get3A_1477 = arith.index_cast %add3A_1465 : i32 to index
        %get3A_1478 = arith.constant 16 : index
        %get3A_1479 = tpu.vector_load %arg9[%get3A_1477, %get3A_1478] {strides = array<i32>} : memref<128x128xf32, #tpu.memory_space<vmem>>, vector<1x16xf32>,
        %get3A_1480 = vector.shape_cast %get3A_1479 : vector<1x16xf32> to vector<16xf32>
        %mul3A_1481 = vector.broadcast %squeeze3A_1461 : f32 to vector<16xf32>
        %mul3A_1482 = arith.mulf %get3A_1480, %mul3A_1481 : vector<16xf32>
        %swap3A_1483 = arith.index_cast %add3A_1465 : i32 to index
        %swap3A_1484 = arith.constant 16 : index
        %swap3A_1485 = tpu.vector_load %arg9[%swap3A_1483, %swap3A_1484] {strides = array<i32>} : memref<128x128xf32, #tpu.memory_space<vmem>>, vector<1x16xf32>,
        %swap3A_1486 = vector.shape_cast %swap3A_1485 : vector<1x16xf32> to vector<16xf32>
        %swap3A_1487 = vector.shape_cast %mul3A_1482 : vector<16xf32> to vector<1x16xf32>
        tpu.vector_store %arg9[%swap3A_1483, %swap3A_1484], %swap3A_1487 {strides = array<i32>} : memref<128x128xf32, #tpu.memory_space<vmem>>, vector<1x16xf32>,
        %get3A_1488 = arith.index_cast %add3A_1465 : i32 to index
        %get3A_1489 = arith.constant 32 : index
        %get3A_1490 = tpu.vector_load %arg9[%get3A_1488, %get3A_1489] {strides = array<i32>} : memref<128x128xf32, #tpu.memory_space<vmem>>, vector<1x16xf32>,
        %get3A_1491 = vector.shape_cast %get3A_1490 : vector<1x16xf32> to vector<16xf32>
        %mul3A_1492 = vector.broadcast %squeeze3A_1461 : f32 to vector<16xf32>
        %mul3A_1493 = arith.mulf %get3A_1491, %mul3A_1492 : vector<16xf32>
        %swap3A_1494 = arith.index_cast %add3A_1465 : i32 to index
        %swap3A_1495 = arith.constant 32 : index
        %swap3A_1496 = tpu.vector_load %arg9[%swap3A_1494, %swap3A_1495] {strides = array<i32>} : memref<128x128xf32, #tpu.memory_space<vmem>>, vector<1x16xf32>,
        %swap3A_1497 = vector.shape_cast %swap3A_1496 : vector<1x16xf32> to vector<16xf32>
        %swap3A_1498 = vector.shape_cast %mul3A_1493 : vector<16xf32> to vector<1x16xf32>
        tpu.vector_store %arg9[%swap3A_1494, %swap3A_1495], %swap3A_1498 {strides = array<i32>} : memref<128x128xf32, #tpu.memory_space<vmem>>, vector<1x16xf32>,
        %get3A_1499 = arith.index_cast %add3A_1465 : i32 to index
        %get3A_1500 = arith.constant 48 : index
        %get3A_1501 = tpu.vector_load %arg9[%get3A_1499, %get3A_1500] {strides = array<i32>} : memref<128x128xf32, #tpu.memory_space<vmem>>, vector<1x16xf32>,
        %get3A_1502 = vector.shape_cast %get3A_1501 : vector<1x16xf32> to vector<16xf32>
        %mul3A_1503 = vector.broadcast %squeeze3A_1461 : f32 to vector<16xf32>
        %mul3A_1504 = arith.mulf %get3A_1502, %mul3A_1503 : vector<16xf32>
        %swap3A_1505 = arith.index_cast %add3A_1465 : i32 to index
        %swap3A_1506 = arith.constant 48 : index
        %swap3A_1507 = tpu.vector_load %arg9[%swap3A_1505, %swap3A_1506] {strides = array<i32>} : memref<128x128xf32, #tpu.memory_space<vmem>>, vector<1x16xf32>,
        %swap3A_1508 = vector.shape_cast %swap3A_1507 : vector<1x16xf32> to vector<16xf32>
        %swap3A_1509 = vector.shape_cast %mul3A_1504 : vector<16xf32> to vector<1x16xf32>
        tpu.vector_store %arg9[%swap3A_1505, %swap3A_1506], %swap3A_1509 {strides = array<i32>} : memref<128x128xf32, #tpu.memory_space<vmem>>, vector<1x16xf32>,
        %get3A_1510 = arith.index_cast %add3A_1465 : i32 to index
        %get3A_1511 = arith.constant 64 : index
        %get3A_1512 = tpu.vector_load %arg9[%get3A_1510, %get3A_1511] {strides = array<i32>} : memref<128x128xf32, #tpu.memory_space<vmem>>, vector<1x16xf32>,
        %get3A_1513 = vector.shape_cast %get3A_1512 : vector<1x16xf32> to vector<16xf32>
        %mul3A_1514 = vector.broadcast %squeeze3A_1461 : f32 to vector<16xf32>
        %mul3A_1515 = arith.mulf %get3A_1513, %mul3A_1514 : vector<16xf32>
        %swap3A_1516 = arith.index_cast %add3A_1465 : i32 to index
        %swap3A_1517 = arith.constant 64 : index
        %swap3A_1518 = tpu.vector_load %arg9[%swap3A_1516, %swap3A_1517] {strides = array<i32>} : memref<128x128xf32, #tpu.memory_space<vmem>>, vector<1x16xf32>,
        %swap3A_1519 = vector.shape_cast %swap3A_1518 : vector<1x16xf32> to vector<16xf32>
        %swap3A_1520 = vector.shape_cast %mul3A_1515 : vector<16xf32> to vector<1x16xf32>
        tpu.vector_store %arg9[%swap3A_1516, %swap3A_1517], %swap3A_1520 {strides = array<i32>} : memref<128x128xf32, #tpu.memory_space<vmem>>, vector<1x16xf32>,
        %get3A_1521 = arith.index_cast %add3A_1465 : i32 to index
        %get3A_1522 = arith.constant 80 : index
        %get3A_1523 = tpu.vector_load %arg9[%get3A_1521, %get3A_1522] {strides = array<i32>} : memref<128x128xf32, #tpu.memory_space<vmem>>, vector<1x16xf32>,
        %get3A_1524 = vector.shape_cast %get3A_1523 : vector<1x16xf32> to vector<16xf32>
        %mul3A_1525 = vector.broadcast %squeeze3A_1461 : f32 to vector<16xf32>
        %mul3A_1526 = arith.mulf %get3A_1524, %mul3A_1525 : vector<16xf32>
        %swap3A_1527 = arith.index_cast %add3A_1465 : i32 to index
        %swap3A_1528 = arith.constant 80 : index
        %swap3A_1529 = tpu.vector_load %arg9[%swap3A_1527, %swap3A_1528] {strides = array<i32>} : memref<128x128xf32, #tpu.memory_space<vmem>>, vector<1x16xf32>,
        %swap3A_1530 = vector.shape_cast %swap3A_1529 : vector<1x16xf32> to vector<16xf32>
        %swap3A_1531 = vector.shape_cast %mul3A_1526 : vector<16xf32> to vector<1x16xf32>
        tpu.vector_store %arg9[%swap3A_1527, %swap3A_1528], %swap3A_1531 {strides = array<i32>} : memref<128x128xf32, #tpu.memory_space<vmem>>, vector<1x16xf32>,
        %get3A_1532 = arith.index_cast %add3A_1465 : i32 to index
        %get3A_1533 = arith.constant 96 : index
        %get3A_1534 = tpu.vector_load %arg9[%get3A_1532, %get3A_1533] {strides = array<i32>} : memref<128x128xf32, #tpu.memory_space<vmem>>, vector<1x16xf32>,
        %get3A_1535 = vector.shape_cast %get3A_1534 : vector<1x16xf32> to vector<16xf32>
        %mul3A_1536 = vector.broadcast %squeeze3A_1461 : f32 to vector<16xf32>
        %mul3A_1537 = arith.mulf %get3A_1535, %mul3A_1536 : vector<16xf32>
        %swap3A_1538 = arith.index_cast %add3A_1465 : i32 to index
        %swap3A_1539 = arith.constant 96 : index
        %swap3A_1540 = tpu.vector_load %arg9[%swap3A_1538, %swap3A_1539] {strides = array<i32>} : memref<128x128xf32, #tpu.memory_space<vmem>>, vector<1x16xf32>,
        %swap3A_1541 = vector.shape_cast %swap3A_1540 : vector<1x16xf32> to vector<16xf32>
        %swap3A_1542 = vector.shape_cast %mul3A_1537 : vector<16xf32> to vector<1x16xf32>
        tpu.vector_store %arg9[%swap3A_1538, %swap3A_1539], %swap3A_1542 {strides = array<i32>} : memref<128x128xf32, #tpu.memory_space<vmem>>, vector<1x16xf32>,
        %get3A_1543 = arith.index_cast %add3A_1465 : i32 to index
        %get3A_1544 = arith.constant 112 : index
        %get3A_1545 = tpu.vector_load %arg9[%get3A_1543, %get3A_1544] {strides = array<i32>} : memref<128x128xf32, #tpu.memory_space<vmem>>, vector<1x16xf32>,
        %get3A_1546 = vector.shape_cast %get3A_1545 : vector<1x16xf32> to vector<16xf32>
        %mul3A_1547 = vector.broadcast %squeeze3A_1461 : f32 to vector<16xf32>
        %mul3A_1548 = arith.mulf %get3A_1546, %mul3A_1547 : vector<16xf32>
        %swap3A_1549 = arith.index_cast %add3A_1465 : i32 to index
        %swap3A_1550 = arith.constant 112 : index
        %swap3A_1551 = tpu.vector_load %arg9[%swap3A_1549, %swap3A_1550] {strides = array<i32>} : memref<128x128xf32, #tpu.memory_space<vmem>>, vector<1x16xf32>,
        %swap3A_1552 = vector.shape_cast %swap3A_1551 : vector<1x16xf32> to vector<16xf32>
        %swap3A_1553 = vector.shape_cast %mul3A_1548 : vector<16xf32> to vector<1x16xf32>
        tpu.vector_store %arg9[%swap3A_1549, %swap3A_1550], %swap3A_1553 {strides = array<i32>} : memref<128x128xf32, #tpu.memory_space<vmem>>, vector<1x16xf32>,
      }
      %scan3A_46 = arith.constant 8 : i32
      %run_scoped3A_47 = arith.constant 2 : i32
      "tpu.region"() ({
        %run_scoped3A_48 = tpu.sem_alloc : memref<!tpu.dma_semaphore, #tpu.memory_space<semaphore_mem>>
        %dma_start3A_49 = arith.constant 0 : i32
        %dma_start3A_50 = tpu.memref_slice %arg7[%run_scoped3A_47, %dma_start3A_49] : memref<4x128xi32, #tpu.memory_space<vmem>> -> memref<1x128xi32, #tpu.memory_space<vmem>>
        %dma_start3A_51 = tpu.memref_squeeze %dma_start3A_50 : memref<1x128xi32, #tpu.memory_space<vmem>> -> memref<128xi32, #tpu.memory_space<vmem>>
        %dma_start3A_52 = arith.constant 0 : i32
        %dma_start3A_53 = arith.constant 0 : i32
        %dma_start3A_54 = tpu.memref_slice %arg6[%dma_start3A_52, %dma_start3A_53] : memref<6144x128xf32, #tpu.memory_space<vmem_shared>> -> memref<6144x128xf32, #tpu.memory_space<vmem_shared>>
        tpu.enqueue_indirect_dma source(%arg9 : memref<128x128xf32, #tpu.memory_space<vmem>>) target(%dma_start3A_54 : memref<6144x128xf32, #tpu.memory_space<vmem_shared>>) offsets(%dma_start3A_51 : memref<128xi32, #tpu.memory_space<vmem>>) semaphore(%run_scoped3A_48 : memref<!tpu.dma_semaphore, #tpu.memory_space<semaphore_mem>>) {add = true}
        %dma_wait3A_55 = arith.constant 0 : i32
        %dma_wait3A_56 = tpu.memref_slice %arg7[%run_scoped3A_47, %dma_wait3A_55] : memref<4x128xi32, #tpu.memory_space<vmem>> -> memref<1x128xi32, #tpu.memory_space<vmem>>
        %dma_wait3A_57 = tpu.memref_squeeze %dma_wait3A_56 : memref<1x128xi32, #tpu.memory_space<vmem>> -> memref<128xi32, #tpu.memory_space<vmem>>
        %dma_wait3A_58 = arith.constant 0 : i32
        %dma_wait3A_59 = arith.constant 0 : i32
        %dma_wait3A_60 = tpu.memref_slice %arg6[%dma_wait3A_58, %dma_wait3A_59] : memref<6144x128xf32, #tpu.memory_space<vmem_shared>> -> memref<6144x128xf32, #tpu.memory_space<vmem_shared>>
        tpu.wait_indirect_dma semaphore(%run_scoped3A_48 : memref<!tpu.dma_semaphore, #tpu.memory_space<semaphore_mem>>) src(%arg9 : memref<128x128xf32, #tpu.memory_space<vmem>>) dst(%dma_wait3A_60 : memref<6144x128xf32, #tpu.memory_space<vmem_shared>>)
        tpu.yield
      }) : () -> ()
    }
    %scan3A_19 = arith.constant 160 : i32
    %barrier3A_20 = arith.constant 0 : index
    tpu.barrier barrier_id(%barrier3A_20)
    %scan3A_21 = arith.constant 0 : i32
    %scan3A_22 = arith.constant 0 : i32
    %scan3A_23 = arith.constant 3 : i32
    %scan3A_24 = arith.addi %scan3A_22, %scan3A_23 : i32
    %scan3A_25 = arith.constant 1 : i32
    scf.for %scan3A_27 = %scan3A_22 to %scan3A_24 step %scan3A_25  : i32 {
      %mul3A_28 = arith.constant 384 : i32
      %mul3A_29 = arith.muli %arg1, %mul3A_28 : i32
      %mul3A_30 = arith.constant 128 : i32
      %mul3A_31 = arith.muli %scan3A_27, %mul3A_30 : i32
      %add3A_32 = arith.addi %mul3A_29, %mul3A_31 : i32
      "tpu.region"() ({
        %run_scoped3A = tpu.sem_alloc : memref<!tpu.dma_semaphore, #tpu.memory_space<semaphore_mem>>
        %dma_start3A = arith.constant 0 : i32
        %dma_start3A_41 = tpu.memref_slice %arg6[%add3A_32, %dma_start3A] : memref<6144x128xf32, #tpu.memory_space<vmem_shared>> -> memref<128x128xf32, #tpu.memory_space<vmem_shared>>
        %dma_start3A_42 = arith.constant 0 : i32
        %dma_start3A_43 = tpu.memref_slice %arg6[%add3A_32, %dma_start3A_42] : memref<6144x128xf32, #tpu.memory_space<vmem_shared>> -> memref<128x128xf32, #tpu.memory_space<vmem_shared>>
        tpu.enqueue_dma source(%dma_start3A_43 : memref<128x128xf32, #tpu.memory_space<vmem_shared>>) target(%arg9 : memref<128x128xf32, #tpu.memory_space<vmem>>) target_semaphore(%run_scoped3A : memref<!tpu.dma_semaphore, #tpu.memory_space<semaphore_mem>>)
        %dma_wait3A = arith.constant 0 : i32
        %dma_wait3A_44 = tpu.memref_slice %arg6[%add3A_32, %dma_wait3A] : memref<6144x128xf32, #tpu.memory_space<vmem_shared>> -> memref<128x128xf32, #tpu.memory_space<vmem_shared>>
        %dma_wait3A_45 = arith.constant 0 : i32
        %dma_wait3A_46 = tpu.memref_slice %arg6[%add3A_32, %dma_wait3A_45] : memref<6144x128xf32, #tpu.memory_space<vmem_shared>> -> memref<128x128xf32, #tpu.memory_space<vmem_shared>>
        tpu.wait_dma2 semaphore(%run_scoped3A : memref<!tpu.dma_semaphore, #tpu.memory_space<semaphore_mem>>) src(%dma_wait3A_46 : memref<128x128xf32, #tpu.memory_space<vmem_shared>>) dst(%arg9 : memref<128x128xf32, #tpu.memory_space<vmem>>)
        tpu.yield
      }) : () -> ()
      %mul3A_33 = arith.constant 6144 : i32
      %mul3A_34 = arith.muli %arg0, %mul3A_33 : i32
      %mul3A_35 = arith.constant 384 : i32
      %mul3A_36 = arith.muli %arg1, %mul3A_35 : i32
      %add3A_37 = arith.addi %mul3A_34, %mul3A_36 : i32
      %mul3A_38 = arith.constant 128 : i32
      %mul3A_39 = arith.muli %scan3A_27, %mul3A_38 : i32
      %add3A_40 = arith.addi %add3A_37, %mul3A_39 : i32
      "tpu.region"() ({
        %run_scoped3A = tpu.sem_alloc : memref<!tpu.dma_semaphore, #tpu.memory_space<semaphore_mem>>
        %dma_start3A = arith.constant 0 : i32
        %dma_start3A_41 = tpu.memref_slice %arg5[%add3A_40, %dma_start3A] : memref<12288x128xf32, #tpu.memory_space<hbm>> -> memref<128x128xf32, #tpu.memory_space<hbm>>
        %dma_start3A_42 = arith.constant 0 : i32
        %dma_start3A_43 = tpu.memref_slice %arg5[%add3A_40, %dma_start3A_42] : memref<12288x128xf32, #tpu.memory_space<hbm>> -> memref<128x128xf32, #tpu.memory_space<hbm>>
        tpu.enqueue_dma source(%arg9 : memref<128x128xf32, #tpu.memory_space<vmem>>) target(%dma_start3A_43 : memref<128x128xf32, #tpu.memory_space<hbm>>) target_semaphore(%run_scoped3A : memref<!tpu.dma_semaphore, #tpu.memory_space<semaphore_mem>>)
        %dma_wait3A = arith.constant 0 : i32
        %dma_wait3A_44 = tpu.memref_slice %arg5[%add3A_40, %dma_wait3A] : memref<12288x128xf32, #tpu.memory_space<hbm>> -> memref<128x128xf32, #tpu.memory_space<hbm>>
        %dma_wait3A_45 = arith.constant 0 : i32
        %dma_wait3A_46 = tpu.memref_slice %arg5[%add3A_40, %dma_wait3A_45] : memref<12288x128xf32, #tpu.memory_space<hbm>> -> memref<128x128xf32, #tpu.memory_space<hbm>>
        tpu.wait_dma2 semaphore(%run_scoped3A : memref<!tpu.dma_semaphore, #tpu.memory_space<semaphore_mem>>) src(%arg9 : memref<128x128xf32, #tpu.memory_space<vmem>>) dst(%dma_wait3A_46 : memref<128x128xf32, #tpu.memory_space<hbm>>)
        tpu.yield
      }) : () -> ()
    }
    %scan3A_26 = arith.constant 3 : i32
    return
  }
}

module attributes {stable_mosaic.version = 14 : i64} {
  func.func @_proj_body(%arg0: i32, %arg1: i32, %arg2: memref<160x128xf32, #tpu.memory_space<vmem>>, %arg3: memref<1x128x128xf32, #tpu.memory_space<vmem>>, %arg4: memref<160x128xf32, #tpu.memory_space<vmem>>) attributes {dimension_semantics = [#tpu.dimension_semantics<arbitrary>, #tpu.dimension_semantics<arbitrary>], iteration_bounds = array<i64: 125, 8>, scalar_prefetch = 0 : i64, scratch_operands = 0 : i64, tpu.core_type = #tpu.core_type<tc>, window_params = [{transform_indices = @transform_0, window_bounds = array<i64: 160, 128>}, {transform_indices = @transform_1, window_bounds = array<i64: 1, 128, 128>}, {transform_indices = @transform_2, window_bounds = array<i64: 160, 128>}]} {
    %get3A = arith.constant 0 : index
    %get3A_0 = arith.constant 0 : index
    %get3A_1 = vector.load %arg2[%get3A, %get3A_0] : memref<160x128xf32, #tpu.memory_space<vmem>>, vector<160x128xf32>
    %get3A_2 = arith.constant 0 : index
    %get3A_3 = arith.constant 0 : index
    %get3A_4 = arith.constant 0 : index
    %get3A_5 = vector.load %arg3[%get3A_2, %get3A_3, %get3A_4] : memref<1x128x128xf32, #tpu.memory_space<vmem>>, vector<1x128x128xf32>
    %get3A_6 = vector.shape_cast %get3A_5 : vector<1x128x128xf32> to vector<128x128xf32>
    %dot_general3A = arith.constant dense<0.000000e+00> : vector<160x128xf32>
    %dot_general3A_7 = tpu.matmul %get3A_1, %get3A_6, %dot_general3A {dimension_numbers = #tpu.dot_dimension_numbers<[1], [0], [0], [1], [0, 0, 1, 1], [], []>, transpose_lhs_hint = false} : vector<160x128xf32>, vector<128x128xf32>, vector<160x128xf32> -> vector<160x128xf32>
    %swap3A = arith.constant 0 : index
    %swap3A_8 = arith.constant 0 : index
    %swap3A_9 = vector.load %arg4[%swap3A, %swap3A_8] : memref<160x128xf32, #tpu.memory_space<vmem>>, vector<160x128xf32>
    tpu.vector_store %arg4[%swap3A, %swap3A_8], %dot_general3A_7 {strides = array<i32>} : memref<160x128xf32, #tpu.memory_space<vmem>>, vector<160x128xf32>,
    return
  }
  func.func @transform_0(%arg0: i32, %arg1: i32) -> (i32, i32) {
    %c0_i32 = arith.constant 0 : i32
    %c0_i32_0 = arith.constant 0 : i32
    return %arg0, %c0_i32 : i32, i32
  }
  func.func @transform_1(%arg0: i32, %arg1: i32) -> (i32, i32, i32) {
    %c0_i32 = arith.constant 0 : i32
    %c0_i32_0 = arith.constant 0 : i32
    %c0_i32_1 = arith.constant 0 : i32
    return %arg1, %c0_i32, %c0_i32_0 : i32, i32, i32
  }
  func.func @transform_2(%arg0: i32, %arg1: i32) -> (i32, i32) {
    %mul3A = arith.constant 125 : i32
    %mul3A_0 = arith.muli %arg1, %mul3A : i32
    %add3A = arith.addi %mul3A_0, %arg0 : i32
    %c0_i32 = arith.constant 0 : i32
    %c0_i32_1 = arith.constant 0 : i32
    return %add3A, %c0_i32 : i32, i32
  }
}

module attributes {stable_mosaic.version = 14 : i64} {
  func.func @_score_body(%arg0: i32, %arg1: memref<160x128xf32, #tpu.memory_space<vmem>>, %arg2: memref<160x128xf32, #tpu.memory_space<vmem>>, %arg3: memref<128x128xf32, #tpu.memory_space<vmem>>, %arg4: memref<1x128xf32, #tpu.memory_space<vmem>>, %arg5: memref<1x128xf32, #tpu.memory_space<vmem>>, %arg6: memref<1x1xf32, #tpu.memory_space<vmem>>, %arg7: memref<1x1x160xf32, #tpu.memory_space<vmem>>) attributes {dimension_semantics = [#tpu.dimension_semantics<arbitrary>], iteration_bounds = array<i64: 125>, scalar_prefetch = 0 : i64, scratch_operands = 0 : i64, tpu.core_type = #tpu.core_type<tc>, window_params = [{transform_indices = @transform_0, window_bounds = array<i64: 160, 128>}, {transform_indices = @transform_1, window_bounds = array<i64: 160, 128>}, {pipeline_mode = #tpu.pipeline_mode<synchronous>, transform_indices = @transform_2, window_bounds = array<i64: 128, 128>}, {pipeline_mode = #tpu.pipeline_mode<synchronous>, transform_indices = @transform_3, window_bounds = array<i64: 1, 128>}, {pipeline_mode = #tpu.pipeline_mode<synchronous>, transform_indices = @transform_4, window_bounds = array<i64: 1, 128>}, {pipeline_mode = #tpu.pipeline_mode<synchronous>, transform_indices = @transform_5, window_bounds = array<i64: 1, 1>}, {transform_indices = @transform_6, window_bounds = array<i64: 1, 1, 160>}]} {
    %get3A = arith.constant 0 : index
    %get3A_0 = arith.constant 0 : index
    %get3A_1 = vector.load %arg2[%get3A, %get3A_0] : memref<160x128xf32, #tpu.memory_space<vmem>>, vector<160x128xf32>
    %get3A_2 = arith.constant 0 : index
    %get3A_3 = arith.constant 0 : index
    %get3A_4 = vector.load %arg1[%get3A_2, %get3A_3] : memref<160x128xf32, #tpu.memory_space<vmem>>, vector<160x128xf32>
    %get3A_5 = arith.constant 0 : index
    %get3A_6 = arith.constant 0 : index
    %get3A_7 = vector.load %arg3[%get3A_5, %get3A_6] : memref<128x128xf32, #tpu.memory_space<vmem>>, vector<128x128xf32>
    %dot_general3A = arith.constant dense<0.000000e+00> : vector<160x128xf32>
    %dot_general3A_8 = tpu.matmul %get3A_4, %get3A_7, %dot_general3A {dimension_numbers = #tpu.dot_dimension_numbers<[1], [0], [0], [1], [0, 0, 1, 1], [], []>, transpose_lhs_hint = false} : vector<160x128xf32>, vector<128x128xf32>, vector<160x128xf32> -> vector<160x128xf32>
    %add3A = arith.addf %dot_general3A_8, %get3A_1 : vector<160x128xf32>
    %get3A_9 = arith.constant 0 : index
    %get3A_10 = arith.constant 0 : index
    %get3A_11 = vector.load %arg4[%get3A_9, %get3A_10] : memref<1x128xf32, #tpu.memory_space<vmem>>, vector<1x128xf32>
    %add3A_12 = vector.broadcast %get3A_11 : vector<1x128xf32> to vector<160x128xf32>
    %add3A_13 = arith.addf %add3A, %add3A_12 : vector<160x128xf32>
    %max3A = arith.constant 0.000000e+00 : f32
    %max3A_14 = vector.broadcast %max3A : f32 to vector<160x128xf32>
    %max3A_15 = arith.maximumf %add3A_13, %max3A_14 : vector<160x128xf32>
    %get3A_16 = arith.constant 0 : index
    %get3A_17 = arith.constant 0 : index
    %get3A_18 = vector.load %arg5[%get3A_16, %get3A_17] : memref<1x128xf32, #tpu.memory_space<vmem>>, vector<1x128xf32>
    %mul3A = vector.broadcast %get3A_18 : vector<1x128xf32> to vector<160x128xf32>
    %mul3A_19 = arith.mulf %max3A_15, %mul3A : vector<160x128xf32>
    %reduce_sum3A = arith.constant dense<0.000000e+00> : vector<160xf32>
    %reduce_sum3A_20 = vector.multi_reduction <add>, %mul3A_19, %reduce_sum3A [1] : vector<160x128xf32> to vector<160xf32>
    %get3A_21 = arith.constant 0 : index
    %get3A_22 = arith.constant 0 : index
    %get3A_23 = vector.load %arg6[%get3A_21, %get3A_22] : memref<1x1xf32, #tpu.memory_space<vmem>>, vector<1x1xf32>
    %get3A_24 = vector.extract %get3A_23[0, 0] : f32 from vector<1x1xf32>
    %add3A_25 = vector.broadcast %get3A_24 : f32 to vector<160xf32>
    %add3A_26 = arith.addf %reduce_sum3A_20, %add3A_25 : vector<160xf32>
    %swap3A = arith.constant 0 : index
    %swap3A_27 = arith.constant 0 : index
    %swap3A_28 = arith.constant 0 : index
    %swap3A_29 = vector.load %arg7[%swap3A, %swap3A_27, %swap3A_28] : memref<1x1x160xf32, #tpu.memory_space<vmem>>, vector<1x1x160xf32>
    %swap3A_30 = vector.shape_cast %swap3A_29 : vector<1x1x160xf32> to vector<160xf32>
    %swap3A_31 = vector.shape_cast %add3A_26 : vector<160xf32> to vector<1x1x160xf32>
    tpu.vector_store %arg7[%swap3A, %swap3A_27, %swap3A_28], %swap3A_31 {strides = array<i32>} : memref<1x1x160xf32, #tpu.memory_space<vmem>>, vector<1x1x160xf32>,
    return
  }
  func.func @transform_0(%arg0: i32) -> (i32, i32) {
    %c0_i32 = arith.constant 0 : i32
    %c0_i32_0 = arith.constant 0 : i32
    return %arg0, %c0_i32 : i32, i32
  }
  func.func @transform_1(%arg0: i32) -> (i32, i32) {
    %c0_i32 = arith.constant 0 : i32
    %c0_i32_0 = arith.constant 0 : i32
    return %arg0, %c0_i32 : i32, i32
  }
  func.func @transform_2(%arg0: i32) -> (i32, i32) {
    %c0_i32 = arith.constant 0 : i32
    %c0_i32_0 = arith.constant 0 : i32
    %c0_i32_1 = arith.constant 0 : i32
    return %c0_i32, %c0_i32_0 : i32, i32
  }
  func.func @transform_3(%arg0: i32) -> (i32, i32) {
    %c0_i32 = arith.constant 0 : i32
    %c0_i32_0 = arith.constant 0 : i32
    %c0_i32_1 = arith.constant 0 : i32
    return %c0_i32, %c0_i32_0 : i32, i32
  }
  func.func @transform_4(%arg0: i32) -> (i32, i32) {
    %c0_i32 = arith.constant 0 : i32
    %c0_i32_0 = arith.constant 0 : i32
    %c0_i32_1 = arith.constant 0 : i32
    return %c0_i32, %c0_i32_0 : i32, i32
  }
  func.func @transform_5(%arg0: i32) -> (i32, i32) {
    %c0_i32 = arith.constant 0 : i32
    %c0_i32_0 = arith.constant 0 : i32
    %c0_i32_1 = arith.constant 0 : i32
    return %c0_i32, %c0_i32_0 : i32, i32
  }
  func.func @transform_6(%arg0: i32) -> (i32, i32, i32) {
    %c0_i32 = arith.constant 0 : i32
    %c0_i32_0 = arith.constant 0 : i32
    %c0_i32_1 = arith.constant 0 : i32
    return %arg0, %c0_i32, %c0_i32_0 : i32, i32, i32
  }
}

</mosaic_0001>

<sc_bundles>
// kernel: kernel.6.cloned.1.call-start
scs
__scs_entry_jumppad:
0x0: {  	(pc) =	sbr.rel $0x88, $3  }
0x1: {  	(tag) =	ssettag $0x0;
	lr =	simm.s32 $0x1  }
0x2: {  	[smem:$0x3F99] =	sst lr;
	_ =	strace $0xD0000000  }
0x3: {  	_ = 	snop  }
0x4: {  	_ = 	snop  }
0x5: {  	_ = 	snop  }
0x6: {  	_ = 	snop  }
0x7: {  	_ = 	snop  }
__scs_overlays_trampoline_lowered:
0x8: {  	[smem:$0x3FA8] =	sst s0  }
0x9: {  	[smem:$0x3FA9] =	sst s1  }
0xa: {  	[smem:$0x3FAA] =	sst s2  }
0xb: {  	[smem:$0x3FAB] =	sst s3  }
0xc: {  	[smem:$0x3FAC] =	sst s4  }
0xd: {  	[smem:$0x3FAD] =	sst s5  }
0xe: {  	[smem:$0x3FAE] =	sst s6  }
0xf: {  	[smem:$0x3FAF] =	sst s7  }
0x10: {  	[smem:$0x3FB0] =	sst s8  }
0x11: {  	[smem:$0x3FB1] =	sst s9;
	s0 =	simm.s32 @!p0 $0x0  }
0x12: {  	s1 =	sld [smem:$0x3F97];
	s0 =	simm.s32 @p0 $0x1  }
0x13: {  	[smem:$0x3FB2] =	sst s0;
	s0 =	simm.s32 @!p1 $0x0  }
0x14: {  	s2 =	sld [smem:$0x3F96];
	s0 =	simm.s32 @p1 $0x1  }
0x15: {  	[smem:$0x3FB3] =	sst s0;
	s0 =	simm.s32 @!p2 $0x0  }
0x16: {  	s3 =	sld [smem:$0x3FDB];
	s0 =	simm.s32 @p2 $0x1  }
0x17: {  	s4 =	simm.s32 $0x1BF5;
	[smem:$0x3FB5] =	sst s0  }
0x18: {  	s0 =	sld [smem:$0x3F98];
	_ =	swait.ge [sflag:s4], $0x0  }
0x19: {  	s7 =	sld [smem:$0x3F99]  }
0x1a: {  	s8 =	sadd.s32 $0xFFFFE003, lr  }
0x1b: {  	s9 =	sadd.s32 $0xFFFFFEF7, lr;
	s5 =	simm.s32 $0xFFFFFFFF;
	p2 =	slt.u32 s8, $0xFFFFF086  }
0x1c: {  	p1 =	slt.u32 s9, $0xF7A;
	s5 =	simm.s32 @!p2 $0x0  }
0x1d: {  	s5 =	simm.s32 @p1 $0x1;
	p0 =	seq.s32 s7, s2  }
0x1e: {  	s7 =	smul.u32 @!p0 $0xF7A, s2;
	p2 =	seq.s32 @!p0 s5, $0x0  }
0x1f: {  	s9 =	smul.u32 $0xF7A, s1;
	s8 =	simm.s32 @!p0 $0x1BF5;
	p2 =	por !p2, p0  }
0x20: {  	[sflag:s8] =	ssyncset.s32 @!p0 $0xFFFFF086;
	s6 =	sadd.s32 @!p0 s3, s7;
	s7 =	simm.s32 @!p0 $0x108  }
0x21: {  	s3 =	sadd.s32 s3, s9;
	s6 =	sadd.s32 @!p0 $0x88, s6;
	s7 =	simm.s32 @p2 $0x1082  }
0x22: {  	[simem:s7], [sflag:s8] =	dma.local @!p0 [hbm:s6], $0xF7A  }
0x23: {  	s9 =	sor.u32 $0xD0000000, s2;
	s6 =	simm.s32 $0x108;
	_ =	swait.ge @!p0 [sflag:s8], $0x0  }
0x24: {  	s3 =	sadd.s32 $0x88, s3;
	s6 =	simm.s32 @!p1 $0x1082;
	[sflag:s4] =	ssyncset.s32 $0xFFFFF086  }
0x25: {  	[simem:s6], [sflag:s4] =	dma.local [hbm:s3], $0xF7A  }
0x26: {  	[smem:$0x3F99] =	sst s1;
	(tag) =	ssettag s2;
	_ =	strace s9  }
0x27: {  	s1 =	sld [smem:$0x3FA9]  }
0x28: {  	s2 =	sld [smem:$0x3FAA]  }
0x29: {  	s4 =	sld [smem:$0x3FAC]  }
0x2a: {  	p0 =	seq.s32 s5, $0x0;
	s5 =	sld [smem:$0x3FAD]  }
0x2b: {  	s6 =	sld [smem:$0x3FAE]  }
0x2c: {  	s7 =	sld [smem:$0x3FAF]  }
0x2d: {  	s3 =	simm.s32 $0x108;
	s8 =	sld [smem:$0x3FB0]  }
0x2e: {  	s3 =	simm.s32 @!p0 $0x1082;
	s9 =	sld [smem:$0x3FB1]  }
0x2f: {  	lr =	sadd.s32 s0, s3;
	s0 =	sld [smem:$0x3FA8]  }
0x30: {  	s3 =	sld [smem:$0x3FAB]  }
0x31: {  	[smem:$0x3FB4] =	sst s10  }
0x32: {  	s10 =	sld [smem:$0x3FB2];
	_ =	sdelay $0x3  }
0x33: {  	p0 =	seq.s32 s10, $0x1;
	s10 =	sld [smem:$0x3FB4];
	_ =	sdelay $0x3  }
0x34: {  	[smem:$0x3FB4] =	sst s10  }
0x35: {  	s10 =	sld [smem:$0x3FB3];
	_ =	sdelay $0x3  }
0x36: {  	p1 =	seq.s32 s10, $0x1;
	s10 =	sld [smem:$0x3FB4];
	_ =	sdelay $0x3  }
0x37: {  	[smem:$0x3FB4] =	sst s10  }
0x38: {  	s10 =	sld [smem:$0x3FB5]  }
0x39: {  	_ = 	snop;
	(pc) =	sbr.ind lr, $3  }
0x3a: {  	_ = 	snop  }
0x3b: {  	_ = 	snop  }
0x3c: {  	p2 =	seq.s32 s10, $0x1;
	s10 =	sld [smem:$0x3FB4]  }
0x3d: {  	_ =	shalt  }
0x3e: {  	_ =	shalt  }
0x3f: {  	_ =	shalt  }
0x40: {  	_ =	shalt  }
0x41: {  	_ =	shalt  }
0x42: {  	_ =	shalt  }
0x43: {  	_ =	shalt  }
0x44: {  	_ =	shalt  }
0x45: {  	_ =	shalt  }
0x46: {  	_ =	shalt  }
0x47: {  	_ =	shalt  }
0x48: {  	_ =	shalt  }
0x49: {  	_ =	shalt  }
0x4a: {  	_ =	shalt  }
0x4b: {  	_ =	shalt  }
0x4c: {  	_ =	shalt  }
0x4d: {  	_ =	shalt  }
0x4e: {  	_ =	shalt  }
0x4f: {  	_ =	shalt  }
0x50: {  	_ =	shalt  }
0x51: {  	_ =	shalt  }
0x52: {  	_ =	shalt  }
0x53: {  	_ =	shalt  }
0x54: {  	_ =	shalt  }
0x55: {  	_ =	shalt  }
0x56: {  	_ =	shalt  }
0x57: {  	_ =	shalt  }
0x58: {  	_ =	shalt  }
0x59: {  	_ =	shalt  }
0x5a: {  	_ =	shalt  }
0x5b: {  	_ =	shalt  }
0x5c: {  	_ =	shalt  }
0x5d: {  	_ =	shalt  }
0x5e: {  	_ =	shalt  }
0x5f: {  	_ =	shalt  }
0x60: {  	_ =	shalt  }
0x61: {  	_ =	shalt  }
0x62: {  	_ =	shalt  }
0x63: {  	_ =	shalt  }
0x64: {  	_ =	shalt  }
0x65: {  	_ =	shalt  }
0x66: {  	_ =	shalt  }
0x67: {  	_ =	shalt  }
0x68: {  	_ =	shalt  }
0x69: {  	_ =	shalt  }
0x6a: {  	_ =	shalt  }
0x6b: {  	_ =	shalt  }
0x6c: {  	_ =	shalt  }
0x6d: {  	_ =	shalt  }
0x6e: {  	_ =	shalt  }
0x6f: {  	_ =	shalt  }
0x70: {  	_ =	shalt  }
0x71: {  	_ =	shalt  }
0x72: {  	_ =	shalt  }
0x73: {  	_ =	shalt  }
0x74: {  	_ =	shalt  }
0x75: {  	_ =	shalt  }
0x76: {  	_ =	shalt  }
0x77: {  	_ =	shalt  }
0x78: {  	_ =	shalt  }
0x79: {  	_ =	shalt  }
0x7a: {  	_ =	shalt  }
0x7b: {  	_ =	shalt  }
0x7c: {  	_ =	shalt  }
0x7d: {  	_ =	shalt  }
0x7e: {  	_ =	shalt  }
0x7f: {  	_ =	shalt  }
0x80: {  	_ =	shalt  }
0x81: {  	_ =	shalt  }
0x82: {  	_ =	shalt  }
0x83: {  	_ =	shalt  }
0x84: {  	_ =	shalt  }
0x85: {  	_ =	shalt  }
0x86: {  	_ =	shalt  }
0x87: {  	_ =	shalt  }
.Lfunc_end0:
.L_simem_size_0:
called_computation_lowered:
.L_overlay_start_0:
0x88: {  	s2 =	sld [smem:$0x3FD9]  }
0x89: {  	s3 =	sld [smem:$0x3FFE];
	_ =	sdelay $0x1  }
0x8a: {  	s1 =	srdreg.scid  }
0x8b: {  	s0 =	sand.u32 $0x1, s1  }
0x8c: {  	s16 =	sshll.u32 s0, $0xA;
	s2 =	sadd.s32 s3, s2  }
0x8d: {  	s2 =	sadd.s32 s2, s16  }
0x8e: {  	[smem:$0x3FC0] =	sst s2  }
0x8f: {  	_ = 	snop  }
0x90: {  	(tm) =	ssettm $0x1  }
0x91: {  	s17 =	sld [smem:$0x3FFB];
	_ =	sdelay $0x3  }
0x92: {  	_ =	strace s17  }
0x93: {  	s2 =	sld [smem:$0x3FFC];
	_ =	sdelay $0x3  }
0x94: {  	_ =	strace s2  }
0x95: {  	s2 =	sld [smem:$0x3FFD];
	_ =	sdelay $0x3  }
0x96: {  	_ =	strace s2  }
0x97: {  	_ =	strace $0x8FFFFFFF  }
0x98: {  	s18 =	sld [smem:$0x3FDB];
	_ =	sdelay $0x1  }
0x99: {  	s19 =	simm.s32 $_scs_section_size  }
0x9a: {  	s4 =	simm.s32 $_size__tile_overlayer_lowered;
	s5 =	simm.s32 $_tile_overlayer_lowered  }
0x9b: {  	s22 =	simm.s32 $0x1BFF;
	s21 =	sshll.u32 s5, $0x1;
	s2 =	sadd.s32 s19, s18  }
0x9c: {  	s6 =	simm.s32 $0x0;
	s20 =	sshll.u32 s4, $0x1;
	s4 =	sadd.s32 s21, s2  }
0x9d: {  	[timem:s6], [sflag:s22] =	dma.local [hbm:s4], s20  }
0x9e: {  	_ =	swait.ge [sflag:s22], s20  }
0x9f: {  	s3 =	ssub.s32 $0x0, s20;
	[sflag:s22] =	ssyncset.done $0x0  }
0xa0: {  	[sflag:s22] =	ssyncadd.s32 s3;
	_ =	sdelay $0x1  }
0xa1: {  	s23 =	simm.s32 $0x1B8B  }
0xa2: {  	_ =	swait.ge [sflag:s23], $0x1  }
0xa3: {  	[sflag:s23] =	ssyncset.done $0x0  }
0xa4: {  	s25 =	simm.s32 $0x1B8E;
	s24 =	sld [smem:$0x3FFE];
	[sflag:s23] =	ssyncadd.s32 $0xFFFFFFFF  }
0xa5: {  	s26 =	simm.s32 $execute0_lowered;
	[smem:$0x3FD2] =	sst s25  }
0xa6: {  	s4 =	sshll.u32 s26, $0x1;
	_ =	strace $0x80000046;
	[dreg:$0x1] =	wrdreg $0xFFFFFFFF  }
0xa7: {  	s28 =	simm.s32 $_size_execute0_lowered;
	s2 =	sadd.s32 s2, s4;
	[dreg:$0x0] =	wrdreg $0x0  }
0xa8: {  	s4 =	sshll.u32 s28, $0x1;
	[dreg:$0x2] =	wrdreg s2  }
0xa9: {  	[dreg:$0x3] =	wrdreg s4  }
0xaa: {  	[dreg:$0x4] =	wrdreg $0xC0  }
0xab: {  	_ =	task [dreg:s6], $0x5FFFF  }
0xac: {  	[dreg:$0x1] =	wrdreg $0xFFFFFFFF  }
0xad: {  	[dreg:$0x0] =	wrdreg $0x60  }
0xae: {  	[dreg:$0x2] =	wrdreg s24  }
0xaf: {  	[dreg:$0x3] =	wrdreg $0x0  }
0xb0: {  	[dreg:$0x4] =	wrdreg $0xC0000  }
0xb1: {  	[dreg:$0x5] =	wrdreg $0x9  }
0xb2: {  	_ =	task.clear_ibuf [dreg:s6], $0x6FFFF;
	_ =	strace $0x90000046  }
0xb3: {  	s29 =	simm.s32 $0x9;
	_ =	strace $0x80000048  }
0xb4: {  	_ =	swait.ge [sflag:s29], $0x1  }
0xb5: {  	[sflag:s29] =	ssyncadd.s32 $0xFFFFFFFF  }
0xb6: {  	_ =	strace $0x90000048  }
0xb7: {  	_ =	sfence  }
0xb8: {  	s30 =	sld [smem:$0x0];
	_ =	sdelay $0x2  }
0xb9: {  	s31 =	sshll.u32 s1, $0xD;
	s1 =	sshrl.u32 s1, $0x2  }
0xba: {  	s3 =	sand.u32 $0x4000, s31;
	s1 =	sadd.s32 s1, s30  }
0xbb: {  	s0 =	sor.u32 s3, s0;
	s1 =	sshll.u32 s1, $0x11  }
0xbc: {  	s0 =	sor.u32 s1, s0  }
0xbd: {  	s0 =	sadd.s32 $0x8F2B, s0  }
0xbe: {  	[sflag:s0] =	ssyncadd.remote.s32 $0x1  }
0xbf: {  	_ =	sfence.sel $0xFFFF  }
0xc0: {  	[dreg:$0x0] =	wrdreg $0xFFFFFFFF;
	(pc) =	sbr.abs _section_cstart, $3  }
0xc1: {  	[dreg:$0x1] =	wrdreg $0xFFFFFFFF  }
0xc2: {  	_ =	task.clear_ibuf [dreg:s6], $0x2FFFF;
	_ =	strace $0x9FFFFFFF  }
0xc3: {  	(tm) =	ssettm $0x7FFFFFFF  }
tec
execute0_lowered:
.L_overlay_start_1:
0x0: {  	(tag) =	ssettag $0x1  }
0x1: {  	s0 =	rddreg [dreg:$0x0]  }
0x2: {  	s1 =	srdreg.scid;
	s13 =	stileid.u32  }
0x3: {  	s2 =	rddreg [dreg:$0x1];
	s5 =	smul.u32 $0x180, s13  }
0x4: {  	s3 =	rddreg [dreg:$0x2];
	s4 =	simm.s32 $0x0;
	s8 =	smul.u32 $0x30000, s13  }
0x5: {  	s1 =	sand.u32 $0x1, s1;
	[smem:$0x7FF] =	sst s4;
	s12 =	smul.u32 $0xA000, s13  }
0x6: {  	s6 =	smul.u32 $0x1800, s1;
	_ =	strace $0x80000047;
	s21 =	ssub.s32 $0x2, s1  }
0x7: {  	s10 =	sshll.u32 s1, $0x4;
	s1 =	smul.u32 $0x28000, s1;
	s9 =	sshrl.u32 s21, $0x1  }
0x8: {  	s22 =	sor.u32 s13, s10;
	s13 =	smul.u32 $0x2800, s13;
	s23 =	sshrl.u32 s8, $0x2  }
0x9: {  	s12 =	sshrl.u32 s12, $0x2;
	s5 =	sadd.s32 s6, s5;
	s6 =	sadd.s32 $0x274600, s0  }
0xa: {  	s8 =	smul.u32 $0xA0, s22;
	s10 =	sadd.s32 s12, s3;
	s7 =	sshll.u32 s5, $0x4  }
0xb: {  	s5 =	sadd.s32 $0x3600, s0;
	s24 =	sadd.s32 s1, s13;
	s25 =	sadd.s32 $0x800, s13  }
0xc: {  	s14 =	sadd.s32 s13, s3;
	s30 =	sadd.s32 $0x1000, s13;
	s17 =	sadd.s32 $0x1800, s13  }
0xd: {  	s19 =	sadd.s32 $0x2000, s13;
	s31 =	sadd.s32 $0x1800, s10;
	s11 =	sadd.s32 s7, s0  }
0xe: {  	s7 =	sadd.s32 $0x344600, s0;
	s0 =	ssub.s32 s21, s9;
	s9 =	sadd.s32 s23, s2  }
0xf: {  	[dreg:$0x5] =	wrdreg s14;
	s26 =	sadd.s32 s1, s25;
	s12 =	sadd.s32 s25, s3  }
0x10: {  	s15 =	sadd.s32 s1, s30;
	s16 =	sadd.s32 s30, s3;
	s18 =	sadd.s32 s1, s17  }
0x11: {  	s20 =	sadd.s32 s1, s19;
	s21 =	sadd.s32 s19, s3;
	s30 =	sadd.s32 $0x1000, s10  }
0x12: {  	s14 =	simm.s32 $0x80;
	s19 =	simm.s32 $0x1;
	[dreg:$0x7] =	wrdreg s12  }
0x13: {  	s0 =	smax.u32 s0, $0x1;
	s29 =	sshrl.u32 s26, $0x3;
	[dreg:$0x9] =	wrdreg s16  }
0x14: {  	s12 =	sadd.s32 s17, s3;
	[dreg:$0xd] =	wrdreg s21;
	s22 =	sshrl.u32 s20, $0x3  }
0x15: {  	s23 =	sadd.s32 $0x314600, s11;
	s25 =	sadd.s32 $0x314E00, s11;
	[dreg:$0x13] =	wrdreg s30  }
0x16: {  	s26 =	sadd.s32 $0x315600, s11;
	s28 =	sadd.s32 $0x8000, s9;
	[dreg:$0x4] =	wrdreg s0  }
0x17: {  	s11 =	simm.s32 $0x2;
	s16 =	simm.s32 $0xEA80;
	[dreg:$0xb] =	wrdreg s12  }
0x18: {  	s17 =	simm.s32 $0xE980;
	s20 =	simm.s32 $0xE900;
	[dreg:$0xf] =	wrdreg s23  }
0x19: {  	s21 =	simm.s32 $0x0;
	s0 =	sshrl.u32 s24, $0x3;
	[dreg:$0x10] =	wrdreg s25  }
0x1a: {  	s24 =	sadd.s32 s1, s6;
	[dreg:$0x11] =	wrdreg s26;
	s0 =	sadd.s32 s7, s0  }
0x1b: {  	s26 =	sadd.s32 $0x4000, s9;
	[dreg:$0x6] =	wrdreg s0;
	s0 =	sadd.s32 s7, s29  }
0x1c: {  	s1 =	sadd.s32 $0x2000, s10;
	[dreg:$0x8] =	wrdreg s0;
	s0 =	sshrl.u32 s15, $0x3  }
0x1d: {  	s12 =	simm.s32 $0x12B00;
	s23 =	sadd.s32 s13, s24;
	s0 =	sadd.s32 s7, s0  }
0x1e: {  	s29 =	sadd.s32 $0x800, s10;
	[dreg:$0xa] =	wrdreg s0;
	s0 =	sshrl.u32 s18, $0x3  }
0x1f: {  	s13 =	simm.s32 $0xE800;
	[dreg:$0x12] =	wrdreg s29;
	s0 =	sadd.s32 s7, s0  }
0x20: {  	s15 =	simm.s32 $0xE880;
	[dreg:$0xc] =	wrdreg s0;
	s0 =	sadd.s32 s7, s22  }
0x21: {  	v0 =	vimm.f32 $0.0e+00;
	v1 =	vimm.f32 $1.000000000e+00;
	s18 =	simm.s32 $0xEA00;
	[dreg:$0xe] =	wrdreg s0;
	s0 =	simm.s32 $0xEB00  }
.LBB2_1:
0x22: {  	s22 =	simm.s32 $0x0;
	s24 =	simm.s32 $0x200  }
.LBB2_2:
0x23: {  	p0 =	sne.s32 s24, $0xFE00;
	[tilespmem:s22+$0xEB70] =	vst v0  }
0x24: {  	[tilespmem:s22+$0xEB00] =	vst v0  }
0x25: {  	[tilespmem:s22+$0xEB10] =	vst v0  }
.Ltmp0:
0x26: {  	[tilespmem:s22+$0xEB20] =	vst v0;
	(pc) =	sbr.rel @p0 .LBB2_2-.Ltmp0, $4  }
0x27: {  	[tilespmem:s22+$0xEB30] =	vst v0  }
0x28: {  	[tilespmem:s22+$0xEB40] =	vst v0  }
0x29: {  	[tilespmem:s22+$0xEB50] =	vst v0  }
0x2a: {  	[tilespmem:s22+$0xEB60] =	vst v0;
	s22 =	sshra.s32 s24, $0x2;
	s24 =	sadd.s32 $0x200, s24  }
0x2b: {  	[tilespmem:s22+$0xEB70] =	vst v0  }
0x2c: {  	[tilespmem:s22+$0xEB00] =	vst v0  }
0x2d: {  	[tilespmem:s22+$0xEB10] =	vst v0  }
0x2e: {  	[tilespmem:s22+$0xEB20] =	vst v0  }
0x2f: {  	[tilespmem:s22+$0xEB30] =	vst v0  }
0x30: {  	[tilespmem:s22+$0xEB40] =	vst v0  }
0x31: {  	[tilespmem:s22+$0xEB50] =	vst v0  }
0x32: {  	[tilespmem:s22+$0xEB60] =	vst v0  }
0x33: {  	[spmem:s9] =	stream.linear.scatter [tilespmem:s0], [sflag:$0x2], $0x4000, $0x38;
	[tilespmem:$0x13300] =	vst v63  }
0x34: {  	_ =	swait.ge [sflag:s11], $0x4000  }
0x35: {  	[sflag:s11] =	ssyncset.done $0x0  }
0x36: {  	[sflag:s11] =	ssyncadd.s32 $0xFFFFC000  }
0x37: {  	[spmem:s26] =	stream.linear.scatter [tilespmem:s0], [sflag:$0x2], $0x4000, $0x38;
	[tilespmem:$0x13300] =	vst v63  }
0x38: {  	_ =	swait.ge [sflag:s11], $0x4000  }
0x39: {  	[sflag:s11] =	ssyncset.done $0x0  }
0x3a: {  	[sflag:s11] =	ssyncadd.s32 $0xFFFFC000  }
0x3b: {  	[spmem:s28] =	stream.linear.scatter [tilespmem:s0], [sflag:$0x2], $0x4000, $0x38;
	[tilespmem:$0x13300] =	vst v63  }
0x3c: {  	_ =	swait.ge [sflag:s11], $0x4000  }
0x3d: {  	[sflag:s11] =	ssyncset.done $0x0  }
0x3e: {  	s22 =	simm.s32 $0x40;
	s24 =	simm.s32 $0x0;
	[sflag:s11] =	ssyncadd.s32 $0xFFFFC000  }
.LBB2_4:
0x3f: {  	p0 =	seq.s32 s22, $0x1FC0;
	[tilespmem:s24+$0x12B00] =	vst v0;
	s24 =	smov.u32 s22;
	s22 =	sadd.s32 $0x40, s22  }
.Ltmp1:
0x40: {  	(pc) =	sbr.rel @!p0 .LBB2_4-.Ltmp1, $2  }
0x41: {  	_ =	sdelay $0x2  }
0x42: {  	s24 =	sshra.s32 s24, $0x2  }
0x43: {  	[tilespmem:s24+$0x12B00] =	vst v0  }
0x44: {  	[spmem:s10] =	stream.linear.scatter [tilespmem:s12], [sflag:$0x2], $0x800, $0x38;
	[tilespmem:$0x13300] =	vst v63  }
0x45: {  	_ =	swait.ge [sflag:s11], $0x800  }
0x46: {  	[sflag:s11] =	ssyncset.done $0x0  }
0x47: {  	s22 =	rddreg [dreg:$0x12];
	[sflag:s11] =	ssyncadd.s32 $0xFFFFF800  }
0x48: {  	[spmem:s22] =	stream.linear.scatter [tilespmem:s12], [sflag:$0x2], $0x800, $0x38;
	[tilespmem:$0x13300] =	vst v63  }
0x49: {  	_ =	swait.ge [sflag:s11], $0x800  }
0x4a: {  	[sflag:s11] =	ssyncset.done $0x0  }
0x4b: {  	s29 =	rddreg [dreg:$0x13];
	[sflag:s11] =	ssyncadd.s32 $0xFFFFF800  }
0x4c: {  	[spmem:s29] =	stream.linear.scatter [tilespmem:s12], [sflag:$0x2], $0x800, $0x38;
	[tilespmem:$0x13300] =	vst v63  }
0x4d: {  	_ =	swait.ge [sflag:s11], $0x800  }
0x4e: {  	[sflag:s11] =	ssyncset.done $0x0  }
0x4f: {  	[sflag:s11] =	ssyncadd.s32 $0xFFFFF800  }
0x50: {  	[spmem:s31] =	stream.linear.scatter [tilespmem:s12], [sflag:$0x2], $0x800, $0x38;
	[tilespmem:$0x13300] =	vst v63  }
0x51: {  	_ =	swait.ge [sflag:s11], $0x800  }
0x52: {  	[sflag:s11] =	ssyncset.done $0x0  }
0x53: {  	[sflag:s11] =	ssyncadd.s32 $0xFFFFF800  }
0x54: {  	[spmem:s1] =	stream.linear.scatter [tilespmem:s12], [sflag:$0x2], $0x800, $0x38;
	[tilespmem:$0x13300] =	vst v63  }
0x55: {  	_ =	swait.ge [sflag:s11], $0x800  }
0x56: {  	[sflag:s11] =	ssyncset.done $0x0  }
0x57: {  	[sflag:s11] =	ssyncadd.s32 $0xFFFFF800  }
0x58: {  	[tilespmem:$0xEA80] =	vst v1  }
0x59: {  	[tilespmem:$0xEA90] =	vst v1  }
0x5a: {  	[tilespmem:$0xEAA0] =	vst v1  }
0x5b: {  	[tilespmem:$0xEAB0] =	vst v1  }
0x5c: {  	[tilespmem:$0xEAC0] =	vst v1  }
0x5d: {  	[tilespmem:$0xEAD0] =	vst v1  }
0x5e: {  	[tilespmem:$0xEAE0] =	vst v1  }
0x5f: {  	[tilespmem:$0xEAF0] =	vst v1  }
0x60: {  	s30 =	sadd.s32 $0x0, s23;
	[bflag:$0x0] =	sbarrier.arrive $0xFFFF  }
0x61: {  	[tilespmem:s13], [sflag:$0x2] =	stream.linear.gather [hbm4b:s30+s4], $0x200, $0x38;
	[tilespmem:$0x13300] =	vst v63  }
0x62: {  	_ =	swait.ge [sflag:s11], $0x200  }
0x63: {  	[sflag:s11] =	ssyncset.done $0x0  }
0x64: {  	[sflag:s11] =	ssyncadd.s32 $0xFFFFFE00  }
0x65: {  	[spmem:s3] =	stream.indirect.scatter.add.f32 [tilespmem:s16], [sflag:$0x2], $0x1, s15, s14, $0xb8;
	[tilespmem:$0x13300] =	vst v63  }
0x66: {  	_ =	swait.ge [sflag:s11], $0x80  }
0x67: {  	s24 =	simm.s32 $0x80;
	s22 =	simm.s32 $0x40;
	[sflag:s11] =	ssyncset.done $0x0  }
.LBB2_6:
0x68: {  	s25 =	sadd.s32 s22, s23  }
0x69: {  	[sflag:s11] =	ssyncadd.s32 $0xFFFFFF80;
	s22 =	smov.u32 s24;
	s29 =	sadd.s32 $0x40, s24  }
0x6a: {  	[tilespmem:s13], [sflag:$0x2] =	stream.linear.gather [hbm4b:s25+s4], $0x200, $0x38;
	[tilespmem:$0x13300] =	vst v63  }
0x6b: {  	p0 =	sne.s32 s24, $0x27C0;
	_ =	swait.ge [sflag:s11], $0x200  }
.Ltmp2:
0x6c: {  	[sflag:s11] =	ssyncset.done $0x0;
	(pc) =	sbr.rel @p0 .LBB2_6-.Ltmp2, $4  }
0x6d: {  	[sflag:s11] =	ssyncadd.s32 $0xFFFFFE00  }
0x6e: {  	[spmem:s3] =	stream.indirect.scatter.add.f32 [tilespmem:s16], [sflag:$0x2], $0x1, s15, s14, $0xb8;
	[tilespmem:$0x13300] =	vst v63  }
0x6f: {  	_ =	swait.ge [sflag:s11], $0x80  }
0x70: {  	s24 =	smov.u32 s29;
	[sflag:s11] =	ssyncset.done $0x0  }
0x71: {  	s22 =	sadd.s32 s22, s23;
	[sflag:s11] =	ssyncadd.s32 $0xFFFFFF80  }
0x72: {  	[tilespmem:s13], [sflag:$0x2] =	stream.linear.gather [hbm4b:s22+s4], $0x200, $0x38;
	[tilespmem:$0x13300] =	vst v63  }
0x73: {  	_ =	swait.ge [sflag:s11], $0x200  }
0x74: {  	[sflag:s11] =	ssyncset.done $0x0  }
0x75: {  	[sflag:s11] =	ssyncadd.s32 $0xFFFFFE00  }
0x76: {  	[spmem:s3] =	stream.indirect.scatter.add.f32 [tilespmem:s16], [sflag:$0x2], $0x1, s15, s14, $0xb8;
	[tilespmem:$0x13300] =	vst v63  }
0x77: {  	_ =	swait.ge [sflag:s11], $0x80  }
0x78: {  	[sflag:s11] =	ssyncset.done $0x0  }
0x79: {  	[sflag:s11] =	ssyncadd.s32 $0xFFFFFF80  }
0x7a: {  	[bflag:$0x0] =	sbarrier.arrive $0xFFFF  }
0x7b: {  	s30 =	rddreg [dreg:$0x5]  }
0x7c: {  	[tilespmem:s12], [sflag:$0x2] =	stream.linear.gather [spmem:s30], $0x800, $0x38;
	[tilespmem:$0x13300] =	vst v63  }
0x7d: {  	_ =	swait.ge [sflag:s11], $0x800  }
0x7e: {  	[sflag:s11] =	ssyncset.done $0x0  }
0x7f: {  	s24 =	simm.s32 $0x40;
	s22 =	simm.s32 $0x0;
	[sflag:s11] =	ssyncadd.s32 $0xFFFFF800  }
.LBB2_8:
0x80: {  	p0 =	sne.s32 s24, $0x1FC0;
	v2 =	vld [tilespmem:s22+$0x12B00];
	_ =	sdelay $0x4  }
0x81: {  	v2 =	vmax.f32 v2, $1.000000000e+00  }
0x82: {  	(erf) = vrcp.f32 v2;
	_ =	sdelay $0x5  }
.Ltmp3:
0x83: {  	(pc) =	sbr.rel @p0 .LBB2_8-.Ltmp3, $3  }
0x84: {  	_ =	sdelay $0x1  }
0x85: {  	v2 =	vpop (erf)  }
0x86: {  	[tilespmem:s22+$0x12B00] =	vst v2;
	s22 =	sshra.s32 s24, $0x2;
	s24 =	sadd.s32 $0x40, s24  }
0x87: {  	v2 =	vld [tilespmem:s22+$0x12B00];
	_ =	sdelay $0x4  }
0x88: {  	v2 =	vmax.f32 v2, $1.000000000e+00  }
0x89: {  	(erf) = vrcp.f32 v2;
	_ =	sdelay $0x8  }
0x8a: {  	v2 =	vpop (erf)  }
0x8b: {  	s29 =	simm.s32 $0x0;
	s24 =	rddreg [dreg:$0x6];
	[tilespmem:s22+$0x12B00] =	vst v2  }
0x8c: {  	[hbm4b:s24+s29] =	stream.linear.scatter [tilespmem:s12], [sflag:$0x2], $0x800, $0x38;
	[tilespmem:$0x13300] =	vst v63  }
0x8d: {  	_ =	swait.ge [sflag:s11], $0x800  }
0x8e: {  	[sflag:s11] =	ssyncset.done $0x0  }
0x8f: {  	s30 =	rddreg [dreg:$0x7];
	[sflag:s11] =	ssyncadd.s32 $0xFFFFF800  }
0x90: {  	[tilespmem:s12], [sflag:$0x2] =	stream.linear.gather [spmem:s30], $0x800, $0x38;
	[tilespmem:$0x13300] =	vst v63  }
0x91: {  	_ =	swait.ge [sflag:s11], $0x800  }
0x92: {  	[sflag:s11] =	ssyncset.done $0x0  }
0x93: {  	s22 =	simm.s32 $0x0;
	s24 =	simm.s32 $0x40;
	[sflag:s11] =	ssyncadd.s32 $0xFFFFF800  }
.LBB2_10:
0x94: {  	p0 =	sne.s32 s24, $0x1FC0;
	v2 =	vld [tilespmem:s22+$0x12B00];
	_ =	sdelay $0x4  }
0x95: {  	v2 =	vmax.f32 v2, $1.000000000e+00  }
0x96: {  	(erf) = vrcp.f32 v2;
	_ =	sdelay $0x5  }
.Ltmp4:
0x97: {  	(pc) =	sbr.rel @p0 .LBB2_10-.Ltmp4, $3  }
0x98: {  	_ =	sdelay $0x1  }
0x99: {  	v2 =	vpop (erf)  }
0x9a: {  	[tilespmem:s22+$0x12B00] =	vst v2;
	s22 =	sshra.s32 s24, $0x2;
	s24 =	sadd.s32 $0x40, s24  }
0x9b: {  	v2 =	vld [tilespmem:s22+$0x12B00];
	_ =	sdelay $0x4  }
0x9c: {  	v2 =	vmax.f32 v2, $1.000000000e+00  }
0x9d: {  	(erf) = vrcp.f32 v2;
	_ =	sdelay $0x8  }
0x9e: {  	v2 =	vpop (erf)  }
0x9f: {  	s29 =	simm.s32 $0x0;
	s24 =	rddreg [dreg:$0x8];
	[tilespmem:s22+$0x12B00] =	vst v2  }
0xa0: {  	[hbm4b:s24+s29] =	stream.linear.scatter [tilespmem:s12], [sflag:$0x2], $0x800, $0x38;
	[tilespmem:$0x13300] =	vst v63  }
0xa1: {  	_ =	swait.ge [sflag:s11], $0x800  }
0xa2: {  	[sflag:s11] =	ssyncset.done $0x0  }
0xa3: {  	s30 =	rddreg [dreg:$0x9];
	[sflag:s11] =	ssyncadd.s32 $0xFFFFF800  }
0xa4: {  	[tilespmem:s12], [sflag:$0x2] =	stream.linear.gather [spmem:s30], $0x800, $0x38;
	[tilespmem:$0x13300] =	vst v63  }
0xa5: {  	_ =	swait.ge [sflag:s11], $0x800  }
0xa6: {  	[sflag:s11] =	ssyncset.done $0x0  }
0xa7: {  	s22 =	simm.s32 $0x0;
	s24 =	simm.s32 $0x40;
	[sflag:s11] =	ssyncadd.s32 $0xFFFFF800  }
.LBB2_12:
0xa8: {  	p0 =	sne.s32 s24, $0x1FC0;
	v2 =	vld [tilespmem:s22+$0x12B00];
	_ =	sdelay $0x4  }
0xa9: {  	v2 =	vmax.f32 v2, $1.000000000e+00  }
0xaa: {  	(erf) = vrcp.f32 v2;
	_ =	sdelay $0x5  }
.Ltmp5:
0xab: {  	(pc) =	sbr.rel @p0 .LBB2_12-.Ltmp5, $3  }
0xac: {  	_ =	sdelay $0x1  }
0xad: {  	v2 =	vpop (erf)  }
0xae: {  	[tilespmem:s22+$0x12B00] =	vst v2;
	s22 =	sshra.s32 s24, $0x2;
	s24 =	sadd.s32 $0x40, s24  }
0xaf: {  	v2 =	vld [tilespmem:s22+$0x12B00];
	_ =	sdelay $0x4  }
0xb0: {  	v2 =	vmax.f32 v2, $1.000000000e+00  }
0xb1: {  	(erf) = vrcp.f32 v2;
	_ =	sdelay $0x8  }
0xb2: {  	v2 =	vpop (erf)  }
0xb3: {  	s29 =	simm.s32 $0x0;
	s24 =	rddreg [dreg:$0xa];
	[tilespmem:s22+$0x12B00] =	vst v2  }
0xb4: {  	[hbm4b:s24+s29] =	stream.linear.scatter [tilespmem:s12], [sflag:$0x2], $0x800, $0x38;
	[tilespmem:$0x13300] =	vst v63  }
0xb5: {  	_ =	swait.ge [sflag:s11], $0x800  }
0xb6: {  	[sflag:s11] =	ssyncset.done $0x0  }
0xb7: {  	s30 =	rddreg [dreg:$0xb];
	[sflag:s11] =	ssyncadd.s32 $0xFFFFF800  }
0xb8: {  	[tilespmem:s12], [sflag:$0x2] =	stream.linear.gather [spmem:s30], $0x800, $0x38;
	[tilespmem:$0x13300] =	vst v63  }
0xb9: {  	_ =	swait.ge [sflag:s11], $0x800  }
0xba: {  	[sflag:s11] =	ssyncset.done $0x0  }
0xbb: {  	s22 =	simm.s32 $0x0;
	s24 =	simm.s32 $0x40;
	[sflag:s11] =	ssyncadd.s32 $0xFFFFF800  }
.LBB2_14:
0xbc: {  	p0 =	sne.s32 s24, $0x1FC0;
	v2 =	vld [tilespmem:s22+$0x12B00];
	_ =	sdelay $0x4  }
0xbd: {  	v2 =	vmax.f32 v2, $1.000000000e+00  }
0xbe: {  	(erf) = vrcp.f32 v2;
	_ =	sdelay $0x5  }
.Ltmp6:
0xbf: {  	(pc) =	sbr.rel @p0 .LBB2_14-.Ltmp6, $3  }
0xc0: {  	_ =	sdelay $0x1  }
0xc1: {  	v2 =	vpop (erf)  }
0xc2: {  	[tilespmem:s22+$0x12B00] =	vst v2;
	s22 =	sshra.s32 s24, $0x2;
	s24 =	sadd.s32 $0x40, s24  }
0xc3: {  	v2 =	vld [tilespmem:s22+$0x12B00];
	_ =	sdelay $0x4  }
0xc4: {  	v2 =	vmax.f32 v2, $1.000000000e+00  }
0xc5: {  	(erf) = vrcp.f32 v2;
	_ =	sdelay $0x8  }
0xc6: {  	v2 =	vpop (erf)  }
0xc7: {  	s29 =	simm.s32 $0x0;
	s24 =	rddreg [dreg:$0xc];
	[tilespmem:s22+$0x12B00] =	vst v2  }
0xc8: {  	[hbm4b:s24+s29] =	stream.linear.scatter [tilespmem:s12], [sflag:$0x2], $0x800, $0x38;
	[tilespmem:$0x13300] =	vst v63  }
0xc9: {  	_ =	swait.ge [sflag:s11], $0x800  }
0xca: {  	[sflag:s11] =	ssyncset.done $0x0  }
0xcb: {  	s30 =	rddreg [dreg:$0xd];
	[sflag:s11] =	ssyncadd.s32 $0xFFFFF800  }
0xcc: {  	[tilespmem:s12], [sflag:$0x2] =	stream.linear.gather [spmem:s30], $0x800, $0x38;
	[tilespmem:$0x13300] =	vst v63  }
0xcd: {  	_ =	swait.ge [sflag:s11], $0x800  }
0xce: {  	[sflag:s11] =	ssyncset.done $0x0  }
0xcf: {  	s22 =	simm.s32 $0x0;
	s24 =	simm.s32 $0x40;
	[sflag:s11] =	ssyncadd.s32 $0xFFFFF800  }
.LBB2_16:
0xd0: {  	p0 =	sne.s32 s24, $0x1FC0;
	v2 =	vld [tilespmem:s22+$0x12B00];
	_ =	sdelay $0x4  }
0xd1: {  	v2 =	vmax.f32 v2, $1.000000000e+00  }
0xd2: {  	(erf) = vrcp.f32 v2;
	_ =	sdelay $0x5  }
.Ltmp7:
0xd3: {  	(pc) =	sbr.rel @p0 .LBB2_16-.Ltmp7, $3  }
0xd4: {  	_ =	sdelay $0x1  }
0xd5: {  	v2 =	vpop (erf)  }
0xd6: {  	[tilespmem:s22+$0x12B00] =	vst v2;
	s22 =	sshra.s32 s24, $0x2;
	s24 =	sadd.s32 $0x40, s24  }
0xd7: {  	v2 =	vld [tilespmem:s22+$0x12B00];
	_ =	sdelay $0x4  }
0xd8: {  	v2 =	vmax.f32 v2, $1.000000000e+00  }
0xd9: {  	(erf) = vrcp.f32 v2;
	_ =	sdelay $0x8  }
0xda: {  	v2 =	vpop (erf)  }
0xdb: {  	s24 =	rddreg [dreg:$0xe];
	[tilespmem:s22+$0x12B00] =	vst v2;
	s22 =	simm.s32 $0x0  }
0xdc: {  	[hbm4b:s24+s22] =	stream.linear.scatter [tilespmem:s12], [sflag:$0x2], $0x800, $0x38;
	[tilespmem:$0x13300] =	vst v63  }
0xdd: {  	_ =	swait.ge [sflag:s11], $0x800  }
0xde: {  	[sflag:s11] =	ssyncset.done $0x0  }
0xdf: {  	[sflag:s11] =	ssyncadd.s32 $0xFFFFF800  }
0xe0: {  	s24 =	simm.s32 $0x0;
	[bflag:$0x0] =	sbarrier.arrive $0xFFFF  }
.LBB2_18:
0xe1: {  	s25 =	sadd.s32 s8, s24  }
0xe2: {  	s25 =	sshll.u32 s25, $0x6  }
0xe3: {  	s25 =	sadd.s32 s6, s25  }
0xe4: {  	[tilespmem:s13], [sflag:$0x2] =	stream.linear.gather [hbm4b:s25+s22], $0x200, $0x38;
	[tilespmem:$0x13300] =	vst v63  }
0xe5: {  	_ =	swait.ge [sflag:s11], $0x200  }
0xe6: {  	[sflag:s11] =	ssyncset.done $0x0  }
0xe7: {  	[sflag:s11] =	ssyncadd.s32 $0xFFFFFE00  }
0xe8: {  	[tilespmem:s18], [sflag:$0x2] =	stream.indirect.gather [hbm4b:s7+s14], $0x1, s17, s14, $0xb8;
	[tilespmem:$0x13300] =	vst v63  }
0xe9: {  	_ =	swait.ge [sflag:s11], $0x80  }
0xea: {  	[sflag:s11] =	ssyncset.done $0x0  }
0xeb: {  	[sflag:s11] =	ssyncadd.s32 $0xFFFFFF80  }
0xec: {  	[tilespmem:s0], [sflag:$0x1] =	stream.indirect.gather [hbm4b:s5+s14], $0x80, s13, s14, $0xb8;
	[tilespmem:$0x13300] =	vst v63  }
0xed: {  	_ =	swait.ge [sflag:s19], $0x4000  }
0xee: {  	s30 =	simm.s32 $0x0;
	[sflag:s19] =	ssyncset.done $0x0  }
0xef: {  	s29 =	simm.s32 $0x0;
	s25 =	sand.u32 $0x3FFFFFF0, s30;
	[sflag:s19] =	ssyncadd.s32 $0xFFFFC000  }
0xf0: {  	v2 =	vld [tilespmem:s25+$0xEA00];
	s25 =	sand.u32 $0x3FFFF800, s29  }
0xf1: {  	v8 =	vld [tilespmem:s25+$0xEBC0]  }
0xf2: {  	v4 =	vld [tilespmem:s25+$0xEB20]  }
0xf3: {  	v5 =	vld [tilespmem:s25+$0xEB30]  }
0xf4: {  	v11 =	vld [tilespmem:s25+$0xEB60]  }
0xf5: {  	v12 =	vld [tilespmem:s25+$0xEB70];
	v3 =	vbroadcast v2, $0x0  }
0xf6: {  	v13 =	vld [tilespmem:s25+$0xEB80]  }
0xf7: {  	v14 =	vld [tilespmem:s25+$0xEB90];
	v4 =	vmul.f32 v4, v3  }
0xf8: {  	v15 =	vld [tilespmem:s25+$0xEBA0];
	v5 =	vmul.f32 v5, v3  }
0xf9: {  	v10 =	vld [tilespmem:s25+$0xEBB0];
	v21 =	vbroadcast v2, $0x1;
	v20 =	vmul.f32 v11, v3;
	[tilespmem:s25+$0xEB20] =	vst v4  }
0xfa: {  	v9 =	vld [tilespmem:s25+$0xEBD0];
	v12 =	vmul.f32 v12, v3;
	[tilespmem:s25+$0xEB30] =	vst v5  }
0xfb: {  	v7 =	vld [tilespmem:s25+$0xF070];
	v13 =	vmul.f32 v13, v21;
	[tilespmem:s25+$0xEB60] =	vst v20  }
0xfc: {  	v23 =	vld [tilespmem:s25+$0xEBF0];
	v14 =	vmul.f32 v14, v21;
	[tilespmem:s25+$0xEB70] =	vst v12  }
0xfd: {  	v24 =	vld [tilespmem:s25+$0xEC00];
	v15 =	vmul.f32 v15, v21;
	[tilespmem:s25+$0xEB80] =	vst v13  }
0xfe: {  	v25 =	vld [tilespmem:s25+$0xEC10];
	v10 =	vmul.f32 v10, v21;
	[tilespmem:s25+$0xEB90] =	vst v14  }
0xff: {  	v22 =	vld [tilespmem:s25+$0xEBE0];
	v8 =	vmul.f32 v8, v21;
	[tilespmem:s25+$0xEBA0] =	vst v15  }
0x100: {  	v26 =	vld [tilespmem:s25+$0xEC20];
	v16 =	vbroadcast v2, $0x2;
	v9 =	vmul.f32 v9, v21;
	[tilespmem:s25+$0xEBB0] =	vst v10  }
0x101: {  	v27 =	vld [tilespmem:s25+$0xEC30];
	v11 =	vmul.f32 v23, v21;
	[tilespmem:s25+$0xEBC0] =	vst v8  }
0x102: {  	v28 =	vld [tilespmem:s25+$0xEC40];
	v6 =	vbroadcast v2, $0xA;
	v30 =	vmul.f32 v24, v16;
	[tilespmem:s25+$0xEBD0] =	vst v9  }
0x103: {  	v29 =	vld [tilespmem:s25+$0xEC50];
	v32 =	vmul.f32 v25, v16;
	[tilespmem:s25+$0xEBF0] =	vst v11  }
0x104: {  	v31 =	vld [tilespmem:s25+$0xEC60];
	v4 =	vmul.f32 v7, v6;
	[tilespmem:s25+$0xEC00] =	vst v30  }
0x105: {  	v33 =	vld [tilespmem:s25+$0xEC70];
	v12 =	vmul.f32 v22, v21;
	[tilespmem:s25+$0xEC10] =	vst v32  }
0x106: {  	v34 =	vld [tilespmem:s25+$0xEC80];
	v10 =	vmul.f32 v26, v16;
	[tilespmem:s25+$0xF070] =	vst v4  }
0x107: {  	v35 =	vld [tilespmem:s25+$0xEC90];
	v8 =	vmul.f32 v27, v16;
	[tilespmem:s25+$0xEBE0] =	vst v12  }
0x108: {  	v36 =	vld [tilespmem:s25+$0xECA0];
	v9 =	vmul.f32 v28, v16;
	[tilespmem:s25+$0xEC20] =	vst v10  }
0x109: {  	v37 =	vld [tilespmem:s25+$0xECB0];
	v39 =	vbroadcast v2, $0x3;
	v11 =	vmul.f32 v31, v16;
	[tilespmem:s25+$0xEC30] =	vst v8  }
0x10a: {  	v38 =	vld [tilespmem:s25+$0xECC0];
	v13 =	vmul.f32 v33, v16;
	[tilespmem:s25+$0xEC40] =	vst v9  }
0x10b: {  	v40 =	vld [tilespmem:s25+$0xECD0];
	v14 =	vmul.f32 v34, v39;
	[tilespmem:s25+$0xEC60] =	vst v11  }
0x10c: {  	v41 =	vld [tilespmem:s25+$0xECE0];
	v12 =	vmul.f32 v29, v16;
	[tilespmem:s25+$0xEC70] =	vst v13  }
0x10d: {  	v42 =	vld [tilespmem:s25+$0xECF0];
	v10 =	vmul.f32 v35, v39;
	[tilespmem:s25+$0xEC80] =	vst v14  }
0x10e: {  	v43 =	vld [tilespmem:s25+$0xED00];
	v8 =	vmul.f32 v36, v39;
	[tilespmem:s25+$0xEC50] =	vst v12  }
0x10f: {  	v44 =	vld [tilespmem:s25+$0xED10];
	v9 =	vmul.f32 v37, v39;
	[tilespmem:s25+$0xEC90] =	vst v10  }
0x110: {  	v45 =	vld [tilespmem:s25+$0xED20];
	v11 =	vmul.f32 v40, v39;
	[tilespmem:s25+$0xECA0] =	vst v8  }
0x111: {  	v46 =	vld [tilespmem:s25+$0xED30];
	v13 =	vmul.f32 v41, v39;
	[tilespmem:s25+$0xECB0] =	vst v9  }
0x112: {  	v47 =	vld [tilespmem:s25+$0xED40];
	v48 =	vbroadcast v2, $0x4;
	v14 =	vmul.f32 v42, v39;
	[tilespmem:s25+$0xECD0] =	vst v11  }
0x113: {  	v49 =	vld [tilespmem:s25+$0xED50];
	v12 =	vmul.f32 v38, v39;
	[tilespmem:s25+$0xECE0] =	vst v13  }
0x114: {  	v50 =	vld [tilespmem:s25+$0xED60];
	v10 =	vmul.f32 v43, v48;
	[tilespmem:s25+$0xECF0] =	vst v14  }
0x115: {  	v51 =	vld [tilespmem:s25+$0xED70];
	v8 =	vmul.f32 v44, v48;
	[tilespmem:s25+$0xECC0] =	vst v12  }
0x116: {  	v52 =	vld [tilespmem:s25+$0xED80];
	v9 =	vmul.f32 v45, v48;
	[tilespmem:s25+$0xED00] =	vst v10  }
0x117: {  	v53 =	vld [tilespmem:s25+$0xED90];
	v11 =	vmul.f32 v47, v48;
	[tilespmem:s25+$0xED10] =	vst v8  }
0x118: {  	v54 =	vld [tilespmem:s25+$0xEDA0];
	v13 =	vmul.f32 v49, v48;
	[tilespmem:s25+$0xED20] =	vst v9  }
0x119: {  	v55 =	vld [tilespmem:s25+$0xEDB0];
	v14 =	vmul.f32 v50, v48;
	[tilespmem:s25+$0xED40] =	vst v11  }
0x11a: {  	v56 =	vld [tilespmem:s25+$0xEDC0];
	v57 =	vbroadcast v2, $0x5;
	v12 =	vmul.f32 v46, v48;
	[tilespmem:s25+$0xED50] =	vst v13  }
0x11b: {  	v58 =	vld [tilespmem:s25+$0xEDD0];
	v10 =	vmul.f32 v51, v48;
	[tilespmem:s25+$0xED60] =	vst v14  }
0x11c: {  	v59 =	vld [tilespmem:s25+$0xEDE0];
	v8 =	vmul.f32 v52, v57;
	[tilespmem:s25+$0xED30] =	vst v12  }
0x11d: {  	v60 =	vld [tilespmem:s25+$0xEDF0];
	v9 =	vmul.f32 v53, v57;
	[tilespmem:s25+$0xED70] =	vst v10  }
0x11e: {  	v61 =	vld [tilespmem:s25+$0xEE00];
	v11 =	vmul.f32 v55, v57;
	[tilespmem:s25+$0xED80] =	vst v8  }
0x11f: {  	v62 =	vld [tilespmem:s25+$0xEE10];
	v13 =	vmul.f32 v56, v57;
	[tilespmem:s25+$0xED90] =	vst v9  }
0x120: {  	v63 =	vld [tilespmem:s25+$0xEE20];
	v14 =	vmul.f32 v58, v57;
	[tilespmem:s25+$0xEDB0] =	vst v11  }
0x121: {  	v20 =	vld [tilespmem:s25+$0xEE30];
	v12 =	vmul.f32 v54, v57;
	[tilespmem:s25+$0xEDC0] =	vst v13  }
0x122: {  	v21 =	vld [tilespmem:s25+$0xEE40];
	v22 =	vbroadcast v2, $0x6;
	v10 =	vmul.f32 v59, v57;
	[tilespmem:s25+$0xEDD0] =	vst v14  }
0x123: {  	v23 =	vld [tilespmem:s25+$0xEE50];
	v8 =	vmul.f32 v60, v57;
	[tilespmem:s25+$0xEDA0] =	vst v12  }
0x124: {  	v24 =	vld [tilespmem:s25+$0xEE60];
	v9 =	vmul.f32 v61, v22;
	[tilespmem:s25+$0xEDE0] =	vst v10  }
0x125: {  	v25 =	vld [tilespmem:s25+$0xEE70];
	v11 =	vmul.f32 v63, v22;
	[tilespmem:s25+$0xEDF0] =	vst v8  }
0x126: {  	v5 =	vld [tilespmem:s25+$0xF080];
	v13 =	vmul.f32 v20, v22;
	[tilespmem:s25+$0xEE00] =	vst v9  }
0x127: {  	v27 =	vld [tilespmem:s25+$0xEE90];
	v14 =	vmul.f32 v21, v22;
	[tilespmem:s25+$0xEE20] =	vst v11  }
0x128: {  	v28 =	vld [tilespmem:s25+$0xEEA0];
	v12 =	vmul.f32 v62, v22;
	[tilespmem:s25+$0xEE30] =	vst v13  }
0x129: {  	v29 =	vld [tilespmem:s25+$0xEEB0];
	v10 =	vmul.f32 v23, v22;
	[tilespmem:s25+$0xEE40] =	vst v14  }
0x12a: {  	v31 =	vbroadcast v2, $0x7;
	v53 =	vld [tilespmem:s25+$0xF000];
	v8 =	vmul.f32 v24, v22;
	[tilespmem:s25+$0xEE10] =	vst v12  }
0x12b: {  	v58 =	vld [tilespmem:s25+$0xF050];
	v9 =	vmul.f32 v25, v22;
	[tilespmem:s25+$0xEE50] =	vst v10  }
0x12c: {  	v26 =	vld [tilespmem:s25+$0xEE80];
	v11 =	vmul.f32 v27, v31;
	[tilespmem:s25+$0xEE60] =	vst v8  }
0x12d: {  	v30 =	vld [tilespmem:s25+$0xEEC0];
	v13 =	vmul.f32 v28, v31;
	[tilespmem:s25+$0xEE70] =	vst v9  }
0x12e: {  	v32 =	vld [tilespmem:s25+$0xEED0];
	v14 =	vmul.f32 v29, v31;
	[tilespmem:s25+$0xEE90] =	vst v11  }
0x12f: {  	v33 =	vld [tilespmem:s25+$0xEEE0];
	v59 =	vmul.f32 v53, v6;
	[tilespmem:s25+$0xEEA0] =	vst v13  }
0x130: {  	v35 =	vld [tilespmem:s25+$0xEF00];
	v21 =	vmul.f32 v58, v6;
	[tilespmem:s25+$0xEEB0] =	vst v14  }
0x131: {  	v36 =	vld [tilespmem:s25+$0xEF10];
	v12 =	vmul.f32 v26, v31;
	[tilespmem:s25+$0xF000] =	vst v59  }
0x132: {  	v37 =	vld [tilespmem:s25+$0xEF20];
	v10 =	vmul.f32 v30, v31;
	[tilespmem:s25+$0xF050] =	vst v21  }
0x133: {  	v7 =	vld [tilespmem:s25+$0xF090];
	v40 =	vbroadcast v2, $0x8;
	v8 =	vmul.f32 v32, v31;
	[tilespmem:s25+$0xEE80] =	vst v12  }
0x134: {  	v34 =	vld [tilespmem:s25+$0xEEF0];
	v9 =	vmul.f32 v33, v31;
	[tilespmem:s25+$0xEEC0] =	vst v10  }
0x135: {  	v57 =	vld [tilespmem:s25+$0xF040];
	v11 =	vmul.f32 v35, v40;
	[tilespmem:s25+$0xEED0] =	vst v8  }
0x136: {  	v61 =	vld [tilespmem:s25+$0xEB00];
	v24 =	vbroadcast v2, $0xB;
	v13 =	vmul.f32 v36, v40;
	[tilespmem:s25+$0xEEE0] =	vst v9  }
0x137: {  	v4 =	vld [tilespmem:s25+$0xF2D0];
	v14 =	vmul.f32 v37, v40;
	[tilespmem:s25+$0xEF00] =	vst v11  }
0x138: {  	v38 =	vld [tilespmem:s25+$0xEF30];
	v5 =	vmul.f32 v5, v24;
	[tilespmem:s25+$0xEF10] =	vst v13  }
0x139: {  	v39 =	vld [tilespmem:s25+$0xEF40];
	v7 =	vmul.f32 v7, v24;
	[tilespmem:s25+$0xEF20] =	vst v14  }
0x13a: {  	v41 =	vld [tilespmem:s25+$0xEF50];
	v19 =	vmul.f32 v57, v6;
	[tilespmem:s25+$0xF080] =	vst v5  }
0x13b: {  	v43 =	vld [tilespmem:s25+$0xEF70];
	v25 =	vmul.f32 v3, v61;
	[tilespmem:s25+$0xF090] =	vst v7  }
0x13c: {  	v44 =	vld [tilespmem:s25+$0xEF80];
	v12 =	vmul.f32 v34, v31;
	[tilespmem:s25+$0xF040] =	vst v19  }
0x13d: {  	v45 =	vld [tilespmem:s25+$0xEF90];
	v10 =	vmul.f32 v38, v40;
	[tilespmem:s25+$0xEB00] =	vst v25  }
0x13e: {  	v27 =	vld [tilespmem:s25+$0xF0D0];
	v8 =	vmul.f32 v39, v40;
	[tilespmem:s25+$0xEEF0] =	vst v12  }
0x13f: {  	v49 =	vbroadcast v2, $0x9;
	v29 =	vld [tilespmem:s25+$0xF0F0];
	v9 =	vmul.f32 v41, v40;
	[tilespmem:s25+$0xEF30] =	vst v10  }
0x140: {  	v42 =	vld [tilespmem:s25+$0xEF60];
	v11 =	vmul.f32 v43, v40;
	[tilespmem:s25+$0xEF40] =	vst v8  }
0x141: {  	v46 =	vld [tilespmem:s25+$0xEFA0];
	v13 =	vmul.f32 v44, v49;
	[tilespmem:s25+$0xEF50] =	vst v9  }
0x142: {  	v47 =	vld [tilespmem:s25+$0xEFB0];
	v14 =	vmul.f32 v45, v49;
	[tilespmem:s25+$0xEF70] =	vst v11  }
0x143: {  	v48 =	vld [tilespmem:s25+$0xEFC0];
	v32 =	vmul.f32 v27, v24;
	[tilespmem:s25+$0xEF80] =	vst v13  }
0x144: {  	v51 =	vld [tilespmem:s25+$0xEFE0];
	v7 =	vmul.f32 v29, v24;
	[tilespmem:s25+$0xEF90] =	vst v14  }
0x145: {  	v52 =	vld [tilespmem:s25+$0xEFF0];
	v12 =	vmul.f32 v42, v40;
	[tilespmem:s25+$0xF0D0] =	vst v32  }
0x146: {  	v10 =	vmul.f32 v46, v49;
	[tilespmem:s25+$0xF0F0] =	vst v7  }
0x147: {  	v28 =	vld [tilespmem:s25+$0xF0E0];
	v8 =	vmul.f32 v47, v49;
	[tilespmem:s25+$0xEF60] =	vst v12  }
0x148: {  	v30 =	vld [tilespmem:s25+$0xF100];
	v9 =	vmul.f32 v48, v49;
	[tilespmem:s25+$0xEFA0] =	vst v10  }
0x149: {  	v50 =	vld [tilespmem:s25+$0xEFD0];
	v5 =	vbroadcast v2, $0xF;
	v11 =	vmul.f32 v51, v49;
	[tilespmem:s25+$0xEFB0] =	vst v8  }
0x14a: {  	v54 =	vld [tilespmem:s25+$0xF010];
	v13 =	vmul.f32 v52, v49;
	[tilespmem:s25+$0xEFC0] =	vst v9  }
0x14b: {  	v55 =	vld [tilespmem:s25+$0xF020];
	v35 =	vbroadcast v2, $0xC;
	v4 =	vmul.f32 v4, v5;
	[tilespmem:s25+$0xEFE0] =	vst v11  }
0x14c: {  	v56 =	vld [tilespmem:s25+$0xF030];
	v40 =	vmul.f32 v28, v24;
	[tilespmem:s25+$0xEFF0] =	vst v13  }
0x14d: {  	v60 =	vld [tilespmem:s25+$0xF060];
	v16 =	vmul.f32 v30, v35;
	[tilespmem:s25+$0xF2D0] =	vst v4  }
0x14e: {  	v62 =	vld [tilespmem:s25+$0xEB10];
	v12 =	vmul.f32 v50, v49;
	[tilespmem:s25+$0xF0E0] =	vst v40  }
0x14f: {  	v63 =	vld [tilespmem:s25+$0xEB40];
	v10 =	vmul.f32 v54, v6;
	[tilespmem:s25+$0xF100] =	vst v16  }
0x150: {  	v20 =	vld [tilespmem:s25+$0xEB50];
	v8 =	vmul.f32 v55, v6;
	[tilespmem:s25+$0xEFD0] =	vst v12  }
0x151: {  	v33 =	vld [tilespmem:s25+$0xF130];
	v9 =	vmul.f32 v56, v6;
	[tilespmem:s25+$0xF010] =	vst v10  }
0x152: {  	v61 =	vld [tilespmem:s25+$0xF2F0];
	v6 =	vmul.f32 v60, v6;
	[tilespmem:s25+$0xF020] =	vst v8  }
0x153: {  	v38 =	vld [tilespmem:s25+$0xF170];
	v13 =	vmul.f32 v62, v3;
	[tilespmem:s25+$0xF030] =	vst v9  }
0x154: {  	v22 =	vld [tilespmem:s25+$0xF0A0];
	v4 =	vmul.f32 v63, v3;
	[tilespmem:s25+$0xF060] =	vst v6  }
0x155: {  	v23 =	vld [tilespmem:s25+$0xF0B0];
	v3 =	vmul.f32 v20, v3;
	[tilespmem:s25+$0xEB10] =	vst v13  }
0x156: {  	v26 =	vld [tilespmem:s25+$0xF0C0];
	v62 =	vmul.f32 v33, v35;
	[tilespmem:s25+$0xEB40] =	vst v4  }
0x157: {  	v31 =	vld [tilespmem:s25+$0xF110];
	v63 =	vmul.f32 v61, v5;
	[tilespmem:s25+$0xEB50] =	vst v3  }
0x158: {  	v34 =	vld [tilespmem:s25+$0xF140];
	v16 =	vmul.f32 v38, v35;
	[tilespmem:s25+$0xF130] =	vst v62  }
0x159: {  	v41 =	vld [tilespmem:s25+$0xF1A0];
	v8 =	vmul.f32 v22, v24;
	[tilespmem:s25+$0xF2F0] =	vst v63  }
0x15a: {  	v46 =	vld [tilespmem:s25+$0xF1E0];
	v9 =	vmul.f32 v23, v24;
	[tilespmem:s25+$0xF170] =	vst v16  }
0x15b: {  	v6 =	vmul.f32 v26, v24;
	v3 =	vld [tilespmem:s25+$0xF190];
	[tilespmem:s25+$0xF0A0] =	vst v8  }
0x15c: {  	v36 =	vld [tilespmem:s25+$0xF150];
	v44 =	vbroadcast v2, $0xD;
	v10 =	vmul.f32 v31, v35;
	[tilespmem:s25+$0xF0B0] =	vst v9  }
0x15d: {  	v37 =	vld [tilespmem:s25+$0xF160];
	v13 =	vmul.f32 v34, v35;
	[tilespmem:s25+$0xF0C0] =	vst v6  }
0x15e: {  	v39 =	vld [tilespmem:s25+$0xF180];
	v12 =	vmul.f32 v41, v44;
	[tilespmem:s25+$0xF110] =	vst v10  }
0x15f: {  	v42 =	vld [tilespmem:s25+$0xF1B0];
	v51 =	vmul.f32 v46, v44;
	[tilespmem:s25+$0xF140] =	vst v13  }
0x160: {  	v48 =	vld [tilespmem:s25+$0xF210];
	[tilespmem:s25+$0xF1A0] =	vst v12;
	v3 =	vmul.f32 v3, v44  }
0x161: {  	v49 =	vld [tilespmem:s25+$0xF220];
	v9 =	vmul.f32 v36, v35;
	[tilespmem:s25+$0xF1E0] =	vst v51  }
0x162: {  	v6 =	vmul.f32 v37, v35;
	[tilespmem:s25+$0xF190] =	vst v3;
	v3 =	vld [tilespmem:s25+$0xF200]  }
0x163: {  	v2 =	vbroadcast v2, $0xE;
	v50 =	vld [tilespmem:s25+$0xF230];
	v10 =	vmul.f32 v39, v44;
	[tilespmem:s25+$0xF150] =	vst v9  }
0x164: {  	v45 =	vld [tilespmem:s25+$0xF1D0];
	v13 =	vmul.f32 v42, v44;
	[tilespmem:s25+$0xF160] =	vst v6  }
0x165: {  	v47 =	vld [tilespmem:s25+$0xF1F0];
	v12 =	vmul.f32 v48, v2;
	[tilespmem:s25+$0xF180] =	vst v10  }
0x166: {  	v43 =	vld [tilespmem:s25+$0xF1C0];
	v11 =	vmul.f32 v49, v2;
	[tilespmem:s25+$0xF1B0] =	vst v13  }
0x167: {  	v55 =	vld [tilespmem:s25+$0xF280];
	[tilespmem:s25+$0xF210] =	vst v12;
	v3 =	vmul.f32 v3, v2  }
0x168: {  	v57 =	vld [tilespmem:s25+$0xF2A0];
	v7 =	vmul.f32 v50, v2;
	[tilespmem:s25+$0xF220] =	vst v11  }
0x169: {  	v6 =	vmul.f32 v45, v44;
	[tilespmem:s25+$0xF200] =	vst v3;
	v3 =	vld [tilespmem:s25+$0xF270]  }
0x16a: {  	v52 =	vld [tilespmem:s25+$0xF240];
	v10 =	vmul.f32 v47, v44;
	[tilespmem:s25+$0xF230] =	vst v7  }
0x16b: {  	v56 =	vld [tilespmem:s25+$0xF290];
	v9 =	vmul.f32 v43, v44;
	[tilespmem:s25+$0xF1D0] =	vst v6  }
0x16c: {  	v54 =	vld [tilespmem:s25+$0xF260];
	v12 =	vmul.f32 v55, v5;
	[tilespmem:s25+$0xF1F0] =	vst v10  }
0x16d: {  	v58 =	vld [tilespmem:s25+$0xF2B0];
	v7 =	vmul.f32 v57, v5;
	[tilespmem:s25+$0xF1C0] =	vst v9  }
0x16e: {  	v53 =	vld [tilespmem:s25+$0xF250];
	[tilespmem:s25+$0xF280] =	vst v12;
	v3 =	vmul.f32 v3, v2  }
0x16f: {  	v59 =	vld [tilespmem:s25+$0xF2C0];
	v6 =	vmul.f32 v52, v2;
	[tilespmem:s25+$0xF2A0] =	vst v7  }
0x170: {  	v60 =	vld [tilespmem:s25+$0xF2E0];
	[tilespmem:s25+$0xF270] =	vst v3;
	v3 =	vmul.f32 v56, v5  }
0x171: {  	v10 =	vmul.f32 v54, v2;
	[tilespmem:s25+$0xF240] =	vst v6  }
0x172: {  	v4 =	vld [tilespmem:s25+$0xF120];
	[tilespmem:s25+$0xF290] =	vst v3;
	v3 =	vmul.f32 v58, v5  }
0x173: {  	[tilespmem:s25+$0xF260] =	vst v10;
	v2 =	vmul.f32 v53, v2  }
0x174: {  	[tilespmem:s25+$0xF2B0] =	vst v3;
	v3 =	vmul.f32 v59, v5  }
0x175: {  	[tilespmem:s25+$0xF250] =	vst v2;
	v5 =	vmul.f32 v60, v5  }
0x176: {  	[tilespmem:s25+$0xF2C0] =	vst v3  }
0x177: {  	s29 =	simm.s32 $0x1;
	v3 =	vmul.f32 v4, v35;
	[tilespmem:s25+$0xF2E0] =	vst v5  }
.LBB2_19:
0x178: {  	s30 =	sshll.u32 s29, $0x4  }
0x179: {  	p0 =	sne.s32 s29, $0x7;
	[tilespmem:s25+$0xF120] =	vst v3;
	s25 =	smov.u32 s29;
	s29 =	sadd.s32 $0x1, s29  }
0x17a: {  	s30 =	sand.u32 $0x3FFFFFF0, s30  }
0x17b: {  	s25 =	sshll.u32 s25, $0xB;
	v2 =	vld [tilespmem:s30+$0xEA00]  }
0x17c: {  	s25 =	sand.u32 $0x3FFFF800, s25  }
0x17d: {  	v9 =	vld [tilespmem:s25+$0xEBC0]  }
0x17e: {  	v10 =	vld [tilespmem:s25+$0xEBD0]  }
0x17f: {  	v11 =	vld [tilespmem:s25+$0xEBB0]  }
0x180: {  	v3 =	vbroadcast v2, $0x0;
	v4 =	vld [tilespmem:s25+$0xEB20];
	v8 =	vbroadcast v2, $0x4  }
0x181: {  	v6 =	vld [tilespmem:s25+$0xEB30]  }
0x182: {  	v7 =	vld [tilespmem:s25+$0xF070]  }
0x183: {  	v12 =	vld [tilespmem:s25+$0xEB60]  }
0x184: {  	v13 =	vld [tilespmem:s25+$0xEB70]  }
0x185: {  	v5 =	vbroadcast v2, $0xA;
	v4 =	vmul.f32 v4, v3;
	v14 =	vld [tilespmem:s25+$0xEB80]  }
0x186: {  	v6 =	vmul.f32 v6, v3;
	v15 =	vld [tilespmem:s25+$0xEB90]  }
0x187: {  	[tilespmem:s25+$0xEB20] =	vst v4;
	v16 =	vld [tilespmem:s25+$0xEBA0];
	v4 =	vmul.f32 v7, v5  }
0x188: {  	[tilespmem:s25+$0xEB30] =	vst v6;
	v7 =	vmul.f32 v12, v3;
	v12 =	vbroadcast v2, $0x1;
	v6 =	vld [tilespmem:s25+$0xF080]  }
0x189: {  	v13 =	vmul.f32 v13, v3;
	[tilespmem:s25+$0xF070] =	vst v4;
	v4 =	vld [tilespmem:s25+$0xF2D0]  }
0x18a: {  	[tilespmem:s25+$0xEB60] =	vst v7;
	v14 =	vmul.f32 v14, v12;
	v7 =	vld [tilespmem:s25+$0xF090]  }
0x18b: {  	[tilespmem:s25+$0xEB70] =	vst v13;
	v13 =	vmul.f32 v15, v12;
	v15 =	vld [tilespmem:s25+$0xEBE0]  }
0x18c: {  	[tilespmem:s25+$0xEB80] =	vst v14;
	v14 =	vmul.f32 v16, v12;
	v16 =	vld [tilespmem:s25+$0xEBF0]  }
0x18d: {  	v11 =	vmul.f32 v11, v12;
	[tilespmem:s25+$0xEB90] =	vst v13;
	v13 =	vld [tilespmem:s25+$0xEC00]  }
0x18e: {  	v9 =	vmul.f32 v9, v12;
	[tilespmem:s25+$0xEBA0] =	vst v14;
	v14 =	vld [tilespmem:s25+$0xEC10]  }
0x18f: {  	v10 =	vmul.f32 v10, v12;
	[tilespmem:s25+$0xEBB0] =	vst v11;
	v11 =	vld [tilespmem:s25+$0xEC20]  }
0x190: {  	[tilespmem:s25+$0xEBC0] =	vst v9;
	v9 =	vmul.f32 v15, v12;
	v15 =	vbroadcast v2, $0x2;
	v17 =	vld [tilespmem:s25+$0xEC30]  }
0x191: {  	[tilespmem:s25+$0xEBD0] =	vst v10;
	v10 =	vmul.f32 v16, v12;
	v12 =	vld [tilespmem:s25+$0xEC40]  }
0x192: {  	[tilespmem:s25+$0xEBE0] =	vst v9;
	v9 =	vmul.f32 v13, v15;
	v13 =	vld [tilespmem:s25+$0xEC50]  }
0x193: {  	[tilespmem:s25+$0xEBF0] =	vst v10;
	v10 =	vmul.f32 v14, v15;
	v14 =	vld [tilespmem:s25+$0xEC60]  }
0x194: {  	[tilespmem:s25+$0xEC00] =	vst v9;
	v9 =	vmul.f32 v11, v15;
	v11 =	vld [tilespmem:s25+$0xEC70]  }
0x195: {  	[tilespmem:s25+$0xEC10] =	vst v10;
	v10 =	vmul.f32 v17, v15;
	v16 =	vld [tilespmem:s25+$0xEC80]  }
0x196: {  	[tilespmem:s25+$0xEC20] =	vst v9;
	v9 =	vmul.f32 v12, v15;
	v12 =	vld [tilespmem:s25+$0xEC90]  }
0x197: {  	[tilespmem:s25+$0xEC30] =	vst v10;
	v10 =	vmul.f32 v13, v15;
	v13 =	vld [tilespmem:s25+$0xECA0]  }
0x198: {  	[tilespmem:s25+$0xEC40] =	vst v9;
	v9 =	vmul.f32 v14, v15;
	v14 =	vbroadcast v2, $0x3;
	v17 =	vld [tilespmem:s25+$0xECB0]  }
0x199: {  	[tilespmem:s25+$0xEC50] =	vst v10;
	v10 =	vmul.f32 v11, v15;
	v11 =	vld [tilespmem:s25+$0xECC0]  }
0x19a: {  	[tilespmem:s25+$0xEC60] =	vst v9;
	v9 =	vmul.f32 v16, v14;
	v15 =	vld [tilespmem:s25+$0xECD0]  }
0x19b: {  	[tilespmem:s25+$0xEC70] =	vst v10;
	v10 =	vmul.f32 v12, v14;
	v12 =	vld [tilespmem:s25+$0xECE0]  }
0x19c: {  	[tilespmem:s25+$0xEC80] =	vst v9;
	v9 =	vmul.f32 v13, v14;
	v13 =	vld [tilespmem:s25+$0xECF0]  }
0x19d: {  	[tilespmem:s25+$0xEC90] =	vst v10;
	v10 =	vmul.f32 v17, v14;
	v16 =	vld [tilespmem:s25+$0xED00]  }
0x19e: {  	[tilespmem:s25+$0xECA0] =	vst v9;
	v9 =	vmul.f32 v11, v14;
	v11 =	vld [tilespmem:s25+$0xED10]  }
0x19f: {  	[tilespmem:s25+$0xECB0] =	vst v10;
	v10 =	vmul.f32 v15, v14;
	v15 =	vld [tilespmem:s25+$0xED20]  }
0x1a0: {  	[tilespmem:s25+$0xECC0] =	vst v9;
	v9 =	vmul.f32 v12, v14;
	v12 =	vld [tilespmem:s25+$0xED30]  }
0x1a1: {  	[tilespmem:s25+$0xECD0] =	vst v10;
	v10 =	vmul.f32 v13, v14;
	v13 =	vld [tilespmem:s25+$0xED40]  }
0x1a2: {  	[tilespmem:s25+$0xECE0] =	vst v9;
	v9 =	vmul.f32 v16, v8;
	v14 =	vld [tilespmem:s25+$0xED50]  }
0x1a3: {  	[tilespmem:s25+$0xECF0] =	vst v10;
	v10 =	vmul.f32 v11, v8;
	v11 =	vld [tilespmem:s25+$0xED60]  }
0x1a4: {  	[tilespmem:s25+$0xED00] =	vst v9;
	v9 =	vmul.f32 v15, v8;
	v15 =	vld [tilespmem:s25+$0xED70]  }
0x1a5: {  	[tilespmem:s25+$0xED10] =	vst v10;
	v10 =	vmul.f32 v12, v8;
	v12 =	vld [tilespmem:s25+$0xED80]  }
0x1a6: {  	[tilespmem:s25+$0xED20] =	vst v9;
	v9 =	vmul.f32 v13, v8;
	v13 =	vld [tilespmem:s25+$0xED90]  }
0x1a7: {  	[tilespmem:s25+$0xED30] =	vst v10;
	v10 =	vmul.f32 v14, v8;
	v14 =	vld [tilespmem:s25+$0xEDA0]  }
0x1a8: {  	[tilespmem:s25+$0xED40] =	vst v9;
	v9 =	vmul.f32 v11, v8;
	v11 =	vbroadcast v2, $0x5;
	v16 =	vld [tilespmem:s25+$0xEDB0]  }
0x1a9: {  	[tilespmem:s25+$0xED50] =	vst v10;
	v8 =	vmul.f32 v15, v8;
	v10 =	vld [tilespmem:s25+$0xEDC0]  }
0x1aa: {  	[tilespmem:s25+$0xED60] =	vst v9;
	v9 =	vmul.f32 v12, v11;
	v12 =	vld [tilespmem:s25+$0xEDD0]  }
0x1ab: {  	[tilespmem:s25+$0xED70] =	vst v8;
	v8 =	vmul.f32 v13, v11;
	v13 =	vld [tilespmem:s25+$0xEDE0]  }
0x1ac: {  	[tilespmem:s25+$0xED80] =	vst v9;
	v9 =	vmul.f32 v14, v11;
	v14 =	vld [tilespmem:s25+$0xEDF0]  }
0x1ad: {  	[tilespmem:s25+$0xED90] =	vst v8;
	v8 =	vmul.f32 v16, v11;
	v15 =	vld [tilespmem:s25+$0xEE00]  }
0x1ae: {  	[tilespmem:s25+$0xEDA0] =	vst v9;
	v9 =	vmul.f32 v10, v11;
	v10 =	vld [tilespmem:s25+$0xEE10]  }
0x1af: {  	[tilespmem:s25+$0xEDB0] =	vst v8;
	v8 =	vmul.f32 v12, v11;
	v12 =	vld [tilespmem:s25+$0xEE20]  }
0x1b0: {  	[tilespmem:s25+$0xEDC0] =	vst v9;
	v9 =	vmul.f32 v13, v11;
	v13 =	vbroadcast v2, $0x6;
	v16 =	vld [tilespmem:s25+$0xEE30]  }
0x1b1: {  	[tilespmem:s25+$0xEDD0] =	vst v8;
	v8 =	vmul.f32 v14, v11;
	v11 =	vld [tilespmem:s25+$0xEE40]  }
0x1b2: {  	[tilespmem:s25+$0xEDE0] =	vst v9;
	v9 =	vmul.f32 v15, v13;
	v14 =	vld [tilespmem:s25+$0xEE50]  }
0x1b3: {  	[tilespmem:s25+$0xEDF0] =	vst v8;
	v8 =	vmul.f32 v10, v13;
	v10 =	vld [tilespmem:s25+$0xEE60]  }
0x1b4: {  	[tilespmem:s25+$0xEE00] =	vst v9;
	v9 =	vmul.f32 v12, v13;
	v12 =	vld [tilespmem:s25+$0xEE70]  }
0x1b5: {  	[tilespmem:s25+$0xEE10] =	vst v8;
	v8 =	vmul.f32 v16, v13;
	v15 =	vld [tilespmem:s25+$0xEE80]  }
0x1b6: {  	[tilespmem:s25+$0xEE20] =	vst v9;
	v9 =	vmul.f32 v11, v13;
	v11 =	vld [tilespmem:s25+$0xEE90]  }
0x1b7: {  	[tilespmem:s25+$0xEE30] =	vst v8;
	v8 =	vmul.f32 v14, v13;
	v14 =	vld [tilespmem:s25+$0xEEA0]  }
0x1b8: {  	[tilespmem:s25+$0xEE40] =	vst v9;
	v9 =	vmul.f32 v10, v13;
	v10 =	vbroadcast v2, $0x7;
	v16 =	vld [tilespmem:s25+$0xEEB0]  }
0x1b9: {  	[tilespmem:s25+$0xEE50] =	vst v8;
	v8 =	vmul.f32 v12, v13;
	v12 =	vld [tilespmem:s25+$0xEEC0]  }
0x1ba: {  	[tilespmem:s25+$0xEE60] =	vst v9;
	v9 =	vmul.f32 v15, v10;
	v13 =	vld [tilespmem:s25+$0xEED0]  }
0x1bb: {  	[tilespmem:s25+$0xEE70] =	vst v8;
	v8 =	vmul.f32 v11, v10;
	v11 =	vld [tilespmem:s25+$0xEEE0]  }
0x1bc: {  	[tilespmem:s25+$0xEE80] =	vst v9;
	v9 =	vmul.f32 v14, v10;
	v14 =	vld [tilespmem:s25+$0xEEF0]  }
0x1bd: {  	[tilespmem:s25+$0xEE90] =	vst v8;
	v8 =	vmul.f32 v16, v10;
	v15 =	vld [tilespmem:s25+$0xEF00]  }
0x1be: {  	[tilespmem:s25+$0xEEA0] =	vst v9;
	v9 =	vmul.f32 v12, v10;
	v12 =	vld [tilespmem:s25+$0xEF10]  }
0x1bf: {  	[tilespmem:s25+$0xEEB0] =	vst v8;
	v8 =	vmul.f32 v13, v10;
	v13 =	vld [tilespmem:s25+$0xEF20]  }
0x1c0: {  	[tilespmem:s25+$0xEEC0] =	vst v9;
	v9 =	vmul.f32 v11, v10;
	v11 =	vbroadcast v2, $0x8;
	v16 =	vld [tilespmem:s25+$0xEF30]  }
0x1c1: {  	[tilespmem:s25+$0xEED0] =	vst v8;
	v8 =	vmul.f32 v14, v10;
	v10 =	vld [tilespmem:s25+$0xEF40]  }
0x1c2: {  	[tilespmem:s25+$0xEEE0] =	vst v9;
	v9 =	vmul.f32 v15, v11;
	v14 =	vld [tilespmem:s25+$0xEF50]  }
0x1c3: {  	[tilespmem:s25+$0xEEF0] =	vst v8;
	v8 =	vmul.f32 v12, v11;
	v12 =	vld [tilespmem:s25+$0xEF60]  }
0x1c4: {  	[tilespmem:s25+$0xEF00] =	vst v9;
	v9 =	vmul.f32 v13, v11;
	v13 =	vld [tilespmem:s25+$0xEF70]  }
0x1c5: {  	[tilespmem:s25+$0xEF10] =	vst v8;
	v8 =	vmul.f32 v16, v11;
	v15 =	vld [tilespmem:s25+$0xEF80]  }
0x1c6: {  	[tilespmem:s25+$0xEF20] =	vst v9;
	v9 =	vmul.f32 v10, v11;
	v10 =	vld [tilespmem:s25+$0xEF90]  }
0x1c7: {  	[tilespmem:s25+$0xEF30] =	vst v8;
	v8 =	vmul.f32 v14, v11;
	v14 =	vld [tilespmem:s25+$0xEFA0]  }
0x1c8: {  	[tilespmem:s25+$0xEF40] =	vst v9;
	v9 =	vmul.f32 v12, v11;
	v12 =	vbroadcast v2, $0x9;
	v16 =	vld [tilespmem:s25+$0xEFB0]  }
0x1c9: {  	[tilespmem:s25+$0xEF50] =	vst v8;
	v8 =	vmul.f32 v13, v11;
	v11 =	vld [tilespmem:s25+$0xEFC0]  }
0x1ca: {  	[tilespmem:s25+$0xEF60] =	vst v9;
	v9 =	vmul.f32 v15, v12;
	v13 =	vld [tilespmem:s25+$0xEFD0]  }
0x1cb: {  	[tilespmem:s25+$0xEF70] =	vst v8;
	v8 =	vmul.f32 v10, v12;
	v10 =	vld [tilespmem:s25+$0xEFE0]  }
0x1cc: {  	[tilespmem:s25+$0xEF80] =	vst v9;
	v9 =	vmul.f32 v14, v12;
	v14 =	vld [tilespmem:s25+$0xEFF0]  }
0x1cd: {  	[tilespmem:s25+$0xEF90] =	vst v8;
	v8 =	vmul.f32 v16, v12;
	v15 =	vld [tilespmem:s25+$0xF000]  }
0x1ce: {  	[tilespmem:s25+$0xEFA0] =	vst v9;
	v9 =	vmul.f32 v11, v12;
	v11 =	vld [tilespmem:s25+$0xF010]  }
0x1cf: {  	[tilespmem:s25+$0xEFB0] =	vst v8;
	v8 =	vmul.f32 v13, v12;
	v13 =	vld [tilespmem:s25+$0xF020]  }
0x1d0: {  	[tilespmem:s25+$0xEFC0] =	vst v9;
	v9 =	vmul.f32 v10, v12;
	v10 =	vld [tilespmem:s25+$0xF030]  }
0x1d1: {  	[tilespmem:s25+$0xEFD0] =	vst v8;
	v8 =	vmul.f32 v14, v12;
	v12 =	vld [tilespmem:s25+$0xF040]  }
0x1d2: {  	[tilespmem:s25+$0xEFE0] =	vst v9;
	v9 =	vmul.f32 v15, v5;
	v14 =	vld [tilespmem:s25+$0xF050]  }
0x1d3: {  	[tilespmem:s25+$0xEFF0] =	vst v8;
	v8 =	vmul.f32 v11, v5;
	v11 =	vld [tilespmem:s25+$0xF060]  }
0x1d4: {  	v15 =	vld [tilespmem:s25+$0xEB00];
	[tilespmem:s25+$0xF000] =	vst v9;
	v9 =	vmul.f32 v13, v5  }
0x1d5: {  	v13 =	vld [tilespmem:s25+$0xEB10];
	[tilespmem:s25+$0xF010] =	vst v8;
	v8 =	vmul.f32 v10, v5  }
0x1d6: {  	v10 =	vld [tilespmem:s25+$0xEB40];
	[tilespmem:s25+$0xF020] =	vst v9;
	v9 =	vmul.f32 v12, v5  }
0x1d7: {  	v12 =	vld [tilespmem:s25+$0xEB50];
	[tilespmem:s25+$0xF030] =	vst v8;
	v8 =	vmul.f32 v14, v5  }
0x1d8: {  	[tilespmem:s25+$0xF040] =	vst v9;
	v9 =	vmul.f32 v11, v5;
	v11 =	vbroadcast v2, $0xB;
	v14 =	vld [tilespmem:s25+$0xF0A0]  }
0x1d9: {  	v5 =	vbroadcast v2, $0xF;
	v15 =	vmul.f32 v3, v15;
	[tilespmem:s25+$0xF050] =	vst v8;
	v8 =	vld [tilespmem:s25+$0xF0B0]  }
0x1da: {  	v13 =	vmul.f32 v13, v3;
	[tilespmem:s25+$0xF060] =	vst v9;
	v6 =	vmul.f32 v6, v11;
	v9 =	vld [tilespmem:s25+$0xF0C0]  }
0x1db: {  	v7 =	vmul.f32 v7, v11;
	[tilespmem:s25+$0xEB00] =	vst v15;
	v10 =	vmul.f32 v10, v3;
	v15 =	vld [tilespmem:s25+$0xF0D0]  }
0x1dc: {  	v4 =	vmul.f32 v4, v5;
	v12 =	vmul.f32 v12, v3;
	[tilespmem:s25+$0xF080] =	vst v6;
	v3 =	vld [tilespmem:s25+$0xF0E0]  }
0x1dd: {  	[tilespmem:s25+$0xF090] =	vst v7;
	v6 =	vmul.f32 v14, v11;
	v7 =	vld [tilespmem:s25+$0xF0F0]  }
0x1de: {  	v8 =	vmul.f32 v8, v11;
	v14 =	vld [tilespmem:s25+$0xF100];
	[tilespmem:s25+$0xF2D0] =	vst v4  }
0x1df: {  	[tilespmem:s25+$0xEB10] =	vst v13;
	v4 =	vmul.f32 v9, v11;
	v9 =	vld [tilespmem:s25+$0xF110]  }
0x1e0: {  	[tilespmem:s25+$0xEB40] =	vst v10;
	v10 =	vmul.f32 v15, v11;
	v13 =	vld [tilespmem:s25+$0xF120]  }
0x1e1: {  	v15 =	vbroadcast v2, $0xC;
	[tilespmem:s25+$0xF0A0] =	vst v6;
	v6 =	vmul.f32 v3, v11;
	v16 =	vld [tilespmem:s25+$0xF130]  }
0x1e2: {  	[tilespmem:s25+$0xF0D0] =	vst v10;
	v7 =	vmul.f32 v7, v11;
	v10 =	vld [tilespmem:s25+$0xF140]  }
0x1e3: {  	[tilespmem:s25+$0xF0B0] =	vst v8;
	v3 =	vmul.f32 v14, v15;
	v8 =	vld [tilespmem:s25+$0xF150]  }
0x1e4: {  	[tilespmem:s25+$0xF0C0] =	vst v4;
	v4 =	vmul.f32 v9, v15;
	v9 =	vld [tilespmem:s25+$0xF160]  }
0x1e5: {  	[tilespmem:s25+$0xF100] =	vst v3;
	v3 =	vmul.f32 v13, v15;
	v11 =	vld [tilespmem:s25+$0xF170]  }
0x1e6: {  	[tilespmem:s25+$0xF110] =	vst v4;
	v4 =	vld [tilespmem:s25+$0xF180]  }
0x1e7: {  	[tilespmem:s25+$0xEB50] =	vst v12;
	v10 =	vmul.f32 v10, v15;
	v12 =	vld [tilespmem:s25+$0xF190]  }
0x1e8: {  	[tilespmem:s25+$0xF0E0] =	vst v6;
	v6 =	vmul.f32 v8, v15;
	v8 =	vld [tilespmem:s25+$0xF1A0]  }
0x1e9: {  	[tilespmem:s25+$0xF140] =	vst v10;
	v9 =	vmul.f32 v9, v15;
	v10 =	vbroadcast v2, $0xD;
	v13 =	vld [tilespmem:s25+$0xF1B0]  }
0x1ea: {  	[tilespmem:s25+$0xF150] =	vst v6;
	v6 =	vmul.f32 v11, v15;
	v11 =	vld [tilespmem:s25+$0xF1C0]  }
0x1eb: {  	[tilespmem:s25+$0xF160] =	vst v9;
	v4 =	vmul.f32 v4, v10;
	v9 =	vld [tilespmem:s25+$0xF1D0]  }
0x1ec: {  	[tilespmem:s25+$0xF170] =	vst v6;
	v6 =	vmul.f32 v12, v10;
	v12 =	vld [tilespmem:s25+$0xF1E0]  }
0x1ed: {  	[tilespmem:s25+$0xF180] =	vst v4;
	v4 =	vmul.f32 v8, v10;
	v8 =	vld [tilespmem:s25+$0xF1F0]  }
0x1ee: {  	[tilespmem:s25+$0xF190] =	vst v6;
	v6 =	vmul.f32 v13, v10;
	v13 =	vld [tilespmem:s25+$0xF200]  }
0x1ef: {  	[tilespmem:s25+$0xF1A0] =	vst v4;
	v4 =	vmul.f32 v11, v10;
	v11 =	vld [tilespmem:s25+$0xF210]  }
0x1f0: {  	[tilespmem:s25+$0xF1B0] =	vst v6;
	v6 =	vmul.f32 v9, v10;
	v9 =	vld [tilespmem:s25+$0xF220]  }
0x1f1: {  	v2 =	vbroadcast v2, $0xE;
	[tilespmem:s25+$0xF0F0] =	vst v7;
	v7 =	vmul.f32 v12, v10;
	v12 =	vld [tilespmem:s25+$0xF230]  }
0x1f2: {  	[tilespmem:s25+$0xF1D0] =	vst v6;
	v6 =	vmul.f32 v8, v10;
	v8 =	vld [tilespmem:s25+$0xF240]  }
0x1f3: {  	[tilespmem:s25+$0xF1E0] =	vst v7;
	v7 =	vmul.f32 v13, v2;
	v10 =	vld [tilespmem:s25+$0xF250]  }
0x1f4: {  	[tilespmem:s25+$0xF1F0] =	vst v6;
	v6 =	vmul.f32 v11, v2;
	v11 =	vld [tilespmem:s25+$0xF260]  }
0x1f5: {  	[tilespmem:s25+$0xF200] =	vst v7;
	v7 =	vmul.f32 v9, v2;
	v9 =	vld [tilespmem:s25+$0xF270]  }
0x1f6: {  	[tilespmem:s25+$0xF210] =	vst v6;
	v6 =	vmul.f32 v12, v2;
	v12 =	vld [tilespmem:s25+$0xF280]  }
0x1f7: {  	[tilespmem:s25+$0xF220] =	vst v7;
	v7 =	vmul.f32 v8, v2;
	v8 =	vld [tilespmem:s25+$0xF290]  }
0x1f8: {  	[tilespmem:s25+$0xF230] =	vst v6;
	v6 =	vmul.f32 v10, v2;
	v10 =	vld [tilespmem:s25+$0xF2A0]  }
0x1f9: {  	[tilespmem:s25+$0xF240] =	vst v7;
	v7 =	vmul.f32 v11, v2;
	v11 =	vld [tilespmem:s25+$0xF2B0]  }
0x1fa: {  	[tilespmem:s25+$0xF1C0] =	vst v4;
	v2 =	vmul.f32 v9, v2;
	v4 =	vld [tilespmem:s25+$0xF2C0]  }
0x1fb: {  	[tilespmem:s25+$0xF260] =	vst v7;
	v7 =	vmul.f32 v12, v5;
	v9 =	vld [tilespmem:s25+$0xF2E0]  }
0x1fc: {  	[tilespmem:s25+$0xF270] =	vst v2;
	v2 =	vmul.f32 v8, v5;
	v8 =	vld [tilespmem:s25+$0xF2F0]  }
0x1fd: {  	[tilespmem:s25+$0xF280] =	vst v7;
	v7 =	vmul.f32 v10, v5  }
0x1fe: {  	[tilespmem:s25+$0xF290] =	vst v2;
	v2 =	vmul.f32 v11, v5  }
0x1ff: {  	v10 =	vmul.f32 v16, v15;
	[tilespmem:s25+$0xF2A0] =	vst v7  }
0x200: {  	[tilespmem:s25+$0xF2B0] =	vst v2;
	v2 =	vmul.f32 v4, v5  }
.Ltmp8:
0x201: {  	[tilespmem:s25+$0xF130] =	vst v10;
	v4 =	vmul.f32 v8, v5;
	(pc) =	sbr.rel @p0 .LBB2_19-.Ltmp8, $4  }
0x202: {  	[tilespmem:s25+$0xF2C0] =	vst v2  }
0x203: {  	v2 =	vmul.f32 v9, v5;
	[tilespmem:s25+$0xF2F0] =	vst v4  }
0x204: {  	[tilespmem:s25+$0xF250] =	vst v6  }
0x205: {  	[tilespmem:s25+$0xF2E0] =	vst v2  }
0x206: {  	s24 =	sadd.s32 $0x1, s24  }
0x207: {  	p0 =	sne.s32 s24, $0xA0  }
.Ltmp9:
0x208: {  	[tilespmem:s25+$0xF120] =	vst v3;
	(pc) =	sbr.rel @p0 .LBB2_18-.Ltmp9, $4  }
0x209: {  	[spmem:s2] =	stream.indirect.scatter.add.f32 [tilespmem:s0], [sflag:$0x2], $0x80, s20, s14, $0xb8;
	[tilespmem:$0x13300] =	vst v63  }
0x20a: {  	_ =	swait.ge [sflag:s11], $0x4000  }
0x20b: {  	[sflag:s11] =	ssyncset.done $0x0  }
0x20c: {  	[sflag:s11] =	ssyncadd.s32 $0xFFFFC000  }
0x20d: {  	[bflag:$0x0] =	sbarrier.arrive $0xFFFF  }
0x20e: {  	[tilespmem:s0], [sflag:$0x2] =	stream.linear.gather [spmem:s9], $0x4000, $0x38;
	[tilespmem:$0x13300] =	vst v63  }
0x20f: {  	_ =	swait.ge [sflag:s11], $0x4000  }
0x210: {  	[sflag:s11] =	ssyncset.done $0x0  }
0x211: {  	s22 =	rddreg [dreg:$0xf];
	[sflag:s11] =	ssyncadd.s32 $0xFFFFC000  }
0x212: {  	[hbm4b:s22+s4] =	stream.linear.scatter [tilespmem:s0], [sflag:$0x2], $0x4000, $0x38;
	[tilespmem:$0x13300] =	vst v63  }
0x213: {  	_ =	swait.ge [sflag:s11], $0x4000  }
0x214: {  	[sflag:s11] =	ssyncset.done $0x0  }
0x215: {  	[sflag:s11] =	ssyncadd.s32 $0xFFFFC000  }
0x216: {  	[tilespmem:s0], [sflag:$0x2] =	stream.linear.gather [spmem:s26], $0x4000, $0x38;
	[tilespmem:$0x13300] =	vst v63  }
0x217: {  	_ =	swait.ge [sflag:s11], $0x4000  }
0x218: {  	[sflag:s11] =	ssyncset.done $0x0  }
0x219: {  	s25 =	rddreg [dreg:$0x10];
	[sflag:s11] =	ssyncadd.s32 $0xFFFFC000  }
0x21a: {  	[hbm4b:s25+s4] =	stream.linear.scatter [tilespmem:s0], [sflag:$0x2], $0x4000, $0x38;
	[tilespmem:$0x13300] =	vst v63  }
0x21b: {  	_ =	swait.ge [sflag:s11], $0x4000  }
0x21c: {  	[sflag:s11] =	ssyncset.done $0x0  }
0x21d: {  	[sflag:s11] =	ssyncadd.s32 $0xFFFFC000  }
0x21e: {  	[tilespmem:s0], [sflag:$0x2] =	stream.linear.gather [spmem:s28], $0x4000, $0x38;
	[tilespmem:$0x13300] =	vst v63  }
0x21f: {  	_ =	swait.ge [sflag:s11], $0x4000  }
0x220: {  	[sflag:s11] =	ssyncset.done $0x0  }
0x221: {  	s29 =	rddreg [dreg:$0x11];
	[sflag:s11] =	ssyncadd.s32 $0xFFFFC000  }
0x222: {  	[hbm4b:s29+s4] =	stream.linear.scatter [tilespmem:s0], [sflag:$0x2], $0x4000, $0x38;
	[tilespmem:$0x13300] =	vst v63  }
0x223: {  	_ =	swait.ge [sflag:s11], $0x4000  }
0x224: {  	s21 =	sadd.s32 $0x1, s21;
	s30 =	rddreg [dreg:$0x4]  }
0x225: {  	p0 =	sne.s32 s21, s30  }
.Ltmp10:
0x226: {  	_ = 	snop;
	(pc) =	sbr.rel @p0 .LBB2_1-.Ltmp10, $3  }
0x227: {  	_ =	sdelay $0x1  }
0x228: {  	[sflag:s11] =	ssyncset.done $0x0  }
0x229: {  	[sflag:s11] =	ssyncadd.s32 $0xFFFFC000  }
0x22a: {  	_ =	sfence.sel $0x180000  }
0x22b: {  	[bflag:$0x0] =	sbarrier.arrive $0xFFFF  }
0x22c: {  	_ =	strace $0x90000047  }
0x22d: {  	s0 =	stileid.u32;
	[bflag:$0x2] =	sbarrier.arrive $0xFFFF  }
0x22e: {  	p0 =	sne.s32 s0, $0x0;
	s0 =	rddreg [dreg:$0x3]  }
0x22f: {  	s0 =	sadd.s32 @!p0 $0x100000, s0  }
0x230: {  	[sflag:s0] =	ssyncadd.tile.s32 @!p0 $0x1;
	_ =	shalt  }
.Lfunc_end2:
_tile_overlayer_lowered:
.L_overlay_start_2:
0x231: {  	(tag) =	ssettag $0x2  }
0x232: {  	s0 =	rddreg [dreg:$0x0];
	s2 =	stileid.u32  }
0x233: {  	s1 =	rddreg [dreg:$0x1];
	p0 =	sne.s32 s2, $0x0  }
0x234: {  	s3 =	rddreg [dreg:$0x2];
	[bflag:$0x3] =	sbarrier.arrive $0xFFFF;
	s2 =	simm.s32 @!p0 $0x1C02  }
0x235: {  	[timem:s3], [sflag:s2] =	dma.local @!p0 [hbm:s0], s1  }
0x236: {  	s0 =	simm.s32 @!p0 $0x2  }
0x237: {  	_ =	swait.ge @!p0 [sflag:s0], s1  }
0x238: {  	s1 =	ssub.s32 @!p0 $0x0, s1;
	[sflag:s0] =	ssyncset.done @!p0 $0x0  }
0x239: {  	[sflag:s0] =	ssyncadd.s32 @!p0 s1  }
0x23a: {  	[bflag:$0x3] =	sbarrier.arrive $0xFFFF  }
0x23b: {  	_ =	shalt  }

// kernel: kernel.9.cloned.1.call-start
scs
__scs_entry_jumppad:
0x0: {  	(pc) =	sbr.rel $0x88, $3  }
0x1: {  	(tag) =	ssettag $0x0;
	lr =	simm.s32 $0x1  }
0x2: {  	[smem:$0x3F99] =	sst lr;
	_ =	strace $0xD0000000  }
0x3: {  	_ = 	snop  }
0x4: {  	_ = 	snop  }
0x5: {  	_ = 	snop  }
0x6: {  	_ = 	snop  }
0x7: {  	_ = 	snop  }
__scs_overlays_trampoline_lowered:
0x8: {  	[smem:$0x3FA8] =	sst s0  }
0x9: {  	[smem:$0x3FA9] =	sst s1  }
0xa: {  	[smem:$0x3FAA] =	sst s2  }
0xb: {  	[smem:$0x3FAB] =	sst s3  }
0xc: {  	[smem:$0x3FAC] =	sst s4  }
0xd: {  	[smem:$0x3FAD] =	sst s5  }
0xe: {  	[smem:$0x3FAE] =	sst s6  }
0xf: {  	[smem:$0x3FAF] =	sst s7  }
0x10: {  	[smem:$0x3FB0] =	sst s8  }
0x11: {  	[smem:$0x3FB1] =	sst s9;
	s0 =	simm.s32 @!p0 $0x0  }
0x12: {  	s1 =	sld [smem:$0x3F97];
	s0 =	simm.s32 @p0 $0x1  }
0x13: {  	[smem:$0x3FB2] =	sst s0;
	s0 =	simm.s32 @!p1 $0x0  }
0x14: {  	s2 =	sld [smem:$0x3F96];
	s0 =	simm.s32 @p1 $0x1  }
0x15: {  	[smem:$0x3FB3] =	sst s0;
	s0 =	simm.s32 @!p2 $0x0  }
0x16: {  	s3 =	sld [smem:$0x3FDB];
	s0 =	simm.s32 @p2 $0x1  }
0x17: {  	s4 =	simm.s32 $0x1BF5;
	[smem:$0x3FB5] =	sst s0  }
0x18: {  	s0 =	sld [smem:$0x3F98];
	_ =	swait.ge [sflag:s4], $0x0  }
0x19: {  	s7 =	sld [smem:$0x3F99]  }
0x1a: {  	s8 =	sadd.s32 $0xFFFFE003, lr  }
0x1b: {  	s9 =	sadd.s32 $0xFFFFFEF7, lr;
	s5 =	simm.s32 $0xFFFFFFFF;
	p2 =	slt.u32 s8, $0xFFFFF086  }
0x1c: {  	p1 =	slt.u32 s9, $0xF7A;
	s5 =	simm.s32 @!p2 $0x0  }
0x1d: {  	s5 =	simm.s32 @p1 $0x1;
	p0 =	seq.s32 s7, s2  }
0x1e: {  	s7 =	smul.u32 @!p0 $0xF7A, s2;
	p2 =	seq.s32 @!p0 s5, $0x0  }
0x1f: {  	s9 =	smul.u32 $0xF7A, s1;
	s8 =	simm.s32 @!p0 $0x1BF5;
	p2 =	por !p2, p0  }
0x20: {  	[sflag:s8] =	ssyncset.s32 @!p0 $0xFFFFF086;
	s6 =	sadd.s32 @!p0 s3, s7;
	s7 =	simm.s32 @!p0 $0x108  }
0x21: {  	s3 =	sadd.s32 s3, s9;
	s6 =	sadd.s32 @!p0 $0x88, s6;
	s7 =	simm.s32 @p2 $0x1082  }
0x22: {  	[simem:s7], [sflag:s8] =	dma.local @!p0 [hbm:s6], $0xF7A  }
0x23: {  	s9 =	sor.u32 $0xD0000000, s2;
	s6 =	simm.s32 $0x108;
	_ =	swait.ge @!p0 [sflag:s8], $0x0  }
0x24: {  	s3 =	sadd.s32 $0x88, s3;
	s6 =	simm.s32 @!p1 $0x1082;
	[sflag:s4] =	ssyncset.s32 $0xFFFFF086  }
0x25: {  	[simem:s6], [sflag:s4] =	dma.local [hbm:s3], $0xF7A  }
0x26: {  	[smem:$0x3F99] =	sst s1;
	(tag) =	ssettag s2;
	_ =	strace s9  }
0x27: {  	s1 =	sld [smem:$0x3FA9]  }
0x28: {  	s2 =	sld [smem:$0x3FAA]  }
0x29: {  	s4 =	sld [smem:$0x3FAC]  }
0x2a: {  	p0 =	seq.s32 s5, $0x0;
	s5 =	sld [smem:$0x3FAD]  }
0x2b: {  	s6 =	sld [smem:$0x3FAE]  }
0x2c: {  	s7 =	sld [smem:$0x3FAF]  }
0x2d: {  	s3 =	simm.s32 $0x108;
	s8 =	sld [smem:$0x3FB0]  }
0x2e: {  	s3 =	simm.s32 @!p0 $0x1082;
	s9 =	sld [smem:$0x3FB1]  }
0x2f: {  	lr =	sadd.s32 s0, s3;
	s0 =	sld [smem:$0x3FA8]  }
0x30: {  	s3 =	sld [smem:$0x3FAB]  }
0x31: {  	[smem:$0x3FB4] =	sst s10  }
0x32: {  	s10 =	sld [smem:$0x3FB2];
	_ =	sdelay $0x3  }
0x33: {  	p0 =	seq.s32 s10, $0x1;
	s10 =	sld [smem:$0x3FB4];
	_ =	sdelay $0x3  }
0x34: {  	[smem:$0x3FB4] =	sst s10  }
0x35: {  	s10 =	sld [smem:$0x3FB3];
	_ =	sdelay $0x3  }
0x36: {  	p1 =	seq.s32 s10, $0x1;
	s10 =	sld [smem:$0x3FB4];
	_ =	sdelay $0x3  }
0x37: {  	[smem:$0x3FB4] =	sst s10  }
0x38: {  	s10 =	sld [smem:$0x3FB5]  }
0x39: {  	_ = 	snop;
	(pc) =	sbr.ind lr, $3  }
0x3a: {  	_ = 	snop  }
0x3b: {  	_ = 	snop  }
0x3c: {  	p2 =	seq.s32 s10, $0x1;
	s10 =	sld [smem:$0x3FB4]  }
0x3d: {  	_ =	shalt  }
0x3e: {  	_ =	shalt  }
0x3f: {  	_ =	shalt  }
0x40: {  	_ =	shalt  }
0x41: {  	_ =	shalt  }
0x42: {  	_ =	shalt  }
0x43: {  	_ =	shalt  }
0x44: {  	_ =	shalt  }
0x45: {  	_ =	shalt  }
0x46: {  	_ =	shalt  }
0x47: {  	_ =	shalt  }
0x48: {  	_ =	shalt  }
0x49: {  	_ =	shalt  }
0x4a: {  	_ =	shalt  }
0x4b: {  	_ =	shalt  }
0x4c: {  	_ =	shalt  }
0x4d: {  	_ =	shalt  }
0x4e: {  	_ =	shalt  }
0x4f: {  	_ =	shalt  }
0x50: {  	_ =	shalt  }
0x51: {  	_ =	shalt  }
0x52: {  	_ =	shalt  }
0x53: {  	_ =	shalt  }
0x54: {  	_ =	shalt  }
0x55: {  	_ =	shalt  }
0x56: {  	_ =	shalt  }
0x57: {  	_ =	shalt  }
0x58: {  	_ =	shalt  }
0x59: {  	_ =	shalt  }
0x5a: {  	_ =	shalt  }
0x5b: {  	_ =	shalt  }
0x5c: {  	_ =	shalt  }
0x5d: {  	_ =	shalt  }
0x5e: {  	_ =	shalt  }
0x5f: {  	_ =	shalt  }
0x60: {  	_ =	shalt  }
0x61: {  	_ =	shalt  }
0x62: {  	_ =	shalt  }
0x63: {  	_ =	shalt  }
0x64: {  	_ =	shalt  }
0x65: {  	_ =	shalt  }
0x66: {  	_ =	shalt  }
0x67: {  	_ =	shalt  }
0x68: {  	_ =	shalt  }
0x69: {  	_ =	shalt  }
0x6a: {  	_ =	shalt  }
0x6b: {  	_ =	shalt  }
0x6c: {  	_ =	shalt  }
0x6d: {  	_ =	shalt  }
0x6e: {  	_ =	shalt  }
0x6f: {  	_ =	shalt  }
0x70: {  	_ =	shalt  }
0x71: {  	_ =	shalt  }
0x72: {  	_ =	shalt  }
0x73: {  	_ =	shalt  }
0x74: {  	_ =	shalt  }
0x75: {  	_ =	shalt  }
0x76: {  	_ =	shalt  }
0x77: {  	_ =	shalt  }
0x78: {  	_ =	shalt  }
0x79: {  	_ =	shalt  }
0x7a: {  	_ =	shalt  }
0x7b: {  	_ =	shalt  }
0x7c: {  	_ =	shalt  }
0x7d: {  	_ =	shalt  }
0x7e: {  	_ =	shalt  }
0x7f: {  	_ =	shalt  }
0x80: {  	_ =	shalt  }
0x81: {  	_ =	shalt  }
0x82: {  	_ =	shalt  }
0x83: {  	_ =	shalt  }
0x84: {  	_ =	shalt  }
0x85: {  	_ =	shalt  }
0x86: {  	_ =	shalt  }
0x87: {  	_ =	shalt  }
.Lfunc_end0:
.L_simem_size_0:
called_computation.1_lowered:
.L_overlay_start_0:
0x88: {  	s2 =	sld [smem:$0x3FD9]  }
0x89: {  	s3 =	sld [smem:$0x3FFE];
	_ =	sdelay $0x1  }
0x8a: {  	s1 =	srdreg.scid  }
0x8b: {  	s0 =	sand.u32 $0x1, s1  }
0x8c: {  	s16 =	sshll.u32 s0, $0xA;
	s2 =	sadd.s32 s3, s2  }
0x8d: {  	s2 =	sadd.s32 s2, s16  }
0x8e: {  	[smem:$0x3FC0] =	sst s2  }
0x8f: {  	_ = 	snop  }
0x90: {  	(tm) =	ssettm $0x1  }
0x91: {  	s17 =	sld [smem:$0x3FFB];
	_ =	sdelay $0x3  }
0x92: {  	_ =	strace s17  }
0x93: {  	s2 =	sld [smem:$0x3FFC];
	_ =	sdelay $0x3  }
0x94: {  	_ =	strace s2  }
0x95: {  	s2 =	sld [smem:$0x3FFD];
	_ =	sdelay $0x3  }
0x96: {  	_ =	strace s2  }
0x97: {  	_ =	strace $0x8FFFFFFF  }
0x98: {  	s18 =	sld [smem:$0x3FDB];
	_ =	sdelay $0x1  }
0x99: {  	s19 =	simm.s32 $_scs_section_size  }
0x9a: {  	s4 =	simm.s32 $_size__tile_overlayer_lowered;
	s5 =	simm.s32 $_tile_overlayer_lowered  }
0x9b: {  	s22 =	simm.s32 $0x1BFF;
	s21 =	sshll.u32 s5, $0x1;
	s2 =	sadd.s32 s19, s18  }
0x9c: {  	s6 =	simm.s32 $0x0;
	s20 =	sshll.u32 s4, $0x1;
	s4 =	sadd.s32 s21, s2  }
0x9d: {  	[timem:s6], [sflag:s22] =	dma.local [hbm:s4], s20  }
0x9e: {  	_ =	swait.ge [sflag:s22], s20  }
0x9f: {  	s3 =	ssub.s32 $0x0, s20;
	[sflag:s22] =	ssyncset.done $0x0  }
0xa0: {  	[sflag:s22] =	ssyncadd.s32 s3;
	_ =	sdelay $0x1  }
0xa1: {  	s23 =	simm.s32 $0x1B8B  }
0xa2: {  	_ =	swait.ge [sflag:s23], $0x1  }
0xa3: {  	[sflag:s23] =	ssyncset.done $0x0  }
0xa4: {  	s25 =	simm.s32 $0x1B8E;
	s24 =	sld [smem:$0x3FFE];
	[sflag:s23] =	ssyncadd.s32 $0xFFFFFFFF  }
0xa5: {  	s26 =	simm.s32 $execute0_lowered;
	[smem:$0x3FD2] =	sst s25  }
0xa6: {  	s4 =	sshll.u32 s26, $0x1;
	_ =	strace $0x80000049;
	[dreg:$0x1] =	wrdreg $0xFFFFFFFF  }
0xa7: {  	s28 =	simm.s32 $_size_execute0_lowered;
	s2 =	sadd.s32 s2, s4;
	[dreg:$0x0] =	wrdreg $0x0  }
0xa8: {  	s4 =	sshll.u32 s28, $0x1;
	[dreg:$0x2] =	wrdreg s2  }
0xa9: {  	[dreg:$0x3] =	wrdreg s4  }
0xaa: {  	[dreg:$0x4] =	wrdreg $0xC0  }
0xab: {  	_ =	task [dreg:s6], $0x5FFFF  }
0xac: {  	[dreg:$0x1] =	wrdreg $0xFFFFFFFF  }
0xad: {  	[dreg:$0x0] =	wrdreg $0x60  }
0xae: {  	[dreg:$0x2] =	wrdreg s24  }
0xaf: {  	[dreg:$0x3] =	wrdreg $0x0  }
0xb0: {  	[dreg:$0x4] =	wrdreg $0x9  }
0xb1: {  	_ =	task.clear_ibuf [dreg:s6], $0x5FFFF;
	_ =	strace $0x90000049  }
0xb2: {  	s29 =	simm.s32 $0x9;
	_ =	strace $0x8000004B  }
0xb3: {  	_ =	swait.ge [sflag:s29], $0x1  }
0xb4: {  	[sflag:s29] =	ssyncadd.s32 $0xFFFFFFFF  }
0xb5: {  	_ =	strace $0x9000004B  }
0xb6: {  	_ =	sfence  }
0xb7: {  	s30 =	sld [smem:$0x0];
	_ =	sdelay $0x2  }
0xb8: {  	s31 =	sshll.u32 s1, $0xD;
	s1 =	sshrl.u32 s1, $0x2  }
0xb9: {  	s3 =	sand.u32 $0x4000, s31;
	s1 =	sadd.s32 s1, s30  }
0xba: {  	s0 =	sor.u32 s3, s0;
	s1 =	sshll.u32 s1, $0x11  }
0xbb: {  	s0 =	sor.u32 s1, s0  }
0xbc: {  	s0 =	sadd.s32 $0x8F2B, s0  }
0xbd: {  	[sflag:s0] =	ssyncadd.remote.s32 $0x1  }
0xbe: {  	_ =	sfence.sel $0xFFFF  }
0xbf: {  	[dreg:$0x0] =	wrdreg $0xFFFFFFFF;
	(pc) =	sbr.abs _section_cstart, $3  }
0xc0: {  	[dreg:$0x1] =	wrdreg $0xFFFFFFFF  }
0xc1: {  	_ =	task.clear_ibuf [dreg:s6], $0x2FFFF;
	_ =	strace $0x9FFFFFFF  }
0xc2: {  	(tm) =	ssettm $0x7FFFFFFF  }
0xc3: {  	_ =	shalt  }
tec
execute0_lowered:
.L_overlay_start_1:
0x0: {  	(tag) =	ssettag $0x1  }
0x1: {  	s7 =	rddreg [dreg:$0x0]  }
0x2: {  	s2 =	rddreg [dreg:$0x1]  }
0x3: {  	s0 =	rddreg [dreg:$0x2]  }
0x4: {  	s4 =	srdreg.scid;
	s1 =	stileid.u32  }
0x5: {  	s3 =	simm.s32 $0x0;
	s15 =	simm.s32 $0xC280;
	s16 =	simm.s32 $0x2  }
0x6: {  	s17 =	simm.s32 $0xC000;
	s18 =	simm.s32 $0x80;
	s19 =	simm.s32 $0xC180  }
0x7: {  	s20 =	simm.s32 $0xC200;
	s21 =	simm.s32 $0x1;
	s22 =	simm.s32 $0xC100  }
0x8: {  	s23 =	simm.s32 $0x0;
	s8 =	sand.u32 $0x1, s4;
	s6 =	smul.u32 $0x180, s1  }
0x9: {  	[smem:$0x7FF] =	sst s3;
	s4 =	sadd.s32 $0x3600, s7;
	s10 =	smul.u32 $0x30000, s1  }
0xa: {  	s5 =	sadd.s32 $0x2C4600, s7;
	s9 =	smul.u32 $0x1800, s8;
	s30 =	ssub.s32 $0x2, s8  }
0xb: {  	_ =	strace $0x8000004A;
	s8 =	sshll.u32 s8, $0x4;
	s31 =	sshrl.u32 s30, $0x1  }
0xc: {  	s8 =	sor.u32 s1, s8;
	s10 =	sshrl.u32 s10, $0x2;
	s9 =	sadd.s32 s9, s6  }
0xd: {  	s6 =	sadd.s32 $0x344600, s7;
	s12 =	ssub.s32 s30, s31;
	s9 =	sshll.u32 s9, $0x4  }
0xe: {  	s14 =	sadd.s32 s9, s7;
	s7 =	smul.u32 $0xA0, s8;
	s8 =	sadd.s32 s10, s2  }
0xf: {  	s9 =	sadd.s32 $0x4000, s8;
	s10 =	sadd.s32 $0x8000, s8;
	s11 =	sadd.s32 $0x274600, s14  }
0x10: {  	v0 =	vimm.f32 $0.0e+00;
	s12 =	smax.u32 s12, $0x1;
	s13 =	sadd.s32 $0x274E00, s14;
	s14 =	sadd.s32 $0x275600, s14  }
.LBB2_1:
0x11: {  	s24 =	simm.s32 $0x0;
	s25 =	simm.s32 $0x200  }
.LBB2_2:
0x12: {  	p0 =	sne.s32 s25, $0xFE00;
	[tilespmem:s24+$0xC2F0] =	vst v0  }
0x13: {  	[tilespmem:s24+$0xC280] =	vst v0  }
0x14: {  	[tilespmem:s24+$0xC290] =	vst v0  }
.Ltmp0:
0x15: {  	[tilespmem:s24+$0xC2A0] =	vst v0;
	(pc) =	sbr.rel @p0 .LBB2_2-.Ltmp0, $4  }
0x16: {  	[tilespmem:s24+$0xC2B0] =	vst v0  }
0x17: {  	[tilespmem:s24+$0xC2C0] =	vst v0  }
0x18: {  	[tilespmem:s24+$0xC2D0] =	vst v0  }
0x19: {  	[tilespmem:s24+$0xC2E0] =	vst v0;
	s24 =	sshra.s32 s25, $0x2;
	s25 =	sadd.s32 $0x200, s25  }
0x1a: {  	[tilespmem:s24+$0xC2F0] =	vst v0  }
0x1b: {  	[tilespmem:s24+$0xC280] =	vst v0  }
0x1c: {  	[tilespmem:s24+$0xC290] =	vst v0  }
0x1d: {  	[tilespmem:s24+$0xC2A0] =	vst v0  }
0x1e: {  	[tilespmem:s24+$0xC2B0] =	vst v0  }
0x1f: {  	[tilespmem:s24+$0xC2C0] =	vst v0  }
0x20: {  	[tilespmem:s24+$0xC2D0] =	vst v0  }
0x21: {  	[tilespmem:s24+$0xC2E0] =	vst v0  }
0x22: {  	[spmem:s8] =	stream.linear.scatter [tilespmem:s15], [sflag:$0x2], $0x4000, $0x38;
	[tilespmem:$0x10280] =	vst v63  }
0x23: {  	_ =	swait.ge [sflag:s16], $0x4000  }
0x24: {  	[sflag:s16] =	ssyncset.done $0x0  }
0x25: {  	[sflag:s16] =	ssyncadd.s32 $0xFFFFC000  }
0x26: {  	[spmem:s9] =	stream.linear.scatter [tilespmem:s15], [sflag:$0x2], $0x4000, $0x38;
	[tilespmem:$0x10280] =	vst v63  }
0x27: {  	_ =	swait.ge [sflag:s16], $0x4000  }
0x28: {  	[sflag:s16] =	ssyncset.done $0x0  }
0x29: {  	[sflag:s16] =	ssyncadd.s32 $0xFFFFC000  }
0x2a: {  	[spmem:s10] =	stream.linear.scatter [tilespmem:s15], [sflag:$0x2], $0x4000, $0x38;
	[tilespmem:$0x10280] =	vst v63  }
0x2b: {  	_ =	swait.ge [sflag:s16], $0x4000  }
0x2c: {  	[sflag:s16] =	ssyncset.done $0x0  }
0x2d: {  	[sflag:s16] =	ssyncadd.s32 $0xFFFFC000  }
0x2e: {  	s24 =	simm.s32 $0x0;
	s25 =	simm.s32 $0x0;
	[bflag:$0x0] =	sbarrier.arrive $0xFFFF  }
.LBB2_4:
0x2f: {  	s26 =	sadd.s32 s7, s25  }
0x30: {  	s26 =	sshll.u32 s26, $0x6  }
0x31: {  	s26 =	sadd.s32 s5, s26  }
0x32: {  	[tilespmem:s17], [sflag:$0x2] =	stream.linear.gather [hbm4b:s26+s24], $0x200, $0x38;
	[tilespmem:$0x10280] =	vst v63  }
0x33: {  	_ =	swait.ge [sflag:s16], $0x200  }
0x34: {  	[sflag:s16] =	ssyncset.done $0x0  }
0x35: {  	[sflag:s16] =	ssyncadd.s32 $0xFFFFFE00  }
0x36: {  	[tilespmem:s20], [sflag:$0x2] =	stream.indirect.gather [hbm4b:s6+s18], $0x1, s19, s18, $0xb8;
	[tilespmem:$0x10280] =	vst v63  }
0x37: {  	_ =	swait.ge [sflag:s16], $0x80  }
0x38: {  	[sflag:s16] =	ssyncset.done $0x0  }
0x39: {  	[sflag:s16] =	ssyncadd.s32 $0xFFFFFF80  }
0x3a: {  	[tilespmem:s15], [sflag:$0x1] =	stream.indirect.gather [hbm4b:s4+s18], $0x80, s17, s18, $0xb8;
	[tilespmem:$0x10280] =	vst v63  }
0x3b: {  	_ =	swait.ge [sflag:s21], $0x4000  }
0x3c: {  	s31 =	simm.s32 $0x0;
	[sflag:s21] =	ssyncset.done $0x0  }
0x3d: {  	s26 =	sand.u32 $0x3FFFFFF0, s31;
	[sflag:s21] =	ssyncadd.s32 $0xFFFFC000  }
0x3e: {  	s28 =	simm.s32 $0x0;
	v1 =	vld [tilespmem:s26+$0xC200]  }
0x3f: {  	s26 =	sand.u32 $0x3FFFF800, s28  }
0x40: {  	v3 =	vld [tilespmem:s26+$0xC2A0]  }
0x41: {  	v4 =	vld [tilespmem:s26+$0xC2B0]  }
0x42: {  	v10 =	vld [tilespmem:s26+$0xC2E0]  }
0x43: {  	v11 =	vld [tilespmem:s26+$0xC2F0];
	v2 =	vbroadcast v1, $0x0  }
0x44: {  	v12 =	vld [tilespmem:s26+$0xC300]  }
0x45: {  	v13 =	vld [tilespmem:s26+$0xC310];
	v3 =	vmul.f32 v3, v2  }
0x46: {  	v14 =	vld [tilespmem:s26+$0xC320];
	v4 =	vmul.f32 v4, v2  }
0x47: {  	v9 =	vld [tilespmem:s26+$0xC330];
	v23 =	vbroadcast v1, $0x1;
	v22 =	vmul.f32 v10, v2;
	[tilespmem:s26+$0xC2A0] =	vst v3  }
0x48: {  	v7 =	vld [tilespmem:s26+$0xC340];
	v11 =	vmul.f32 v11, v2;
	[tilespmem:s26+$0xC2B0] =	vst v4  }
0x49: {  	v8 =	vld [tilespmem:s26+$0xC350];
	v12 =	vmul.f32 v12, v23;
	[tilespmem:s26+$0xC2E0] =	vst v22  }
0x4a: {  	v25 =	vld [tilespmem:s26+$0xC370];
	v13 =	vmul.f32 v13, v23;
	[tilespmem:s26+$0xC2F0] =	vst v11  }
0x4b: {  	v26 =	vld [tilespmem:s26+$0xC380];
	v14 =	vmul.f32 v14, v23;
	[tilespmem:s26+$0xC300] =	vst v12  }
0x4c: {  	v27 =	vld [tilespmem:s26+$0xC390];
	v9 =	vmul.f32 v9, v23;
	[tilespmem:s26+$0xC310] =	vst v13  }
0x4d: {  	v6 =	vld [tilespmem:s26+$0xC7F0];
	v7 =	vmul.f32 v7, v23;
	[tilespmem:s26+$0xC320] =	vst v14  }
0x4e: {  	v24 =	vld [tilespmem:s26+$0xC360];
	v15 =	vbroadcast v1, $0x2;
	v8 =	vmul.f32 v8, v23;
	[tilespmem:s26+$0xC330] =	vst v9  }
0x4f: {  	v28 =	vld [tilespmem:s26+$0xC3A0];
	v10 =	vmul.f32 v25, v23;
	[tilespmem:s26+$0xC340] =	vst v7  }
0x50: {  	v29 =	vld [tilespmem:s26+$0xC3B0];
	v5 =	vbroadcast v1, $0xA;
	v32 =	vmul.f32 v26, v15;
	[tilespmem:s26+$0xC350] =	vst v8  }
0x51: {  	v30 =	vld [tilespmem:s26+$0xC3C0];
	v34 =	vmul.f32 v27, v15;
	[tilespmem:s26+$0xC370] =	vst v10  }
0x52: {  	v33 =	vld [tilespmem:s26+$0xC3E0];
	v3 =	vmul.f32 v6, v5;
	[tilespmem:s26+$0xC380] =	vst v32  }
0x53: {  	v35 =	vld [tilespmem:s26+$0xC3F0];
	v11 =	vmul.f32 v24, v23;
	[tilespmem:s26+$0xC390] =	vst v34  }
0x54: {  	v36 =	vld [tilespmem:s26+$0xC400];
	v9 =	vmul.f32 v28, v15;
	[tilespmem:s26+$0xC7F0] =	vst v3  }
0x55: {  	v31 =	vld [tilespmem:s26+$0xC3D0];
	v7 =	vmul.f32 v29, v15;
	[tilespmem:s26+$0xC360] =	vst v11  }
0x56: {  	v37 =	vld [tilespmem:s26+$0xC410];
	v8 =	vmul.f32 v30, v15;
	[tilespmem:s26+$0xC3A0] =	vst v9  }
0x57: {  	v38 =	vld [tilespmem:s26+$0xC420];
	v41 =	vbroadcast v1, $0x3;
	v10 =	vmul.f32 v33, v15;
	[tilespmem:s26+$0xC3B0] =	vst v7  }
0x58: {  	v39 =	vld [tilespmem:s26+$0xC430];
	v12 =	vmul.f32 v35, v15;
	[tilespmem:s26+$0xC3C0] =	vst v8  }
0x59: {  	v42 =	vld [tilespmem:s26+$0xC450];
	v13 =	vmul.f32 v36, v41;
	[tilespmem:s26+$0xC3E0] =	vst v10  }
0x5a: {  	v43 =	vld [tilespmem:s26+$0xC460];
	v11 =	vmul.f32 v31, v15;
	[tilespmem:s26+$0xC3F0] =	vst v12  }
0x5b: {  	v44 =	vld [tilespmem:s26+$0xC470];
	v9 =	vmul.f32 v37, v41;
	[tilespmem:s26+$0xC400] =	vst v13  }
0x5c: {  	v40 =	vld [tilespmem:s26+$0xC440];
	v7 =	vmul.f32 v38, v41;
	[tilespmem:s26+$0xC3D0] =	vst v11  }
0x5d: {  	v45 =	vld [tilespmem:s26+$0xC480];
	v8 =	vmul.f32 v39, v41;
	[tilespmem:s26+$0xC410] =	vst v9  }
0x5e: {  	v46 =	vld [tilespmem:s26+$0xC490];
	v10 =	vmul.f32 v42, v41;
	[tilespmem:s26+$0xC420] =	vst v7  }
0x5f: {  	v47 =	vld [tilespmem:s26+$0xC4A0];
	v12 =	vmul.f32 v43, v41;
	[tilespmem:s26+$0xC430] =	vst v8  }
0x60: {  	v49 =	vld [tilespmem:s26+$0xC4C0];
	v50 =	vbroadcast v1, $0x4;
	v13 =	vmul.f32 v44, v41;
	[tilespmem:s26+$0xC450] =	vst v10  }
0x61: {  	v51 =	vld [tilespmem:s26+$0xC4D0];
	v11 =	vmul.f32 v40, v41;
	[tilespmem:s26+$0xC460] =	vst v12  }
0x62: {  	v52 =	vld [tilespmem:s26+$0xC4E0];
	v9 =	vmul.f32 v45, v50;
	[tilespmem:s26+$0xC470] =	vst v13  }
0x63: {  	v48 =	vld [tilespmem:s26+$0xC4B0];
	v7 =	vmul.f32 v46, v50;
	[tilespmem:s26+$0xC440] =	vst v11  }
0x64: {  	v53 =	vld [tilespmem:s26+$0xC4F0];
	v8 =	vmul.f32 v47, v50;
	[tilespmem:s26+$0xC480] =	vst v9  }
0x65: {  	v54 =	vld [tilespmem:s26+$0xC500];
	v10 =	vmul.f32 v49, v50;
	[tilespmem:s26+$0xC490] =	vst v7  }
0x66: {  	v55 =	vld [tilespmem:s26+$0xC510];
	v12 =	vmul.f32 v51, v50;
	[tilespmem:s26+$0xC4A0] =	vst v8  }
0x67: {  	v57 =	vld [tilespmem:s26+$0xC530];
	v13 =	vmul.f32 v52, v50;
	[tilespmem:s26+$0xC4C0] =	vst v10  }
0x68: {  	v58 =	vld [tilespmem:s26+$0xC540];
	v59 =	vbroadcast v1, $0x5;
	v11 =	vmul.f32 v48, v50;
	[tilespmem:s26+$0xC4D0] =	vst v12  }
0x69: {  	v60 =	vld [tilespmem:s26+$0xC550];
	v9 =	vmul.f32 v53, v50;
	[tilespmem:s26+$0xC4E0] =	vst v13  }
0x6a: {  	v56 =	vld [tilespmem:s26+$0xC520];
	v7 =	vmul.f32 v54, v59;
	[tilespmem:s26+$0xC4B0] =	vst v11  }
0x6b: {  	v61 =	vld [tilespmem:s26+$0xC560];
	v8 =	vmul.f32 v55, v59;
	[tilespmem:s26+$0xC4F0] =	vst v9  }
0x6c: {  	v62 =	vld [tilespmem:s26+$0xC570];
	v10 =	vmul.f32 v57, v59;
	[tilespmem:s26+$0xC500] =	vst v7  }
0x6d: {  	v63 =	vld [tilespmem:s26+$0xC580];
	v12 =	vmul.f32 v58, v59;
	[tilespmem:s26+$0xC510] =	vst v8  }
0x6e: {  	v19 =	vld [tilespmem:s26+$0xC5A0];
	v13 =	vmul.f32 v60, v59;
	[tilespmem:s26+$0xC530] =	vst v10  }
0x6f: {  	v20 =	vld [tilespmem:s26+$0xC5B0];
	v11 =	vmul.f32 v56, v59;
	[tilespmem:s26+$0xC540] =	vst v12  }
0x70: {  	v21 =	vld [tilespmem:s26+$0xC5C0];
	v22 =	vbroadcast v1, $0x6;
	v9 =	vmul.f32 v61, v59;
	[tilespmem:s26+$0xC550] =	vst v13  }
0x71: {  	v18 =	vld [tilespmem:s26+$0xC590];
	v7 =	vmul.f32 v62, v59;
	[tilespmem:s26+$0xC520] =	vst v11  }
0x72: {  	v23 =	vld [tilespmem:s26+$0xC5D0];
	v8 =	vmul.f32 v63, v22;
	[tilespmem:s26+$0xC560] =	vst v9  }
0x73: {  	v24 =	vld [tilespmem:s26+$0xC5E0];
	v10 =	vmul.f32 v19, v22;
	[tilespmem:s26+$0xC570] =	vst v7  }
0x74: {  	v25 =	vld [tilespmem:s26+$0xC5F0];
	v12 =	vmul.f32 v20, v22;
	[tilespmem:s26+$0xC580] =	vst v8  }
0x75: {  	v27 =	vld [tilespmem:s26+$0xC610];
	v13 =	vmul.f32 v21, v22;
	[tilespmem:s26+$0xC5A0] =	vst v10  }
0x76: {  	v28 =	vld [tilespmem:s26+$0xC620];
	v11 =	vmul.f32 v18, v22;
	[tilespmem:s26+$0xC5B0] =	vst v12  }
0x77: {  	v29 =	vld [tilespmem:s26+$0xC630];
	v9 =	vmul.f32 v23, v22;
	[tilespmem:s26+$0xC5C0] =	vst v13  }
0x78: {  	v31 =	vbroadcast v1, $0x7;
	v53 =	vld [tilespmem:s26+$0xC780];
	v7 =	vmul.f32 v24, v22;
	[tilespmem:s26+$0xC590] =	vst v11  }
0x79: {  	v57 =	vld [tilespmem:s26+$0xC7C0];
	v8 =	vmul.f32 v25, v22;
	[tilespmem:s26+$0xC5D0] =	vst v9  }
0x7a: {  	v58 =	vld [tilespmem:s26+$0xC7D0];
	v10 =	vmul.f32 v27, v31;
	[tilespmem:s26+$0xC5E0] =	vst v7  }
0x7b: {  	v26 =	vld [tilespmem:s26+$0xC600];
	v12 =	vmul.f32 v28, v31;
	[tilespmem:s26+$0xC5F0] =	vst v8  }
0x7c: {  	v30 =	vld [tilespmem:s26+$0xC640];
	v13 =	vmul.f32 v29, v31;
	[tilespmem:s26+$0xC610] =	vst v10  }
0x7d: {  	v32 =	vld [tilespmem:s26+$0xC650];
	v59 =	vmul.f32 v53, v5;
	[tilespmem:s26+$0xC620] =	vst v12  }
0x7e: {  	v33 =	vld [tilespmem:s26+$0xC660];
	v18 =	vmul.f32 v57, v5;
	[tilespmem:s26+$0xC630] =	vst v13  }
0x7f: {  	v35 =	vld [tilespmem:s26+$0xC680];
	v20 =	vmul.f32 v58, v5;
	[tilespmem:s26+$0xC780] =	vst v59  }
0x80: {  	v36 =	vld [tilespmem:s26+$0xC690];
	v11 =	vmul.f32 v26, v31;
	[tilespmem:s26+$0xC7C0] =	vst v18  }
0x81: {  	v37 =	vld [tilespmem:s26+$0xC6A0];
	v9 =	vmul.f32 v30, v31;
	[tilespmem:s26+$0xC7D0] =	vst v20  }
0x82: {  	v4 =	vld [tilespmem:s26+$0xC800];
	v40 =	vbroadcast v1, $0x8;
	v7 =	vmul.f32 v32, v31;
	[tilespmem:s26+$0xC600] =	vst v11  }
0x83: {  	v6 =	vld [tilespmem:s26+$0xC810];
	v8 =	vmul.f32 v33, v31;
	[tilespmem:s26+$0xC640] =	vst v9  }
0x84: {  	v3 =	vld [tilespmem:s26+$0xCA50];
	v10 =	vmul.f32 v35, v40;
	[tilespmem:s26+$0xC650] =	vst v7  }
0x85: {  	v61 =	vld [tilespmem:s26+$0xC280];
	v23 =	vbroadcast v1, $0xB;
	v12 =	vmul.f32 v36, v40;
	[tilespmem:s26+$0xC660] =	vst v8  }
0x86: {  	v34 =	vld [tilespmem:s26+$0xC670];
	v13 =	vmul.f32 v37, v40;
	[tilespmem:s26+$0xC680] =	vst v10  }
0x87: {  	v38 =	vld [tilespmem:s26+$0xC6B0];
	v27 =	vbroadcast v1, $0xF;
	v4 =	vmul.f32 v4, v23;
	[tilespmem:s26+$0xC690] =	vst v12  }
0x88: {  	v39 =	vld [tilespmem:s26+$0xC6C0];
	v6 =	vmul.f32 v6, v23;
	[tilespmem:s26+$0xC6A0] =	vst v13  }
0x89: {  	v41 =	vld [tilespmem:s26+$0xC6D0];
	v3 =	vmul.f32 v3, v27;
	[tilespmem:s26+$0xC800] =	vst v4  }
0x8a: {  	v43 =	vld [tilespmem:s26+$0xC6F0];
	v24 =	vmul.f32 v2, v61;
	[tilespmem:s26+$0xC810] =	vst v6  }
0x8b: {  	v44 =	vld [tilespmem:s26+$0xC700];
	v11 =	vmul.f32 v34, v31;
	[tilespmem:s26+$0xCA50] =	vst v3  }
0x8c: {  	v45 =	vld [tilespmem:s26+$0xC710];
	v9 =	vmul.f32 v38, v40;
	[tilespmem:s26+$0xC280] =	vst v24  }
0x8d: {  	v63 =	vld [tilespmem:s26+$0xC2C0];
	v7 =	vmul.f32 v39, v40;
	[tilespmem:s26+$0xC670] =	vst v11  }
0x8e: {  	v49 =	vbroadcast v1, $0x9;
	v29 =	vld [tilespmem:s26+$0xC870];
	v8 =	vmul.f32 v41, v40;
	[tilespmem:s26+$0xC6B0] =	vst v9  }
0x8f: {  	v42 =	vld [tilespmem:s26+$0xC6E0];
	v10 =	vmul.f32 v43, v40;
	[tilespmem:s26+$0xC6C0] =	vst v7  }
0x90: {  	v46 =	vld [tilespmem:s26+$0xC720];
	v12 =	vmul.f32 v44, v49;
	[tilespmem:s26+$0xC6D0] =	vst v8  }
0x91: {  	v47 =	vld [tilespmem:s26+$0xC730];
	v13 =	vmul.f32 v45, v49;
	[tilespmem:s26+$0xC6F0] =	vst v10  }
0x92: {  	v48 =	vld [tilespmem:s26+$0xC740];
	v3 =	vmul.f32 v63, v2;
	[tilespmem:s26+$0xC700] =	vst v12  }
0x93: {  	v51 =	vld [tilespmem:s26+$0xC760];
	v6 =	vmul.f32 v29, v23;
	[tilespmem:s26+$0xC710] =	vst v13  }
0x94: {  	v52 =	vld [tilespmem:s26+$0xC770];
	v11 =	vmul.f32 v42, v40;
	[tilespmem:s26+$0xC2C0] =	vst v3  }
0x95: {  	v28 =	vld [tilespmem:s26+$0xC860];
	v9 =	vmul.f32 v46, v49;
	[tilespmem:s26+$0xC870] =	vst v6  }
0x96: {  	v26 =	vld [tilespmem:s26+$0xC850];
	v7 =	vmul.f32 v47, v49;
	[tilespmem:s26+$0xC6E0] =	vst v11  }
0x97: {  	v30 =	vld [tilespmem:s26+$0xC880];
	v8 =	vmul.f32 v48, v49;
	[tilespmem:s26+$0xC720] =	vst v9  }
0x98: {  	v50 =	vld [tilespmem:s26+$0xC750];
	v10 =	vmul.f32 v51, v49;
	[tilespmem:s26+$0xC730] =	vst v7  }
0x99: {  	v54 =	vld [tilespmem:s26+$0xC790];
	v12 =	vmul.f32 v52, v49;
	[tilespmem:s26+$0xC740] =	vst v8  }
0x9a: {  	v55 =	vld [tilespmem:s26+$0xC7A0];
	v35 =	vbroadcast v1, $0xC;
	v40 =	vmul.f32 v28, v23;
	[tilespmem:s26+$0xC760] =	vst v10  }
0x9b: {  	v56 =	vld [tilespmem:s26+$0xC7B0];
	v32 =	vmul.f32 v26, v23;
	[tilespmem:s26+$0xC770] =	vst v12  }
0x9c: {  	v60 =	vld [tilespmem:s26+$0xC7E0];
	v15 =	vmul.f32 v30, v35;
	[tilespmem:s26+$0xC860] =	vst v40  }
0x9d: {  	v62 =	vld [tilespmem:s26+$0xC290];
	v11 =	vmul.f32 v50, v49;
	[tilespmem:s26+$0xC850] =	vst v32  }
0x9e: {  	v19 =	vld [tilespmem:s26+$0xC2D0];
	v9 =	vmul.f32 v54, v5;
	[tilespmem:s26+$0xC880] =	vst v15  }
0x9f: {  	v33 =	vld [tilespmem:s26+$0xC8B0];
	v7 =	vmul.f32 v55, v5;
	[tilespmem:s26+$0xC750] =	vst v11  }
0xa0: {  	v61 =	vld [tilespmem:s26+$0xCA70];
	v8 =	vmul.f32 v56, v5;
	[tilespmem:s26+$0xC790] =	vst v9  }
0xa1: {  	v38 =	vld [tilespmem:s26+$0xC8F0];
	v5 =	vmul.f32 v60, v5;
	[tilespmem:s26+$0xC7A0] =	vst v7  }
0xa2: {  	v21 =	vld [tilespmem:s26+$0xC820];
	v12 =	vmul.f32 v62, v2;
	[tilespmem:s26+$0xC7B0] =	vst v8  }
0xa3: {  	v22 =	vld [tilespmem:s26+$0xC830];
	v2 =	vmul.f32 v19, v2;
	[tilespmem:s26+$0xC7E0] =	vst v5  }
0xa4: {  	v25 =	vld [tilespmem:s26+$0xC840];
	v62 =	vmul.f32 v33, v35;
	[tilespmem:s26+$0xC290] =	vst v12  }
0xa5: {  	v31 =	vld [tilespmem:s26+$0xC890];
	v63 =	vmul.f32 v61, v27;
	[tilespmem:s26+$0xC2D0] =	vst v2  }
0xa6: {  	v34 =	vld [tilespmem:s26+$0xC8C0];
	v15 =	vmul.f32 v38, v35;
	[tilespmem:s26+$0xC8B0] =	vst v62  }
0xa7: {  	v41 =	vld [tilespmem:s26+$0xC920];
	v7 =	vmul.f32 v21, v23;
	[tilespmem:s26+$0xCA70] =	vst v63  }
0xa8: {  	v46 =	vld [tilespmem:s26+$0xC960];
	v8 =	vmul.f32 v22, v23;
	[tilespmem:s26+$0xC8F0] =	vst v15  }
0xa9: {  	v36 =	vld [tilespmem:s26+$0xC8D0];
	v5 =	vmul.f32 v25, v23;
	[tilespmem:s26+$0xC820] =	vst v7  }
0xaa: {  	v44 =	vbroadcast v1, $0xD;
	v9 =	vmul.f32 v31, v35;
	v2 =	vld [tilespmem:s26+$0xC910];
	[tilespmem:s26+$0xC830] =	vst v8  }
0xab: {  	v37 =	vld [tilespmem:s26+$0xC8E0];
	v12 =	vmul.f32 v34, v35;
	[tilespmem:s26+$0xC840] =	vst v5  }
0xac: {  	v39 =	vld [tilespmem:s26+$0xC900];
	v11 =	vmul.f32 v41, v44;
	[tilespmem:s26+$0xC890] =	vst v9  }
0xad: {  	v42 =	vld [tilespmem:s26+$0xC930];
	v51 =	vmul.f32 v46, v44;
	[tilespmem:s26+$0xC8C0] =	vst v12  }
0xae: {  	v48 =	vld [tilespmem:s26+$0xC990];
	v8 =	vmul.f32 v36, v35;
	[tilespmem:s26+$0xC920] =	vst v11  }
0xaf: {  	v49 =	vld [tilespmem:s26+$0xC9A0];
	[tilespmem:s26+$0xC960] =	vst v51;
	v2 =	vmul.f32 v2, v44  }
0xb0: {  	v50 =	vld [tilespmem:s26+$0xC9B0];
	v5 =	vmul.f32 v37, v35;
	[tilespmem:s26+$0xC8D0] =	vst v8  }
0xb1: {  	v1 =	vbroadcast v1, $0xE;
	v9 =	vmul.f32 v39, v44;
	[tilespmem:s26+$0xC910] =	vst v2;
	v2 =	vld [tilespmem:s26+$0xC980]  }
0xb2: {  	v60 =	vld [tilespmem:s26+$0xCA60];
	v12 =	vmul.f32 v42, v44;
	[tilespmem:s26+$0xC8E0] =	vst v5  }
0xb3: {  	v45 =	vld [tilespmem:s26+$0xC950];
	v11 =	vmul.f32 v48, v1;
	[tilespmem:s26+$0xC900] =	vst v9  }
0xb4: {  	v47 =	vld [tilespmem:s26+$0xC970];
	v10 =	vmul.f32 v49, v1;
	[tilespmem:s26+$0xC930] =	vst v12  }
0xb5: {  	v43 =	vld [tilespmem:s26+$0xC940];
	v6 =	vmul.f32 v50, v1;
	[tilespmem:s26+$0xC990] =	vst v11  }
0xb6: {  	v55 =	vld [tilespmem:s26+$0xCA00];
	[tilespmem:s26+$0xC9A0] =	vst v10;
	v2 =	vmul.f32 v2, v1  }
0xb7: {  	v57 =	vld [tilespmem:s26+$0xCA20];
	v4 =	vmul.f32 v60, v27;
	[tilespmem:s26+$0xC9B0] =	vst v6  }
0xb8: {  	v5 =	vmul.f32 v45, v44;
	[tilespmem:s26+$0xC980] =	vst v2;
	v2 =	vld [tilespmem:s26+$0xC9F0]  }
0xb9: {  	v52 =	vld [tilespmem:s26+$0xC9C0];
	v9 =	vmul.f32 v47, v44;
	[tilespmem:s26+$0xCA60] =	vst v4  }
0xba: {  	v56 =	vld [tilespmem:s26+$0xCA10];
	v8 =	vmul.f32 v43, v44;
	[tilespmem:s26+$0xC950] =	vst v5  }
0xbb: {  	v54 =	vld [tilespmem:s26+$0xC9E0];
	v11 =	vmul.f32 v55, v27;
	[tilespmem:s26+$0xC970] =	vst v9  }
0xbc: {  	v58 =	vld [tilespmem:s26+$0xCA30];
	v6 =	vmul.f32 v57, v27;
	[tilespmem:s26+$0xC940] =	vst v8  }
0xbd: {  	v53 =	vld [tilespmem:s26+$0xC9D0];
	[tilespmem:s26+$0xCA00] =	vst v11;
	v2 =	vmul.f32 v2, v1  }
0xbe: {  	v59 =	vld [tilespmem:s26+$0xCA40];
	v5 =	vmul.f32 v52, v1;
	[tilespmem:s26+$0xCA20] =	vst v6  }
0xbf: {  	[tilespmem:s26+$0xC9F0] =	vst v2;
	v2 =	vmul.f32 v56, v27  }
0xc0: {  	v3 =	vld [tilespmem:s26+$0xC8A0];
	v9 =	vmul.f32 v54, v1;
	[tilespmem:s26+$0xC9C0] =	vst v5  }
0xc1: {  	[tilespmem:s26+$0xCA10] =	vst v2;
	v2 =	vmul.f32 v58, v27  }
0xc2: {  	[tilespmem:s26+$0xC9E0] =	vst v9;
	v1 =	vmul.f32 v53, v1  }
0xc3: {  	[tilespmem:s26+$0xCA30] =	vst v2;
	v2 =	vmul.f32 v59, v27  }
0xc4: {  	[tilespmem:s26+$0xC9D0] =	vst v1  }
0xc5: {  	s28 =	simm.s32 $0x1;
	[tilespmem:s26+$0xCA40] =	vst v2;
	v2 =	vmul.f32 v3, v35  }
.LBB2_5:
0xc6: {  	s29 =	sshll.u32 s28, $0x4  }
0xc7: {  	p0 =	sne.s32 s28, $0x7;
	[tilespmem:s26+$0xC8A0] =	vst v2;
	s26 =	smov.u32 s28;
	s28 =	sadd.s32 $0x1, s28  }
0xc8: {  	s29 =	sand.u32 $0x3FFFFFF0, s29  }
0xc9: {  	s26 =	sshll.u32 s26, $0xB;
	v1 =	vld [tilespmem:s29+$0xC200]  }
0xca: {  	s26 =	sand.u32 $0x3FFFF800, s26  }
0xcb: {  	v8 =	vld [tilespmem:s26+$0xC340]  }
0xcc: {  	v9 =	vld [tilespmem:s26+$0xC350]  }
0xcd: {  	v10 =	vld [tilespmem:s26+$0xC330]  }
0xce: {  	v2 =	vbroadcast v1, $0x0;
	v3 =	vld [tilespmem:s26+$0xC2A0];
	v7 =	vbroadcast v1, $0x4  }
0xcf: {  	v5 =	vld [tilespmem:s26+$0xC2B0]  }
0xd0: {  	v6 =	vld [tilespmem:s26+$0xC7F0]  }
0xd1: {  	v11 =	vld [tilespmem:s26+$0xC2E0]  }
0xd2: {  	v12 =	vld [tilespmem:s26+$0xC2F0]  }
0xd3: {  	v4 =	vbroadcast v1, $0xA;
	v3 =	vmul.f32 v3, v2;
	v13 =	vld [tilespmem:s26+$0xC300]  }
0xd4: {  	v5 =	vmul.f32 v5, v2;
	v14 =	vld [tilespmem:s26+$0xC310]  }
0xd5: {  	[tilespmem:s26+$0xC2A0] =	vst v3;
	v15 =	vld [tilespmem:s26+$0xC320];
	v3 =	vmul.f32 v6, v4  }
0xd6: {  	[tilespmem:s26+$0xC2B0] =	vst v5;
	v6 =	vmul.f32 v11, v2;
	v11 =	vbroadcast v1, $0x1;
	v5 =	vld [tilespmem:s26+$0xC800]  }
0xd7: {  	v12 =	vmul.f32 v12, v2;
	[tilespmem:s26+$0xC7F0] =	vst v3;
	v3 =	vld [tilespmem:s26+$0xCA50]  }
0xd8: {  	[tilespmem:s26+$0xC2E0] =	vst v6;
	v13 =	vmul.f32 v13, v11;
	v6 =	vld [tilespmem:s26+$0xC810]  }
0xd9: {  	[tilespmem:s26+$0xC2F0] =	vst v12;
	v12 =	vmul.f32 v14, v11;
	v14 =	vld [tilespmem:s26+$0xC360]  }
0xda: {  	[tilespmem:s26+$0xC300] =	vst v13;
	v13 =	vmul.f32 v15, v11;
	v15 =	vld [tilespmem:s26+$0xC370]  }
0xdb: {  	v10 =	vmul.f32 v10, v11;
	[tilespmem:s26+$0xC310] =	vst v12;
	v12 =	vld [tilespmem:s26+$0xC380]  }
0xdc: {  	v8 =	vmul.f32 v8, v11;
	[tilespmem:s26+$0xC320] =	vst v13;
	v13 =	vld [tilespmem:s26+$0xC390]  }
0xdd: {  	v9 =	vmul.f32 v9, v11;
	[tilespmem:s26+$0xC330] =	vst v10;
	v10 =	vld [tilespmem:s26+$0xC3A0]  }
0xde: {  	[tilespmem:s26+$0xC340] =	vst v8;
	v8 =	vmul.f32 v14, v11;
	v14 =	vbroadcast v1, $0x2;
	v16 =	vld [tilespmem:s26+$0xC3B0]  }
0xdf: {  	[tilespmem:s26+$0xC350] =	vst v9;
	v9 =	vmul.f32 v15, v11;
	v11 =	vld [tilespmem:s26+$0xC3C0]  }
0xe0: {  	[tilespmem:s26+$0xC360] =	vst v8;
	v8 =	vmul.f32 v12, v14;
	v12 =	vld [tilespmem:s26+$0xC3D0]  }
0xe1: {  	[tilespmem:s26+$0xC370] =	vst v9;
	v9 =	vmul.f32 v13, v14;
	v13 =	vld [tilespmem:s26+$0xC3E0]  }
0xe2: {  	[tilespmem:s26+$0xC380] =	vst v8;
	v8 =	vmul.f32 v10, v14;
	v10 =	vld [tilespmem:s26+$0xC3F0]  }
0xe3: {  	[tilespmem:s26+$0xC390] =	vst v9;
	v9 =	vmul.f32 v16, v14;
	v15 =	vld [tilespmem:s26+$0xC400]  }
0xe4: {  	[tilespmem:s26+$0xC3A0] =	vst v8;
	v8 =	vmul.f32 v11, v14;
	v11 =	vld [tilespmem:s26+$0xC410]  }
0xe5: {  	[tilespmem:s26+$0xC3B0] =	vst v9;
	v9 =	vmul.f32 v12, v14;
	v12 =	vld [tilespmem:s26+$0xC420]  }
0xe6: {  	[tilespmem:s26+$0xC3C0] =	vst v8;
	v8 =	vmul.f32 v13, v14;
	v13 =	vbroadcast v1, $0x3;
	v16 =	vld [tilespmem:s26+$0xC430]  }
0xe7: {  	[tilespmem:s26+$0xC3D0] =	vst v9;
	v9 =	vmul.f32 v10, v14;
	v10 =	vld [tilespmem:s26+$0xC440]  }
0xe8: {  	[tilespmem:s26+$0xC3E0] =	vst v8;
	v8 =	vmul.f32 v15, v13;
	v14 =	vld [tilespmem:s26+$0xC450]  }
0xe9: {  	[tilespmem:s26+$0xC3F0] =	vst v9;
	v9 =	vmul.f32 v11, v13;
	v11 =	vld [tilespmem:s26+$0xC460]  }
0xea: {  	[tilespmem:s26+$0xC400] =	vst v8;
	v8 =	vmul.f32 v12, v13;
	v12 =	vld [tilespmem:s26+$0xC470]  }
0xeb: {  	[tilespmem:s26+$0xC410] =	vst v9;
	v9 =	vmul.f32 v16, v13;
	v15 =	vld [tilespmem:s26+$0xC480]  }
0xec: {  	[tilespmem:s26+$0xC420] =	vst v8;
	v8 =	vmul.f32 v10, v13;
	v10 =	vld [tilespmem:s26+$0xC490]  }
0xed: {  	[tilespmem:s26+$0xC430] =	vst v9;
	v9 =	vmul.f32 v14, v13;
	v14 =	vld [tilespmem:s26+$0xC4A0]  }
0xee: {  	[tilespmem:s26+$0xC440] =	vst v8;
	v8 =	vmul.f32 v11, v13;
	v11 =	vld [tilespmem:s26+$0xC4B0]  }
0xef: {  	[tilespmem:s26+$0xC450] =	vst v9;
	v9 =	vmul.f32 v12, v13;
	v12 =	vld [tilespmem:s26+$0xC4C0]  }
0xf0: {  	[tilespmem:s26+$0xC460] =	vst v8;
	v8 =	vmul.f32 v15, v7;
	v13 =	vld [tilespmem:s26+$0xC4D0]  }
0xf1: {  	[tilespmem:s26+$0xC470] =	vst v9;
	v9 =	vmul.f32 v10, v7;
	v10 =	vld [tilespmem:s26+$0xC4E0]  }
0xf2: {  	[tilespmem:s26+$0xC480] =	vst v8;
	v8 =	vmul.f32 v14, v7;
	v14 =	vld [tilespmem:s26+$0xC4F0]  }
0xf3: {  	[tilespmem:s26+$0xC490] =	vst v9;
	v9 =	vmul.f32 v11, v7;
	v11 =	vld [tilespmem:s26+$0xC500]  }
0xf4: {  	[tilespmem:s26+$0xC4A0] =	vst v8;
	v8 =	vmul.f32 v12, v7;
	v12 =	vld [tilespmem:s26+$0xC510]  }
0xf5: {  	[tilespmem:s26+$0xC4B0] =	vst v9;
	v9 =	vmul.f32 v13, v7;
	v13 =	vld [tilespmem:s26+$0xC520]  }
0xf6: {  	[tilespmem:s26+$0xC4C0] =	vst v8;
	v8 =	vmul.f32 v10, v7;
	v10 =	vbroadcast v1, $0x5;
	v15 =	vld [tilespmem:s26+$0xC530]  }
0xf7: {  	[tilespmem:s26+$0xC4D0] =	vst v9;
	v7 =	vmul.f32 v14, v7;
	v9 =	vld [tilespmem:s26+$0xC540]  }
0xf8: {  	[tilespmem:s26+$0xC4E0] =	vst v8;
	v8 =	vmul.f32 v11, v10;
	v11 =	vld [tilespmem:s26+$0xC550]  }
0xf9: {  	[tilespmem:s26+$0xC4F0] =	vst v7;
	v7 =	vmul.f32 v12, v10;
	v12 =	vld [tilespmem:s26+$0xC560]  }
0xfa: {  	[tilespmem:s26+$0xC500] =	vst v8;
	v8 =	vmul.f32 v13, v10;
	v13 =	vld [tilespmem:s26+$0xC570]  }
0xfb: {  	[tilespmem:s26+$0xC510] =	vst v7;
	v7 =	vmul.f32 v15, v10;
	v14 =	vld [tilespmem:s26+$0xC580]  }
0xfc: {  	[tilespmem:s26+$0xC520] =	vst v8;
	v8 =	vmul.f32 v9, v10;
	v9 =	vld [tilespmem:s26+$0xC590]  }
0xfd: {  	[tilespmem:s26+$0xC530] =	vst v7;
	v7 =	vmul.f32 v11, v10;
	v11 =	vld [tilespmem:s26+$0xC5A0]  }
0xfe: {  	[tilespmem:s26+$0xC540] =	vst v8;
	v8 =	vmul.f32 v12, v10;
	v12 =	vbroadcast v1, $0x6;
	v15 =	vld [tilespmem:s26+$0xC5B0]  }
0xff: {  	[tilespmem:s26+$0xC550] =	vst v7;
	v7 =	vmul.f32 v13, v10;
	v10 =	vld [tilespmem:s26+$0xC5C0]  }
0x100: {  	[tilespmem:s26+$0xC560] =	vst v8;
	v8 =	vmul.f32 v14, v12;
	v13 =	vld [tilespmem:s26+$0xC5D0]  }
0x101: {  	[tilespmem:s26+$0xC570] =	vst v7;
	v7 =	vmul.f32 v9, v12;
	v9 =	vld [tilespmem:s26+$0xC5E0]  }
0x102: {  	[tilespmem:s26+$0xC580] =	vst v8;
	v8 =	vmul.f32 v11, v12;
	v11 =	vld [tilespmem:s26+$0xC5F0]  }
0x103: {  	[tilespmem:s26+$0xC590] =	vst v7;
	v7 =	vmul.f32 v15, v12;
	v14 =	vld [tilespmem:s26+$0xC600]  }
0x104: {  	[tilespmem:s26+$0xC5A0] =	vst v8;
	v8 =	vmul.f32 v10, v12;
	v10 =	vld [tilespmem:s26+$0xC610]  }
0x105: {  	[tilespmem:s26+$0xC5B0] =	vst v7;
	v7 =	vmul.f32 v13, v12;
	v13 =	vld [tilespmem:s26+$0xC620]  }
0x106: {  	[tilespmem:s26+$0xC5C0] =	vst v8;
	v8 =	vmul.f32 v9, v12;
	v9 =	vbroadcast v1, $0x7;
	v15 =	vld [tilespmem:s26+$0xC630]  }
0x107: {  	[tilespmem:s26+$0xC5D0] =	vst v7;
	v7 =	vmul.f32 v11, v12;
	v11 =	vld [tilespmem:s26+$0xC640]  }
0x108: {  	[tilespmem:s26+$0xC5E0] =	vst v8;
	v8 =	vmul.f32 v14, v9;
	v12 =	vld [tilespmem:s26+$0xC650]  }
0x109: {  	[tilespmem:s26+$0xC5F0] =	vst v7;
	v7 =	vmul.f32 v10, v9;
	v10 =	vld [tilespmem:s26+$0xC660]  }
0x10a: {  	[tilespmem:s26+$0xC600] =	vst v8;
	v8 =	vmul.f32 v13, v9;
	v13 =	vld [tilespmem:s26+$0xC670]  }
0x10b: {  	[tilespmem:s26+$0xC610] =	vst v7;
	v7 =	vmul.f32 v15, v9;
	v14 =	vld [tilespmem:s26+$0xC680]  }
0x10c: {  	[tilespmem:s26+$0xC620] =	vst v8;
	v8 =	vmul.f32 v11, v9;
	v11 =	vld [tilespmem:s26+$0xC690]  }
0x10d: {  	[tilespmem:s26+$0xC630] =	vst v7;
	v7 =	vmul.f32 v12, v9;
	v12 =	vld [tilespmem:s26+$0xC6A0]  }
0x10e: {  	[tilespmem:s26+$0xC640] =	vst v8;
	v8 =	vmul.f32 v10, v9;
	v10 =	vbroadcast v1, $0x8;
	v15 =	vld [tilespmem:s26+$0xC6B0]  }
0x10f: {  	[tilespmem:s26+$0xC650] =	vst v7;
	v7 =	vmul.f32 v13, v9;
	v9 =	vld [tilespmem:s26+$0xC6C0]  }
0x110: {  	[tilespmem:s26+$0xC660] =	vst v8;
	v8 =	vmul.f32 v14, v10;
	v13 =	vld [tilespmem:s26+$0xC6D0]  }
0x111: {  	[tilespmem:s26+$0xC670] =	vst v7;
	v7 =	vmul.f32 v11, v10;
	v11 =	vld [tilespmem:s26+$0xC6E0]  }
0x112: {  	[tilespmem:s26+$0xC680] =	vst v8;
	v8 =	vmul.f32 v12, v10;
	v12 =	vld [tilespmem:s26+$0xC6F0]  }
0x113: {  	[tilespmem:s26+$0xC690] =	vst v7;
	v7 =	vmul.f32 v15, v10;
	v14 =	vld [tilespmem:s26+$0xC700]  }
0x114: {  	[tilespmem:s26+$0xC6A0] =	vst v8;
	v8 =	vmul.f32 v9, v10;
	v9 =	vld [tilespmem:s26+$0xC710]  }
0x115: {  	[tilespmem:s26+$0xC6B0] =	vst v7;
	v7 =	vmul.f32 v13, v10;
	v13 =	vld [tilespmem:s26+$0xC720]  }
0x116: {  	[tilespmem:s26+$0xC6C0] =	vst v8;
	v8 =	vmul.f32 v11, v10;
	v11 =	vbroadcast v1, $0x9;
	v15 =	vld [tilespmem:s26+$0xC730]  }
0x117: {  	[tilespmem:s26+$0xC6D0] =	vst v7;
	v7 =	vmul.f32 v12, v10;
	v10 =	vld [tilespmem:s26+$0xC740]  }
0x118: {  	[tilespmem:s26+$0xC6E0] =	vst v8;
	v8 =	vmul.f32 v14, v11;
	v12 =	vld [tilespmem:s26+$0xC750]  }
0x119: {  	[tilespmem:s26+$0xC6F0] =	vst v7;
	v7 =	vmul.f32 v9, v11;
	v9 =	vld [tilespmem:s26+$0xC760]  }
0x11a: {  	[tilespmem:s26+$0xC700] =	vst v8;
	v8 =	vmul.f32 v13, v11;
	v13 =	vld [tilespmem:s26+$0xC770]  }
0x11b: {  	[tilespmem:s26+$0xC710] =	vst v7;
	v7 =	vmul.f32 v15, v11;
	v14 =	vld [tilespmem:s26+$0xC780]  }
0x11c: {  	[tilespmem:s26+$0xC720] =	vst v8;
	v8 =	vmul.f32 v10, v11;
	v10 =	vld [tilespmem:s26+$0xC790]  }
0x11d: {  	[tilespmem:s26+$0xC730] =	vst v7;
	v7 =	vmul.f32 v12, v11;
	v12 =	vld [tilespmem:s26+$0xC7A0]  }
0x11e: {  	[tilespmem:s26+$0xC740] =	vst v8;
	v8 =	vmul.f32 v9, v11;
	v9 =	vld [tilespmem:s26+$0xC7B0]  }
0x11f: {  	[tilespmem:s26+$0xC750] =	vst v7;
	v7 =	vmul.f32 v13, v11;
	v11 =	vld [tilespmem:s26+$0xC7C0]  }
0x120: {  	[tilespmem:s26+$0xC760] =	vst v8;
	v8 =	vmul.f32 v14, v4;
	v13 =	vld [tilespmem:s26+$0xC7D0]  }
0x121: {  	[tilespmem:s26+$0xC770] =	vst v7;
	v7 =	vmul.f32 v10, v4;
	v10 =	vld [tilespmem:s26+$0xC7E0]  }
0x122: {  	v14 =	vld [tilespmem:s26+$0xC280];
	[tilespmem:s26+$0xC780] =	vst v8;
	v8 =	vmul.f32 v12, v4  }
0x123: {  	v12 =	vld [tilespmem:s26+$0xC290];
	[tilespmem:s26+$0xC790] =	vst v7;
	v7 =	vmul.f32 v9, v4  }
0x124: {  	v9 =	vld [tilespmem:s26+$0xC2C0];
	[tilespmem:s26+$0xC7A0] =	vst v8;
	v8 =	vmul.f32 v11, v4  }
0x125: {  	v11 =	vld [tilespmem:s26+$0xC2D0];
	[tilespmem:s26+$0xC7B0] =	vst v7;
	v7 =	vmul.f32 v13, v4  }
0x126: {  	[tilespmem:s26+$0xC7C0] =	vst v8;
	v8 =	vmul.f32 v10, v4;
	v10 =	vbroadcast v1, $0xB;
	v13 =	vld [tilespmem:s26+$0xC820]  }
0x127: {  	v4 =	vbroadcast v1, $0xF;
	v14 =	vmul.f32 v2, v14;
	[tilespmem:s26+$0xC7D0] =	vst v7;
	v7 =	vld [tilespmem:s26+$0xC830]  }
0x128: {  	v12 =	vmul.f32 v12, v2;
	[tilespmem:s26+$0xC7E0] =	vst v8;
	v5 =	vmul.f32 v5, v10;
	v8 =	vld [tilespmem:s26+$0xC840]  }
0x129: {  	v6 =	vmul.f32 v6, v10;
	[tilespmem:s26+$0xC280] =	vst v14;
	v9 =	vmul.f32 v9, v2;
	v14 =	vld [tilespmem:s26+$0xC850]  }
0x12a: {  	v3 =	vmul.f32 v3, v4;
	v11 =	vmul.f32 v11, v2;
	[tilespmem:s26+$0xC800] =	vst v5;
	v2 =	vld [tilespmem:s26+$0xC860]  }
0x12b: {  	[tilespmem:s26+$0xC810] =	vst v6;
	v5 =	vmul.f32 v13, v10;
	v6 =	vld [tilespmem:s26+$0xC870]  }
0x12c: {  	v7 =	vmul.f32 v7, v10;
	v13 =	vld [tilespmem:s26+$0xC880];
	[tilespmem:s26+$0xCA50] =	vst v3  }
0x12d: {  	[tilespmem:s26+$0xC290] =	vst v12;
	v3 =	vmul.f32 v8, v10;
	v8 =	vld [tilespmem:s26+$0xC890]  }
0x12e: {  	[tilespmem:s26+$0xC2C0] =	vst v9;
	v9 =	vmul.f32 v14, v10;
	v12 =	vld [tilespmem:s26+$0xC8A0]  }
0x12f: {  	v14 =	vbroadcast v1, $0xC;
	[tilespmem:s26+$0xC820] =	vst v5;
	v5 =	vmul.f32 v2, v10;
	v15 =	vld [tilespmem:s26+$0xC8B0]  }
0x130: {  	[tilespmem:s26+$0xC850] =	vst v9;
	v6 =	vmul.f32 v6, v10;
	v9 =	vld [tilespmem:s26+$0xC8C0]  }
0x131: {  	[tilespmem:s26+$0xC830] =	vst v7;
	v2 =	vmul.f32 v13, v14;
	v7 =	vld [tilespmem:s26+$0xC8D0]  }
0x132: {  	[tilespmem:s26+$0xC840] =	vst v3;
	v3 =	vmul.f32 v8, v14;
	v8 =	vld [tilespmem:s26+$0xC8E0]  }
0x133: {  	[tilespmem:s26+$0xC880] =	vst v2;
	v2 =	vmul.f32 v12, v14;
	v10 =	vld [tilespmem:s26+$0xC8F0]  }
0x134: {  	[tilespmem:s26+$0xC890] =	vst v3;
	v3 =	vld [tilespmem:s26+$0xC900]  }
0x135: {  	[tilespmem:s26+$0xC2D0] =	vst v11;
	v9 =	vmul.f32 v9, v14;
	v11 =	vld [tilespmem:s26+$0xC910]  }
0x136: {  	[tilespmem:s26+$0xC860] =	vst v5;
	v5 =	vmul.f32 v7, v14;
	v7 =	vld [tilespmem:s26+$0xC920]  }
0x137: {  	[tilespmem:s26+$0xC8C0] =	vst v9;
	v8 =	vmul.f32 v8, v14;
	v9 =	vbroadcast v1, $0xD;
	v12 =	vld [tilespmem:s26+$0xC930]  }
0x138: {  	[tilespmem:s26+$0xC8D0] =	vst v5;
	v5 =	vmul.f32 v10, v14;
	v10 =	vld [tilespmem:s26+$0xC940]  }
0x139: {  	[tilespmem:s26+$0xC8E0] =	vst v8;
	v3 =	vmul.f32 v3, v9;
	v8 =	vld [tilespmem:s26+$0xC950]  }
0x13a: {  	[tilespmem:s26+$0xC8F0] =	vst v5;
	v5 =	vmul.f32 v11, v9;
	v11 =	vld [tilespmem:s26+$0xC960]  }
0x13b: {  	[tilespmem:s26+$0xC900] =	vst v3;
	v3 =	vmul.f32 v7, v9;
	v7 =	vld [tilespmem:s26+$0xC970]  }
0x13c: {  	[tilespmem:s26+$0xC910] =	vst v5;
	v5 =	vmul.f32 v12, v9;
	v12 =	vld [tilespmem:s26+$0xC980]  }
0x13d: {  	[tilespmem:s26+$0xC920] =	vst v3;
	v3 =	vmul.f32 v10, v9;
	v10 =	vld [tilespmem:s26+$0xC990]  }
0x13e: {  	[tilespmem:s26+$0xC930] =	vst v5;
	v5 =	vmul.f32 v8, v9;
	v8 =	vld [tilespmem:s26+$0xC9A0]  }
0x13f: {  	v1 =	vbroadcast v1, $0xE;
	[tilespmem:s26+$0xC870] =	vst v6;
	v6 =	vmul.f32 v11, v9;
	v11 =	vld [tilespmem:s26+$0xC9B0]  }
0x140: {  	[tilespmem:s26+$0xC950] =	vst v5;
	v5 =	vmul.f32 v7, v9;
	v7 =	vld [tilespmem:s26+$0xC9C0]  }
0x141: {  	[tilespmem:s26+$0xC960] =	vst v6;
	v6 =	vmul.f32 v12, v1;
	v9 =	vld [tilespmem:s26+$0xC9D0]  }
0x142: {  	[tilespmem:s26+$0xC970] =	vst v5;
	v5 =	vmul.f32 v10, v1;
	v10 =	vld [tilespmem:s26+$0xC9E0]  }
0x143: {  	[tilespmem:s26+$0xC980] =	vst v6;
	v6 =	vmul.f32 v8, v1;
	v8 =	vld [tilespmem:s26+$0xC9F0]  }
0x144: {  	[tilespmem:s26+$0xC990] =	vst v5;
	v5 =	vmul.f32 v11, v1;
	v11 =	vld [tilespmem:s26+$0xCA00]  }
0x145: {  	[tilespmem:s26+$0xC9A0] =	vst v6;
	v6 =	vmul.f32 v7, v1;
	v7 =	vld [tilespmem:s26+$0xCA10]  }
0x146: {  	[tilespmem:s26+$0xC9B0] =	vst v5;
	v5 =	vmul.f32 v9, v1;
	v9 =	vld [tilespmem:s26+$0xCA20]  }
0x147: {  	[tilespmem:s26+$0xC9C0] =	vst v6;
	v6 =	vmul.f32 v10, v1;
	v10 =	vld [tilespmem:s26+$0xCA30]  }
0x148: {  	[tilespmem:s26+$0xC940] =	vst v3;
	v1 =	vmul.f32 v8, v1;
	v3 =	vld [tilespmem:s26+$0xCA40]  }
0x149: {  	[tilespmem:s26+$0xC9E0] =	vst v6;
	v6 =	vmul.f32 v11, v4;
	v8 =	vld [tilespmem:s26+$0xCA60]  }
0x14a: {  	[tilespmem:s26+$0xC9F0] =	vst v1;
	v1 =	vmul.f32 v7, v4;
	v7 =	vld [tilespmem:s26+$0xCA70]  }
0x14b: {  	[tilespmem:s26+$0xCA00] =	vst v6;
	v6 =	vmul.f32 v9, v4  }
0x14c: {  	[tilespmem:s26+$0xCA10] =	vst v1;
	v1 =	vmul.f32 v10, v4  }
0x14d: {  	v9 =	vmul.f32 v15, v14;
	[tilespmem:s26+$0xCA20] =	vst v6  }
0x14e: {  	[tilespmem:s26+$0xCA30] =	vst v1;
	v1 =	vmul.f32 v3, v4  }
.Ltmp1:
0x14f: {  	[tilespmem:s26+$0xC8B0] =	vst v9;
	v3 =	vmul.f32 v7, v4;
	(pc) =	sbr.rel @p0 .LBB2_5-.Ltmp1, $4  }
0x150: {  	[tilespmem:s26+$0xCA40] =	vst v1  }
0x151: {  	v1 =	vmul.f32 v8, v4;
	[tilespmem:s26+$0xCA70] =	vst v3  }
0x152: {  	[tilespmem:s26+$0xC9D0] =	vst v5  }
0x153: {  	[tilespmem:s26+$0xCA60] =	vst v1  }
0x154: {  	s25 =	sadd.s32 $0x1, s25  }
0x155: {  	p0 =	sne.s32 s25, $0xA0  }
.Ltmp2:
0x156: {  	[tilespmem:s26+$0xC8A0] =	vst v2;
	(pc) =	sbr.rel @p0 .LBB2_4-.Ltmp2, $4  }
0x157: {  	[spmem:s2] =	stream.indirect.scatter.add.f32 [tilespmem:s15], [sflag:$0x2], $0x80, s22, s18, $0xb8;
	[tilespmem:$0x10280] =	vst v63  }
0x158: {  	_ =	swait.ge [sflag:s16], $0x4000  }
0x159: {  	[sflag:s16] =	ssyncset.done $0x0  }
0x15a: {  	[sflag:s16] =	ssyncadd.s32 $0xFFFFC000  }
0x15b: {  	[bflag:$0x0] =	sbarrier.arrive $0xFFFF  }
0x15c: {  	[tilespmem:s15], [sflag:$0x2] =	stream.linear.gather [spmem:s8], $0x4000, $0x38;
	[tilespmem:$0x10280] =	vst v63  }
0x15d: {  	_ =	swait.ge [sflag:s16], $0x4000  }
0x15e: {  	[sflag:s16] =	ssyncset.done $0x0  }
0x15f: {  	[sflag:s16] =	ssyncadd.s32 $0xFFFFC000  }
0x160: {  	[hbm4b:s11+s3] =	stream.linear.scatter [tilespmem:s15], [sflag:$0x2], $0x4000, $0x38;
	[tilespmem:$0x10280] =	vst v63  }
0x161: {  	_ =	swait.ge [sflag:s16], $0x4000  }
0x162: {  	[sflag:s16] =	ssyncset.done $0x0  }
0x163: {  	[sflag:s16] =	ssyncadd.s32 $0xFFFFC000  }
0x164: {  	[tilespmem:s15], [sflag:$0x2] =	stream.linear.gather [spmem:s9], $0x4000, $0x38;
	[tilespmem:$0x10280] =	vst v63  }
0x165: {  	_ =	swait.ge [sflag:s16], $0x4000  }
0x166: {  	[sflag:s16] =	ssyncset.done $0x0  }
0x167: {  	[sflag:s16] =	ssyncadd.s32 $0xFFFFC000  }
0x168: {  	[hbm4b:s13+s3] =	stream.linear.scatter [tilespmem:s15], [sflag:$0x2], $0x4000, $0x38;
	[tilespmem:$0x10280] =	vst v63  }
0x169: {  	_ =	swait.ge [sflag:s16], $0x4000  }
0x16a: {  	[sflag:s16] =	ssyncset.done $0x0  }
0x16b: {  	[sflag:s16] =	ssyncadd.s32 $0xFFFFC000  }
0x16c: {  	[tilespmem:s15], [sflag:$0x2] =	stream.linear.gather [spmem:s10], $0x4000, $0x38;
	[tilespmem:$0x10280] =	vst v63  }
0x16d: {  	s23 =	sadd.s32 $0x1, s23;
	_ =	swait.ge [sflag:s16], $0x4000  }
0x16e: {  	p0 =	sne.s32 s23, s12;
	[sflag:s16] =	ssyncset.done $0x0  }
.Ltmp3:
0x16f: {  	[sflag:s16] =	ssyncadd.s32 $0xFFFFC000;
	(pc) =	sbr.rel @p0 .LBB2_1-.Ltmp3, $4  }
0x170: {  	[hbm4b:s14+s3] =	stream.linear.scatter [tilespmem:s15], [sflag:$0x2], $0x4000, $0x38;
	[tilespmem:$0x10280] =	vst v63  }
0x171: {  	_ =	swait.ge [sflag:s16], $0x4000  }
0x172: {  	[sflag:s16] =	ssyncset.done $0x0  }
0x173: {  	[sflag:s16] =	ssyncadd.s32 $0xFFFFC000  }
0x174: {  	_ =	sfence.sel $0x180000  }
0x175: {  	[bflag:$0x0] =	sbarrier.arrive $0xFFFF  }
0x176: {  	p0 =	sne.s32 s1, $0x0;
	_ =	strace $0x9000004A  }
0x177: {  	s0 =	sadd.s32 @!p0 $0x100000, s0;
	[bflag:$0x2] =	sbarrier.arrive $0xFFFF  }
0x178: {  	[sflag:s0] =	ssyncadd.tile.s32 @!p0 $0x1;
	_ =	shalt  }
.Lfunc_end2:
_tile_overlayer_lowered:
.L_overlay_start_2:
0x179: {  	(tag) =	ssettag $0x2  }
0x17a: {  	s0 =	rddreg [dreg:$0x0];
	s2 =	stileid.u32  }
0x17b: {  	s1 =	rddreg [dreg:$0x1];
	p0 =	sne.s32 s2, $0x0  }
0x17c: {  	s3 =	rddreg [dreg:$0x2];
	[bflag:$0x3] =	sbarrier.arrive $0xFFFF;
	s2 =	simm.s32 @!p0 $0x1C02  }
0x17d: {  	[timem:s3], [sflag:s2] =	dma.local @!p0 [hbm:s0], s1  }
0x17e: {  	s0 =	simm.s32 @!p0 $0x2  }
0x17f: {  	_ =	swait.ge @!p0 [sflag:s0], s1  }
0x180: {  	s1 =	ssub.s32 @!p0 $0x0, s1;
	[sflag:s0] =	ssyncset.done @!p0 $0x0  }
0x181: {  	[sflag:s0] =	ssyncadd.s32 @!p0 s1  }
0x182: {  	[bflag:$0x3] =	sbarrier.arrive $0xFFFF  }
0x183: {  	_ =	shalt  }

</sc_bundles>
